<compile_context>
chip_gen: v7x
topology: tpu7x:2x2x1
jax: 0.10.2.dev20260603
libtpu: 0.0.44.dev20260713+nightly
codegen_flags: <defaults>
</compile_context>

<pallas_src>
import functools
import math

import jax
import jax.numpy as jnp
from jax import lax
from jax.experimental import pallas as pl
from jax.experimental.pallas import tpu as pltpu
from jax.experimental.pallas import tpu_sc as plsc

_NC = 2
_NS = 16
_NW = _NC * _NS
_L = 16
_EB = 80


def _node_stage(nf, na, w_sc2, w_lin1, block_n):
  n, d = nf.shape
  inv = 1.0 / math.sqrt(d)

  def body(nf_ref, na_ref, wsc_ref, wl1_ref, h_ref, sc_ref):
    nf_b = nf_ref[...]
    h_ref[...] = jnp.dot(nf_b, wl1_ref[...],
                         preferred_element_type=jnp.float32) * inv
    sc_ref[...] = na_ref[...] * (
        jnp.dot(nf_b, wsc_ref[...], preferred_element_type=jnp.float32) * inv)

  grid = (n // block_n,)
  return pl.pallas_call(
      body,
      grid=grid,
      in_specs=[
          pl.BlockSpec((block_n, d), lambda i: (i, 0)),
          pl.BlockSpec((block_n, 1), lambda i: (i, 0)),
          pl.BlockSpec((d, d), lambda i: (0, 0)),
          pl.BlockSpec((d, d), lambda i: (0, 0)),
      ],
      out_specs=[
          pl.BlockSpec((block_n, d), lambda i: (i, 0)),
          pl.BlockSpec((block_n, d), lambda i: (i, 0)),
      ],
      out_shape=[
          jax.ShapeDtypeStruct((n, d), jnp.float32),
          jax.ShapeDtypeStruct((n, d), jnp.float32),
      ],
  )(nf, na, w_sc2, w_lin1)


def _edge_weight_stage(ee, sh, w0, w1, w2, block_e, e_out):
  e, nb = ee.shape
  h_dim = w0.shape[1]
  d = w2.shape[1]
  inv_nb = 1.0 / math.sqrt(nb)
  inv_h = 1.0 / math.sqrt(h_dim)

  def body(ee_ref, sh_ref, w0_ref, w1_ref, w2_ref, out_ref):
    x = jax.nn.swish(jnp.dot(ee_ref[...], w0_ref[...],
                             preferred_element_type=jnp.float32) * inv_nb)
    x = jax.nn.swish(jnp.dot(x, w1_ref[...],
                             preferred_element_type=jnp.float32) * inv_h)
    out_ref[...] = (jnp.dot(x, w2_ref[...],
                            preferred_element_type=jnp.float32) * inv_h
                    ) * sh_ref[...]

  grid = (e_out // block_e,)
  return pl.pallas_call(
      body,
      grid=grid,
      in_specs=[
          pl.BlockSpec((block_e, nb), lambda i: (i, 0)),
          pl.BlockSpec((block_e, 1), lambda i: (i, 0)),
          pl.BlockSpec((nb, h_dim), lambda i: (0, 0)),
          pl.BlockSpec((h_dim, h_dim), lambda i: (0, 0)),
          pl.BlockSpec((h_dim, d), lambda i: (0, 0)),
      ],
      out_specs=pl.BlockSpec((block_e, d), lambda i: (i, 0)),
      out_shape=jax.ShapeDtypeStruct((e_out, d), jnp.float32),
  )(ee, sh, w0, w1, w2)


def _make_sc_stage(n_pad, d, nblk):
  rows_per_tile = n_pad // _NS
  chunks = []
  off = 0
  while off < rows_per_tile:
    cnt = min(_EB, rows_per_tile - off)
    chunks.append((off, cnt))
    off += cnt
  nbt = nblk // _NW
  mesh = plsc.VectorSubcoreMesh(core_axis_name="c", subcore_axis_name="s")

  @functools.partial(
      pl.kernel,
      out_type=jax.ShapeDtypeStruct((_NC, n_pad, d), jnp.float32),
      mesh=mesh,
      scratch_types=[
          pltpu.VMEM((_EB,), jnp.int32),
          pltpu.VMEM((_EB,), jnp.int32),
          pltpu.VMEM((_EB,), jnp.int32),
          pltpu.VMEM((_EB, d), jnp.float32),
          pltpu.VMEM((_EB, d), jnp.float32),
          pltpu.VMEM((_EB,), jnp.int32),
          pltpu.VMEM((_EB,), jnp.int32),
          pltpu.VMEM((_EB,), jnp.int32),
          pltpu.VMEM((_EB, d), jnp.float32),
          pltpu.VMEM((_EB, d), jnp.float32),
          pltpu.VMEM_SHARED((n_pad, d), jnp.float32),
          pltpu.SemaphoreType.DMA,
          pltpu.SemaphoreType.DMA,
          pltpu.SemaphoreType.DMA,
          pltpu.SemaphoreType.DMA,
          pltpu.SemaphoreType.DMA,
          pltpu.SemaphoreType.DMA,
      ],
  )
  def sc_k(h_hbm, w_hbm, src_hbm, dst_hbm, out_hbm,
           src_v, dst_v, dst2_v, rows_v, w_v, src_b, dst_b, dst2_b, rows_b, w_b,
           agg_sh, semi0, semg0, sems0, semi1, semg1, sems1):
    c = lax.axis_index("c")
    s = lax.axis_index("s")
    wid = s * _NC + c
    base = s * rows_per_tile

    zero = jnp.zeros((_L,), jnp.float32)

    def zrow(i, carry):
      for j in range(d // _L):
        rows_v[i, pl.ds(j * _L, _L)] = zero
      return carry

    lax.fori_loop(0, _EB, zrow, 0)
    for coff, cnt in chunks:
      pltpu.sync_copy(rows_v.at[pl.ds(0, cnt)],
                      agg_sh.at[pl.ds(base + coff, cnt)])
    plsc.subcore_barrier()

    tile_b0 = wid * nbt

    bufs = ((src_v, dst_v, dst2_v, rows_v, w_v, semi0, semg0, sems0),
            (src_b, dst_b, dst2_b, rows_b, w_b, semi1, semg1, sems1))

    def issue_i(t, buf):
      sv, dv = buf[0], buf[1]
      sem = buf[5]
      b = tile_b0 + t
      pltpu.async_copy(src_hbm.at[pl.ds(b * _EB, _EB)], sv, sem)
      pltpu.async_copy(dst_hbm.at[pl.ds(b * _EB, _EB)], dv, sem)

    def wait_i(buf):
      sv, dv = buf[0], buf[1]
      sem = buf[5]
      pltpu.make_async_copy(src_hbm.at[pl.ds(0, _EB)], sv, sem).wait()
      pltpu.make_async_copy(dst_hbm.at[pl.ds(0, _EB)], dv, sem).wait()

    def issue_g(t, buf):
      sv, rv, wv, sem = buf[0], buf[3], buf[4], buf[6]
      pltpu.async_copy(h_hbm.at[sv], rv, sem)
      pltpu.async_copy(w_hbm.at[tile_b0 + t], wv, sem)

    def wait_g(buf):
      sv, rv, wv, sem = buf[0], buf[3], buf[4], buf[6]
      pltpu.make_async_copy(h_hbm.at[sv], rv, sem).wait()
      pltpu.make_async_copy(w_hbm.at[tile_b0], wv, sem).wait()

    def compute(buf):
      dv, d2, rv, wv, sem = buf[1], buf[2], buf[3], buf[4], buf[7]

      @plsc.parallel_loop(0, _EB, unroll=2)
      def mrow(i):
        for j2 in range(d // _L):
          sl = pl.ds(j2 * _L, _L)
          rv[i, sl] = rv[i, sl] * wv[i, sl]

      for j2 in range(_EB // _L):
        sl = pl.ds(j2 * _L, _L)
        d2[sl] = dv[sl]
      pltpu.async_copy(rv, agg_sh.at[d2], sem, add=True)

    def wait_s(buf):
      d2, rv, sem = buf[2], buf[3], buf[7]
      pltpu.make_async_copy(rv, agg_sh.at[d2], sem).wait()

    issue_i(0, bufs[0])
    wait_i(bufs[0])
    issue_g(0, bufs[0])
    issue_i(1, bufs[1])

    def half(t, cur, nxt, n_g, n_i, drain):
      if n_g:
        wait_i(nxt)
        if drain:
          wait_s(nxt)
        issue_g(t + 1, nxt)
      wait_g(cur)
      compute(cur)
      if n_i:
        issue_i(t + 2, cur)

    half(0, bufs[0], bufs[1], True, True, False)
    half(1, bufs[1], bufs[0], True, True, True)

    def pair(k, carry):
      t0 = 2 * k
      half(t0, bufs[0], bufs[1], True, True, True)
      half(t0 + 1, bufs[1], bufs[0], True, True, True)
      return carry

    lax.fori_loop(1, nbt // 2 - 1, pair, 0)
    half(nbt - 2, bufs[0], bufs[1], True, False, True)
    half(nbt - 1, bufs[1], bufs[0], False, False, False)
    wait_s(bufs[0])
    wait_s(bufs[1])
    plsc.subcore_barrier()

    for coff, cnt in chunks:
      pltpu.sync_copy(agg_sh.at[pl.ds(base + coff, cnt)],
                      rows_v.at[pl.ds(0, cnt)])
      pltpu.sync_copy(rows_v.at[pl.ds(0, cnt)],
                      out_hbm.at[c, pl.ds(base + coff, cnt)])

  return sc_k


def _final_stage(aggs, sc, w_lin2, n_neighbors, block_n, n_out):
  _, _, d = aggs.shape
  n = n_out
  scale = 1.0 / (n_neighbors * math.sqrt(d))

  def body(agg_ref, sc_ref, wl2_ref, out_ref):
    a = agg_ref[0] + agg_ref[1]
    h2 = jnp.dot(a, wl2_ref[...],
                 preferred_element_type=jnp.float32) * scale + sc_ref[...]
    out_ref[...] = jax.nn.swish(h2)

  grid = (n // block_n,)
  return pl.pallas_call(
      body,
      grid=grid,
      in_specs=[
          pl.BlockSpec((_NC, block_n, d), lambda i: (0, i, 0)),
          pl.BlockSpec((block_n, d), lambda i: (i, 0)),
          pl.BlockSpec((d, d), lambda i: (0, 0)),
      ],
      out_specs=pl.BlockSpec((block_n, d), lambda i: (i, 0)),
      out_shape=jax.ShapeDtypeStruct((n, d), jnp.float32),
  )(aggs, sc, w_lin2)


def kernel(node_features, node_attributes, edge_sh, edge_src, edge_dst,
           edge_embedded, W_sc, W_lin1, W_fc0, W_fc1, W_fc2, W_lin2):
  n, d = node_features.shape
  e = edge_src.shape[0]
  nb = edge_embedded.shape[1]

  h, sc = _node_stage(node_features, node_attributes, W_sc[:, 0, :], W_lin1,
                      block_n=1000)

  n_pad = ((n + _NS * 8 - 1) // (_NS * 8)) * (_NS * 8)

  grain = _EB * _NW * 2
  e_pad = ((e + grain - 1) // grain) * grain
  src = edge_src.astype(jnp.int32)
  dst = edge_dst.astype(jnp.int32)
  if e_pad != e:
    pad = e_pad - e
    src = jnp.concatenate([src, jnp.zeros((pad,), jnp.int32)])
    dst = jnp.concatenate([dst, jnp.full((pad,), n_pad - 1, jnp.int32)])

  w_edge = _edge_weight_stage(edge_embedded, edge_sh, W_fc0, W_fc1, W_fc2,
                              block_e=5120, e_out=e_pad)
  nblk = e_pad // _EB

  aggs = _make_sc_stage(n_pad, d, nblk)(
      h,
      w_edge.reshape(nblk, _EB, d),
      src,
      dst,
  )

  return _final_stage(aggs, sc, W_lin2, 32.0, block_n=1000, n_out=n)

# --- scband reference (transcript-rebuilt; emitter-appended) ---
"""Pipeline reference for scband-nequ-ipconvolution-11390253269438 (READ-ONLY COPY).

The authoritative reference and input builder live on the scoring server;
editing this copy changes nothing except your own understanding.
"""

import jax, jax.numpy as jnp
import numpy as np

N = 10000      # n_nodes
E = 320000     # n_edges
D = 128        # hidden multiplicity (128x0e)
NB = 8         # num_basis
H = 64         # radial_net_n_hidden
N_NEIGHBORS = 32.0


def setup_inputs(seed: int = 0) -> dict:
    key = jax.random.key(seed)
    ks = jax.random.split(key, 12)
    inp = {}
    # forward args
    inp['node_features'] = jax.random.normal(ks[0], (N, D), dtype=jnp.float32)
    inp['node_attributes'] = jax.random.uniform(ks[1], (N, 1), dtype=jnp.float32)
    inp['edge_sh'] = jnp.ones((E, 1), dtype=jnp.float32)  # l=0 spherical harmonic is constant 1
    inp['edge_src'] = jax.random.randint(ks[2], (E,), 0, N)
    inp['edge_dst'] = jax.random.randint(ks[3], (E,), 0, N)
    inp['edge_embedded'] = jax.random.uniform(ks[4], (E, NB), dtype=jnp.float32)
    # learned parameters (all init std=0.02 per reset_parameters)
    inp['W_sc'] = jax.random.normal(ks[5], (D, 1, D), dtype=jnp.float32) * 0.02   # FullyConnectedTensorProduct uvw weights
    inp['W_lin1'] = jax.random.normal(ks[6], (D, D), dtype=jnp.float32) * 0.02
    inp['W_fc0'] = jax.random.normal(ks[7], (NB, H), dtype=jnp.float32) * 0.02
    inp['W_fc1'] = jax.random.normal(ks[8], (H, H), dtype=jnp.float32) * 0.02
    inp['W_fc2'] = jax.random.normal(ks[9], (H, D), dtype=jnp.float32) * 0.02     # n_tp_weights = 128 (uvu path shape (128,1))
    inp['W_lin2'] = jax.random.normal(ks[10], (D, D), dtype=jnp.float32) * 0.02
    return inp


def reference(node_features, node_attributes, edge_sh, edge_src, edge_dst, edge_embedded,
              W_sc, W_lin1, W_fc0, W_fc1, W_fc2, W_lin2):
    # self-connection: FullyConnectedTensorProduct(128x0e, 1x0e -> 128x0e), uvw mode
    # e3nn path normalization: 1/sqrt(mul_in1 * mul_in2)
    sc = jnp.einsum('nu,nv,uvk->nk', node_features, node_attributes, W_sc) / jnp.sqrt(D * 1.0)
    # lin_1: e3nn Linear 128x0e -> 128x0e with 1/sqrt(fan_in) normalization
    h = (node_features @ W_lin1) / jnp.sqrt(float(D))
    # gather source node features per edge
    edge_features = jnp.take(h, edge_src, axis=0)
    # radial MLP (FullyConnectedNet: h = act(x @ W / sqrt(fan_in)) per hidden layer)
    x = jax.nn.swish((edge_embedded @ W_fc0) / jnp.sqrt(float(NB)))
    x = jax.nn.swish((x @ W_fc1) / jnp.sqrt(float(H)))
    weight = (x @ W_fc2) / jnp.sqrt(float(H))  # [E, 128] per-edge tp weights
    # TensorProduct uvu: 0e x 0e -> 0e, CG = 1, path alpha = 1 (mul_in2 = 1)
    edge_out = edge_features * edge_sh * weight
    # scatter-add over destination nodes + degree normalization
    agg = jax.ops.segment_sum(edge_out, edge_dst, num_segments=N) / N_NEIGHBORS
    # lin_2
    h2 = (agg @ W_lin2) / jnp.sqrt(float(D))
    # self connection
    h2 = h2 + sc
    # equivariant Gate: only scalar (0e) irreps present -> elementwise act_scalars = raw_swish
    return jax.nn.swish(h2)

if __name__ == "__main__":
    import jax
    _d = setup_inputs()
    print(jax.jit(kernel)(*tuple(_d.values())))

</pallas_src>

<mosaic_0001>
#map = affine_map<(d0, d1) -> (0, 0)>
#map1 = affine_map<(d0, d1) -> (0, 0, 0)>
#map2 = affine_map<(d0, d1) -> (0)>
module attributes {stable_mosaic.version = 14 : i64} {
  func.func @sc_k(%arg0: i32, %arg1: i32, %arg2: memref<10000x128xf32, #tpu.memory_space<hbm>>, %arg3: memref<4032x80x128xf32, #tpu.memory_space<hbm>>, %arg4: memref<322560xi32, #tpu.memory_space<hbm>>, %arg5: memref<322560xi32, #tpu.memory_space<hbm>>, %arg6: memref<2x10112x128xf32, #tpu.memory_space<hbm>>, %arg7: memref<80xi32, #tpu.memory_space<vmem>>, %arg8: memref<80xi32, #tpu.memory_space<vmem>>, %arg9: memref<80xi32, #tpu.memory_space<vmem>>, %arg10: memref<80x128xf32, #tpu.memory_space<vmem>>, %arg11: memref<80x128xf32, #tpu.memory_space<vmem>>, %arg12: memref<80xi32, #tpu.memory_space<vmem>>, %arg13: memref<80xi32, #tpu.memory_space<vmem>>, %arg14: memref<80xi32, #tpu.memory_space<vmem>>, %arg15: memref<80x128xf32, #tpu.memory_space<vmem>>, %arg16: memref<80x128xf32, #tpu.memory_space<vmem>>, %arg17: memref<10112x128xf32, #tpu.memory_space<vmem_shared>>, %arg18: memref<!tpu.dma_semaphore, #tpu.memory_space<semaphore_mem>>, %arg19: memref<!tpu.dma_semaphore, #tpu.memory_space<semaphore_mem>>, %arg20: memref<!tpu.dma_semaphore, #tpu.memory_space<semaphore_mem>>, %arg21: memref<!tpu.dma_semaphore, #tpu.memory_space<semaphore_mem>>, %arg22: memref<!tpu.dma_semaphore, #tpu.memory_space<semaphore_mem>>, %arg23: memref<!tpu.dma_semaphore, #tpu.memory_space<semaphore_mem>>) attributes {dimension_semantics = [#tpu.dimension_semantics<core_parallel>, #tpu.dimension_semantics<subcore_parallel>], iteration_bounds = array<i64: 2, 16>, scalar_prefetch = 0 : i64, scratch_operands = 17 : i64, tpu.core_type = #tpu.core_type<sc_vector_subcore>, window_params = [{transform_indices = #map}, {transform_indices = #map1}, {transform_indices = #map2}, {transform_indices = #map2}, {transform_indices = #map1}]} {
    %mul3A = arith.constant 2 : i32
    %mul3A_0 = arith.muli %arg1, %mul3A : i32
    %add3A = arith.addi %mul3A_0, %arg0 : i32
    %mul3A_1 = arith.constant 632 : i32
    %mul3A_2 = arith.muli %arg1, %mul3A_1 : i32
    %broadcast_in_dim3A = arith.constant 0.000000e+00 : f32
    %broadcast_in_dim3A_3 = vector.broadcast %broadcast_in_dim3A : f32 to vector<16xf32>
    %scan3A = arith.constant 0 : i32
    %scan3A_4 = arith.constant 0 : i32
    %scan3A_5 = arith.constant 80 : i32
    %scan3A_6 = arith.addi %scan3A_4, %scan3A_5 : i32
    %scan3A_7 = arith.constant 1 : i32
    scf.for %scan3A_405 = %scan3A_4 to %scan3A_6 step %scan3A_7  : i32 {
      %swap3A_406 = arith.index_cast %scan3A_405 : i32 to index
      %swap3A_407 = arith.constant 0 : index
      %swap3A_408 = tpu.vector_load %arg10[%swap3A_406, %swap3A_407] {strides = array<i32>} : memref<80x128xf32, #tpu.memory_space<vmem>>, vector<1x16xf32>,
      %swap3A_409 = vector.shape_cast %swap3A_408 : vector<1x16xf32> to vector<16xf32>
      %swap3A_410 = vector.shape_cast %broadcast_in_dim3A_3 : vector<16xf32> to vector<1x16xf32>
      tpu.vector_store %arg10[%swap3A_406, %swap3A_407], %swap3A_410 {strides = array<i32>} : memref<80x128xf32, #tpu.memory_space<vmem>>, vector<1x16xf32>,
      %swap3A_411 = arith.index_cast %scan3A_405 : i32 to index
      %swap3A_412 = arith.constant 16 : index
      %swap3A_413 = tpu.vector_load %arg10[%swap3A_411, %swap3A_412] {strides = array<i32>} : memref<80x128xf32, #tpu.memory_space<vmem>>, vector<1x16xf32>,
      %swap3A_414 = vector.shape_cast %swap3A_413 : vector<1x16xf32> to vector<16xf32>
      %swap3A_415 = vector.shape_cast %broadcast_in_dim3A_3 : vector<16xf32> to vector<1x16xf32>
      tpu.vector_store %arg10[%swap3A_411, %swap3A_412], %swap3A_415 {strides = array<i32>} : memref<80x128xf32, #tpu.memory_space<vmem>>, vector<1x16xf32>,
      %swap3A_416 = arith.index_cast %scan3A_405 : i32 to index
      %swap3A_417 = arith.constant 32 : index
      %swap3A_418 = tpu.vector_load %arg10[%swap3A_416, %swap3A_417] {strides = array<i32>} : memref<80x128xf32, #tpu.memory_space<vmem>>, vector<1x16xf32>,
      %swap3A_419 = vector.shape_cast %swap3A_418 : vector<1x16xf32> to vector<16xf32>
      %swap3A_420 = vector.shape_cast %broadcast_in_dim3A_3 : vector<16xf32> to vector<1x16xf32>
      tpu.vector_store %arg10[%swap3A_416, %swap3A_417], %swap3A_420 {strides = array<i32>} : memref<80x128xf32, #tpu.memory_space<vmem>>, vector<1x16xf32>,
      %swap3A_421 = arith.index_cast %scan3A_405 : i32 to index
      %swap3A_422 = arith.constant 48 : index
      %swap3A_423 = tpu.vector_load %arg10[%swap3A_421, %swap3A_422] {strides = array<i32>} : memref<80x128xf32, #tpu.memory_space<vmem>>, vector<1x16xf32>,
      %swap3A_424 = vector.shape_cast %swap3A_423 : vector<1x16xf32> to vector<16xf32>
      %swap3A_425 = vector.shape_cast %broadcast_in_dim3A_3 : vector<16xf32> to vector<1x16xf32>
      tpu.vector_store %arg10[%swap3A_421, %swap3A_422], %swap3A_425 {strides = array<i32>} : memref<80x128xf32, #tpu.memory_space<vmem>>, vector<1x16xf32>,
      %swap3A_426 = arith.index_cast %scan3A_405 : i32 to index
      %swap3A_427 = arith.constant 64 : index
      %swap3A_428 = tpu.vector_load %arg10[%swap3A_426, %swap3A_427] {strides = array<i32>} : memref<80x128xf32, #tpu.memory_space<vmem>>, vector<1x16xf32>,
      %swap3A_429 = vector.shape_cast %swap3A_428 : vector<1x16xf32> to vector<16xf32>
      %swap3A_430 = vector.shape_cast %broadcast_in_dim3A_3 : vector<16xf32> to vector<1x16xf32>
      tpu.vector_store %arg10[%swap3A_426, %swap3A_427], %swap3A_430 {strides = array<i32>} : memref<80x128xf32, #tpu.memory_space<vmem>>, vector<1x16xf32>,
      %swap3A_431 = arith.index_cast %scan3A_405 : i32 to index
      %swap3A_432 = arith.constant 80 : index
      %swap3A_433 = tpu.vector_load %arg10[%swap3A_431, %swap3A_432] {strides = array<i32>} : memref<80x128xf32, #tpu.memory_space<vmem>>, vector<1x16xf32>,
      %swap3A_434 = vector.shape_cast %swap3A_433 : vector<1x16xf32> to vector<16xf32>
      %swap3A_435 = vector.shape_cast %broadcast_in_dim3A_3 : vector<16xf32> to vector<1x16xf32>
      tpu.vector_store %arg10[%swap3A_431, %swap3A_432], %swap3A_435 {strides = array<i32>} : memref<80x128xf32, #tpu.memory_space<vmem>>, vector<1x16xf32>,
      %swap3A_436 = arith.index_cast %scan3A_405 : i32 to index
      %swap3A_437 = arith.constant 96 : index
      %swap3A_438 = tpu.vector_load %arg10[%swap3A_436, %swap3A_437] {strides = array<i32>} : memref<80x128xf32, #tpu.memory_space<vmem>>, vector<1x16xf32>,
      %swap3A_439 = vector.shape_cast %swap3A_438 : vector<1x16xf32> to vector<16xf32>
      %swap3A_440 = vector.shape_cast %broadcast_in_dim3A_3 : vector<16xf32> to vector<1x16xf32>
      tpu.vector_store %arg10[%swap3A_436, %swap3A_437], %swap3A_440 {strides = array<i32>} : memref<80x128xf32, #tpu.memory_space<vmem>>, vector<1x16xf32>,
      %swap3A_441 = arith.index_cast %scan3A_405 : i32 to index
      %swap3A_442 = arith.constant 112 : index
      %swap3A_443 = tpu.vector_load %arg10[%swap3A_441, %swap3A_442] {strides = array<i32>} : memref<80x128xf32, #tpu.memory_space<vmem>>, vector<1x16xf32>,
      %swap3A_444 = vector.shape_cast %swap3A_443 : vector<1x16xf32> to vector<16xf32>
      %swap3A_445 = vector.shape_cast %broadcast_in_dim3A_3 : vector<16xf32> to vector<1x16xf32>
      tpu.vector_store %arg10[%swap3A_441, %swap3A_442], %swap3A_445 {strides = array<i32>} : memref<80x128xf32, #tpu.memory_space<vmem>>, vector<1x16xf32>,
    }
    %scan3A_8 = arith.constant 80 : i32
    %add3A_9 = arith.constant 0 : i32
    %add3A_10 = arith.addi %mul3A_2, %add3A_9 : i32
    "tpu.region"() ({
      %run_scoped3A = tpu.sem_alloc : memref<!tpu.dma_semaphore, #tpu.memory_space<semaphore_mem>>
      %dma_start3A_405 = arith.constant 0 : i32
      %dma_start3A_406 = arith.constant 0 : i32
      %dma_start3A_407 = tpu.memref_slice %arg10[%dma_start3A_405, %dma_start3A_406] : memref<80x128xf32, #tpu.memory_space<vmem>> -> memref<80x128xf32, #tpu.memory_space<vmem>>
      %dma_start3A_408 = arith.constant 0 : i32
      %dma_start3A_409 = tpu.memref_slice %arg17[%add3A_10, %dma_start3A_408] : memref<10112x128xf32, #tpu.memory_space<vmem_shared>> -> memref<80x128xf32, #tpu.memory_space<vmem_shared>>
      %dma_start3A_410 = arith.constant 0 : i32
      %dma_start3A_411 = tpu.memref_slice %arg17[%add3A_10, %dma_start3A_410] : memref<10112x128xf32, #tpu.memory_space<vmem_shared>> -> memref<80x128xf32, #tpu.memory_space<vmem_shared>>
      %dma_start3A_412 = arith.constant 0 : i32
      %dma_start3A_413 = arith.constant 0 : i32
      %dma_start3A_414 = tpu.memref_slice %arg10[%dma_start3A_412, %dma_start3A_413] : memref<80x128xf32, #tpu.memory_space<vmem>> -> memref<80x128xf32, #tpu.memory_space<vmem>>
      tpu.enqueue_dma source(%dma_start3A_414 : memref<80x128xf32, #tpu.memory_space<vmem>>) target(%dma_start3A_411 : memref<80x128xf32, #tpu.memory_space<vmem_shared>>) target_semaphore(%run_scoped3A : memref<!tpu.dma_semaphore, #tpu.memory_space<semaphore_mem>>)
      %dma_wait3A_415 = arith.constant 0 : i32
      %dma_wait3A_416 = arith.constant 0 : i32
      %dma_wait3A_417 = tpu.memref_slice %arg10[%dma_wait3A_415, %dma_wait3A_416] : memref<80x128xf32, #tpu.memory_space<vmem>> -> memref<80x128xf32, #tpu.memory_space<vmem>>
      %dma_wait3A_418 = arith.constant 0 : i32
      %dma_wait3A_419 = tpu.memref_slice %arg17[%add3A_10, %dma_wait3A_418] : memref<10112x128xf32, #tpu.memory_space<vmem_shared>> -> memref<80x128xf32, #tpu.memory_space<vmem_shared>>
      %dma_wait3A_420 = arith.constant 0 : i32
      %dma_wait3A_421 = tpu.memref_slice %arg17[%add3A_10, %dma_wait3A_420] : memref<10112x128xf32, #tpu.memory_space<vmem_shared>> -> memref<80x128xf32, #tpu.memory_space<vmem_shared>>
      %dma_wait3A_422 = arith.constant 0 : i32
      %dma_wait3A_423 = arith.constant 0 : i32
      %dma_wait3A_424 = tpu.memref_slice %arg10[%dma_wait3A_422, %dma_wait3A_423] : memref<80x128xf32, #tpu.memory_space<vmem>> -> memref<80x128xf32, #tpu.memory_space<vmem>>
      tpu.wait_dma2 semaphore(%run_scoped3A : memref<!tpu.dma_semaphore, #tpu.memory_space<semaphore_mem>>) src(%dma_wait3A_424 : memref<80x128xf32, #tpu.memory_space<vmem>>) dst(%dma_wait3A_421 : memref<80x128xf32, #tpu.memory_space<vmem_shared>>)
      tpu.yield
    }) : () -> ()
    %add3A_11 = arith.constant 80 : i32
    %add3A_12 = arith.addi %mul3A_2, %add3A_11 : i32
    "tpu.region"() ({
      %run_scoped3A = tpu.sem_alloc : memref<!tpu.dma_semaphore, #tpu.memory_space<semaphore_mem>>
      %dma_start3A_405 = arith.constant 0 : i32
      %dma_start3A_406 = arith.constant 0 : i32
      %dma_start3A_407 = tpu.memref_slice %arg10[%dma_start3A_405, %dma_start3A_406] : memref<80x128xf32, #tpu.memory_space<vmem>> -> memref<80x128xf32, #tpu.memory_space<vmem>>
      %dma_start3A_408 = arith.constant 0 : i32
      %dma_start3A_409 = tpu.memref_slice %arg17[%add3A_12, %dma_start3A_408] : memref<10112x128xf32, #tpu.memory_space<vmem_shared>> -> memref<80x128xf32, #tpu.memory_space<vmem_shared>>
      %dma_start3A_410 = arith.constant 0 : i32
      %dma_start3A_411 = tpu.memref_slice %arg17[%add3A_12, %dma_start3A_410] : memref<10112x128xf32, #tpu.memory_space<vmem_shared>> -> memref<80x128xf32, #tpu.memory_space<vmem_shared>>
      %dma_start3A_412 = arith.constant 0 : i32
      %dma_start3A_413 = arith.constant 0 : i32
      %dma_start3A_414 = tpu.memref_slice %arg10[%dma_start3A_412, %dma_start3A_413] : memref<80x128xf32, #tpu.memory_space<vmem>> -> memref<80x128xf32, #tpu.memory_space<vmem>>
      tpu.enqueue_dma source(%dma_start3A_414 : memref<80x128xf32, #tpu.memory_space<vmem>>) target(%dma_start3A_411 : memref<80x128xf32, #tpu.memory_space<vmem_shared>>) target_semaphore(%run_scoped3A : memref<!tpu.dma_semaphore, #tpu.memory_space<semaphore_mem>>)
      %dma_wait3A_415 = arith.constant 0 : i32
      %dma_wait3A_416 = arith.constant 0 : i32
      %dma_wait3A_417 = tpu.memref_slice %arg10[%dma_wait3A_415, %dma_wait3A_416] : memref<80x128xf32, #tpu.memory_space<vmem>> -> memref<80x128xf32, #tpu.memory_space<vmem>>
      %dma_wait3A_418 = arith.constant 0 : i32
      %dma_wait3A_419 = tpu.memref_slice %arg17[%add3A_12, %dma_wait3A_418] : memref<10112x128xf32, #tpu.memory_space<vmem_shared>> -> memref<80x128xf32, #tpu.memory_space<vmem_shared>>
      %dma_wait3A_420 = arith.constant 0 : i32
      %dma_wait3A_421 = tpu.memref_slice %arg17[%add3A_12, %dma_wait3A_420] : memref<10112x128xf32, #tpu.memory_space<vmem_shared>> -> memref<80x128xf32, #tpu.memory_space<vmem_shared>>
      %dma_wait3A_422 = arith.constant 0 : i32
      %dma_wait3A_423 = arith.constant 0 : i32
      %dma_wait3A_424 = tpu.memref_slice %arg10[%dma_wait3A_422, %dma_wait3A_423] : memref<80x128xf32, #tpu.memory_space<vmem>> -> memref<80x128xf32, #tpu.memory_space<vmem>>
      tpu.wait_dma2 semaphore(%run_scoped3A : memref<!tpu.dma_semaphore, #tpu.memory_space<semaphore_mem>>) src(%dma_wait3A_424 : memref<80x128xf32, #tpu.memory_space<vmem>>) dst(%dma_wait3A_421 : memref<80x128xf32, #tpu.memory_space<vmem_shared>>)
      tpu.yield
    }) : () -> ()
    %add3A_13 = arith.constant 160 : i32
    %add3A_14 = arith.addi %mul3A_2, %add3A_13 : i32
    "tpu.region"() ({
      %run_scoped3A = tpu.sem_alloc : memref<!tpu.dma_semaphore, #tpu.memory_space<semaphore_mem>>
      %dma_start3A_405 = arith.constant 0 : i32
      %dma_start3A_406 = arith.constant 0 : i32
      %dma_start3A_407 = tpu.memref_slice %arg10[%dma_start3A_405, %dma_start3A_406] : memref<80x128xf32, #tpu.memory_space<vmem>> -> memref<80x128xf32, #tpu.memory_space<vmem>>
      %dma_start3A_408 = arith.constant 0 : i32
      %dma_start3A_409 = tpu.memref_slice %arg17[%add3A_14, %dma_start3A_408] : memref<10112x128xf32, #tpu.memory_space<vmem_shared>> -> memref<80x128xf32, #tpu.memory_space<vmem_shared>>
      %dma_start3A_410 = arith.constant 0 : i32
      %dma_start3A_411 = tpu.memref_slice %arg17[%add3A_14, %dma_start3A_410] : memref<10112x128xf32, #tpu.memory_space<vmem_shared>> -> memref<80x128xf32, #tpu.memory_space<vmem_shared>>
      %dma_start3A_412 = arith.constant 0 : i32
      %dma_start3A_413 = arith.constant 0 : i32
      %dma_start3A_414 = tpu.memref_slice %arg10[%dma_start3A_412, %dma_start3A_413] : memref<80x128xf32, #tpu.memory_space<vmem>> -> memref<80x128xf32, #tpu.memory_space<vmem>>
      tpu.enqueue_dma source(%dma_start3A_414 : memref<80x128xf32, #tpu.memory_space<vmem>>) target(%dma_start3A_411 : memref<80x128xf32, #tpu.memory_space<vmem_shared>>) target_semaphore(%run_scoped3A : memref<!tpu.dma_semaphore, #tpu.memory_space<semaphore_mem>>)
      %dma_wait3A_415 = arith.constant 0 : i32
      %dma_wait3A_416 = arith.constant 0 : i32
      %dma_wait3A_417 = tpu.memref_slice %arg10[%dma_wait3A_415, %dma_wait3A_416] : memref<80x128xf32, #tpu.memory_space<vmem>> -> memref<80x128xf32, #tpu.memory_space<vmem>>
      %dma_wait3A_418 = arith.constant 0 : i32
      %dma_wait3A_419 = tpu.memref_slice %arg17[%add3A_14, %dma_wait3A_418] : memref<10112x128xf32, #tpu.memory_space<vmem_shared>> -> memref<80x128xf32, #tpu.memory_space<vmem_shared>>
      %dma_wait3A_420 = arith.constant 0 : i32
      %dma_wait3A_421 = tpu.memref_slice %arg17[%add3A_14, %dma_wait3A_420] : memref<10112x128xf32, #tpu.memory_space<vmem_shared>> -> memref<80x128xf32, #tpu.memory_space<vmem_shared>>
      %dma_wait3A_422 = arith.constant 0 : i32
      %dma_wait3A_423 = arith.constant 0 : i32
      %dma_wait3A_424 = tpu.memref_slice %arg10[%dma_wait3A_422, %dma_wait3A_423] : memref<80x128xf32, #tpu.memory_space<vmem>> -> memref<80x128xf32, #tpu.memory_space<vmem>>
      tpu.wait_dma2 semaphore(%run_scoped3A : memref<!tpu.dma_semaphore, #tpu.memory_space<semaphore_mem>>) src(%dma_wait3A_424 : memref<80x128xf32, #tpu.memory_space<vmem>>) dst(%dma_wait3A_421 : memref<80x128xf32, #tpu.memory_space<vmem_shared>>)
      tpu.yield
    }) : () -> ()
    %add3A_15 = arith.constant 240 : i32
    %add3A_16 = arith.addi %mul3A_2, %add3A_15 : i32
    "tpu.region"() ({
      %run_scoped3A = tpu.sem_alloc : memref<!tpu.dma_semaphore, #tpu.memory_space<semaphore_mem>>
      %dma_start3A_405 = arith.constant 0 : i32
      %dma_start3A_406 = arith.constant 0 : i32
      %dma_start3A_407 = tpu.memref_slice %arg10[%dma_start3A_405, %dma_start3A_406] : memref<80x128xf32, #tpu.memory_space<vmem>> -> memref<80x128xf32, #tpu.memory_space<vmem>>
      %dma_start3A_408 = arith.constant 0 : i32
      %dma_start3A_409 = tpu.memref_slice %arg17[%add3A_16, %dma_start3A_408] : memref<10112x128xf32, #tpu.memory_space<vmem_shared>> -> memref<80x128xf32, #tpu.memory_space<vmem_shared>>
      %dma_start3A_410 = arith.constant 0 : i32
      %dma_start3A_411 = tpu.memref_slice %arg17[%add3A_16, %dma_start3A_410] : memref<10112x128xf32, #tpu.memory_space<vmem_shared>> -> memref<80x128xf32, #tpu.memory_space<vmem_shared>>
      %dma_start3A_412 = arith.constant 0 : i32
      %dma_start3A_413 = arith.constant 0 : i32
      %dma_start3A_414 = tpu.memref_slice %arg10[%dma_start3A_412, %dma_start3A_413] : memref<80x128xf32, #tpu.memory_space<vmem>> -> memref<80x128xf32, #tpu.memory_space<vmem>>
      tpu.enqueue_dma source(%dma_start3A_414 : memref<80x128xf32, #tpu.memory_space<vmem>>) target(%dma_start3A_411 : memref<80x128xf32, #tpu.memory_space<vmem_shared>>) target_semaphore(%run_scoped3A : memref<!tpu.dma_semaphore, #tpu.memory_space<semaphore_mem>>)
      %dma_wait3A_415 = arith.constant 0 : i32
      %dma_wait3A_416 = arith.constant 0 : i32
      %dma_wait3A_417 = tpu.memref_slice %arg10[%dma_wait3A_415, %dma_wait3A_416] : memref<80x128xf32, #tpu.memory_space<vmem>> -> memref<80x128xf32, #tpu.memory_space<vmem>>
      %dma_wait3A_418 = arith.constant 0 : i32
      %dma_wait3A_419 = tpu.memref_slice %arg17[%add3A_16, %dma_wait3A_418] : memref<10112x128xf32, #tpu.memory_space<vmem_shared>> -> memref<80x128xf32, #tpu.memory_space<vmem_shared>>
      %dma_wait3A_420 = arith.constant 0 : i32
      %dma_wait3A_421 = tpu.memref_slice %arg17[%add3A_16, %dma_wait3A_420] : memref<10112x128xf32, #tpu.memory_space<vmem_shared>> -> memref<80x128xf32, #tpu.memory_space<vmem_shared>>
      %dma_wait3A_422 = arith.constant 0 : i32
      %dma_wait3A_423 = arith.constant 0 : i32
      %dma_wait3A_424 = tpu.memref_slice %arg10[%dma_wait3A_422, %dma_wait3A_423] : memref<80x128xf32, #tpu.memory_space<vmem>> -> memref<80x128xf32, #tpu.memory_space<vmem>>
      tpu.wait_dma2 semaphore(%run_scoped3A : memref<!tpu.dma_semaphore, #tpu.memory_space<semaphore_mem>>) src(%dma_wait3A_424 : memref<80x128xf32, #tpu.memory_space<vmem>>) dst(%dma_wait3A_421 : memref<80x128xf32, #tpu.memory_space<vmem_shared>>)
      tpu.yield
    }) : () -> ()
    %add3A_17 = arith.constant 320 : i32
    %add3A_18 = arith.addi %mul3A_2, %add3A_17 : i32
    "tpu.region"() ({
      %run_scoped3A = tpu.sem_alloc : memref<!tpu.dma_semaphore, #tpu.memory_space<semaphore_mem>>
      %dma_start3A_405 = arith.constant 0 : i32
      %dma_start3A_406 = arith.constant 0 : i32
      %dma_start3A_407 = tpu.memref_slice %arg10[%dma_start3A_405, %dma_start3A_406] : memref<80x128xf32, #tpu.memory_space<vmem>> -> memref<80x128xf32, #tpu.memory_space<vmem>>
      %dma_start3A_408 = arith.constant 0 : i32
      %dma_start3A_409 = tpu.memref_slice %arg17[%add3A_18, %dma_start3A_408] : memref<10112x128xf32, #tpu.memory_space<vmem_shared>> -> memref<80x128xf32, #tpu.memory_space<vmem_shared>>
      %dma_start3A_410 = arith.constant 0 : i32
      %dma_start3A_411 = tpu.memref_slice %arg17[%add3A_18, %dma_start3A_410] : memref<10112x128xf32, #tpu.memory_space<vmem_shared>> -> memref<80x128xf32, #tpu.memory_space<vmem_shared>>
      %dma_start3A_412 = arith.constant 0 : i32
      %dma_start3A_413 = arith.constant 0 : i32
      %dma_start3A_414 = tpu.memref_slice %arg10[%dma_start3A_412, %dma_start3A_413] : memref<80x128xf32, #tpu.memory_space<vmem>> -> memref<80x128xf32, #tpu.memory_space<vmem>>
      tpu.enqueue_dma source(%dma_start3A_414 : memref<80x128xf32, #tpu.memory_space<vmem>>) target(%dma_start3A_411 : memref<80x128xf32, #tpu.memory_space<vmem_shared>>) target_semaphore(%run_scoped3A : memref<!tpu.dma_semaphore, #tpu.memory_space<semaphore_mem>>)
      %dma_wait3A_415 = arith.constant 0 : i32
      %dma_wait3A_416 = arith.constant 0 : i32
      %dma_wait3A_417 = tpu.memref_slice %arg10[%dma_wait3A_415, %dma_wait3A_416] : memref<80x128xf32, #tpu.memory_space<vmem>> -> memref<80x128xf32, #tpu.memory_space<vmem>>
      %dma_wait3A_418 = arith.constant 0 : i32
      %dma_wait3A_419 = tpu.memref_slice %arg17[%add3A_18, %dma_wait3A_418] : memref<10112x128xf32, #tpu.memory_space<vmem_shared>> -> memref<80x128xf32, #tpu.memory_space<vmem_shared>>
      %dma_wait3A_420 = arith.constant 0 : i32
      %dma_wait3A_421 = tpu.memref_slice %arg17[%add3A_18, %dma_wait3A_420] : memref<10112x128xf32, #tpu.memory_space<vmem_shared>> -> memref<80x128xf32, #tpu.memory_space<vmem_shared>>
      %dma_wait3A_422 = arith.constant 0 : i32
      %dma_wait3A_423 = arith.constant 0 : i32
      %dma_wait3A_424 = tpu.memref_slice %arg10[%dma_wait3A_422, %dma_wait3A_423] : memref<80x128xf32, #tpu.memory_space<vmem>> -> memref<80x128xf32, #tpu.memory_space<vmem>>
      tpu.wait_dma2 semaphore(%run_scoped3A : memref<!tpu.dma_semaphore, #tpu.memory_space<semaphore_mem>>) src(%dma_wait3A_424 : memref<80x128xf32, #tpu.memory_space<vmem>>) dst(%dma_wait3A_421 : memref<80x128xf32, #tpu.memory_space<vmem_shared>>)
      tpu.yield
    }) : () -> ()
    %add3A_19 = arith.constant 400 : i32
    %add3A_20 = arith.addi %mul3A_2, %add3A_19 : i32
    "tpu.region"() ({
      %run_scoped3A = tpu.sem_alloc : memref<!tpu.dma_semaphore, #tpu.memory_space<semaphore_mem>>
      %dma_start3A_405 = arith.constant 0 : i32
      %dma_start3A_406 = arith.constant 0 : i32
      %dma_start3A_407 = tpu.memref_slice %arg10[%dma_start3A_405, %dma_start3A_406] : memref<80x128xf32, #tpu.memory_space<vmem>> -> memref<80x128xf32, #tpu.memory_space<vmem>>
      %dma_start3A_408 = arith.constant 0 : i32
      %dma_start3A_409 = tpu.memref_slice %arg17[%add3A_20, %dma_start3A_408] : memref<10112x128xf32, #tpu.memory_space<vmem_shared>> -> memref<80x128xf32, #tpu.memory_space<vmem_shared>>
      %dma_start3A_410 = arith.constant 0 : i32
      %dma_start3A_411 = tpu.memref_slice %arg17[%add3A_20, %dma_start3A_410] : memref<10112x128xf32, #tpu.memory_space<vmem_shared>> -> memref<80x128xf32, #tpu.memory_space<vmem_shared>>
      %dma_start3A_412 = arith.constant 0 : i32
      %dma_start3A_413 = arith.constant 0 : i32
      %dma_start3A_414 = tpu.memref_slice %arg10[%dma_start3A_412, %dma_start3A_413] : memref<80x128xf32, #tpu.memory_space<vmem>> -> memref<80x128xf32, #tpu.memory_space<vmem>>
      tpu.enqueue_dma source(%dma_start3A_414 : memref<80x128xf32, #tpu.memory_space<vmem>>) target(%dma_start3A_411 : memref<80x128xf32, #tpu.memory_space<vmem_shared>>) target_semaphore(%run_scoped3A : memref<!tpu.dma_semaphore, #tpu.memory_space<semaphore_mem>>)
      %dma_wait3A_415 = arith.constant 0 : i32
      %dma_wait3A_416 = arith.constant 0 : i32
      %dma_wait3A_417 = tpu.memref_slice %arg10[%dma_wait3A_415, %dma_wait3A_416] : memref<80x128xf32, #tpu.memory_space<vmem>> -> memref<80x128xf32, #tpu.memory_space<vmem>>
      %dma_wait3A_418 = arith.constant 0 : i32
      %dma_wait3A_419 = tpu.memref_slice %arg17[%add3A_20, %dma_wait3A_418] : memref<10112x128xf32, #tpu.memory_space<vmem_shared>> -> memref<80x128xf32, #tpu.memory_space<vmem_shared>>
      %dma_wait3A_420 = arith.constant 0 : i32
      %dma_wait3A_421 = tpu.memref_slice %arg17[%add3A_20, %dma_wait3A_420] : memref<10112x128xf32, #tpu.memory_space<vmem_shared>> -> memref<80x128xf32, #tpu.memory_space<vmem_shared>>
      %dma_wait3A_422 = arith.constant 0 : i32
      %dma_wait3A_423 = arith.constant 0 : i32
      %dma_wait3A_424 = tpu.memref_slice %arg10[%dma_wait3A_422, %dma_wait3A_423] : memref<80x128xf32, #tpu.memory_space<vmem>> -> memref<80x128xf32, #tpu.memory_space<vmem>>
      tpu.wait_dma2 semaphore(%run_scoped3A : memref<!tpu.dma_semaphore, #tpu.memory_space<semaphore_mem>>) src(%dma_wait3A_424 : memref<80x128xf32, #tpu.memory_space<vmem>>) dst(%dma_wait3A_421 : memref<80x128xf32, #tpu.memory_space<vmem_shared>>)
      tpu.yield
    }) : () -> ()
    %add3A_21 = arith.constant 480 : i32
    %add3A_22 = arith.addi %mul3A_2, %add3A_21 : i32
    "tpu.region"() ({
      %run_scoped3A = tpu.sem_alloc : memref<!tpu.dma_semaphore, #tpu.memory_space<semaphore_mem>>
      %dma_start3A_405 = arith.constant 0 : i32
      %dma_start3A_406 = arith.constant 0 : i32
      %dma_start3A_407 = tpu.memref_slice %arg10[%dma_start3A_405, %dma_start3A_406] : memref<80x128xf32, #tpu.memory_space<vmem>> -> memref<80x128xf32, #tpu.memory_space<vmem>>
      %dma_start3A_408 = arith.constant 0 : i32
      %dma_start3A_409 = tpu.memref_slice %arg17[%add3A_22, %dma_start3A_408] : memref<10112x128xf32, #tpu.memory_space<vmem_shared>> -> memref<80x128xf32, #tpu.memory_space<vmem_shared>>
      %dma_start3A_410 = arith.constant 0 : i32
      %dma_start3A_411 = tpu.memref_slice %arg17[%add3A_22, %dma_start3A_410] : memref<10112x128xf32, #tpu.memory_space<vmem_shared>> -> memref<80x128xf32, #tpu.memory_space<vmem_shared>>
      %dma_start3A_412 = arith.constant 0 : i32
      %dma_start3A_413 = arith.constant 0 : i32
      %dma_start3A_414 = tpu.memref_slice %arg10[%dma_start3A_412, %dma_start3A_413] : memref<80x128xf32, #tpu.memory_space<vmem>> -> memref<80x128xf32, #tpu.memory_space<vmem>>
      tpu.enqueue_dma source(%dma_start3A_414 : memref<80x128xf32, #tpu.memory_space<vmem>>) target(%dma_start3A_411 : memref<80x128xf32, #tpu.memory_space<vmem_shared>>) target_semaphore(%run_scoped3A : memref<!tpu.dma_semaphore, #tpu.memory_space<semaphore_mem>>)
      %dma_wait3A_415 = arith.constant 0 : i32
      %dma_wait3A_416 = arith.constant 0 : i32
      %dma_wait3A_417 = tpu.memref_slice %arg10[%dma_wait3A_415, %dma_wait3A_416] : memref<80x128xf32, #tpu.memory_space<vmem>> -> memref<80x128xf32, #tpu.memory_space<vmem>>
      %dma_wait3A_418 = arith.constant 0 : i32
      %dma_wait3A_419 = tpu.memref_slice %arg17[%add3A_22, %dma_wait3A_418] : memref<10112x128xf32, #tpu.memory_space<vmem_shared>> -> memref<80x128xf32, #tpu.memory_space<vmem_shared>>
      %dma_wait3A_420 = arith.constant 0 : i32
      %dma_wait3A_421 = tpu.memref_slice %arg17[%add3A_22, %dma_wait3A_420] : memref<10112x128xf32, #tpu.memory_space<vmem_shared>> -> memref<80x128xf32, #tpu.memory_space<vmem_shared>>
      %dma_wait3A_422 = arith.constant 0 : i32
      %dma_wait3A_423 = arith.constant 0 : i32
      %dma_wait3A_424 = tpu.memref_slice %arg10[%dma_wait3A_422, %dma_wait3A_423] : memref<80x128xf32, #tpu.memory_space<vmem>> -> memref<80x128xf32, #tpu.memory_space<vmem>>
      tpu.wait_dma2 semaphore(%run_scoped3A : memref<!tpu.dma_semaphore, #tpu.memory_space<semaphore_mem>>) src(%dma_wait3A_424 : memref<80x128xf32, #tpu.memory_space<vmem>>) dst(%dma_wait3A_421 : memref<80x128xf32, #tpu.memory_space<vmem_shared>>)
      tpu.yield
    }) : () -> ()
    %add3A_23 = arith.constant 560 : i32
    %add3A_24 = arith.addi %mul3A_2, %add3A_23 : i32
    "tpu.region"() ({
      %run_scoped3A = tpu.sem_alloc : memref<!tpu.dma_semaphore, #tpu.memory_space<semaphore_mem>>
      %dma_start3A_405 = arith.constant 0 : i32
      %dma_start3A_406 = arith.constant 0 : i32
      %dma_start3A_407 = tpu.memref_slice %arg10[%dma_start3A_405, %dma_start3A_406] : memref<80x128xf32, #tpu.memory_space<vmem>> -> memref<72x128xf32, #tpu.memory_space<vmem>>
      %dma_start3A_408 = arith.constant 0 : i32
      %dma_start3A_409 = tpu.memref_slice %arg17[%add3A_24, %dma_start3A_408] : memref<10112x128xf32, #tpu.memory_space<vmem_shared>> -> memref<72x128xf32, #tpu.memory_space<vmem_shared>>
      %dma_start3A_410 = arith.constant 0 : i32
      %dma_start3A_411 = tpu.memref_slice %arg17[%add3A_24, %dma_start3A_410] : memref<10112x128xf32, #tpu.memory_space<vmem_shared>> -> memref<72x128xf32, #tpu.memory_space<vmem_shared>>
      %dma_start3A_412 = arith.constant 0 : i32
      %dma_start3A_413 = arith.constant 0 : i32
      %dma_start3A_414 = tpu.memref_slice %arg10[%dma_start3A_412, %dma_start3A_413] : memref<80x128xf32, #tpu.memory_space<vmem>> -> memref<72x128xf32, #tpu.memory_space<vmem>>
      tpu.enqueue_dma source(%dma_start3A_414 : memref<72x128xf32, #tpu.memory_space<vmem>>) target(%dma_start3A_411 : memref<72x128xf32, #tpu.memory_space<vmem_shared>>) target_semaphore(%run_scoped3A : memref<!tpu.dma_semaphore, #tpu.memory_space<semaphore_mem>>)
      %dma_wait3A_415 = arith.constant 0 : i32
      %dma_wait3A_416 = arith.constant 0 : i32
      %dma_wait3A_417 = tpu.memref_slice %arg10[%dma_wait3A_415, %dma_wait3A_416] : memref<80x128xf32, #tpu.memory_space<vmem>> -> memref<72x128xf32, #tpu.memory_space<vmem>>
      %dma_wait3A_418 = arith.constant 0 : i32
      %dma_wait3A_419 = tpu.memref_slice %arg17[%add3A_24, %dma_wait3A_418] : memref<10112x128xf32, #tpu.memory_space<vmem_shared>> -> memref<72x128xf32, #tpu.memory_space<vmem_shared>>
      %dma_wait3A_420 = arith.constant 0 : i32
      %dma_wait3A_421 = tpu.memref_slice %arg17[%add3A_24, %dma_wait3A_420] : memref<10112x128xf32, #tpu.memory_space<vmem_shared>> -> memref<72x128xf32, #tpu.memory_space<vmem_shared>>
      %dma_wait3A_422 = arith.constant 0 : i32
      %dma_wait3A_423 = arith.constant 0 : i32
      %dma_wait3A_424 = tpu.memref_slice %arg10[%dma_wait3A_422, %dma_wait3A_423] : memref<80x128xf32, #tpu.memory_space<vmem>> -> memref<72x128xf32, #tpu.memory_space<vmem>>
      tpu.wait_dma2 semaphore(%run_scoped3A : memref<!tpu.dma_semaphore, #tpu.memory_space<semaphore_mem>>) src(%dma_wait3A_424 : memref<72x128xf32, #tpu.memory_space<vmem>>) dst(%dma_wait3A_421 : memref<72x128xf32, #tpu.memory_space<vmem_shared>>)
      tpu.yield
    }) : () -> ()
    %barrier3A = arith.constant 0 : index
    tpu.barrier barrier_id(%barrier3A)
    %mul3A_25 = arith.constant 126 : i32
    %mul3A_26 = arith.muli %add3A, %mul3A_25 : i32
    %add3A_27 = arith.constant 0 : i32
    %add3A_28 = arith.addi %mul3A_26, %add3A_27 : i32
    %mul3A_29 = arith.constant 80 : i32
    %mul3A_30 = arith.muli %add3A_28, %mul3A_29 : i32
    %dma_start3A = tpu.memref_slice %arg4[%mul3A_30] : memref<322560xi32, #tpu.memory_space<hbm>> -> memref<80xi32, #tpu.memory_space<hbm>>
    %dma_start3A_31 = tpu.memref_slice %arg4[%mul3A_30] : memref<322560xi32, #tpu.memory_space<hbm>> -> memref<80xi32, #tpu.memory_space<hbm>>
    tpu.enqueue_dma source(%dma_start3A_31 : memref<80xi32, #tpu.memory_space<hbm>>) target(%arg7 : memref<80xi32, #tpu.memory_space<vmem>>) target_semaphore(%arg18 : memref<!tpu.dma_semaphore, #tpu.memory_space<semaphore_mem>>)
    %mul3A_32 = arith.constant 80 : i32
    %mul3A_33 = arith.muli %add3A_28, %mul3A_32 : i32
    %dma_start3A_34 = tpu.memref_slice %arg5[%mul3A_33] : memref<322560xi32, #tpu.memory_space<hbm>> -> memref<80xi32, #tpu.memory_space<hbm>>
    %dma_start3A_35 = tpu.memref_slice %arg5[%mul3A_33] : memref<322560xi32, #tpu.memory_space<hbm>> -> memref<80xi32, #tpu.memory_space<hbm>>
    tpu.enqueue_dma source(%dma_start3A_35 : memref<80xi32, #tpu.memory_space<hbm>>) target(%arg8 : memref<80xi32, #tpu.memory_space<vmem>>) target_semaphore(%arg18 : memref<!tpu.dma_semaphore, #tpu.memory_space<semaphore_mem>>)
    %dma_wait3A = arith.constant 0 : i32
    %dma_wait3A_36 = tpu.memref_slice %arg4[%dma_wait3A] : memref<322560xi32, #tpu.memory_space<hbm>> -> memref<80xi32, #tpu.memory_space<hbm>>
    %dma_wait3A_37 = arith.constant 0 : i32
    %dma_wait3A_38 = tpu.memref_slice %arg4[%dma_wait3A_37] : memref<322560xi32, #tpu.memory_space<hbm>> -> memref<80xi32, #tpu.memory_space<hbm>>
    tpu.wait_dma2 semaphore(%arg18 : memref<!tpu.dma_semaphore, #tpu.memory_space<semaphore_mem>>) src(%dma_wait3A_38 : memref<80xi32, #tpu.memory_space<hbm>>) dst(%arg7 : memref<80xi32, #tpu.memory_space<vmem>>)
    %dma_wait3A_39 = arith.constant 0 : i32
    %dma_wait3A_40 = tpu.memref_slice %arg5[%dma_wait3A_39] : memref<322560xi32, #tpu.memory_space<hbm>> -> memref<80xi32, #tpu.memory_space<hbm>>
    %dma_wait3A_41 = arith.constant 0 : i32
    %dma_wait3A_42 = tpu.memref_slice %arg5[%dma_wait3A_41] : memref<322560xi32, #tpu.memory_space<hbm>> -> memref<80xi32, #tpu.memory_space<hbm>>
    tpu.wait_dma2 semaphore(%arg18 : memref<!tpu.dma_semaphore, #tpu.memory_space<semaphore_mem>>) src(%dma_wait3A_42 : memref<80xi32, #tpu.memory_space<hbm>>) dst(%arg8 : memref<80xi32, #tpu.memory_space<vmem>>)
    %dma_start3A_43 = arith.constant 0 : i32
    %dma_start3A_44 = arith.constant 0 : i32
    %dma_start3A_45 = tpu.memref_slice %arg2[%dma_start3A_43, %dma_start3A_44] : memref<10000x128xf32, #tpu.memory_space<hbm>> -> memref<10000x128xf32, #tpu.memory_space<hbm>>
    tpu.enqueue_indirect_dma source(%dma_start3A_45 : memref<10000x128xf32, #tpu.memory_space<hbm>>) target(%arg10 : memref<80x128xf32, #tpu.memory_space<vmem>>) offsets(%arg7 : memref<80xi32, #tpu.memory_space<vmem>>) semaphore(%arg19 : memref<!tpu.dma_semaphore, #tpu.memory_space<semaphore_mem>>)
    %add3A_46 = arith.constant 0 : i32
    %add3A_47 = arith.addi %mul3A_26, %add3A_46 : i32
    %dma_start3A_48 = arith.constant 0 : i32
    %dma_start3A_49 = arith.constant 0 : i32
    %dma_start3A_50 = tpu.memref_slice %arg3[%add3A_47, %dma_start3A_48, %dma_start3A_49] : memref<4032x80x128xf32, #tpu.memory_space<hbm>> -> memref<1x80x128xf32, #tpu.memory_space<hbm>>
    %dma_start3A_51 = tpu.memref_squeeze %dma_start3A_50 : memref<1x80x128xf32, #tpu.memory_space<hbm>> -> memref<80x128xf32, #tpu.memory_space<hbm>>
    %dma_start3A_52 = arith.constant 0 : i32
    %dma_start3A_53 = arith.constant 0 : i32
    %dma_start3A_54 = tpu.memref_slice %arg3[%add3A_47, %dma_start3A_52, %dma_start3A_53] : memref<4032x80x128xf32, #tpu.memory_space<hbm>> -> memref<1x80x128xf32, #tpu.memory_space<hbm>>
    %dma_start3A_55 = tpu.memref_squeeze %dma_start3A_54 : memref<1x80x128xf32, #tpu.memory_space<hbm>> -> memref<80x128xf32, #tpu.memory_space<hbm>>
    tpu.enqueue_dma source(%dma_start3A_55 : memref<80x128xf32, #tpu.memory_space<hbm>>) target(%arg11 : memref<80x128xf32, #tpu.memory_space<vmem>>) target_semaphore(%arg19 : memref<!tpu.dma_semaphore, #tpu.memory_space<semaphore_mem>>)
    %add3A_56 = arith.constant 1 : i32
    %add3A_57 = arith.addi %mul3A_26, %add3A_56 : i32
    %mul3A_58 = arith.constant 80 : i32
    %mul3A_59 = arith.muli %add3A_57, %mul3A_58 : i32
    %dma_start3A_60 = tpu.memref_slice %arg4[%mul3A_59] : memref<322560xi32, #tpu.memory_space<hbm>> -> memref<80xi32, #tpu.memory_space<hbm>>
    %dma_start3A_61 = tpu.memref_slice %arg4[%mul3A_59] : memref<322560xi32, #tpu.memory_space<hbm>> -> memref<80xi32, #tpu.memory_space<hbm>>
    tpu.enqueue_dma source(%dma_start3A_61 : memref<80xi32, #tpu.memory_space<hbm>>) target(%arg12 : memref<80xi32, #tpu.memory_space<vmem>>) target_semaphore(%arg21 : memref<!tpu.dma_semaphore, #tpu.memory_space<semaphore_mem>>)
    %mul3A_62 = arith.constant 80 : i32
    %mul3A_63 = arith.muli %add3A_57, %mul3A_62 : i32
    %dma_start3A_64 = tpu.memref_slice %arg5[%mul3A_63] : memref<322560xi32, #tpu.memory_space<hbm>> -> memref<80xi32, #tpu.memory_space<hbm>>
    %dma_start3A_65 = tpu.memref_slice %arg5[%mul3A_63] : memref<322560xi32, #tpu.memory_space<hbm>> -> memref<80xi32, #tpu.memory_space<hbm>>
    tpu.enqueue_dma source(%dma_start3A_65 : memref<80xi32, #tpu.memory_space<hbm>>) target(%arg13 : memref<80xi32, #tpu.memory_space<vmem>>) target_semaphore(%arg21 : memref<!tpu.dma_semaphore, #tpu.memory_space<semaphore_mem>>)
    %dma_wait3A_66 = arith.constant 0 : i32
    %dma_wait3A_67 = tpu.memref_slice %arg4[%dma_wait3A_66] : memref<322560xi32, #tpu.memory_space<hbm>> -> memref<80xi32, #tpu.memory_space<hbm>>
    %dma_wait3A_68 = arith.constant 0 : i32
    %dma_wait3A_69 = tpu.memref_slice %arg4[%dma_wait3A_68] : memref<322560xi32, #tpu.memory_space<hbm>> -> memref<80xi32, #tpu.memory_space<hbm>>
    tpu.wait_dma2 semaphore(%arg21 : memref<!tpu.dma_semaphore, #tpu.memory_space<semaphore_mem>>) src(%dma_wait3A_69 : memref<80xi32, #tpu.memory_space<hbm>>) dst(%arg12 : memref<80xi32, #tpu.memory_space<vmem>>)
    %dma_wait3A_70 = arith.constant 0 : i32
    %dma_wait3A_71 = tpu.memref_slice %arg5[%dma_wait3A_70] : memref<322560xi32, #tpu.memory_space<hbm>> -> memref<80xi32, #tpu.memory_space<hbm>>
    %dma_wait3A_72 = arith.constant 0 : i32
    %dma_wait3A_73 = tpu.memref_slice %arg5[%dma_wait3A_72] : memref<322560xi32, #tpu.memory_space<hbm>> -> memref<80xi32, #tpu.memory_space<hbm>>
    tpu.wait_dma2 semaphore(%arg21 : memref<!tpu.dma_semaphore, #tpu.memory_space<semaphore_mem>>) src(%dma_wait3A_73 : memref<80xi32, #tpu.memory_space<hbm>>) dst(%arg13 : memref<80xi32, #tpu.memory_space<vmem>>)
    %dma_start3A_74 = arith.constant 0 : i32
    %dma_start3A_75 = arith.constant 0 : i32
    %dma_start3A_76 = tpu.memref_slice %arg2[%dma_start3A_74, %dma_start3A_75] : memref<10000x128xf32, #tpu.memory_space<hbm>> -> memref<10000x128xf32, #tpu.memory_space<hbm>>
    tpu.enqueue_indirect_dma source(%dma_start3A_76 : memref<10000x128xf32, #tpu.memory_space<hbm>>) target(%arg15 : memref<80x128xf32, #tpu.memory_space<vmem>>) offsets(%arg12 : memref<80xi32, #tpu.memory_space<vmem>>) semaphore(%arg22 : memref<!tpu.dma_semaphore, #tpu.memory_space<semaphore_mem>>)
    %add3A_77 = arith.constant 1 : i32
    %add3A_78 = arith.addi %mul3A_26, %add3A_77 : i32
    %dma_start3A_79 = arith.constant 0 : i32
    %dma_start3A_80 = arith.constant 0 : i32
    %dma_start3A_81 = tpu.memref_slice %arg3[%add3A_78, %dma_start3A_79, %dma_start3A_80] : memref<4032x80x128xf32, #tpu.memory_space<hbm>> -> memref<1x80x128xf32, #tpu.memory_space<hbm>>
    %dma_start3A_82 = tpu.memref_squeeze %dma_start3A_81 : memref<1x80x128xf32, #tpu.memory_space<hbm>> -> memref<80x128xf32, #tpu.memory_space<hbm>>
    %dma_start3A_83 = arith.constant 0 : i32
    %dma_start3A_84 = arith.constant 0 : i32
    %dma_start3A_85 = tpu.memref_slice %arg3[%add3A_78, %dma_start3A_83, %dma_start3A_84] : memref<4032x80x128xf32, #tpu.memory_space<hbm>> -> memref<1x80x128xf32, #tpu.memory_space<hbm>>
    %dma_start3A_86 = tpu.memref_squeeze %dma_start3A_85 : memref<1x80x128xf32, #tpu.memory_space<hbm>> -> memref<80x128xf32, #tpu.memory_space<hbm>>
    tpu.enqueue_dma source(%dma_start3A_86 : memref<80x128xf32, #tpu.memory_space<hbm>>) target(%arg16 : memref<80x128xf32, #tpu.memory_space<vmem>>) target_semaphore(%arg22 : memref<!tpu.dma_semaphore, #tpu.memory_space<semaphore_mem>>)
    %dma_wait3A_87 = arith.constant 0 : i32
    %dma_wait3A_88 = arith.constant 0 : i32
    %dma_wait3A_89 = tpu.memref_slice %arg2[%dma_wait3A_87, %dma_wait3A_88] : memref<10000x128xf32, #tpu.memory_space<hbm>> -> memref<10000x128xf32, #tpu.memory_space<hbm>>
    tpu.wait_indirect_dma semaphore(%arg19 : memref<!tpu.dma_semaphore, #tpu.memory_space<semaphore_mem>>) src(%dma_wait3A_89 : memref<10000x128xf32, #tpu.memory_space<hbm>>) dst(%arg10 : memref<80x128xf32, #tpu.memory_space<vmem>>)
    %dma_wait3A_90 = arith.constant 0 : i32
    %dma_wait3A_91 = arith.constant 0 : i32
    %dma_wait3A_92 = tpu.memref_slice %arg3[%mul3A_26, %dma_wait3A_90, %dma_wait3A_91] : memref<4032x80x128xf32, #tpu.memory_space<hbm>> -> memref<1x80x128xf32, #tpu.memory_space<hbm>>
    %dma_wait3A_93 = tpu.memref_squeeze %dma_wait3A_92 : memref<1x80x128xf32, #tpu.memory_space<hbm>> -> memref<80x128xf32, #tpu.memory_space<hbm>>
    %dma_wait3A_94 = arith.constant 0 : i32
    %dma_wait3A_95 = arith.constant 0 : i32
    %dma_wait3A_96 = tpu.memref_slice %arg3[%mul3A_26, %dma_wait3A_94, %dma_wait3A_95] : memref<4032x80x128xf32, #tpu.memory_space<hbm>> -> memref<1x80x128xf32, #tpu.memory_space<hbm>>
    %dma_wait3A_97 = tpu.memref_squeeze %dma_wait3A_96 : memref<1x80x128xf32, #tpu.memory_space<hbm>> -> memref<80x128xf32, #tpu.memory_space<hbm>>
    tpu.wait_dma2 semaphore(%arg19 : memref<!tpu.dma_semaphore, #tpu.memory_space<semaphore_mem>>) src(%dma_wait3A_97 : memref<80x128xf32, #tpu.memory_space<hbm>>) dst(%arg11 : memref<80x128xf32, #tpu.memory_space<vmem>>)
    %parallel_loop3A = arith.constant 0 : i32
    %parallel_loop3A_98 = arith.constant 80 : i32
    %parallel_loop3A_99 = arith.constant 1 : i32
    scf.for %parallel_loop3A_405 = %parallel_loop3A to %parallel_loop3A_98 step %parallel_loop3A_99  : i32 {
      %parallel_loop3A_406 = arith.index_cast %parallel_loop3A_405 : i32 to index
      %parallel_loop3A_407 = arith.constant 0 : index
      %parallel_loop3A_408 = tpu.vector_load %arg10[%parallel_loop3A_406, %parallel_loop3A_407] {strides = array<i32>} : memref<80x128xf32, #tpu.memory_space<vmem>>, vector<1x16xf32>,
      %parallel_loop3A_409 = vector.shape_cast %parallel_loop3A_408 : vector<1x16xf32> to vector<16xf32>
      %parallel_loop3A_410 = arith.index_cast %parallel_loop3A_405 : i32 to index
      %parallel_loop3A_411 = arith.constant 0 : index
      %parallel_loop3A_412 = tpu.vector_load %arg11[%parallel_loop3A_410, %parallel_loop3A_411] {strides = array<i32>} : memref<80x128xf32, #tpu.memory_space<vmem>>, vector<1x16xf32>,
      %parallel_loop3A_413 = vector.shape_cast %parallel_loop3A_412 : vector<1x16xf32> to vector<16xf32>
      %parallel_loop3A_414 = arith.mulf %parallel_loop3A_409, %parallel_loop3A_413 : vector<16xf32>
      %parallel_loop3A_415 = arith.index_cast %parallel_loop3A_405 : i32 to index
      %parallel_loop3A_416 = arith.constant 0 : index
      %parallel_loop3A_417 = tpu.vector_load %arg10[%parallel_loop3A_415, %parallel_loop3A_416] {strides = array<i32>} : memref<80x128xf32, #tpu.memory_space<vmem>>, vector<1x16xf32>,
      %parallel_loop3A_418 = vector.shape_cast %parallel_loop3A_417 : vector<1x16xf32> to vector<16xf32>
      %parallel_loop3A_419 = vector.shape_cast %parallel_loop3A_414 : vector<16xf32> to vector<1x16xf32>
      tpu.vector_store %arg10[%parallel_loop3A_415, %parallel_loop3A_416], %parallel_loop3A_419 {strides = array<i32>} : memref<80x128xf32, #tpu.memory_space<vmem>>, vector<1x16xf32>,
      %parallel_loop3A_420 = arith.index_cast %parallel_loop3A_405 : i32 to index
      %parallel_loop3A_421 = arith.constant 16 : index
      %parallel_loop3A_422 = tpu.vector_load %arg10[%parallel_loop3A_420, %parallel_loop3A_421] {strides = array<i32>} : memref<80x128xf32, #tpu.memory_space<vmem>>, vector<1x16xf32>,
      %parallel_loop3A_423 = vector.shape_cast %parallel_loop3A_422 : vector<1x16xf32> to vector<16xf32>
      %parallel_loop3A_424 = arith.index_cast %parallel_loop3A_405 : i32 to index
      %parallel_loop3A_425 = arith.constant 16 : index
      %parallel_loop3A_426 = tpu.vector_load %arg11[%parallel_loop3A_424, %parallel_loop3A_425] {strides = array<i32>} : memref<80x128xf32, #tpu.memory_space<vmem>>, vector<1x16xf32>,
      %parallel_loop3A_427 = vector.shape_cast %parallel_loop3A_426 : vector<1x16xf32> to vector<16xf32>
      %parallel_loop3A_428 = arith.mulf %parallel_loop3A_423, %parallel_loop3A_427 : vector<16xf32>
      %parallel_loop3A_429 = arith.index_cast %parallel_loop3A_405 : i32 to index
      %parallel_loop3A_430 = arith.constant 16 : index
      %parallel_loop3A_431 = tpu.vector_load %arg10[%parallel_loop3A_429, %parallel_loop3A_430] {strides = array<i32>} : memref<80x128xf32, #tpu.memory_space<vmem>>, vector<1x16xf32>,
      %parallel_loop3A_432 = vector.shape_cast %parallel_loop3A_431 : vector<1x16xf32> to vector<16xf32>
      %parallel_loop3A_433 = vector.shape_cast %parallel_loop3A_428 : vector<16xf32> to vector<1x16xf32>
      tpu.vector_store %arg10[%parallel_loop3A_429, %parallel_loop3A_430], %parallel_loop3A_433 {strides = array<i32>} : memref<80x128xf32, #tpu.memory_space<vmem>>, vector<1x16xf32>,
      %parallel_loop3A_434 = arith.index_cast %parallel_loop3A_405 : i32 to index
      %parallel_loop3A_435 = arith.constant 32 : index
      %parallel_loop3A_436 = tpu.vector_load %arg10[%parallel_loop3A_434, %parallel_loop3A_435] {strides = array<i32>} : memref<80x128xf32, #tpu.memory_space<vmem>>, vector<1x16xf32>,
      %parallel_loop3A_437 = vector.shape_cast %parallel_loop3A_436 : vector<1x16xf32> to vector<16xf32>
      %parallel_loop3A_438 = arith.index_cast %parallel_loop3A_405 : i32 to index
      %parallel_loop3A_439 = arith.constant 32 : index
      %parallel_loop3A_440 = tpu.vector_load %arg11[%parallel_loop3A_438, %parallel_loop3A_439] {strides = array<i32>} : memref<80x128xf32, #tpu.memory_space<vmem>>, vector<1x16xf32>,
      %parallel_loop3A_441 = vector.shape_cast %parallel_loop3A_440 : vector<1x16xf32> to vector<16xf32>
      %parallel_loop3A_442 = arith.mulf %parallel_loop3A_437, %parallel_loop3A_441 : vector<16xf32>
      %parallel_loop3A_443 = arith.index_cast %parallel_loop3A_405 : i32 to index
      %parallel_loop3A_444 = arith.constant 32 : index
      %parallel_loop3A_445 = tpu.vector_load %arg10[%parallel_loop3A_443, %parallel_loop3A_444] {strides = array<i32>} : memref<80x128xf32, #tpu.memory_space<vmem>>, vector<1x16xf32>,
      %parallel_loop3A_446 = vector.shape_cast %parallel_loop3A_445 : vector<1x16xf32> to vector<16xf32>
      %parallel_loop3A_447 = vector.shape_cast %parallel_loop3A_442 : vector<16xf32> to vector<1x16xf32>
      tpu.vector_store %arg10[%parallel_loop3A_443, %parallel_loop3A_444], %parallel_loop3A_447 {strides = array<i32>} : memref<80x128xf32, #tpu.memory_space<vmem>>, vector<1x16xf32>,
      %parallel_loop3A_448 = arith.index_cast %parallel_loop3A_405 : i32 to index
      %parallel_loop3A_449 = arith.constant 48 : index
      %parallel_loop3A_450 = tpu.vector_load %arg10[%parallel_loop3A_448, %parallel_loop3A_449] {strides = array<i32>} : memref<80x128xf32, #tpu.memory_space<vmem>>, vector<1x16xf32>,
      %parallel_loop3A_451 = vector.shape_cast %parallel_loop3A_450 : vector<1x16xf32> to vector<16xf32>
      %parallel_loop3A_452 = arith.index_cast %parallel_loop3A_405 : i32 to index
      %parallel_loop3A_453 = arith.constant 48 : index
      %parallel_loop3A_454 = tpu.vector_load %arg11[%parallel_loop3A_452, %parallel_loop3A_453] {strides = array<i32>} : memref<80x128xf32, #tpu.memory_space<vmem>>, vector<1x16xf32>,
      %parallel_loop3A_455 = vector.shape_cast %parallel_loop3A_454 : vector<1x16xf32> to vector<16xf32>
      %parallel_loop3A_456 = arith.mulf %parallel_loop3A_451, %parallel_loop3A_455 : vector<16xf32>
      %parallel_loop3A_457 = arith.index_cast %parallel_loop3A_405 : i32 to index
      %parallel_loop3A_458 = arith.constant 48 : index
      %parallel_loop3A_459 = tpu.vector_load %arg10[%parallel_loop3A_457, %parallel_loop3A_458] {strides = array<i32>} : memref<80x128xf32, #tpu.memory_space<vmem>>, vector<1x16xf32>,
      %parallel_loop3A_460 = vector.shape_cast %parallel_loop3A_459 : vector<1x16xf32> to vector<16xf32>
      %parallel_loop3A_461 = vector.shape_cast %parallel_loop3A_456 : vector<16xf32> to vector<1x16xf32>
      tpu.vector_store %arg10[%parallel_loop3A_457, %parallel_loop3A_458], %parallel_loop3A_461 {strides = array<i32>} : memref<80x128xf32, #tpu.memory_space<vmem>>, vector<1x16xf32>,
      %parallel_loop3A_462 = arith.index_cast %parallel_loop3A_405 : i32 to index
      %parallel_loop3A_463 = arith.constant 64 : index
      %parallel_loop3A_464 = tpu.vector_load %arg10[%parallel_loop3A_462, %parallel_loop3A_463] {strides = array<i32>} : memref<80x128xf32, #tpu.memory_space<vmem>>, vector<1x16xf32>,
      %parallel_loop3A_465 = vector.shape_cast %parallel_loop3A_464 : vector<1x16xf32> to vector<16xf32>
      %parallel_loop3A_466 = arith.index_cast %parallel_loop3A_405 : i32 to index
      %parallel_loop3A_467 = arith.constant 64 : index
      %parallel_loop3A_468 = tpu.vector_load %arg11[%parallel_loop3A_466, %parallel_loop3A_467] {strides = array<i32>} : memref<80x128xf32, #tpu.memory_space<vmem>>, vector<1x16xf32>,
      %parallel_loop3A_469 = vector.shape_cast %parallel_loop3A_468 : vector<1x16xf32> to vector<16xf32>
      %parallel_loop3A_470 = arith.mulf %parallel_loop3A_465, %parallel_loop3A_469 : vector<16xf32>
      %parallel_loop3A_471 = arith.index_cast %parallel_loop3A_405 : i32 to index
      %parallel_loop3A_472 = arith.constant 64 : index
      %parallel_loop3A_473 = tpu.vector_load %arg10[%parallel_loop3A_471, %parallel_loop3A_472] {strides = array<i32>} : memref<80x128xf32, #tpu.memory_space<vmem>>, vector<1x16xf32>,
      %parallel_loop3A_474 = vector.shape_cast %parallel_loop3A_473 : vector<1x16xf32> to vector<16xf32>
      %parallel_loop3A_475 = vector.shape_cast %parallel_loop3A_470 : vector<16xf32> to vector<1x16xf32>
      tpu.vector_store %arg10[%parallel_loop3A_471, %parallel_loop3A_472], %parallel_loop3A_475 {strides = array<i32>} : memref<80x128xf32, #tpu.memory_space<vmem>>, vector<1x16xf32>,
      %parallel_loop3A_476 = arith.index_cast %parallel_loop3A_405 : i32 to index
      %parallel_loop3A_477 = arith.constant 80 : index
      %parallel_loop3A_478 = tpu.vector_load %arg10[%parallel_loop3A_476, %parallel_loop3A_477] {strides = array<i32>} : memref<80x128xf32, #tpu.memory_space<vmem>>, vector<1x16xf32>,
      %parallel_loop3A_479 = vector.shape_cast %parallel_loop3A_478 : vector<1x16xf32> to vector<16xf32>
      %parallel_loop3A_480 = arith.index_cast %parallel_loop3A_405 : i32 to index
      %parallel_loop3A_481 = arith.constant 80 : index
      %parallel_loop3A_482 = tpu.vector_load %arg11[%parallel_loop3A_480, %parallel_loop3A_481] {strides = array<i32>} : memref<80x128xf32, #tpu.memory_space<vmem>>, vector<1x16xf32>,
      %parallel_loop3A_483 = vector.shape_cast %parallel_loop3A_482 : vector<1x16xf32> to vector<16xf32>
      %parallel_loop3A_484 = arith.mulf %parallel_loop3A_479, %parallel_loop3A_483 : vector<16xf32>
      %parallel_loop3A_485 = arith.index_cast %parallel_loop3A_405 : i32 to index
      %parallel_loop3A_486 = arith.constant 80 : index
      %parallel_loop3A_487 = tpu.vector_load %arg10[%parallel_loop3A_485, %parallel_loop3A_486] {strides = array<i32>} : memref<80x128xf32, #tpu.memory_space<vmem>>, vector<1x16xf32>,
      %parallel_loop3A_488 = vector.shape_cast %parallel_loop3A_487 : vector<1x16xf32> to vector<16xf32>
      %parallel_loop3A_489 = vector.shape_cast %parallel_loop3A_484 : vector<16xf32> to vector<1x16xf32>
      tpu.vector_store %arg10[%parallel_loop3A_485, %parallel_loop3A_486], %parallel_loop3A_489 {strides = array<i32>} : memref<80x128xf32, #tpu.memory_space<vmem>>, vector<1x16xf32>,
      %parallel_loop3A_490 = arith.index_cast %parallel_loop3A_405 : i32 to index
      %parallel_loop3A_491 = arith.constant 96 : index
      %parallel_loop3A_492 = tpu.vector_load %arg10[%parallel_loop3A_490, %parallel_loop3A_491] {strides = array<i32>} : memref<80x128xf32, #tpu.memory_space<vmem>>, vector<1x16xf32>,
      %parallel_loop3A_493 = vector.shape_cast %parallel_loop3A_492 : vector<1x16xf32> to vector<16xf32>
      %parallel_loop3A_494 = arith.index_cast %parallel_loop3A_405 : i32 to index
      %parallel_loop3A_495 = arith.constant 96 : index
      %parallel_loop3A_496 = tpu.vector_load %arg11[%parallel_loop3A_494, %parallel_loop3A_495] {strides = array<i32>} : memref<80x128xf32, #tpu.memory_space<vmem>>, vector<1x16xf32>,
      %parallel_loop3A_497 = vector.shape_cast %parallel_loop3A_496 : vector<1x16xf32> to vector<16xf32>
      %parallel_loop3A_498 = arith.mulf %parallel_loop3A_493, %parallel_loop3A_497 : vector<16xf32>
      %parallel_loop3A_499 = arith.index_cast %parallel_loop3A_405 : i32 to index
      %parallel_loop3A_500 = arith.constant 96 : index
      %parallel_loop3A_501 = tpu.vector_load %arg10[%parallel_loop3A_499, %parallel_loop3A_500] {strides = array<i32>} : memref<80x128xf32, #tpu.memory_space<vmem>>, vector<1x16xf32>,
      %parallel_loop3A_502 = vector.shape_cast %parallel_loop3A_501 : vector<1x16xf32> to vector<16xf32>
      %parallel_loop3A_503 = vector.shape_cast %parallel_loop3A_498 : vector<16xf32> to vector<1x16xf32>
      tpu.vector_store %arg10[%parallel_loop3A_499, %parallel_loop3A_500], %parallel_loop3A_503 {strides = array<i32>} : memref<80x128xf32, #tpu.memory_space<vmem>>, vector<1x16xf32>,
      %parallel_loop3A_504 = arith.index_cast %parallel_loop3A_405 : i32 to index
      %parallel_loop3A_505 = arith.constant 112 : index
      %parallel_loop3A_506 = tpu.vector_load %arg10[%parallel_loop3A_504, %parallel_loop3A_505] {strides = array<i32>} : memref<80x128xf32, #tpu.memory_space<vmem>>, vector<1x16xf32>,
      %parallel_loop3A_507 = vector.shape_cast %parallel_loop3A_506 : vector<1x16xf32> to vector<16xf32>
      %parallel_loop3A_508 = arith.index_cast %parallel_loop3A_405 : i32 to index
      %parallel_loop3A_509 = arith.constant 112 : index
      %parallel_loop3A_510 = tpu.vector_load %arg11[%parallel_loop3A_508, %parallel_loop3A_509] {strides = array<i32>} : memref<80x128xf32, #tpu.memory_space<vmem>>, vector<1x16xf32>,
      %parallel_loop3A_511 = vector.shape_cast %parallel_loop3A_510 : vector<1x16xf32> to vector<16xf32>
      %parallel_loop3A_512 = arith.mulf %parallel_loop3A_507, %parallel_loop3A_511 : vector<16xf32>
      %parallel_loop3A_513 = arith.index_cast %parallel_loop3A_405 : i32 to index
      %parallel_loop3A_514 = arith.constant 112 : index
      %parallel_loop3A_515 = tpu.vector_load %arg10[%parallel_loop3A_513, %parallel_loop3A_514] {strides = array<i32>} : memref<80x128xf32, #tpu.memory_space<vmem>>, vector<1x16xf32>,
      %parallel_loop3A_516 = vector.shape_cast %parallel_loop3A_515 : vector<1x16xf32> to vector<16xf32>
      %parallel_loop3A_517 = vector.shape_cast %parallel_loop3A_512 : vector<16xf32> to vector<1x16xf32>
      tpu.vector_store %arg10[%parallel_loop3A_513, %parallel_loop3A_514], %parallel_loop3A_517 {strides = array<i32>} : memref<80x128xf32, #tpu.memory_space<vmem>>, vector<1x16xf32>,
    } {sc.loop_unroll_factor = 2 : i64, sc.parallel_access}
    %get3A = arith.constant 0 : index
    %get3A_100 = tpu.vector_load %arg8[%get3A] {strides = array<i32>} : memref<80xi32, #tpu.memory_space<vmem>>, vector<16xi32>,
    %get3A_101 = vector.shape_cast %get3A_100 : vector<16xi32> to vector<16xi32>
    %swap3A = arith.constant 0 : index
    %swap3A_102 = tpu.vector_load %arg9[%swap3A] {strides = array<i32>} : memref<80xi32, #tpu.memory_space<vmem>>, vector<16xi32>,
    %swap3A_103 = vector.shape_cast %swap3A_102 : vector<16xi32> to vector<16xi32>
    %swap3A_104 = vector.shape_cast %get3A_101 : vector<16xi32> to vector<16xi32>
    tpu.vector_store %arg9[%swap3A], %swap3A_104 {strides = array<i32>} : memref<80xi32, #tpu.memory_space<vmem>>, vector<16xi32>,
    %get3A_105 = arith.constant 16 : index
    %get3A_106 = tpu.vector_load %arg8[%get3A_105] {strides = array<i32>} : memref<80xi32, #tpu.memory_space<vmem>>, vector<16xi32>,
    %get3A_107 = vector.shape_cast %get3A_106 : vector<16xi32> to vector<16xi32>
    %swap3A_108 = arith.constant 16 : index
    %swap3A_109 = tpu.vector_load %arg9[%swap3A_108] {strides = array<i32>} : memref<80xi32, #tpu.memory_space<vmem>>, vector<16xi32>,
    %swap3A_110 = vector.shape_cast %swap3A_109 : vector<16xi32> to vector<16xi32>
    %swap3A_111 = vector.shape_cast %get3A_107 : vector<16xi32> to vector<16xi32>
    tpu.vector_store %arg9[%swap3A_108], %swap3A_111 {strides = array<i32>} : memref<80xi32, #tpu.memory_space<vmem>>, vector<16xi32>,
    %get3A_112 = arith.constant 32 : index
    %get3A_113 = tpu.vector_load %arg8[%get3A_112] {strides = array<i32>} : memref<80xi32, #tpu.memory_space<vmem>>, vector<16xi32>,
    %get3A_114 = vector.shape_cast %get3A_113 : vector<16xi32> to vector<16xi32>
    %swap3A_115 = arith.constant 32 : index
    %swap3A_116 = tpu.vector_load %arg9[%swap3A_115] {strides = array<i32>} : memref<80xi32, #tpu.memory_space<vmem>>, vector<16xi32>,
    %swap3A_117 = vector.shape_cast %swap3A_116 : vector<16xi32> to vector<16xi32>
    %swap3A_118 = vector.shape_cast %get3A_114 : vector<16xi32> to vector<16xi32>
    tpu.vector_store %arg9[%swap3A_115], %swap3A_118 {strides = array<i32>} : memref<80xi32, #tpu.memory_space<vmem>>, vector<16xi32>,
    %get3A_119 = arith.constant 48 : index
    %get3A_120 = tpu.vector_load %arg8[%get3A_119] {strides = array<i32>} : memref<80xi32, #tpu.memory_space<vmem>>, vector<16xi32>,
    %get3A_121 = vector.shape_cast %get3A_120 : vector<16xi32> to vector<16xi32>
    %swap3A_122 = arith.constant 48 : index
    %swap3A_123 = tpu.vector_load %arg9[%swap3A_122] {strides = array<i32>} : memref<80xi32, #tpu.memory_space<vmem>>, vector<16xi32>,
    %swap3A_124 = vector.shape_cast %swap3A_123 : vector<16xi32> to vector<16xi32>
    %swap3A_125 = vector.shape_cast %get3A_121 : vector<16xi32> to vector<16xi32>
    tpu.vector_store %arg9[%swap3A_122], %swap3A_125 {strides = array<i32>} : memref<80xi32, #tpu.memory_space<vmem>>, vector<16xi32>,
    %get3A_126 = arith.constant 64 : index
    %get3A_127 = tpu.vector_load %arg8[%get3A_126] {strides = array<i32>} : memref<80xi32, #tpu.memory_space<vmem>>, vector<16xi32>,
    %get3A_128 = vector.shape_cast %get3A_127 : vector<16xi32> to vector<16xi32>
    %swap3A_129 = arith.constant 64 : index
    %swap3A_130 = tpu.vector_load %arg9[%swap3A_129] {strides = array<i32>} : memref<80xi32, #tpu.memory_space<vmem>>, vector<16xi32>,
    %swap3A_131 = vector.shape_cast %swap3A_130 : vector<16xi32> to vector<16xi32>
    %swap3A_132 = vector.shape_cast %get3A_128 : vector<16xi32> to vector<16xi32>
    tpu.vector_store %arg9[%swap3A_129], %swap3A_132 {strides = array<i32>} : memref<80xi32, #tpu.memory_space<vmem>>, vector<16xi32>,
    %dma_start3A_133 = arith.constant 0 : i32
    %dma_start3A_134 = arith.constant 0 : i32
    %dma_start3A_135 = tpu.memref_slice %arg17[%dma_start3A_133, %dma_start3A_134] : memref<10112x128xf32, #tpu.memory_space<vmem_shared>> -> memref<10112x128xf32, #tpu.memory_space<vmem_shared>>
    tpu.enqueue_indirect_dma source(%arg10 : memref<80x128xf32, #tpu.memory_space<vmem>>) target(%dma_start3A_135 : memref<10112x128xf32, #tpu.memory_space<vmem_shared>>) offsets(%arg9 : memref<80xi32, #tpu.memory_space<vmem>>) semaphore(%arg20 : memref<!tpu.dma_semaphore, #tpu.memory_space<semaphore_mem>>) {add = true}
    %add3A_136 = arith.constant 2 : i32
    %add3A_137 = arith.addi %mul3A_26, %add3A_136 : i32
    %mul3A_138 = arith.constant 80 : i32
    %mul3A_139 = arith.muli %add3A_137, %mul3A_138 : i32
    %dma_start3A_140 = tpu.memref_slice %arg4[%mul3A_139] : memref<322560xi32, #tpu.memory_space<hbm>> -> memref<80xi32, #tpu.memory_space<hbm>>
    %dma_start3A_141 = tpu.memref_slice %arg4[%mul3A_139] : memref<322560xi32, #tpu.memory_space<hbm>> -> memref<80xi32, #tpu.memory_space<hbm>>
    tpu.enqueue_dma source(%dma_start3A_141 : memref<80xi32, #tpu.memory_space<hbm>>) target(%arg7 : memref<80xi32, #tpu.memory_space<vmem>>) target_semaphore(%arg18 : memref<!tpu.dma_semaphore, #tpu.memory_space<semaphore_mem>>)
    %mul3A_142 = arith.constant 80 : i32
    %mul3A_143 = arith.muli %add3A_137, %mul3A_142 : i32
    %dma_start3A_144 = tpu.memref_slice %arg5[%mul3A_143] : memref<322560xi32, #tpu.memory_space<hbm>> -> memref<80xi32, #tpu.memory_space<hbm>>
    %dma_start3A_145 = tpu.memref_slice %arg5[%mul3A_143] : memref<322560xi32, #tpu.memory_space<hbm>> -> memref<80xi32, #tpu.memory_space<hbm>>
    tpu.enqueue_dma source(%dma_start3A_145 : memref<80xi32, #tpu.memory_space<hbm>>) target(%arg8 : memref<80xi32, #tpu.memory_space<vmem>>) target_semaphore(%arg18 : memref<!tpu.dma_semaphore, #tpu.memory_space<semaphore_mem>>)
    %dma_wait3A_146 = arith.constant 0 : i32
    %dma_wait3A_147 = tpu.memref_slice %arg4[%dma_wait3A_146] : memref<322560xi32, #tpu.memory_space<hbm>> -> memref<80xi32, #tpu.memory_space<hbm>>
    %dma_wait3A_148 = arith.constant 0 : i32
    %dma_wait3A_149 = tpu.memref_slice %arg4[%dma_wait3A_148] : memref<322560xi32, #tpu.memory_space<hbm>> -> memref<80xi32, #tpu.memory_space<hbm>>
    tpu.wait_dma2 semaphore(%arg18 : memref<!tpu.dma_semaphore, #tpu.memory_space<semaphore_mem>>) src(%dma_wait3A_149 : memref<80xi32, #tpu.memory_space<hbm>>) dst(%arg7 : memref<80xi32, #tpu.memory_space<vmem>>)
    %dma_wait3A_150 = arith.constant 0 : i32
    %dma_wait3A_151 = tpu.memref_slice %arg5[%dma_wait3A_150] : memref<322560xi32, #tpu.memory_space<hbm>> -> memref<80xi32, #tpu.memory_space<hbm>>
    %dma_wait3A_152 = arith.constant 0 : i32
    %dma_wait3A_153 = tpu.memref_slice %arg5[%dma_wait3A_152] : memref<322560xi32, #tpu.memory_space<hbm>> -> memref<80xi32, #tpu.memory_space<hbm>>
    tpu.wait_dma2 semaphore(%arg18 : memref<!tpu.dma_semaphore, #tpu.memory_space<semaphore_mem>>) src(%dma_wait3A_153 : memref<80xi32, #tpu.memory_space<hbm>>) dst(%arg8 : memref<80xi32, #tpu.memory_space<vmem>>)
    %dma_wait3A_154 = arith.constant 0 : i32
    %dma_wait3A_155 = arith.constant 0 : i32
    %dma_wait3A_156 = tpu.memref_slice %arg17[%dma_wait3A_154, %dma_wait3A_155] : memref<10112x128xf32, #tpu.memory_space<vmem_shared>> -> memref<10112x128xf32, #tpu.memory_space<vmem_shared>>
    tpu.wait_indirect_dma semaphore(%arg20 : memref<!tpu.dma_semaphore, #tpu.memory_space<semaphore_mem>>) src(%arg10 : memref<80x128xf32, #tpu.memory_space<vmem>>) dst(%dma_wait3A_156 : memref<10112x128xf32, #tpu.memory_space<vmem_shared>>)
    %dma_start3A_157 = arith.constant 0 : i32
    %dma_start3A_158 = arith.constant 0 : i32
    %dma_start3A_159 = tpu.memref_slice %arg2[%dma_start3A_157, %dma_start3A_158] : memref<10000x128xf32, #tpu.memory_space<hbm>> -> memref<10000x128xf32, #tpu.memory_space<hbm>>
    tpu.enqueue_indirect_dma source(%dma_start3A_159 : memref<10000x128xf32, #tpu.memory_space<hbm>>) target(%arg10 : memref<80x128xf32, #tpu.memory_space<vmem>>) offsets(%arg7 : memref<80xi32, #tpu.memory_space<vmem>>) semaphore(%arg19 : memref<!tpu.dma_semaphore, #tpu.memory_space<semaphore_mem>>)
    %add3A_160 = arith.constant 2 : i32
    %add3A_161 = arith.addi %mul3A_26, %add3A_160 : i32
    %dma_start3A_162 = arith.constant 0 : i32
    %dma_start3A_163 = arith.constant 0 : i32
    %dma_start3A_164 = tpu.memref_slice %arg3[%add3A_161, %dma_start3A_162, %dma_start3A_163] : memref<4032x80x128xf32, #tpu.memory_space<hbm>> -> memref<1x80x128xf32, #tpu.memory_space<hbm>>
    %dma_start3A_165 = tpu.memref_squeeze %dma_start3A_164 : memref<1x80x128xf32, #tpu.memory_space<hbm>> -> memref<80x128xf32, #tpu.memory_space<hbm>>
    %dma_start3A_166 = arith.constant 0 : i32
    %dma_start3A_167 = arith.constant 0 : i32
    %dma_start3A_168 = tpu.memref_slice %arg3[%add3A_161, %dma_start3A_166, %dma_start3A_167] : memref<4032x80x128xf32, #tpu.memory_space<hbm>> -> memref<1x80x128xf32, #tpu.memory_space<hbm>>
    %dma_start3A_169 = tpu.memref_squeeze %dma_start3A_168 : memref<1x80x128xf32, #tpu.memory_space<hbm>> -> memref<80x128xf32, #tpu.memory_space<hbm>>
    tpu.enqueue_dma source(%dma_start3A_169 : memref<80x128xf32, #tpu.memory_space<hbm>>) target(%arg11 : memref<80x128xf32, #tpu.memory_space<vmem>>) target_semaphore(%arg19 : memref<!tpu.dma_semaphore, #tpu.memory_space<semaphore_mem>>)
    %dma_wait3A_170 = arith.constant 0 : i32
    %dma_wait3A_171 = arith.constant 0 : i32
    %dma_wait3A_172 = tpu.memref_slice %arg2[%dma_wait3A_170, %dma_wait3A_171] : memref<10000x128xf32, #tpu.memory_space<hbm>> -> memref<10000x128xf32, #tpu.memory_space<hbm>>
    tpu.wait_indirect_dma semaphore(%arg22 : memref<!tpu.dma_semaphore, #tpu.memory_space<semaphore_mem>>) src(%dma_wait3A_172 : memref<10000x128xf32, #tpu.memory_space<hbm>>) dst(%arg15 : memref<80x128xf32, #tpu.memory_space<vmem>>)
    %dma_wait3A_173 = arith.constant 0 : i32
    %dma_wait3A_174 = arith.constant 0 : i32
    %dma_wait3A_175 = tpu.memref_slice %arg3[%mul3A_26, %dma_wait3A_173, %dma_wait3A_174] : memref<4032x80x128xf32, #tpu.memory_space<hbm>> -> memref<1x80x128xf32, #tpu.memory_space<hbm>>
    %dma_wait3A_176 = tpu.memref_squeeze %dma_wait3A_175 : memref<1x80x128xf32, #tpu.memory_space<hbm>> -> memref<80x128xf32, #tpu.memory_space<hbm>>
    %dma_wait3A_177 = arith.constant 0 : i32
    %dma_wait3A_178 = arith.constant 0 : i32
    %dma_wait3A_179 = tpu.memref_slice %arg3[%mul3A_26, %dma_wait3A_177, %dma_wait3A_178] : memref<4032x80x128xf32, #tpu.memory_space<hbm>> -> memref<1x80x128xf32, #tpu.memory_space<hbm>>
    %dma_wait3A_180 = tpu.memref_squeeze %dma_wait3A_179 : memref<1x80x128xf32, #tpu.memory_space<hbm>> -> memref<80x128xf32, #tpu.memory_space<hbm>>
    tpu.wait_dma2 semaphore(%arg22 : memref<!tpu.dma_semaphore, #tpu.memory_space<semaphore_mem>>) src(%dma_wait3A_180 : memref<80x128xf32, #tpu.memory_space<hbm>>) dst(%arg16 : memref<80x128xf32, #tpu.memory_space<vmem>>)
    %parallel_loop3A_181 = arith.constant 0 : i32
    %parallel_loop3A_182 = arith.constant 80 : i32
    %parallel_loop3A_183 = arith.constant 1 : i32
    scf.for %parallel_loop3A_405 = %parallel_loop3A_181 to %parallel_loop3A_182 step %parallel_loop3A_183  : i32 {
      %parallel_loop3A_406 = arith.index_cast %parallel_loop3A_405 : i32 to index
      %parallel_loop3A_407 = arith.constant 0 : index
      %parallel_loop3A_408 = tpu.vector_load %arg15[%parallel_loop3A_406, %parallel_loop3A_407] {strides = array<i32>} : memref<80x128xf32, #tpu.memory_space<vmem>>, vector<1x16xf32>,
      %parallel_loop3A_409 = vector.shape_cast %parallel_loop3A_408 : vector<1x16xf32> to vector<16xf32>
      %parallel_loop3A_410 = arith.index_cast %parallel_loop3A_405 : i32 to index
      %parallel_loop3A_411 = arith.constant 0 : index
      %parallel_loop3A_412 = tpu.vector_load %arg16[%parallel_loop3A_410, %parallel_loop3A_411] {strides = array<i32>} : memref<80x128xf32, #tpu.memory_space<vmem>>, vector<1x16xf32>,
      %parallel_loop3A_413 = vector.shape_cast %parallel_loop3A_412 : vector<1x16xf32> to vector<16xf32>
      %parallel_loop3A_414 = arith.mulf %parallel_loop3A_409, %parallel_loop3A_413 : vector<16xf32>
      %parallel_loop3A_415 = arith.index_cast %parallel_loop3A_405 : i32 to index
      %parallel_loop3A_416 = arith.constant 0 : index
      %parallel_loop3A_417 = tpu.vector_load %arg15[%parallel_loop3A_415, %parallel_loop3A_416] {strides = array<i32>} : memref<80x128xf32, #tpu.memory_space<vmem>>, vector<1x16xf32>,
      %parallel_loop3A_418 = vector.shape_cast %parallel_loop3A_417 : vector<1x16xf32> to vector<16xf32>
      %parallel_loop3A_419 = vector.shape_cast %parallel_loop3A_414 : vector<16xf32> to vector<1x16xf32>
      tpu.vector_store %arg15[%parallel_loop3A_415, %parallel_loop3A_416], %parallel_loop3A_419 {strides = array<i32>} : memref<80x128xf32, #tpu.memory_space<vmem>>, vector<1x16xf32>,
      %parallel_loop3A_420 = arith.index_cast %parallel_loop3A_405 : i32 to index
      %parallel_loop3A_421 = arith.constant 16 : index
      %parallel_loop3A_422 = tpu.vector_load %arg15[%parallel_loop3A_420, %parallel_loop3A_421] {strides = array<i32>} : memref<80x128xf32, #tpu.memory_space<vmem>>, vector<1x16xf32>,
      %parallel_loop3A_423 = vector.shape_cast %parallel_loop3A_422 : vector<1x16xf32> to vector<16xf32>
      %parallel_loop3A_424 = arith.index_cast %parallel_loop3A_405 : i32 to index
      %parallel_loop3A_425 = arith.constant 16 : index
      %parallel_loop3A_426 = tpu.vector_load %arg16[%parallel_loop3A_424, %parallel_loop3A_425] {strides = array<i32>} : memref<80x128xf32, #tpu.memory_space<vmem>>, vector<1x16xf32>,
      %parallel_loop3A_427 = vector.shape_cast %parallel_loop3A_426 : vector<1x16xf32> to vector<16xf32>
      %parallel_loop3A_428 = arith.mulf %parallel_loop3A_423, %parallel_loop3A_427 : vector<16xf32>
      %parallel_loop3A_429 = arith.index_cast %parallel_loop3A_405 : i32 to index
      %parallel_loop3A_430 = arith.constant 16 : index
      %parallel_loop3A_431 = tpu.vector_load %arg15[%parallel_loop3A_429, %parallel_loop3A_430] {strides = array<i32>} : memref<80x128xf32, #tpu.memory_space<vmem>>, vector<1x16xf32>,
      %parallel_loop3A_432 = vector.shape_cast %parallel_loop3A_431 : vector<1x16xf32> to vector<16xf32>
      %parallel_loop3A_433 = vector.shape_cast %parallel_loop3A_428 : vector<16xf32> to vector<1x16xf32>
      tpu.vector_store %arg15[%parallel_loop3A_429, %parallel_loop3A_430], %parallel_loop3A_433 {strides = array<i32>} : memref<80x128xf32, #tpu.memory_space<vmem>>, vector<1x16xf32>,
      %parallel_loop3A_434 = arith.index_cast %parallel_loop3A_405 : i32 to index
      %parallel_loop3A_435 = arith.constant 32 : index
      %parallel_loop3A_436 = tpu.vector_load %arg15[%parallel_loop3A_434, %parallel_loop3A_435] {strides = array<i32>} : memref<80x128xf32, #tpu.memory_space<vmem>>, vector<1x16xf32>,
      %parallel_loop3A_437 = vector.shape_cast %parallel_loop3A_436 : vector<1x16xf32> to vector<16xf32>
      %parallel_loop3A_438 = arith.index_cast %parallel_loop3A_405 : i32 to index
      %parallel_loop3A_439 = arith.constant 32 : index
      %parallel_loop3A_440 = tpu.vector_load %arg16[%parallel_loop3A_438, %parallel_loop3A_439] {strides = array<i32>} : memref<80x128xf32, #tpu.memory_space<vmem>>, vector<1x16xf32>,
      %parallel_loop3A_441 = vector.shape_cast %parallel_loop3A_440 : vector<1x16xf32> to vector<16xf32>
      %parallel_loop3A_442 = arith.mulf %parallel_loop3A_437, %parallel_loop3A_441 : vector<16xf32>
      %parallel_loop3A_443 = arith.index_cast %parallel_loop3A_405 : i32 to index
      %parallel_loop3A_444 = arith.constant 32 : index
      %parallel_loop3A_445 = tpu.vector_load %arg15[%parallel_loop3A_443, %parallel_loop3A_444] {strides = array<i32>} : memref<80x128xf32, #tpu.memory_space<vmem>>, vector<1x16xf32>,
      %parallel_loop3A_446 = vector.shape_cast %parallel_loop3A_445 : vector<1x16xf32> to vector<16xf32>
      %parallel_loop3A_447 = vector.shape_cast %parallel_loop3A_442 : vector<16xf32> to vector<1x16xf32>
      tpu.vector_store %arg15[%parallel_loop3A_443, %parallel_loop3A_444], %parallel_loop3A_447 {strides = array<i32>} : memref<80x128xf32, #tpu.memory_space<vmem>>, vector<1x16xf32>,
      %parallel_loop3A_448 = arith.index_cast %parallel_loop3A_405 : i32 to index
      %parallel_loop3A_449 = arith.constant 48 : index
      %parallel_loop3A_450 = tpu.vector_load %arg15[%parallel_loop3A_448, %parallel_loop3A_449] {strides = array<i32>} : memref<80x128xf32, #tpu.memory_space<vmem>>, vector<1x16xf32>,
      %parallel_loop3A_451 = vector.shape_cast %parallel_loop3A_450 : vector<1x16xf32> to vector<16xf32>
      %parallel_loop3A_452 = arith.index_cast %parallel_loop3A_405 : i32 to index
      %parallel_loop3A_453 = arith.constant 48 : index
      %parallel_loop3A_454 = tpu.vector_load %arg16[%parallel_loop3A_452, %parallel_loop3A_453] {strides = array<i32>} : memref<80x128xf32, #tpu.memory_space<vmem>>, vector<1x16xf32>,
      %parallel_loop3A_455 = vector.shape_cast %parallel_loop3A_454 : vector<1x16xf32> to vector<16xf32>
      %parallel_loop3A_456 = arith.mulf %parallel_loop3A_451, %parallel_loop3A_455 : vector<16xf32>
      %parallel_loop3A_457 = arith.index_cast %parallel_loop3A_405 : i32 to index
      %parallel_loop3A_458 = arith.constant 48 : index
      %parallel_loop3A_459 = tpu.vector_load %arg15[%parallel_loop3A_457, %parallel_loop3A_458] {strides = array<i32>} : memref<80x128xf32, #tpu.memory_space<vmem>>, vector<1x16xf32>,
      %parallel_loop3A_460 = vector.shape_cast %parallel_loop3A_459 : vector<1x16xf32> to vector<16xf32>
      %parallel_loop3A_461 = vector.shape_cast %parallel_loop3A_456 : vector<16xf32> to vector<1x16xf32>
      tpu.vector_store %arg15[%parallel_loop3A_457, %parallel_loop3A_458], %parallel_loop3A_461 {strides = array<i32>} : memref<80x128xf32, #tpu.memory_space<vmem>>, vector<1x16xf32>,
      %parallel_loop3A_462 = arith.index_cast %parallel_loop3A_405 : i32 to index
      %parallel_loop3A_463 = arith.constant 64 : index
      %parallel_loop3A_464 = tpu.vector_load %arg15[%parallel_loop3A_462, %parallel_loop3A_463] {strides = array<i32>} : memref<80x128xf32, #tpu.memory_space<vmem>>, vector<1x16xf32>,
      %parallel_loop3A_465 = vector.shape_cast %parallel_loop3A_464 : vector<1x16xf32> to vector<16xf32>
      %parallel_loop3A_466 = arith.index_cast %parallel_loop3A_405 : i32 to index
      %parallel_loop3A_467 = arith.constant 64 : index
      %parallel_loop3A_468 = tpu.vector_load %arg16[%parallel_loop3A_466, %parallel_loop3A_467] {strides = array<i32>} : memref<80x128xf32, #tpu.memory_space<vmem>>, vector<1x16xf32>,
      %parallel_loop3A_469 = vector.shape_cast %parallel_loop3A_468 : vector<1x16xf32> to vector<16xf32>
      %parallel_loop3A_470 = arith.mulf %parallel_loop3A_465, %parallel_loop3A_469 : vector<16xf32>
      %parallel_loop3A_471 = arith.index_cast %parallel_loop3A_405 : i32 to index
      %parallel_loop3A_472 = arith.constant 64 : index
      %parallel_loop3A_473 = tpu.vector_load %arg15[%parallel_loop3A_471, %parallel_loop3A_472] {strides = array<i32>} : memref<80x128xf32, #tpu.memory_space<vmem>>, vector<1x16xf32>,
      %parallel_loop3A_474 = vector.shape_cast %parallel_loop3A_473 : vector<1x16xf32> to vector<16xf32>
      %parallel_loop3A_475 = vector.shape_cast %parallel_loop3A_470 : vector<16xf32> to vector<1x16xf32>
      tpu.vector_store %arg15[%parallel_loop3A_471, %parallel_loop3A_472], %parallel_loop3A_475 {strides = array<i32>} : memref<80x128xf32, #tpu.memory_space<vmem>>, vector<1x16xf32>,
      %parallel_loop3A_476 = arith.index_cast %parallel_loop3A_405 : i32 to index
      %parallel_loop3A_477 = arith.constant 80 : index
      %parallel_loop3A_478 = tpu.vector_load %arg15[%parallel_loop3A_476, %parallel_loop3A_477] {strides = array<i32>} : memref<80x128xf32, #tpu.memory_space<vmem>>, vector<1x16xf32>,
      %parallel_loop3A_479 = vector.shape_cast %parallel_loop3A_478 : vector<1x16xf32> to vector<16xf32>
      %parallel_loop3A_480 = arith.index_cast %parallel_loop3A_405 : i32 to index
      %parallel_loop3A_481 = arith.constant 80 : index
      %parallel_loop3A_482 = tpu.vector_load %arg16[%parallel_loop3A_480, %parallel_loop3A_481] {strides = array<i32>} : memref<80x128xf32, #tpu.memory_space<vmem>>, vector<1x16xf32>,
      %parallel_loop3A_483 = vector.shape_cast %parallel_loop3A_482 : vector<1x16xf32> to vector<16xf32>
      %parallel_loop3A_484 = arith.mulf %parallel_loop3A_479, %parallel_loop3A_483 : vector<16xf32>
      %parallel_loop3A_485 = arith.index_cast %parallel_loop3A_405 : i32 to index
      %parallel_loop3A_486 = arith.constant 80 : index
      %parallel_loop3A_487 = tpu.vector_load %arg15[%parallel_loop3A_485, %parallel_loop3A_486] {strides = array<i32>} : memref<80x128xf32, #tpu.memory_space<vmem>>, vector<1x16xf32>,
      %parallel_loop3A_488 = vector.shape_cast %parallel_loop3A_487 : vector<1x16xf32> to vector<16xf32>
      %parallel_loop3A_489 = vector.shape_cast %parallel_loop3A_484 : vector<16xf32> to vector<1x16xf32>
      tpu.vector_store %arg15[%parallel_loop3A_485, %parallel_loop3A_486], %parallel_loop3A_489 {strides = array<i32>} : memref<80x128xf32, #tpu.memory_space<vmem>>, vector<1x16xf32>,
      %parallel_loop3A_490 = arith.index_cast %parallel_loop3A_405 : i32 to index
      %parallel_loop3A_491 = arith.constant 96 : index
      %parallel_loop3A_492 = tpu.vector_load %arg15[%parallel_loop3A_490, %parallel_loop3A_491] {strides = array<i32>} : memref<80x128xf32, #tpu.memory_space<vmem>>, vector<1x16xf32>,
      %parallel_loop3A_493 = vector.shape_cast %parallel_loop3A_492 : vector<1x16xf32> to vector<16xf32>
      %parallel_loop3A_494 = arith.index_cast %parallel_loop3A_405 : i32 to index
      %parallel_loop3A_495 = arith.constant 96 : index
      %parallel_loop3A_496 = tpu.vector_load %arg16[%parallel_loop3A_494, %parallel_loop3A_495] {strides = array<i32>} : memref<80x128xf32, #tpu.memory_space<vmem>>, vector<1x16xf32>,
      %parallel_loop3A_497 = vector.shape_cast %parallel_loop3A_496 : vector<1x16xf32> to vector<16xf32>
      %parallel_loop3A_498 = arith.mulf %parallel_loop3A_493, %parallel_loop3A_497 : vector<16xf32>
      %parallel_loop3A_499 = arith.index_cast %parallel_loop3A_405 : i32 to index
      %parallel_loop3A_500 = arith.constant 96 : index
      %parallel_loop3A_501 = tpu.vector_load %arg15[%parallel_loop3A_499, %parallel_loop3A_500] {strides = array<i32>} : memref<80x128xf32, #tpu.memory_space<vmem>>, vector<1x16xf32>,
      %parallel_loop3A_502 = vector.shape_cast %parallel_loop3A_501 : vector<1x16xf32> to vector<16xf32>
      %parallel_loop3A_503 = vector.shape_cast %parallel_loop3A_498 : vector<16xf32> to vector<1x16xf32>
      tpu.vector_store %arg15[%parallel_loop3A_499, %parallel_loop3A_500], %parallel_loop3A_503 {strides = array<i32>} : memref<80x128xf32, #tpu.memory_space<vmem>>, vector<1x16xf32>,
      %parallel_loop3A_504 = arith.index_cast %parallel_loop3A_405 : i32 to index
      %parallel_loop3A_505 = arith.constant 112 : index
      %parallel_loop3A_506 = tpu.vector_load %arg15[%parallel_loop3A_504, %parallel_loop3A_505] {strides = array<i32>} : memref<80x128xf32, #tpu.memory_space<vmem>>, vector<1x16xf32>,
      %parallel_loop3A_507 = vector.shape_cast %parallel_loop3A_506 : vector<1x16xf32> to vector<16xf32>
      %parallel_loop3A_508 = arith.index_cast %parallel_loop3A_405 : i32 to index
      %parallel_loop3A_509 = arith.constant 112 : index
      %parallel_loop3A_510 = tpu.vector_load %arg16[%parallel_loop3A_508, %parallel_loop3A_509] {strides = array<i32>} : memref<80x128xf32, #tpu.memory_space<vmem>>, vector<1x16xf32>,
      %parallel_loop3A_511 = vector.shape_cast %parallel_loop3A_510 : vector<1x16xf32> to vector<16xf32>
      %parallel_loop3A_512 = arith.mulf %parallel_loop3A_507, %parallel_loop3A_511 : vector<16xf32>
      %parallel_loop3A_513 = arith.index_cast %parallel_loop3A_405 : i32 to index
      %parallel_loop3A_514 = arith.constant 112 : index
      %parallel_loop3A_515 = tpu.vector_load %arg15[%parallel_loop3A_513, %parallel_loop3A_514] {strides = array<i32>} : memref<80x128xf32, #tpu.memory_space<vmem>>, vector<1x16xf32>,
      %parallel_loop3A_516 = vector.shape_cast %parallel_loop3A_515 : vector<1x16xf32> to vector<16xf32>
      %parallel_loop3A_517 = vector.shape_cast %parallel_loop3A_512 : vector<16xf32> to vector<1x16xf32>
      tpu.vector_store %arg15[%parallel_loop3A_513, %parallel_loop3A_514], %parallel_loop3A_517 {strides = array<i32>} : memref<80x128xf32, #tpu.memory_space<vmem>>, vector<1x16xf32>,
    } {sc.loop_unroll_factor = 2 : i64, sc.parallel_access}
    %get3A_184 = arith.constant 0 : index
    %get3A_185 = tpu.vector_load %arg13[%get3A_184] {strides = array<i32>} : memref<80xi32, #tpu.memory_space<vmem>>, vector<16xi32>,
    %get3A_186 = vector.shape_cast %get3A_185 : vector<16xi32> to vector<16xi32>
    %swap3A_187 = arith.constant 0 : index
    %swap3A_188 = tpu.vector_load %arg14[%swap3A_187] {strides = array<i32>} : memref<80xi32, #tpu.memory_space<vmem>>, vector<16xi32>,
    %swap3A_189 = vector.shape_cast %swap3A_188 : vector<16xi32> to vector<16xi32>
    %swap3A_190 = vector.shape_cast %get3A_186 : vector<16xi32> to vector<16xi32>
    tpu.vector_store %arg14[%swap3A_187], %swap3A_190 {strides = array<i32>} : memref<80xi32, #tpu.memory_space<vmem>>, vector<16xi32>,
    %get3A_191 = arith.constant 16 : index
    %get3A_192 = tpu.vector_load %arg13[%get3A_191] {strides = array<i32>} : memref<80xi32, #tpu.memory_space<vmem>>, vector<16xi32>,
    %get3A_193 = vector.shape_cast %get3A_192 : vector<16xi32> to vector<16xi32>
    %swap3A_194 = arith.constant 16 : index
    %swap3A_195 = tpu.vector_load %arg14[%swap3A_194] {strides = array<i32>} : memref<80xi32, #tpu.memory_space<vmem>>, vector<16xi32>,
    %swap3A_196 = vector.shape_cast %swap3A_195 : vector<16xi32> to vector<16xi32>
    %swap3A_197 = vector.shape_cast %get3A_193 : vector<16xi32> to vector<16xi32>
    tpu.vector_store %arg14[%swap3A_194], %swap3A_197 {strides = array<i32>} : memref<80xi32, #tpu.memory_space<vmem>>, vector<16xi32>,
    %get3A_198 = arith.constant 32 : index
    %get3A_199 = tpu.vector_load %arg13[%get3A_198] {strides = array<i32>} : memref<80xi32, #tpu.memory_space<vmem>>, vector<16xi32>,
    %get3A_200 = vector.shape_cast %get3A_199 : vector<16xi32> to vector<16xi32>
    %swap3A_201 = arith.constant 32 : index
    %swap3A_202 = tpu.vector_load %arg14[%swap3A_201] {strides = array<i32>} : memref<80xi32, #tpu.memory_space<vmem>>, vector<16xi32>,
    %swap3A_203 = vector.shape_cast %swap3A_202 : vector<16xi32> to vector<16xi32>
    %swap3A_204 = vector.shape_cast %get3A_200 : vector<16xi32> to vector<16xi32>
    tpu.vector_store %arg14[%swap3A_201], %swap3A_204 {strides = array<i32>} : memref<80xi32, #tpu.memory_space<vmem>>, vector<16xi32>,
    %get3A_205 = arith.constant 48 : index
    %get3A_206 = tpu.vector_load %arg13[%get3A_205] {strides = array<i32>} : memref<80xi32, #tpu.memory_space<vmem>>, vector<16xi32>,
    %get3A_207 = vector.shape_cast %get3A_206 : vector<16xi32> to vector<16xi32>
    %swap3A_208 = arith.constant 48 : index
    %swap3A_209 = tpu.vector_load %arg14[%swap3A_208] {strides = array<i32>} : memref<80xi32, #tpu.memory_space<vmem>>, vector<16xi32>,
    %swap3A_210 = vector.shape_cast %swap3A_209 : vector<16xi32> to vector<16xi32>
    %swap3A_211 = vector.shape_cast %get3A_207 : vector<16xi32> to vector<16xi32>
    tpu.vector_store %arg14[%swap3A_208], %swap3A_211 {strides = array<i32>} : memref<80xi32, #tpu.memory_space<vmem>>, vector<16xi32>,
    %get3A_212 = arith.constant 64 : index
    %get3A_213 = tpu.vector_load %arg13[%get3A_212] {strides = array<i32>} : memref<80xi32, #tpu.memory_space<vmem>>, vector<16xi32>,
    %get3A_214 = vector.shape_cast %get3A_213 : vector<16xi32> to vector<16xi32>
    %swap3A_215 = arith.constant 64 : index
    %swap3A_216 = tpu.vector_load %arg14[%swap3A_215] {strides = array<i32>} : memref<80xi32, #tpu.memory_space<vmem>>, vector<16xi32>,
    %swap3A_217 = vector.shape_cast %swap3A_216 : vector<16xi32> to vector<16xi32>
    %swap3A_218 = vector.shape_cast %get3A_214 : vector<16xi32> to vector<16xi32>
    tpu.vector_store %arg14[%swap3A_215], %swap3A_218 {strides = array<i32>} : memref<80xi32, #tpu.memory_space<vmem>>, vector<16xi32>,
    %dma_start3A_219 = arith.constant 0 : i32
    %dma_start3A_220 = arith.constant 0 : i32
    %dma_start3A_221 = tpu.memref_slice %arg17[%dma_start3A_219, %dma_start3A_220] : memref<10112x128xf32, #tpu.memory_space<vmem_shared>> -> memref<10112x128xf32, #tpu.memory_space<vmem_shared>>
    tpu.enqueue_indirect_dma source(%arg15 : memref<80x128xf32, #tpu.memory_space<vmem>>) target(%dma_start3A_221 : memref<10112x128xf32, #tpu.memory_space<vmem_shared>>) offsets(%arg14 : memref<80xi32, #tpu.memory_space<vmem>>) semaphore(%arg23 : memref<!tpu.dma_semaphore, #tpu.memory_space<semaphore_mem>>) {add = true}
    %add3A_222 = arith.constant 3 : i32
    %add3A_223 = arith.addi %mul3A_26, %add3A_222 : i32
    %mul3A_224 = arith.constant 80 : i32
    %mul3A_225 = arith.muli %add3A_223, %mul3A_224 : i32
    %dma_start3A_226 = tpu.memref_slice %arg4[%mul3A_225] : memref<322560xi32, #tpu.memory_space<hbm>> -> memref<80xi32, #tpu.memory_space<hbm>>
    %dma_start3A_227 = tpu.memref_slice %arg4[%mul3A_225] : memref<322560xi32, #tpu.memory_space<hbm>> -> memref<80xi32, #tpu.memory_space<hbm>>
    tpu.enqueue_dma source(%dma_start3A_227 : memref<80xi32, #tpu.memory_space<hbm>>) target(%arg12 : memref<80xi32, #tpu.memory_space<vmem>>) target_semaphore(%arg21 : memref<!tpu.dma_semaphore, #tpu.memory_space<semaphore_mem>>)
    %mul3A_228 = arith.constant 80 : i32
    %mul3A_229 = arith.muli %add3A_223, %mul3A_228 : i32
    %dma_start3A_230 = tpu.memref_slice %arg5[%mul3A_229] : memref<322560xi32, #tpu.memory_space<hbm>> -> memref<80xi32, #tpu.memory_space<hbm>>
    %dma_start3A_231 = tpu.memref_slice %arg5[%mul3A_229] : memref<322560xi32, #tpu.memory_space<hbm>> -> memref<80xi32, #tpu.memory_space<hbm>>
    tpu.enqueue_dma source(%dma_start3A_231 : memref<80xi32, #tpu.memory_space<hbm>>) target(%arg13 : memref<80xi32, #tpu.memory_space<vmem>>) target_semaphore(%arg21 : memref<!tpu.dma_semaphore, #tpu.memory_space<semaphore_mem>>)
    %scan3A_232 = arith.constant 0 : i32
    %scan3A_233 = arith.constant 1 : i32
    %scan3A_234 = arith.constant 61 : i32
    %scan3A_235 = arith.addi %scan3A_233, %scan3A_234 : i32
    %scan3A_236 = arith.constant 1 : i32
    scf.for %scan3A_405 = %scan3A_233 to %scan3A_235 step %scan3A_236  : i32 {
      %mul3A_406 = arith.constant 2 : i32
      %mul3A_407 = arith.muli %mul3A_406, %scan3A_405 : i32
      %dma_wait3A_408 = arith.constant 0 : i32
      %dma_wait3A_409 = tpu.memref_slice %arg4[%dma_wait3A_408] : memref<322560xi32, #tpu.memory_space<hbm>> -> memref<80xi32, #tpu.memory_space<hbm>>
      %dma_wait3A_410 = arith.constant 0 : i32
      %dma_wait3A_411 = tpu.memref_slice %arg4[%dma_wait3A_410] : memref<322560xi32, #tpu.memory_space<hbm>> -> memref<80xi32, #tpu.memory_space<hbm>>
      tpu.wait_dma2 semaphore(%arg21 : memref<!tpu.dma_semaphore, #tpu.memory_space<semaphore_mem>>) src(%dma_wait3A_411 : memref<80xi32, #tpu.memory_space<hbm>>) dst(%arg12 : memref<80xi32, #tpu.memory_space<vmem>>)
      %dma_wait3A_412 = arith.constant 0 : i32
      %dma_wait3A_413 = tpu.memref_slice %arg5[%dma_wait3A_412] : memref<322560xi32, #tpu.memory_space<hbm>> -> memref<80xi32, #tpu.memory_space<hbm>>
      %dma_wait3A_414 = arith.constant 0 : i32
      %dma_wait3A_415 = tpu.memref_slice %arg5[%dma_wait3A_414] : memref<322560xi32, #tpu.memory_space<hbm>> -> memref<80xi32, #tpu.memory_space<hbm>>
      tpu.wait_dma2 semaphore(%arg21 : memref<!tpu.dma_semaphore, #tpu.memory_space<semaphore_mem>>) src(%dma_wait3A_415 : memref<80xi32, #tpu.memory_space<hbm>>) dst(%arg13 : memref<80xi32, #tpu.memory_space<vmem>>)
      %dma_wait3A_416 = arith.constant 0 : i32
      %dma_wait3A_417 = arith.constant 0 : i32
      %dma_wait3A_418 = tpu.memref_slice %arg17[%dma_wait3A_416, %dma_wait3A_417] : memref<10112x128xf32, #tpu.memory_space<vmem_shared>> -> memref<10112x128xf32, #tpu.memory_space<vmem_shared>>
      tpu.wait_indirect_dma semaphore(%arg23 : memref<!tpu.dma_semaphore, #tpu.memory_space<semaphore_mem>>) src(%arg15 : memref<80x128xf32, #tpu.memory_space<vmem>>) dst(%dma_wait3A_418 : memref<10112x128xf32, #tpu.memory_space<vmem_shared>>)
      %add3A_419 = arith.constant 1 : i32
      %add3A_420 = arith.addi %mul3A_407, %add3A_419 : i32
      %dma_start3A_421 = arith.constant 0 : i32
      %dma_start3A_422 = arith.constant 0 : i32
      %dma_start3A_423 = tpu.memref_slice %arg2[%dma_start3A_421, %dma_start3A_422] : memref<10000x128xf32, #tpu.memory_space<hbm>> -> memref<10000x128xf32, #tpu.memory_space<hbm>>
      tpu.enqueue_indirect_dma source(%dma_start3A_423 : memref<10000x128xf32, #tpu.memory_space<hbm>>) target(%arg15 : memref<80x128xf32, #tpu.memory_space<vmem>>) offsets(%arg12 : memref<80xi32, #tpu.memory_space<vmem>>) semaphore(%arg22 : memref<!tpu.dma_semaphore, #tpu.memory_space<semaphore_mem>>)
      %add3A_424 = arith.addi %mul3A_26, %add3A_420 : i32
      %dma_start3A_425 = arith.constant 0 : i32
      %dma_start3A_426 = arith.constant 0 : i32
      %dma_start3A_427 = tpu.memref_slice %arg3[%add3A_424, %dma_start3A_425, %dma_start3A_426] : memref<4032x80x128xf32, #tpu.memory_space<hbm>> -> memref<1x80x128xf32, #tpu.memory_space<hbm>>
      %dma_start3A_428 = tpu.memref_squeeze %dma_start3A_427 : memref<1x80x128xf32, #tpu.memory_space<hbm>> -> memref<80x128xf32, #tpu.memory_space<hbm>>
      %dma_start3A_429 = arith.constant 0 : i32
      %dma_start3A_430 = arith.constant 0 : i32
      %dma_start3A_431 = tpu.memref_slice %arg3[%add3A_424, %dma_start3A_429, %dma_start3A_430] : memref<4032x80x128xf32, #tpu.memory_space<hbm>> -> memref<1x80x128xf32, #tpu.memory_space<hbm>>
      %dma_start3A_432 = tpu.memref_squeeze %dma_start3A_431 : memref<1x80x128xf32, #tpu.memory_space<hbm>> -> memref<80x128xf32, #tpu.memory_space<hbm>>
      tpu.enqueue_dma source(%dma_start3A_432 : memref<80x128xf32, #tpu.memory_space<hbm>>) target(%arg16 : memref<80x128xf32, #tpu.memory_space<vmem>>) target_semaphore(%arg22 : memref<!tpu.dma_semaphore, #tpu.memory_space<semaphore_mem>>)
      %dma_wait3A_433 = arith.constant 0 : i32
      %dma_wait3A_434 = arith.constant 0 : i32
      %dma_wait3A_435 = tpu.memref_slice %arg2[%dma_wait3A_433, %dma_wait3A_434] : memref<10000x128xf32, #tpu.memory_space<hbm>> -> memref<10000x128xf32, #tpu.memory_space<hbm>>
      tpu.wait_indirect_dma semaphore(%arg19 : memref<!tpu.dma_semaphore, #tpu.memory_space<semaphore_mem>>) src(%dma_wait3A_435 : memref<10000x128xf32, #tpu.memory_space<hbm>>) dst(%arg10 : memref<80x128xf32, #tpu.memory_space<vmem>>)
      %dma_wait3A_436 = arith.constant 0 : i32
      %dma_wait3A_437 = arith.constant 0 : i32
      %dma_wait3A_438 = tpu.memref_slice %arg3[%mul3A_26, %dma_wait3A_436, %dma_wait3A_437] : memref<4032x80x128xf32, #tpu.memory_space<hbm>> -> memref<1x80x128xf32, #tpu.memory_space<hbm>>
      %dma_wait3A_439 = tpu.memref_squeeze %dma_wait3A_438 : memref<1x80x128xf32, #tpu.memory_space<hbm>> -> memref<80x128xf32, #tpu.memory_space<hbm>>
      %dma_wait3A_440 = arith.constant 0 : i32
      %dma_wait3A_441 = arith.constant 0 : i32
      %dma_wait3A_442 = tpu.memref_slice %arg3[%mul3A_26, %dma_wait3A_440, %dma_wait3A_441] : memref<4032x80x128xf32, #tpu.memory_space<hbm>> -> memref<1x80x128xf32, #tpu.memory_space<hbm>>
      %dma_wait3A_443 = tpu.memref_squeeze %dma_wait3A_442 : memref<1x80x128xf32, #tpu.memory_space<hbm>> -> memref<80x128xf32, #tpu.memory_space<hbm>>
      tpu.wait_dma2 semaphore(%arg19 : memref<!tpu.dma_semaphore, #tpu.memory_space<semaphore_mem>>) src(%dma_wait3A_443 : memref<80x128xf32, #tpu.memory_space<hbm>>) dst(%arg11 : memref<80x128xf32, #tpu.memory_space<vmem>>)
      %parallel_loop3A_444 = arith.constant 0 : i32
      %parallel_loop3A_445 = arith.constant 80 : i32
      %parallel_loop3A_446 = arith.constant 1 : i32
      scf.for %parallel_loop3A_586 = %parallel_loop3A_444 to %parallel_loop3A_445 step %parallel_loop3A_446  : i32 {
        %parallel_loop3A_587 = arith.index_cast %parallel_loop3A_586 : i32 to index
        %parallel_loop3A_588 = arith.constant 0 : index
        %parallel_loop3A_589 = tpu.vector_load %arg10[%parallel_loop3A_587, %parallel_loop3A_588] {strides = array<i32>} : memref<80x128xf32, #tpu.memory_space<vmem>>, vector<1x16xf32>,
        %parallel_loop3A_590 = vector.shape_cast %parallel_loop3A_589 : vector<1x16xf32> to vector<16xf32>
        %parallel_loop3A_591 = arith.index_cast %parallel_loop3A_586 : i32 to index
        %parallel_loop3A_592 = arith.constant 0 : index
        %parallel_loop3A_593 = tpu.vector_load %arg11[%parallel_loop3A_591, %parallel_loop3A_592] {strides = array<i32>} : memref<80x128xf32, #tpu.memory_space<vmem>>, vector<1x16xf32>,
        %parallel_loop3A_594 = vector.shape_cast %parallel_loop3A_593 : vector<1x16xf32> to vector<16xf32>
        %parallel_loop3A_595 = arith.mulf %parallel_loop3A_590, %parallel_loop3A_594 : vector<16xf32>
        %parallel_loop3A_596 = arith.index_cast %parallel_loop3A_586 : i32 to index
        %parallel_loop3A_597 = arith.constant 0 : index
        %parallel_loop3A_598 = tpu.vector_load %arg10[%parallel_loop3A_596, %parallel_loop3A_597] {strides = array<i32>} : memref<80x128xf32, #tpu.memory_space<vmem>>, vector<1x16xf32>,
        %parallel_loop3A_599 = vector.shape_cast %parallel_loop3A_598 : vector<1x16xf32> to vector<16xf32>
        %parallel_loop3A_600 = vector.shape_cast %parallel_loop3A_595 : vector<16xf32> to vector<1x16xf32>
        tpu.vector_store %arg10[%parallel_loop3A_596, %parallel_loop3A_597], %parallel_loop3A_600 {strides = array<i32>} : memref<80x128xf32, #tpu.memory_space<vmem>>, vector<1x16xf32>,
        %parallel_loop3A_601 = arith.index_cast %parallel_loop3A_586 : i32 to index
        %parallel_loop3A_602 = arith.constant 16 : index
        %parallel_loop3A_603 = tpu.vector_load %arg10[%parallel_loop3A_601, %parallel_loop3A_602] {strides = array<i32>} : memref<80x128xf32, #tpu.memory_space<vmem>>, vector<1x16xf32>,
        %parallel_loop3A_604 = vector.shape_cast %parallel_loop3A_603 : vector<1x16xf32> to vector<16xf32>
        %parallel_loop3A_605 = arith.index_cast %parallel_loop3A_586 : i32 to index
        %parallel_loop3A_606 = arith.constant 16 : index
        %parallel_loop3A_607 = tpu.vector_load %arg11[%parallel_loop3A_605, %parallel_loop3A_606] {strides = array<i32>} : memref<80x128xf32, #tpu.memory_space<vmem>>, vector<1x16xf32>,
        %parallel_loop3A_608 = vector.shape_cast %parallel_loop3A_607 : vector<1x16xf32> to vector<16xf32>
        %parallel_loop3A_609 = arith.mulf %parallel_loop3A_604, %parallel_loop3A_608 : vector<16xf32>
        %parallel_loop3A_610 = arith.index_cast %parallel_loop3A_586 : i32 to index
        %parallel_loop3A_611 = arith.constant 16 : index
        %parallel_loop3A_612 = tpu.vector_load %arg10[%parallel_loop3A_610, %parallel_loop3A_611] {strides = array<i32>} : memref<80x128xf32, #tpu.memory_space<vmem>>, vector<1x16xf32>,
        %parallel_loop3A_613 = vector.shape_cast %parallel_loop3A_612 : vector<1x16xf32> to vector<16xf32>
        %parallel_loop3A_614 = vector.shape_cast %parallel_loop3A_609 : vector<16xf32> to vector<1x16xf32>
        tpu.vector_store %arg10[%parallel_loop3A_610, %parallel_loop3A_611], %parallel_loop3A_614 {strides = array<i32>} : memref<80x128xf32, #tpu.memory_space<vmem>>, vector<1x16xf32>,
        %parallel_loop3A_615 = arith.index_cast %parallel_loop3A_586 : i32 to index
        %parallel_loop3A_616 = arith.constant 32 : index
        %parallel_loop3A_617 = tpu.vector_load %arg10[%parallel_loop3A_615, %parallel_loop3A_616] {strides = array<i32>} : memref<80x128xf32, #tpu.memory_space<vmem>>, vector<1x16xf32>,
        %parallel_loop3A_618 = vector.shape_cast %parallel_loop3A_617 : vector<1x16xf32> to vector<16xf32>
        %parallel_loop3A_619 = arith.index_cast %parallel_loop3A_586 : i32 to index
        %parallel_loop3A_620 = arith.constant 32 : index
        %parallel_loop3A_621 = tpu.vector_load %arg11[%parallel_loop3A_619, %parallel_loop3A_620] {strides = array<i32>} : memref<80x128xf32, #tpu.memory_space<vmem>>, vector<1x16xf32>,
        %parallel_loop3A_622 = vector.shape_cast %parallel_loop3A_621 : vector<1x16xf32> to vector<16xf32>
        %parallel_loop3A_623 = arith.mulf %parallel_loop3A_618, %parallel_loop3A_622 : vector<16xf32>
        %parallel_loop3A_624 = arith.index_cast %parallel_loop3A_586 : i32 to index
        %parallel_loop3A_625 = arith.constant 32 : index
        %parallel_loop3A_626 = tpu.vector_load %arg10[%parallel_loop3A_624, %parallel_loop3A_625] {strides = array<i32>} : memref<80x128xf32, #tpu.memory_space<vmem>>, vector<1x16xf32>,
        %parallel_loop3A_627 = vector.shape_cast %parallel_loop3A_626 : vector<1x16xf32> to vector<16xf32>
        %parallel_loop3A_628 = vector.shape_cast %parallel_loop3A_623 : vector<16xf32> to vector<1x16xf32>
        tpu.vector_store %arg10[%parallel_loop3A_624, %parallel_loop3A_625], %parallel_loop3A_628 {strides = array<i32>} : memref<80x128xf32, #tpu.memory_space<vmem>>, vector<1x16xf32>,
        %parallel_loop3A_629 = arith.index_cast %parallel_loop3A_586 : i32 to index
        %parallel_loop3A_630 = arith.constant 48 : index
        %parallel_loop3A_631 = tpu.vector_load %arg10[%parallel_loop3A_629, %parallel_loop3A_630] {strides = array<i32>} : memref<80x128xf32, #tpu.memory_space<vmem>>, vector<1x16xf32>,
        %parallel_loop3A_632 = vector.shape_cast %parallel_loop3A_631 : vector<1x16xf32> to vector<16xf32>
        %parallel_loop3A_633 = arith.index_cast %parallel_loop3A_586 : i32 to index
        %parallel_loop3A_634 = arith.constant 48 : index
        %parallel_loop3A_635 = tpu.vector_load %arg11[%parallel_loop3A_633, %parallel_loop3A_634] {strides = array<i32>} : memref<80x128xf32, #tpu.memory_space<vmem>>, vector<1x16xf32>,
        %parallel_loop3A_636 = vector.shape_cast %parallel_loop3A_635 : vector<1x16xf32> to vector<16xf32>
        %parallel_loop3A_637 = arith.mulf %parallel_loop3A_632, %parallel_loop3A_636 : vector<16xf32>
        %parallel_loop3A_638 = arith.index_cast %parallel_loop3A_586 : i32 to index
        %parallel_loop3A_639 = arith.constant 48 : index
        %parallel_loop3A_640 = tpu.vector_load %arg10[%parallel_loop3A_638, %parallel_loop3A_639] {strides = array<i32>} : memref<80x128xf32, #tpu.memory_space<vmem>>, vector<1x16xf32>,
        %parallel_loop3A_641 = vector.shape_cast %parallel_loop3A_640 : vector<1x16xf32> to vector<16xf32>
        %parallel_loop3A_642 = vector.shape_cast %parallel_loop3A_637 : vector<16xf32> to vector<1x16xf32>
        tpu.vector_store %arg10[%parallel_loop3A_638, %parallel_loop3A_639], %parallel_loop3A_642 {strides = array<i32>} : memref<80x128xf32, #tpu.memory_space<vmem>>, vector<1x16xf32>,
        %parallel_loop3A_643 = arith.index_cast %parallel_loop3A_586 : i32 to index
        %parallel_loop3A_644 = arith.constant 64 : index
        %parallel_loop3A_645 = tpu.vector_load %arg10[%parallel_loop3A_643, %parallel_loop3A_644] {strides = array<i32>} : memref<80x128xf32, #tpu.memory_space<vmem>>, vector<1x16xf32>,
        %parallel_loop3A_646 = vector.shape_cast %parallel_loop3A_645 : vector<1x16xf32> to vector<16xf32>
        %parallel_loop3A_647 = arith.index_cast %parallel_loop3A_586 : i32 to index
        %parallel_loop3A_648 = arith.constant 64 : index
        %parallel_loop3A_649 = tpu.vector_load %arg11[%parallel_loop3A_647, %parallel_loop3A_648] {strides = array<i32>} : memref<80x128xf32, #tpu.memory_space<vmem>>, vector<1x16xf32>,
        %parallel_loop3A_650 = vector.shape_cast %parallel_loop3A_649 : vector<1x16xf32> to vector<16xf32>
        %parallel_loop3A_651 = arith.mulf %parallel_loop3A_646, %parallel_loop3A_650 : vector<16xf32>
        %parallel_loop3A_652 = arith.index_cast %parallel_loop3A_586 : i32 to index
        %parallel_loop3A_653 = arith.constant 64 : index
        %parallel_loop3A_654 = tpu.vector_load %arg10[%parallel_loop3A_652, %parallel_loop3A_653] {strides = array<i32>} : memref<80x128xf32, #tpu.memory_space<vmem>>, vector<1x16xf32>,
        %parallel_loop3A_655 = vector.shape_cast %parallel_loop3A_654 : vector<1x16xf32> to vector<16xf32>
        %parallel_loop3A_656 = vector.shape_cast %parallel_loop3A_651 : vector<16xf32> to vector<1x16xf32>
        tpu.vector_store %arg10[%parallel_loop3A_652, %parallel_loop3A_653], %parallel_loop3A_656 {strides = array<i32>} : memref<80x128xf32, #tpu.memory_space<vmem>>, vector<1x16xf32>,
        %parallel_loop3A_657 = arith.index_cast %parallel_loop3A_586 : i32 to index
        %parallel_loop3A_658 = arith.constant 80 : index
        %parallel_loop3A_659 = tpu.vector_load %arg10[%parallel_loop3A_657, %parallel_loop3A_658] {strides = array<i32>} : memref<80x128xf32, #tpu.memory_space<vmem>>, vector<1x16xf32>,
        %parallel_loop3A_660 = vector.shape_cast %parallel_loop3A_659 : vector<1x16xf32> to vector<16xf32>
        %parallel_loop3A_661 = arith.index_cast %parallel_loop3A_586 : i32 to index
        %parallel_loop3A_662 = arith.constant 80 : index
        %parallel_loop3A_663 = tpu.vector_load %arg11[%parallel_loop3A_661, %parallel_loop3A_662] {strides = array<i32>} : memref<80x128xf32, #tpu.memory_space<vmem>>, vector<1x16xf32>,
        %parallel_loop3A_664 = vector.shape_cast %parallel_loop3A_663 : vector<1x16xf32> to vector<16xf32>
        %parallel_loop3A_665 = arith.mulf %parallel_loop3A_660, %parallel_loop3A_664 : vector<16xf32>
        %parallel_loop3A_666 = arith.index_cast %parallel_loop3A_586 : i32 to index
        %parallel_loop3A_667 = arith.constant 80 : index
        %parallel_loop3A_668 = tpu.vector_load %arg10[%parallel_loop3A_666, %parallel_loop3A_667] {strides = array<i32>} : memref<80x128xf32, #tpu.memory_space<vmem>>, vector<1x16xf32>,
        %parallel_loop3A_669 = vector.shape_cast %parallel_loop3A_668 : vector<1x16xf32> to vector<16xf32>
        %parallel_loop3A_670 = vector.shape_cast %parallel_loop3A_665 : vector<16xf32> to vector<1x16xf32>
        tpu.vector_store %arg10[%parallel_loop3A_666, %parallel_loop3A_667], %parallel_loop3A_670 {strides = array<i32>} : memref<80x128xf32, #tpu.memory_space<vmem>>, vector<1x16xf32>,
        %parallel_loop3A_671 = arith.index_cast %parallel_loop3A_586 : i32 to index
        %parallel_loop3A_672 = arith.constant 96 : index
        %parallel_loop3A_673 = tpu.vector_load %arg10[%parallel_loop3A_671, %parallel_loop3A_672] {strides = array<i32>} : memref<80x128xf32, #tpu.memory_space<vmem>>, vector<1x16xf32>,
        %parallel_loop3A_674 = vector.shape_cast %parallel_loop3A_673 : vector<1x16xf32> to vector<16xf32>
        %parallel_loop3A_675 = arith.index_cast %parallel_loop3A_586 : i32 to index
        %parallel_loop3A_676 = arith.constant 96 : index
        %parallel_loop3A_677 = tpu.vector_load %arg11[%parallel_loop3A_675, %parallel_loop3A_676] {strides = array<i32>} : memref<80x128xf32, #tpu.memory_space<vmem>>, vector<1x16xf32>,
        %parallel_loop3A_678 = vector.shape_cast %parallel_loop3A_677 : vector<1x16xf32> to vector<16xf32>
        %parallel_loop3A_679 = arith.mulf %parallel_loop3A_674, %parallel_loop3A_678 : vector<16xf32>
        %parallel_loop3A_680 = arith.index_cast %parallel_loop3A_586 : i32 to index
        %parallel_loop3A_681 = arith.constant 96 : index
        %parallel_loop3A_682 = tpu.vector_load %arg10[%parallel_loop3A_680, %parallel_loop3A_681] {strides = array<i32>} : memref<80x128xf32, #tpu.memory_space<vmem>>, vector<1x16xf32>,
        %parallel_loop3A_683 = vector.shape_cast %parallel_loop3A_682 : vector<1x16xf32> to vector<16xf32>
        %parallel_loop3A_684 = vector.shape_cast %parallel_loop3A_679 : vector<16xf32> to vector<1x16xf32>
        tpu.vector_store %arg10[%parallel_loop3A_680, %parallel_loop3A_681], %parallel_loop3A_684 {strides = array<i32>} : memref<80x128xf32, #tpu.memory_space<vmem>>, vector<1x16xf32>,
        %parallel_loop3A_685 = arith.index_cast %parallel_loop3A_586 : i32 to index
        %parallel_loop3A_686 = arith.constant 112 : index
        %parallel_loop3A_687 = tpu.vector_load %arg10[%parallel_loop3A_685, %parallel_loop3A_686] {strides = array<i32>} : memref<80x128xf32, #tpu.memory_space<vmem>>, vector<1x16xf32>,
        %parallel_loop3A_688 = vector.shape_cast %parallel_loop3A_687 : vector<1x16xf32> to vector<16xf32>
        %parallel_loop3A_689 = arith.index_cast %parallel_loop3A_586 : i32 to index
        %parallel_loop3A_690 = arith.constant 112 : index
        %parallel_loop3A_691 = tpu.vector_load %arg11[%parallel_loop3A_689, %parallel_loop3A_690] {strides = array<i32>} : memref<80x128xf32, #tpu.memory_space<vmem>>, vector<1x16xf32>,
        %parallel_loop3A_692 = vector.shape_cast %parallel_loop3A_691 : vector<1x16xf32> to vector<16xf32>
        %parallel_loop3A_693 = arith.mulf %parallel_loop3A_688, %parallel_loop3A_692 : vector<16xf32>
        %parallel_loop3A_694 = arith.index_cast %parallel_loop3A_586 : i32 to index
        %parallel_loop3A_695 = arith.constant 112 : index
        %parallel_loop3A_696 = tpu.vector_load %arg10[%parallel_loop3A_694, %parallel_loop3A_695] {strides = array<i32>} : memref<80x128xf32, #tpu.memory_space<vmem>>, vector<1x16xf32>,
        %parallel_loop3A_697 = vector.shape_cast %parallel_loop3A_696 : vector<1x16xf32> to vector<16xf32>
        %parallel_loop3A_698 = vector.shape_cast %parallel_loop3A_693 : vector<16xf32> to vector<1x16xf32>
        tpu.vector_store %arg10[%parallel_loop3A_694, %parallel_loop3A_695], %parallel_loop3A_698 {strides = array<i32>} : memref<80x128xf32, #tpu.memory_space<vmem>>, vector<1x16xf32>,
      } {sc.loop_unroll_factor = 2 : i64, sc.parallel_access}
      %get3A_447 = arith.constant 0 : index
      %get3A_448 = tpu.vector_load %arg8[%get3A_447] {strides = array<i32>} : memref<80xi32, #tpu.memory_space<vmem>>, vector<16xi32>,
      %get3A_449 = vector.shape_cast %get3A_448 : vector<16xi32> to vector<16xi32>
      %swap3A_450 = arith.constant 0 : index
      %swap3A_451 = tpu.vector_load %arg9[%swap3A_450] {strides = array<i32>} : memref<80xi32, #tpu.memory_space<vmem>>, vector<16xi32>,
      %swap3A_452 = vector.shape_cast %swap3A_451 : vector<16xi32> to vector<16xi32>
      %swap3A_453 = vector.shape_cast %get3A_449 : vector<16xi32> to vector<16xi32>
      tpu.vector_store %arg9[%swap3A_450], %swap3A_453 {strides = array<i32>} : memref<80xi32, #tpu.memory_space<vmem>>, vector<16xi32>,
      %get3A_454 = arith.constant 16 : index
      %get3A_455 = tpu.vector_load %arg8[%get3A_454] {strides = array<i32>} : memref<80xi32, #tpu.memory_space<vmem>>, vector<16xi32>,
      %get3A_456 = vector.shape_cast %get3A_455 : vector<16xi32> to vector<16xi32>
      %swap3A_457 = arith.constant 16 : index
      %swap3A_458 = tpu.vector_load %arg9[%swap3A_457] {strides = array<i32>} : memref<80xi32, #tpu.memory_space<vmem>>, vector<16xi32>,
      %swap3A_459 = vector.shape_cast %swap3A_458 : vector<16xi32> to vector<16xi32>
      %swap3A_460 = vector.shape_cast %get3A_456 : vector<16xi32> to vector<16xi32>
      tpu.vector_store %arg9[%swap3A_457], %swap3A_460 {strides = array<i32>} : memref<80xi32, #tpu.memory_space<vmem>>, vector<16xi32>,
      %get3A_461 = arith.constant 32 : index
      %get3A_462 = tpu.vector_load %arg8[%get3A_461] {strides = array<i32>} : memref<80xi32, #tpu.memory_space<vmem>>, vector<16xi32>,
      %get3A_463 = vector.shape_cast %get3A_462 : vector<16xi32> to vector<16xi32>
      %swap3A_464 = arith.constant 32 : index
      %swap3A_465 = tpu.vector_load %arg9[%swap3A_464] {strides = array<i32>} : memref<80xi32, #tpu.memory_space<vmem>>, vector<16xi32>,
      %swap3A_466 = vector.shape_cast %swap3A_465 : vector<16xi32> to vector<16xi32>
      %swap3A_467 = vector.shape_cast %get3A_463 : vector<16xi32> to vector<16xi32>
      tpu.vector_store %arg9[%swap3A_464], %swap3A_467 {strides = array<i32>} : memref<80xi32, #tpu.memory_space<vmem>>, vector<16xi32>,
      %get3A_468 = arith.constant 48 : index
      %get3A_469 = tpu.vector_load %arg8[%get3A_468] {strides = array<i32>} : memref<80xi32, #tpu.memory_space<vmem>>, vector<16xi32>,
      %get3A_470 = vector.shape_cast %get3A_469 : vector<16xi32> to vector<16xi32>
      %swap3A_471 = arith.constant 48 : index
      %swap3A_472 = tpu.vector_load %arg9[%swap3A_471] {strides = array<i32>} : memref<80xi32, #tpu.memory_space<vmem>>, vector<16xi32>,
      %swap3A_473 = vector.shape_cast %swap3A_472 : vector<16xi32> to vector<16xi32>
      %swap3A_474 = vector.shape_cast %get3A_470 : vector<16xi32> to vector<16xi32>
      tpu.vector_store %arg9[%swap3A_471], %swap3A_474 {strides = array<i32>} : memref<80xi32, #tpu.memory_space<vmem>>, vector<16xi32>,
      %get3A_475 = arith.constant 64 : index
      %get3A_476 = tpu.vector_load %arg8[%get3A_475] {strides = array<i32>} : memref<80xi32, #tpu.memory_space<vmem>>, vector<16xi32>,
      %get3A_477 = vector.shape_cast %get3A_476 : vector<16xi32> to vector<16xi32>
      %swap3A_478 = arith.constant 64 : index
      %swap3A_479 = tpu.vector_load %arg9[%swap3A_478] {strides = array<i32>} : memref<80xi32, #tpu.memory_space<vmem>>, vector<16xi32>,
      %swap3A_480 = vector.shape_cast %swap3A_479 : vector<16xi32> to vector<16xi32>
      %swap3A_481 = vector.shape_cast %get3A_477 : vector<16xi32> to vector<16xi32>
      tpu.vector_store %arg9[%swap3A_478], %swap3A_481 {strides = array<i32>} : memref<80xi32, #tpu.memory_space<vmem>>, vector<16xi32>,
      %dma_start3A_482 = arith.constant 0 : i32
      %dma_start3A_483 = arith.constant 0 : i32
      %dma_start3A_484 = tpu.memref_slice %arg17[%dma_start3A_482, %dma_start3A_483] : memref<10112x128xf32, #tpu.memory_space<vmem_shared>> -> memref<10112x128xf32, #tpu.memory_space<vmem_shared>>
      tpu.enqueue_indirect_dma source(%arg10 : memref<80x128xf32, #tpu.memory_space<vmem>>) target(%dma_start3A_484 : memref<10112x128xf32, #tpu.memory_space<vmem_shared>>) offsets(%arg9 : memref<80xi32, #tpu.memory_space<vmem>>) semaphore(%arg20 : memref<!tpu.dma_semaphore, #tpu.memory_space<semaphore_mem>>) {add = true}
      %add3A_485 = arith.constant 2 : i32
      %add3A_486 = arith.addi %mul3A_407, %add3A_485 : i32
      %add3A_487 = arith.addi %mul3A_26, %add3A_486 : i32
      %mul3A_488 = arith.constant 80 : i32
      %mul3A_489 = arith.muli %add3A_487, %mul3A_488 : i32
      %dma_start3A_490 = tpu.memref_slice %arg4[%mul3A_489] : memref<322560xi32, #tpu.memory_space<hbm>> -> memref<80xi32, #tpu.memory_space<hbm>>
      %dma_start3A_491 = tpu.memref_slice %arg4[%mul3A_489] : memref<322560xi32, #tpu.memory_space<hbm>> -> memref<80xi32, #tpu.memory_space<hbm>>
      tpu.enqueue_dma source(%dma_start3A_491 : memref<80xi32, #tpu.memory_space<hbm>>) target(%arg7 : memref<80xi32, #tpu.memory_space<vmem>>) target_semaphore(%arg18 : memref<!tpu.dma_semaphore, #tpu.memory_space<semaphore_mem>>)
      %mul3A_492 = arith.constant 80 : i32
      %mul3A_493 = arith.muli %add3A_487, %mul3A_492 : i32
      %dma_start3A_494 = tpu.memref_slice %arg5[%mul3A_493] : memref<322560xi32, #tpu.memory_space<hbm>> -> memref<80xi32, #tpu.memory_space<hbm>>
      %dma_start3A_495 = tpu.memref_slice %arg5[%mul3A_493] : memref<322560xi32, #tpu.memory_space<hbm>> -> memref<80xi32, #tpu.memory_space<hbm>>
      tpu.enqueue_dma source(%dma_start3A_495 : memref<80xi32, #tpu.memory_space<hbm>>) target(%arg8 : memref<80xi32, #tpu.memory_space<vmem>>) target_semaphore(%arg18 : memref<!tpu.dma_semaphore, #tpu.memory_space<semaphore_mem>>)
      %add3A_496 = arith.constant 1 : i32
      %add3A_497 = arith.addi %mul3A_407, %add3A_496 : i32
      %dma_wait3A_498 = arith.constant 0 : i32
      %dma_wait3A_499 = tpu.memref_slice %arg4[%dma_wait3A_498] : memref<322560xi32, #tpu.memory_space<hbm>> -> memref<80xi32, #tpu.memory_space<hbm>>
      %dma_wait3A_500 = arith.constant 0 : i32
      %dma_wait3A_501 = tpu.memref_slice %arg4[%dma_wait3A_500] : memref<322560xi32, #tpu.memory_space<hbm>> -> memref<80xi32, #tpu.memory_space<hbm>>
      tpu.wait_dma2 semaphore(%arg18 : memref<!tpu.dma_semaphore, #tpu.memory_space<semaphore_mem>>) src(%dma_wait3A_501 : memref<80xi32, #tpu.memory_space<hbm>>) dst(%arg7 : memref<80xi32, #tpu.memory_space<vmem>>)
      %dma_wait3A_502 = arith.constant 0 : i32
      %dma_wait3A_503 = tpu.memref_slice %arg5[%dma_wait3A_502] : memref<322560xi32, #tpu.memory_space<hbm>> -> memref<80xi32, #tpu.memory_space<hbm>>
      %dma_wait3A_504 = arith.constant 0 : i32
      %dma_wait3A_505 = tpu.memref_slice %arg5[%dma_wait3A_504] : memref<322560xi32, #tpu.memory_space<hbm>> -> memref<80xi32, #tpu.memory_space<hbm>>
      tpu.wait_dma2 semaphore(%arg18 : memref<!tpu.dma_semaphore, #tpu.memory_space<semaphore_mem>>) src(%dma_wait3A_505 : memref<80xi32, #tpu.memory_space<hbm>>) dst(%arg8 : memref<80xi32, #tpu.memory_space<vmem>>)
      %dma_wait3A_506 = arith.constant 0 : i32
      %dma_wait3A_507 = arith.constant 0 : i32
      %dma_wait3A_508 = tpu.memref_slice %arg17[%dma_wait3A_506, %dma_wait3A_507] : memref<10112x128xf32, #tpu.memory_space<vmem_shared>> -> memref<10112x128xf32, #tpu.memory_space<vmem_shared>>
      tpu.wait_indirect_dma semaphore(%arg20 : memref<!tpu.dma_semaphore, #tpu.memory_space<semaphore_mem>>) src(%arg10 : memref<80x128xf32, #tpu.memory_space<vmem>>) dst(%dma_wait3A_508 : memref<10112x128xf32, #tpu.memory_space<vmem_shared>>)
      %add3A_509 = arith.constant 1 : i32
      %add3A_510 = arith.addi %add3A_497, %add3A_509 : i32
      %dma_start3A_511 = arith.constant 0 : i32
      %dma_start3A_512 = arith.constant 0 : i32
      %dma_start3A_513 = tpu.memref_slice %arg2[%dma_start3A_511, %dma_start3A_512] : memref<10000x128xf32, #tpu.memory_space<hbm>> -> memref<10000x128xf32, #tpu.memory_space<hbm>>
      tpu.enqueue_indirect_dma source(%dma_start3A_513 : memref<10000x128xf32, #tpu.memory_space<hbm>>) target(%arg10 : memref<80x128xf32, #tpu.memory_space<vmem>>) offsets(%arg7 : memref<80xi32, #tpu.memory_space<vmem>>) semaphore(%arg19 : memref<!tpu.dma_semaphore, #tpu.memory_space<semaphore_mem>>)
      %add3A_514 = arith.addi %mul3A_26, %add3A_510 : i32
      %dma_start3A_515 = arith.constant 0 : i32
      %dma_start3A_516 = arith.constant 0 : i32
      %dma_start3A_517 = tpu.memref_slice %arg3[%add3A_514, %dma_start3A_515, %dma_start3A_516] : memref<4032x80x128xf32, #tpu.memory_space<hbm>> -> memref<1x80x128xf32, #tpu.memory_space<hbm>>
      %dma_start3A_518 = tpu.memref_squeeze %dma_start3A_517 : memref<1x80x128xf32, #tpu.memory_space<hbm>> -> memref<80x128xf32, #tpu.memory_space<hbm>>
      %dma_start3A_519 = arith.constant 0 : i32
      %dma_start3A_520 = arith.constant 0 : i32
      %dma_start3A_521 = tpu.memref_slice %arg3[%add3A_514, %dma_start3A_519, %dma_start3A_520] : memref<4032x80x128xf32, #tpu.memory_space<hbm>> -> memref<1x80x128xf32, #tpu.memory_space<hbm>>
      %dma_start3A_522 = tpu.memref_squeeze %dma_start3A_521 : memref<1x80x128xf32, #tpu.memory_space<hbm>> -> memref<80x128xf32, #tpu.memory_space<hbm>>
      tpu.enqueue_dma source(%dma_start3A_522 : memref<80x128xf32, #tpu.memory_space<hbm>>) target(%arg11 : memref<80x128xf32, #tpu.memory_space<vmem>>) target_semaphore(%arg19 : memref<!tpu.dma_semaphore, #tpu.memory_space<semaphore_mem>>)
      %dma_wait3A_523 = arith.constant 0 : i32
      %dma_wait3A_524 = arith.constant 0 : i32
      %dma_wait3A_525 = tpu.memref_slice %arg2[%dma_wait3A_523, %dma_wait3A_524] : memref<10000x128xf32, #tpu.memory_space<hbm>> -> memref<10000x128xf32, #tpu.memory_space<hbm>>
      tpu.wait_indirect_dma semaphore(%arg22 : memref<!tpu.dma_semaphore, #tpu.memory_space<semaphore_mem>>) src(%dma_wait3A_525 : memref<10000x128xf32, #tpu.memory_space<hbm>>) dst(%arg15 : memref<80x128xf32, #tpu.memory_space<vmem>>)
      %dma_wait3A_526 = arith.constant 0 : i32
      %dma_wait3A_527 = arith.constant 0 : i32
      %dma_wait3A_528 = tpu.memref_slice %arg3[%mul3A_26, %dma_wait3A_526, %dma_wait3A_527] : memref<4032x80x128xf32, #tpu.memory_space<hbm>> -> memref<1x80x128xf32, #tpu.memory_space<hbm>>
      %dma_wait3A_529 = tpu.memref_squeeze %dma_wait3A_528 : memref<1x80x128xf32, #tpu.memory_space<hbm>> -> memref<80x128xf32, #tpu.memory_space<hbm>>
      %dma_wait3A_530 = arith.constant 0 : i32
      %dma_wait3A_531 = arith.constant 0 : i32
      %dma_wait3A_532 = tpu.memref_slice %arg3[%mul3A_26, %dma_wait3A_530, %dma_wait3A_531] : memref<4032x80x128xf32, #tpu.memory_space<hbm>> -> memref<1x80x128xf32, #tpu.memory_space<hbm>>
      %dma_wait3A_533 = tpu.memref_squeeze %dma_wait3A_532 : memref<1x80x128xf32, #tpu.memory_space<hbm>> -> memref<80x128xf32, #tpu.memory_space<hbm>>
      tpu.wait_dma2 semaphore(%arg22 : memref<!tpu.dma_semaphore, #tpu.memory_space<semaphore_mem>>) src(%dma_wait3A_533 : memref<80x128xf32, #tpu.memory_space<hbm>>) dst(%arg16 : memref<80x128xf32, #tpu.memory_space<vmem>>)
      %parallel_loop3A_534 = arith.constant 0 : i32
      %parallel_loop3A_535 = arith.constant 80 : i32
      %parallel_loop3A_536 = arith.constant 1 : i32
      scf.for %parallel_loop3A_586 = %parallel_loop3A_534 to %parallel_loop3A_535 step %parallel_loop3A_536  : i32 {
        %parallel_loop3A_587 = arith.index_cast %parallel_loop3A_586 : i32 to index
        %parallel_loop3A_588 = arith.constant 0 : index
        %parallel_loop3A_589 = tpu.vector_load %arg15[%parallel_loop3A_587, %parallel_loop3A_588] {strides = array<i32>} : memref<80x128xf32, #tpu.memory_space<vmem>>, vector<1x16xf32>,
        %parallel_loop3A_590 = vector.shape_cast %parallel_loop3A_589 : vector<1x16xf32> to vector<16xf32>
        %parallel_loop3A_591 = arith.index_cast %parallel_loop3A_586 : i32 to index
        %parallel_loop3A_592 = arith.constant 0 : index
        %parallel_loop3A_593 = tpu.vector_load %arg16[%parallel_loop3A_591, %parallel_loop3A_592] {strides = array<i32>} : memref<80x128xf32, #tpu.memory_space<vmem>>, vector<1x16xf32>,
        %parallel_loop3A_594 = vector.shape_cast %parallel_loop3A_593 : vector<1x16xf32> to vector<16xf32>
        %parallel_loop3A_595 = arith.mulf %parallel_loop3A_590, %parallel_loop3A_594 : vector<16xf32>
        %parallel_loop3A_596 = arith.index_cast %parallel_loop3A_586 : i32 to index
        %parallel_loop3A_597 = arith.constant 0 : index
        %parallel_loop3A_598 = tpu.vector_load %arg15[%parallel_loop3A_596, %parallel_loop3A_597] {strides = array<i32>} : memref<80x128xf32, #tpu.memory_space<vmem>>, vector<1x16xf32>,
        %parallel_loop3A_599 = vector.shape_cast %parallel_loop3A_598 : vector<1x16xf32> to vector<16xf32>
        %parallel_loop3A_600 = vector.shape_cast %parallel_loop3A_595 : vector<16xf32> to vector<1x16xf32>
        tpu.vector_store %arg15[%parallel_loop3A_596, %parallel_loop3A_597], %parallel_loop3A_600 {strides = array<i32>} : memref<80x128xf32, #tpu.memory_space<vmem>>, vector<1x16xf32>,
        %parallel_loop3A_601 = arith.index_cast %parallel_loop3A_586 : i32 to index
        %parallel_loop3A_602 = arith.constant 16 : index
        %parallel_loop3A_603 = tpu.vector_load %arg15[%parallel_loop3A_601, %parallel_loop3A_602] {strides = array<i32>} : memref<80x128xf32, #tpu.memory_space<vmem>>, vector<1x16xf32>,
        %parallel_loop3A_604 = vector.shape_cast %parallel_loop3A_603 : vector<1x16xf32> to vector<16xf32>
        %parallel_loop3A_605 = arith.index_cast %parallel_loop3A_586 : i32 to index
        %parallel_loop3A_606 = arith.constant 16 : index
        %parallel_loop3A_607 = tpu.vector_load %arg16[%parallel_loop3A_605, %parallel_loop3A_606] {strides = array<i32>} : memref<80x128xf32, #tpu.memory_space<vmem>>, vector<1x16xf32>,
        %parallel_loop3A_608 = vector.shape_cast %parallel_loop3A_607 : vector<1x16xf32> to vector<16xf32>
        %parallel_loop3A_609 = arith.mulf %parallel_loop3A_604, %parallel_loop3A_608 : vector<16xf32>
        %parallel_loop3A_610 = arith.index_cast %parallel_loop3A_586 : i32 to index
        %parallel_loop3A_611 = arith.constant 16 : index
        %parallel_loop3A_612 = tpu.vector_load %arg15[%parallel_loop3A_610, %parallel_loop3A_611] {strides = array<i32>} : memref<80x128xf32, #tpu.memory_space<vmem>>, vector<1x16xf32>,
        %parallel_loop3A_613 = vector.shape_cast %parallel_loop3A_612 : vector<1x16xf32> to vector<16xf32>
        %parallel_loop3A_614 = vector.shape_cast %parallel_loop3A_609 : vector<16xf32> to vector<1x16xf32>
        tpu.vector_store %arg15[%parallel_loop3A_610, %parallel_loop3A_611], %parallel_loop3A_614 {strides = array<i32>} : memref<80x128xf32, #tpu.memory_space<vmem>>, vector<1x16xf32>,
        %parallel_loop3A_615 = arith.index_cast %parallel_loop3A_586 : i32 to index
        %parallel_loop3A_616 = arith.constant 32 : index
        %parallel_loop3A_617 = tpu.vector_load %arg15[%parallel_loop3A_615, %parallel_loop3A_616] {strides = array<i32>} : memref<80x128xf32, #tpu.memory_space<vmem>>, vector<1x16xf32>,
        %parallel_loop3A_618 = vector.shape_cast %parallel_loop3A_617 : vector<1x16xf32> to vector<16xf32>
        %parallel_loop3A_619 = arith.index_cast %parallel_loop3A_586 : i32 to index
        %parallel_loop3A_620 = arith.constant 32 : index
        %parallel_loop3A_621 = tpu.vector_load %arg16[%parallel_loop3A_619, %parallel_loop3A_620] {strides = array<i32>} : memref<80x128xf32, #tpu.memory_space<vmem>>, vector<1x16xf32>,
        %parallel_loop3A_622 = vector.shape_cast %parallel_loop3A_621 : vector<1x16xf32> to vector<16xf32>
        %parallel_loop3A_623 = arith.mulf %parallel_loop3A_618, %parallel_loop3A_622 : vector<16xf32>
        %parallel_loop3A_624 = arith.index_cast %parallel_loop3A_586 : i32 to index
        %parallel_loop3A_625 = arith.constant 32 : index
        %parallel_loop3A_626 = tpu.vector_load %arg15[%parallel_loop3A_624, %parallel_loop3A_625] {strides = array<i32>} : memref<80x128xf32, #tpu.memory_space<vmem>>, vector<1x16xf32>,
        %parallel_loop3A_627 = vector.shape_cast %parallel_loop3A_626 : vector<1x16xf32> to vector<16xf32>
        %parallel_loop3A_628 = vector.shape_cast %parallel_loop3A_623 : vector<16xf32> to vector<1x16xf32>
        tpu.vector_store %arg15[%parallel_loop3A_624, %parallel_loop3A_625], %parallel_loop3A_628 {strides = array<i32>} : memref<80x128xf32, #tpu.memory_space<vmem>>, vector<1x16xf32>,
        %parallel_loop3A_629 = arith.index_cast %parallel_loop3A_586 : i32 to index
        %parallel_loop3A_630 = arith.constant 48 : index
        %parallel_loop3A_631 = tpu.vector_load %arg15[%parallel_loop3A_629, %parallel_loop3A_630] {strides = array<i32>} : memref<80x128xf32, #tpu.memory_space<vmem>>, vector<1x16xf32>,
        %parallel_loop3A_632 = vector.shape_cast %parallel_loop3A_631 : vector<1x16xf32> to vector<16xf32>
        %parallel_loop3A_633 = arith.index_cast %parallel_loop3A_586 : i32 to index
        %parallel_loop3A_634 = arith.constant 48 : index
        %parallel_loop3A_635 = tpu.vector_load %arg16[%parallel_loop3A_633, %parallel_loop3A_634] {strides = array<i32>} : memref<80x128xf32, #tpu.memory_space<vmem>>, vector<1x16xf32>,
        %parallel_loop3A_636 = vector.shape_cast %parallel_loop3A_635 : vector<1x16xf32> to vector<16xf32>
        %parallel_loop3A_637 = arith.mulf %parallel_loop3A_632, %parallel_loop3A_636 : vector<16xf32>
        %parallel_loop3A_638 = arith.index_cast %parallel_loop3A_586 : i32 to index
        %parallel_loop3A_639 = arith.constant 48 : index
        %parallel_loop3A_640 = tpu.vector_load %arg15[%parallel_loop3A_638, %parallel_loop3A_639] {strides = array<i32>} : memref<80x128xf32, #tpu.memory_space<vmem>>, vector<1x16xf32>,
        %parallel_loop3A_641 = vector.shape_cast %parallel_loop3A_640 : vector<1x16xf32> to vector<16xf32>
        %parallel_loop3A_642 = vector.shape_cast %parallel_loop3A_637 : vector<16xf32> to vector<1x16xf32>
        tpu.vector_store %arg15[%parallel_loop3A_638, %parallel_loop3A_639], %parallel_loop3A_642 {strides = array<i32>} : memref<80x128xf32, #tpu.memory_space<vmem>>, vector<1x16xf32>,
        %parallel_loop3A_643 = arith.index_cast %parallel_loop3A_586 : i32 to index
        %parallel_loop3A_644 = arith.constant 64 : index
        %parallel_loop3A_645 = tpu.vector_load %arg15[%parallel_loop3A_643, %parallel_loop3A_644] {strides = array<i32>} : memref<80x128xf32, #tpu.memory_space<vmem>>, vector<1x16xf32>,
        %parallel_loop3A_646 = vector.shape_cast %parallel_loop3A_645 : vector<1x16xf32> to vector<16xf32>
        %parallel_loop3A_647 = arith.index_cast %parallel_loop3A_586 : i32 to index
        %parallel_loop3A_648 = arith.constant 64 : index
        %parallel_loop3A_649 = tpu.vector_load %arg16[%parallel_loop3A_647, %parallel_loop3A_648] {strides = array<i32>} : memref<80x128xf32, #tpu.memory_space<vmem>>, vector<1x16xf32>,
        %parallel_loop3A_650 = vector.shape_cast %parallel_loop3A_649 : vector<1x16xf32> to vector<16xf32>
        %parallel_loop3A_651 = arith.mulf %parallel_loop3A_646, %parallel_loop3A_650 : vector<16xf32>
        %parallel_loop3A_652 = arith.index_cast %parallel_loop3A_586 : i32 to index
        %parallel_loop3A_653 = arith.constant 64 : index
        %parallel_loop3A_654 = tpu.vector_load %arg15[%parallel_loop3A_652, %parallel_loop3A_653] {strides = array<i32>} : memref<80x128xf32, #tpu.memory_space<vmem>>, vector<1x16xf32>,
        %parallel_loop3A_655 = vector.shape_cast %parallel_loop3A_654 : vector<1x16xf32> to vector<16xf32>
        %parallel_loop3A_656 = vector.shape_cast %parallel_loop3A_651 : vector<16xf32> to vector<1x16xf32>
        tpu.vector_store %arg15[%parallel_loop3A_652, %parallel_loop3A_653], %parallel_loop3A_656 {strides = array<i32>} : memref<80x128xf32, #tpu.memory_space<vmem>>, vector<1x16xf32>,
        %parallel_loop3A_657 = arith.index_cast %parallel_loop3A_586 : i32 to index
        %parallel_loop3A_658 = arith.constant 80 : index
        %parallel_loop3A_659 = tpu.vector_load %arg15[%parallel_loop3A_657, %parallel_loop3A_658] {strides = array<i32>} : memref<80x128xf32, #tpu.memory_space<vmem>>, vector<1x16xf32>,
        %parallel_loop3A_660 = vector.shape_cast %parallel_loop3A_659 : vector<1x16xf32> to vector<16xf32>
        %parallel_loop3A_661 = arith.index_cast %parallel_loop3A_586 : i32 to index
        %parallel_loop3A_662 = arith.constant 80 : index
        %parallel_loop3A_663 = tpu.vector_load %arg16[%parallel_loop3A_661, %parallel_loop3A_662] {strides = array<i32>} : memref<80x128xf32, #tpu.memory_space<vmem>>, vector<1x16xf32>,
        %parallel_loop3A_664 = vector.shape_cast %parallel_loop3A_663 : vector<1x16xf32> to vector<16xf32>
        %parallel_loop3A_665 = arith.mulf %parallel_loop3A_660, %parallel_loop3A_664 : vector<16xf32>
        %parallel_loop3A_666 = arith.index_cast %parallel_loop3A_586 : i32 to index
        %parallel_loop3A_667 = arith.constant 80 : index
        %parallel_loop3A_668 = tpu.vector_load %arg15[%parallel_loop3A_666, %parallel_loop3A_667] {strides = array<i32>} : memref<80x128xf32, #tpu.memory_space<vmem>>, vector<1x16xf32>,
        %parallel_loop3A_669 = vector.shape_cast %parallel_loop3A_668 : vector<1x16xf32> to vector<16xf32>
        %parallel_loop3A_670 = vector.shape_cast %parallel_loop3A_665 : vector<16xf32> to vector<1x16xf32>
        tpu.vector_store %arg15[%parallel_loop3A_666, %parallel_loop3A_667], %parallel_loop3A_670 {strides = array<i32>} : memref<80x128xf32, #tpu.memory_space<vmem>>, vector<1x16xf32>,
        %parallel_loop3A_671 = arith.index_cast %parallel_loop3A_586 : i32 to index
        %parallel_loop3A_672 = arith.constant 96 : index
        %parallel_loop3A_673 = tpu.vector_load %arg15[%parallel_loop3A_671, %parallel_loop3A_672] {strides = array<i32>} : memref<80x128xf32, #tpu.memory_space<vmem>>, vector<1x16xf32>,
        %parallel_loop3A_674 = vector.shape_cast %parallel_loop3A_673 : vector<1x16xf32> to vector<16xf32>
        %parallel_loop3A_675 = arith.index_cast %parallel_loop3A_586 : i32 to index
        %parallel_loop3A_676 = arith.constant 96 : index
        %parallel_loop3A_677 = tpu.vector_load %arg16[%parallel_loop3A_675, %parallel_loop3A_676] {strides = array<i32>} : memref<80x128xf32, #tpu.memory_space<vmem>>, vector<1x16xf32>,
        %parallel_loop3A_678 = vector.shape_cast %parallel_loop3A_677 : vector<1x16xf32> to vector<16xf32>
        %parallel_loop3A_679 = arith.mulf %parallel_loop3A_674, %parallel_loop3A_678 : vector<16xf32>
        %parallel_loop3A_680 = arith.index_cast %parallel_loop3A_586 : i32 to index
        %parallel_loop3A_681 = arith.constant 96 : index
        %parallel_loop3A_682 = tpu.vector_load %arg15[%parallel_loop3A_680, %parallel_loop3A_681] {strides = array<i32>} : memref<80x128xf32, #tpu.memory_space<vmem>>, vector<1x16xf32>,
        %parallel_loop3A_683 = vector.shape_cast %parallel_loop3A_682 : vector<1x16xf32> to vector<16xf32>
        %parallel_loop3A_684 = vector.shape_cast %parallel_loop3A_679 : vector<16xf32> to vector<1x16xf32>
        tpu.vector_store %arg15[%parallel_loop3A_680, %parallel_loop3A_681], %parallel_loop3A_684 {strides = array<i32>} : memref<80x128xf32, #tpu.memory_space<vmem>>, vector<1x16xf32>,
        %parallel_loop3A_685 = arith.index_cast %parallel_loop3A_586 : i32 to index
        %parallel_loop3A_686 = arith.constant 112 : index
        %parallel_loop3A_687 = tpu.vector_load %arg15[%parallel_loop3A_685, %parallel_loop3A_686] {strides = array<i32>} : memref<80x128xf32, #tpu.memory_space<vmem>>, vector<1x16xf32>,
        %parallel_loop3A_688 = vector.shape_cast %parallel_loop3A_687 : vector<1x16xf32> to vector<16xf32>
        %parallel_loop3A_689 = arith.index_cast %parallel_loop3A_586 : i32 to index
        %parallel_loop3A_690 = arith.constant 112 : index
        %parallel_loop3A_691 = tpu.vector_load %arg16[%parallel_loop3A_689, %parallel_loop3A_690] {strides = array<i32>} : memref<80x128xf32, #tpu.memory_space<vmem>>, vector<1x16xf32>,
        %parallel_loop3A_692 = vector.shape_cast %parallel_loop3A_691 : vector<1x16xf32> to vector<16xf32>
        %parallel_loop3A_693 = arith.mulf %parallel_loop3A_688, %parallel_loop3A_692 : vector<16xf32>
        %parallel_loop3A_694 = arith.index_cast %parallel_loop3A_586 : i32 to index
        %parallel_loop3A_695 = arith.constant 112 : index
        %parallel_loop3A_696 = tpu.vector_load %arg15[%parallel_loop3A_694, %parallel_loop3A_695] {strides = array<i32>} : memref<80x128xf32, #tpu.memory_space<vmem>>, vector<1x16xf32>,
        %parallel_loop3A_697 = vector.shape_cast %parallel_loop3A_696 : vector<1x16xf32> to vector<16xf32>
        %parallel_loop3A_698 = vector.shape_cast %parallel_loop3A_693 : vector<16xf32> to vector<1x16xf32>
        tpu.vector_store %arg15[%parallel_loop3A_694, %parallel_loop3A_695], %parallel_loop3A_698 {strides = array<i32>} : memref<80x128xf32, #tpu.memory_space<vmem>>, vector<1x16xf32>,
      } {sc.loop_unroll_factor = 2 : i64, sc.parallel_access}
      %get3A_537 = arith.constant 0 : index
      %get3A_538 = tpu.vector_load %arg13[%get3A_537] {strides = array<i32>} : memref<80xi32, #tpu.memory_space<vmem>>, vector<16xi32>,
      %get3A_539 = vector.shape_cast %get3A_538 : vector<16xi32> to vector<16xi32>
      %swap3A_540 = arith.constant 0 : index
      %swap3A_541 = tpu.vector_load %arg14[%swap3A_540] {strides = array<i32>} : memref<80xi32, #tpu.memory_space<vmem>>, vector<16xi32>,
      %swap3A_542 = vector.shape_cast %swap3A_541 : vector<16xi32> to vector<16xi32>
      %swap3A_543 = vector.shape_cast %get3A_539 : vector<16xi32> to vector<16xi32>
      tpu.vector_store %arg14[%swap3A_540], %swap3A_543 {strides = array<i32>} : memref<80xi32, #tpu.memory_space<vmem>>, vector<16xi32>,
      %get3A_544 = arith.constant 16 : index
      %get3A_545 = tpu.vector_load %arg13[%get3A_544] {strides = array<i32>} : memref<80xi32, #tpu.memory_space<vmem>>, vector<16xi32>,
      %get3A_546 = vector.shape_cast %get3A_545 : vector<16xi32> to vector<16xi32>
      %swap3A_547 = arith.constant 16 : index
      %swap3A_548 = tpu.vector_load %arg14[%swap3A_547] {strides = array<i32>} : memref<80xi32, #tpu.memory_space<vmem>>, vector<16xi32>,
      %swap3A_549 = vector.shape_cast %swap3A_548 : vector<16xi32> to vector<16xi32>
      %swap3A_550 = vector.shape_cast %get3A_546 : vector<16xi32> to vector<16xi32>
      tpu.vector_store %arg14[%swap3A_547], %swap3A_550 {strides = array<i32>} : memref<80xi32, #tpu.memory_space<vmem>>, vector<16xi32>,
      %get3A_551 = arith.constant 32 : index
      %get3A_552 = tpu.vector_load %arg13[%get3A_551] {strides = array<i32>} : memref<80xi32, #tpu.memory_space<vmem>>, vector<16xi32>,
      %get3A_553 = vector.shape_cast %get3A_552 : vector<16xi32> to vector<16xi32>
      %swap3A_554 = arith.constant 32 : index
      %swap3A_555 = tpu.vector_load %arg14[%swap3A_554] {strides = array<i32>} : memref<80xi32, #tpu.memory_space<vmem>>, vector<16xi32>,
      %swap3A_556 = vector.shape_cast %swap3A_555 : vector<16xi32> to vector<16xi32>
      %swap3A_557 = vector.shape_cast %get3A_553 : vector<16xi32> to vector<16xi32>
      tpu.vector_store %arg14[%swap3A_554], %swap3A_557 {strides = array<i32>} : memref<80xi32, #tpu.memory_space<vmem>>, vector<16xi32>,
      %get3A_558 = arith.constant 48 : index
      %get3A_559 = tpu.vector_load %arg13[%get3A_558] {strides = array<i32>} : memref<80xi32, #tpu.memory_space<vmem>>, vector<16xi32>,
      %get3A_560 = vector.shape_cast %get3A_559 : vector<16xi32> to vector<16xi32>
      %swap3A_561 = arith.constant 48 : index
      %swap3A_562 = tpu.vector_load %arg14[%swap3A_561] {strides = array<i32>} : memref<80xi32, #tpu.memory_space<vmem>>, vector<16xi32>,
      %swap3A_563 = vector.shape_cast %swap3A_562 : vector<16xi32> to vector<16xi32>
      %swap3A_564 = vector.shape_cast %get3A_560 : vector<16xi32> to vector<16xi32>
      tpu.vector_store %arg14[%swap3A_561], %swap3A_564 {strides = array<i32>} : memref<80xi32, #tpu.memory_space<vmem>>, vector<16xi32>,
      %get3A_565 = arith.constant 64 : index
      %get3A_566 = tpu.vector_load %arg13[%get3A_565] {strides = array<i32>} : memref<80xi32, #tpu.memory_space<vmem>>, vector<16xi32>,
      %get3A_567 = vector.shape_cast %get3A_566 : vector<16xi32> to vector<16xi32>
      %swap3A_568 = arith.constant 64 : index
      %swap3A_569 = tpu.vector_load %arg14[%swap3A_568] {strides = array<i32>} : memref<80xi32, #tpu.memory_space<vmem>>, vector<16xi32>,
      %swap3A_570 = vector.shape_cast %swap3A_569 : vector<16xi32> to vector<16xi32>
      %swap3A_571 = vector.shape_cast %get3A_567 : vector<16xi32> to vector<16xi32>
      tpu.vector_store %arg14[%swap3A_568], %swap3A_571 {strides = array<i32>} : memref<80xi32, #tpu.memory_space<vmem>>, vector<16xi32>,
      %dma_start3A_572 = arith.constant 0 : i32
      %dma_start3A_573 = arith.constant 0 : i32
      %dma_start3A_574 = tpu.memref_slice %arg17[%dma_start3A_572, %dma_start3A_573] : memref<10112x128xf32, #tpu.memory_space<vmem_shared>> -> memref<10112x128xf32, #tpu.memory_space<vmem_shared>>
      tpu.enqueue_indirect_dma source(%arg15 : memref<80x128xf32, #tpu.memory_space<vmem>>) target(%dma_start3A_574 : memref<10112x128xf32, #tpu.memory_space<vmem_shared>>) offsets(%arg14 : memref<80xi32, #tpu.memory_space<vmem>>) semaphore(%arg23 : memref<!tpu.dma_semaphore, #tpu.memory_space<semaphore_mem>>) {add = true}
      %add3A_575 = arith.constant 2 : i32
      %add3A_576 = arith.addi %add3A_497, %add3A_575 : i32
      %add3A_577 = arith.addi %mul3A_26, %add3A_576 : i32
      %mul3A_578 = arith.constant 80 : i32
      %mul3A_579 = arith.muli %add3A_577, %mul3A_578 : i32
      %dma_start3A_580 = tpu.memref_slice %arg4[%mul3A_579] : memref<322560xi32, #tpu.memory_space<hbm>> -> memref<80xi32, #tpu.memory_space<hbm>>
      %dma_start3A_581 = tpu.memref_slice %arg4[%mul3A_579] : memref<322560xi32, #tpu.memory_space<hbm>> -> memref<80xi32, #tpu.memory_space<hbm>>
      tpu.enqueue_dma source(%dma_start3A_581 : memref<80xi32, #tpu.memory_space<hbm>>) target(%arg12 : memref<80xi32, #tpu.memory_space<vmem>>) target_semaphore(%arg21 : memref<!tpu.dma_semaphore, #tpu.memory_space<semaphore_mem>>)
      %mul3A_582 = arith.constant 80 : i32
      %mul3A_583 = arith.muli %add3A_577, %mul3A_582 : i32
      %dma_start3A_584 = tpu.memref_slice %arg5[%mul3A_583] : memref<322560xi32, #tpu.memory_space<hbm>> -> memref<80xi32, #tpu.memory_space<hbm>>
      %dma_start3A_585 = tpu.memref_slice %arg5[%mul3A_583] : memref<322560xi32, #tpu.memory_space<hbm>> -> memref<80xi32, #tpu.memory_space<hbm>>
      tpu.enqueue_dma source(%dma_start3A_585 : memref<80xi32, #tpu.memory_space<hbm>>) target(%arg13 : memref<80xi32, #tpu.memory_space<vmem>>) target_semaphore(%arg21 : memref<!tpu.dma_semaphore, #tpu.memory_space<semaphore_mem>>)
    }
    %scan3A_237 = arith.constant 61 : i32
    %dma_wait3A_238 = arith.constant 0 : i32
    %dma_wait3A_239 = tpu.memref_slice %arg4[%dma_wait3A_238] : memref<322560xi32, #tpu.memory_space<hbm>> -> memref<80xi32, #tpu.memory_space<hbm>>
    %dma_wait3A_240 = arith.constant 0 : i32
    %dma_wait3A_241 = tpu.memref_slice %arg4[%dma_wait3A_240] : memref<322560xi32, #tpu.memory_space<hbm>> -> memref<80xi32, #tpu.memory_space<hbm>>
    tpu.wait_dma2 semaphore(%arg21 : memref<!tpu.dma_semaphore, #tpu.memory_space<semaphore_mem>>) src(%dma_wait3A_241 : memref<80xi32, #tpu.memory_space<hbm>>) dst(%arg12 : memref<80xi32, #tpu.memory_space<vmem>>)
    %dma_wait3A_242 = arith.constant 0 : i32
    %dma_wait3A_243 = tpu.memref_slice %arg5[%dma_wait3A_242] : memref<322560xi32, #tpu.memory_space<hbm>> -> memref<80xi32, #tpu.memory_space<hbm>>
    %dma_wait3A_244 = arith.constant 0 : i32
    %dma_wait3A_245 = tpu.memref_slice %arg5[%dma_wait3A_244] : memref<322560xi32, #tpu.memory_space<hbm>> -> memref<80xi32, #tpu.memory_space<hbm>>
    tpu.wait_dma2 semaphore(%arg21 : memref<!tpu.dma_semaphore, #tpu.memory_space<semaphore_mem>>) src(%dma_wait3A_245 : memref<80xi32, #tpu.memory_space<hbm>>) dst(%arg13 : memref<80xi32, #tpu.memory_space<vmem>>)
    %dma_wait3A_246 = arith.constant 0 : i32
    %dma_wait3A_247 = arith.constant 0 : i32
    %dma_wait3A_248 = tpu.memref_slice %arg17[%dma_wait3A_246, %dma_wait3A_247] : memref<10112x128xf32, #tpu.memory_space<vmem_shared>> -> memref<10112x128xf32, #tpu.memory_space<vmem_shared>>
    tpu.wait_indirect_dma semaphore(%arg23 : memref<!tpu.dma_semaphore, #tpu.memory_space<semaphore_mem>>) src(%arg15 : memref<80x128xf32, #tpu.memory_space<vmem>>) dst(%dma_wait3A_248 : memref<10112x128xf32, #tpu.memory_space<vmem_shared>>)
    %dma_start3A_249 = arith.constant 0 : i32
    %dma_start3A_250 = arith.constant 0 : i32
    %dma_start3A_251 = tpu.memref_slice %arg2[%dma_start3A_249, %dma_start3A_250] : memref<10000x128xf32, #tpu.memory_space<hbm>> -> memref<10000x128xf32, #tpu.memory_space<hbm>>
    tpu.enqueue_indirect_dma source(%dma_start3A_251 : memref<10000x128xf32, #tpu.memory_space<hbm>>) target(%arg15 : memref<80x128xf32, #tpu.memory_space<vmem>>) offsets(%arg12 : memref<80xi32, #tpu.memory_space<vmem>>) semaphore(%arg22 : memref<!tpu.dma_semaphore, #tpu.memory_space<semaphore_mem>>)
    %add3A_252 = arith.constant 125 : i32
    %add3A_253 = arith.addi %mul3A_26, %add3A_252 : i32
    %dma_start3A_254 = arith.constant 0 : i32
    %dma_start3A_255 = arith.constant 0 : i32
    %dma_start3A_256 = tpu.memref_slice %arg3[%add3A_253, %dma_start3A_254, %dma_start3A_255] : memref<4032x80x128xf32, #tpu.memory_space<hbm>> -> memref<1x80x128xf32, #tpu.memory_space<hbm>>
    %dma_start3A_257 = tpu.memref_squeeze %dma_start3A_256 : memref<1x80x128xf32, #tpu.memory_space<hbm>> -> memref<80x128xf32, #tpu.memory_space<hbm>>
    %dma_start3A_258 = arith.constant 0 : i32
    %dma_start3A_259 = arith.constant 0 : i32
    %dma_start3A_260 = tpu.memref_slice %arg3[%add3A_253, %dma_start3A_258, %dma_start3A_259] : memref<4032x80x128xf32, #tpu.memory_space<hbm>> -> memref<1x80x128xf32, #tpu.memory_space<hbm>>
    %dma_start3A_261 = tpu.memref_squeeze %dma_start3A_260 : memref<1x80x128xf32, #tpu.memory_space<hbm>> -> memref<80x128xf32, #tpu.memory_space<hbm>>
    tpu.enqueue_dma source(%dma_start3A_261 : memref<80x128xf32, #tpu.memory_space<hbm>>) target(%arg16 : memref<80x128xf32, #tpu.memory_space<vmem>>) target_semaphore(%arg22 : memref<!tpu.dma_semaphore, #tpu.memory_space<semaphore_mem>>)
    %dma_wait3A_262 = arith.constant 0 : i32
    %dma_wait3A_263 = arith.constant 0 : i32
    %dma_wait3A_264 = tpu.memref_slice %arg2[%dma_wait3A_262, %dma_wait3A_263] : memref<10000x128xf32, #tpu.memory_space<hbm>> -> memref<10000x128xf32, #tpu.memory_space<hbm>>
    tpu.wait_indirect_dma semaphore(%arg19 : memref<!tpu.dma_semaphore, #tpu.memory_space<semaphore_mem>>) src(%dma_wait3A_264 : memref<10000x128xf32, #tpu.memory_space<hbm>>) dst(%arg10 : memref<80x128xf32, #tpu.memory_space<vmem>>)
    %dma_wait3A_265 = arith.constant 0 : i32
    %dma_wait3A_266 = arith.constant 0 : i32
    %dma_wait3A_267 = tpu.memref_slice %arg3[%mul3A_26, %dma_wait3A_265, %dma_wait3A_266] : memref<4032x80x128xf32, #tpu.memory_space<hbm>> -> memref<1x80x128xf32, #tpu.memory_space<hbm>>
    %dma_wait3A_268 = tpu.memref_squeeze %dma_wait3A_267 : memref<1x80x128xf32, #tpu.memory_space<hbm>> -> memref<80x128xf32, #tpu.memory_space<hbm>>
    %dma_wait3A_269 = arith.constant 0 : i32
    %dma_wait3A_270 = arith.constant 0 : i32
    %dma_wait3A_271 = tpu.memref_slice %arg3[%mul3A_26, %dma_wait3A_269, %dma_wait3A_270] : memref<4032x80x128xf32, #tpu.memory_space<hbm>> -> memref<1x80x128xf32, #tpu.memory_space<hbm>>
    %dma_wait3A_272 = tpu.memref_squeeze %dma_wait3A_271 : memref<1x80x128xf32, #tpu.memory_space<hbm>> -> memref<80x128xf32, #tpu.memory_space<hbm>>
    tpu.wait_dma2 semaphore(%arg19 : memref<!tpu.dma_semaphore, #tpu.memory_space<semaphore_mem>>) src(%dma_wait3A_272 : memref<80x128xf32, #tpu.memory_space<hbm>>) dst(%arg11 : memref<80x128xf32, #tpu.memory_space<vmem>>)
    %parallel_loop3A_273 = arith.constant 0 : i32
    %parallel_loop3A_274 = arith.constant 80 : i32
    %parallel_loop3A_275 = arith.constant 1 : i32
    scf.for %parallel_loop3A_405 = %parallel_loop3A_273 to %parallel_loop3A_274 step %parallel_loop3A_275  : i32 {
      %parallel_loop3A_406 = arith.index_cast %parallel_loop3A_405 : i32 to index
      %parallel_loop3A_407 = arith.constant 0 : index
      %parallel_loop3A_408 = tpu.vector_load %arg10[%parallel_loop3A_406, %parallel_loop3A_407] {strides = array<i32>} : memref<80x128xf32, #tpu.memory_space<vmem>>, vector<1x16xf32>,
      %parallel_loop3A_409 = vector.shape_cast %parallel_loop3A_408 : vector<1x16xf32> to vector<16xf32>
      %parallel_loop3A_410 = arith.index_cast %parallel_loop3A_405 : i32 to index
      %parallel_loop3A_411 = arith.constant 0 : index
      %parallel_loop3A_412 = tpu.vector_load %arg11[%parallel_loop3A_410, %parallel_loop3A_411] {strides = array<i32>} : memref<80x128xf32, #tpu.memory_space<vmem>>, vector<1x16xf32>,
      %parallel_loop3A_413 = vector.shape_cast %parallel_loop3A_412 : vector<1x16xf32> to vector<16xf32>
      %parallel_loop3A_414 = arith.mulf %parallel_loop3A_409, %parallel_loop3A_413 : vector<16xf32>
      %parallel_loop3A_415 = arith.index_cast %parallel_loop3A_405 : i32 to index
      %parallel_loop3A_416 = arith.constant 0 : index
      %parallel_loop3A_417 = tpu.vector_load %arg10[%parallel_loop3A_415, %parallel_loop3A_416] {strides = array<i32>} : memref<80x128xf32, #tpu.memory_space<vmem>>, vector<1x16xf32>,
      %parallel_loop3A_418 = vector.shape_cast %parallel_loop3A_417 : vector<1x16xf32> to vector<16xf32>
      %parallel_loop3A_419 = vector.shape_cast %parallel_loop3A_414 : vector<16xf32> to vector<1x16xf32>
      tpu.vector_store %arg10[%parallel_loop3A_415, %parallel_loop3A_416], %parallel_loop3A_419 {strides = array<i32>} : memref<80x128xf32, #tpu.memory_space<vmem>>, vector<1x16xf32>,
      %parallel_loop3A_420 = arith.index_cast %parallel_loop3A_405 : i32 to index
      %parallel_loop3A_421 = arith.constant 16 : index
      %parallel_loop3A_422 = tpu.vector_load %arg10[%parallel_loop3A_420, %parallel_loop3A_421] {strides = array<i32>} : memref<80x128xf32, #tpu.memory_space<vmem>>, vector<1x16xf32>,
      %parallel_loop3A_423 = vector.shape_cast %parallel_loop3A_422 : vector<1x16xf32> to vector<16xf32>
      %parallel_loop3A_424 = arith.index_cast %parallel_loop3A_405 : i32 to index
      %parallel_loop3A_425 = arith.constant 16 : index
      %parallel_loop3A_426 = tpu.vector_load %arg11[%parallel_loop3A_424, %parallel_loop3A_425] {strides = array<i32>} : memref<80x128xf32, #tpu.memory_space<vmem>>, vector<1x16xf32>,
      %parallel_loop3A_427 = vector.shape_cast %parallel_loop3A_426 : vector<1x16xf32> to vector<16xf32>
      %parallel_loop3A_428 = arith.mulf %parallel_loop3A_423, %parallel_loop3A_427 : vector<16xf32>
      %parallel_loop3A_429 = arith.index_cast %parallel_loop3A_405 : i32 to index
      %parallel_loop3A_430 = arith.constant 16 : index
      %parallel_loop3A_431 = tpu.vector_load %arg10[%parallel_loop3A_429, %parallel_loop3A_430] {strides = array<i32>} : memref<80x128xf32, #tpu.memory_space<vmem>>, vector<1x16xf32>,
      %parallel_loop3A_432 = vector.shape_cast %parallel_loop3A_431 : vector<1x16xf32> to vector<16xf32>
      %parallel_loop3A_433 = vector.shape_cast %parallel_loop3A_428 : vector<16xf32> to vector<1x16xf32>
      tpu.vector_store %arg10[%parallel_loop3A_429, %parallel_loop3A_430], %parallel_loop3A_433 {strides = array<i32>} : memref<80x128xf32, #tpu.memory_space<vmem>>, vector<1x16xf32>,
      %parallel_loop3A_434 = arith.index_cast %parallel_loop3A_405 : i32 to index
      %parallel_loop3A_435 = arith.constant 32 : index
      %parallel_loop3A_436 = tpu.vector_load %arg10[%parallel_loop3A_434, %parallel_loop3A_435] {strides = array<i32>} : memref<80x128xf32, #tpu.memory_space<vmem>>, vector<1x16xf32>,
      %parallel_loop3A_437 = vector.shape_cast %parallel_loop3A_436 : vector<1x16xf32> to vector<16xf32>
      %parallel_loop3A_438 = arith.index_cast %parallel_loop3A_405 : i32 to index
      %parallel_loop3A_439 = arith.constant 32 : index
      %parallel_loop3A_440 = tpu.vector_load %arg11[%parallel_loop3A_438, %parallel_loop3A_439] {strides = array<i32>} : memref<80x128xf32, #tpu.memory_space<vmem>>, vector<1x16xf32>,
      %parallel_loop3A_441 = vector.shape_cast %parallel_loop3A_440 : vector<1x16xf32> to vector<16xf32>
      %parallel_loop3A_442 = arith.mulf %parallel_loop3A_437, %parallel_loop3A_441 : vector<16xf32>
      %parallel_loop3A_443 = arith.index_cast %parallel_loop3A_405 : i32 to index
      %parallel_loop3A_444 = arith.constant 32 : index
      %parallel_loop3A_445 = tpu.vector_load %arg10[%parallel_loop3A_443, %parallel_loop3A_444] {strides = array<i32>} : memref<80x128xf32, #tpu.memory_space<vmem>>, vector<1x16xf32>,
      %parallel_loop3A_446 = vector.shape_cast %parallel_loop3A_445 : vector<1x16xf32> to vector<16xf32>
      %parallel_loop3A_447 = vector.shape_cast %parallel_loop3A_442 : vector<16xf32> to vector<1x16xf32>
      tpu.vector_store %arg10[%parallel_loop3A_443, %parallel_loop3A_444], %parallel_loop3A_447 {strides = array<i32>} : memref<80x128xf32, #tpu.memory_space<vmem>>, vector<1x16xf32>,
      %parallel_loop3A_448 = arith.index_cast %parallel_loop3A_405 : i32 to index
      %parallel_loop3A_449 = arith.constant 48 : index
      %parallel_loop3A_450 = tpu.vector_load %arg10[%parallel_loop3A_448, %parallel_loop3A_449] {strides = array<i32>} : memref<80x128xf32, #tpu.memory_space<vmem>>, vector<1x16xf32>,
      %parallel_loop3A_451 = vector.shape_cast %parallel_loop3A_450 : vector<1x16xf32> to vector<16xf32>
      %parallel_loop3A_452 = arith.index_cast %parallel_loop3A_405 : i32 to index
      %parallel_loop3A_453 = arith.constant 48 : index
      %parallel_loop3A_454 = tpu.vector_load %arg11[%parallel_loop3A_452, %parallel_loop3A_453] {strides = array<i32>} : memref<80x128xf32, #tpu.memory_space<vmem>>, vector<1x16xf32>,
      %parallel_loop3A_455 = vector.shape_cast %parallel_loop3A_454 : vector<1x16xf32> to vector<16xf32>
      %parallel_loop3A_456 = arith.mulf %parallel_loop3A_451, %parallel_loop3A_455 : vector<16xf32>
      %parallel_loop3A_457 = arith.index_cast %parallel_loop3A_405 : i32 to index
      %parallel_loop3A_458 = arith.constant 48 : index
      %parallel_loop3A_459 = tpu.vector_load %arg10[%parallel_loop3A_457, %parallel_loop3A_458] {strides = array<i32>} : memref<80x128xf32, #tpu.memory_space<vmem>>, vector<1x16xf32>,
      %parallel_loop3A_460 = vector.shape_cast %parallel_loop3A_459 : vector<1x16xf32> to vector<16xf32>
      %parallel_loop3A_461 = vector.shape_cast %parallel_loop3A_456 : vector<16xf32> to vector<1x16xf32>
      tpu.vector_store %arg10[%parallel_loop3A_457, %parallel_loop3A_458], %parallel_loop3A_461 {strides = array<i32>} : memref<80x128xf32, #tpu.memory_space<vmem>>, vector<1x16xf32>,
      %parallel_loop3A_462 = arith.index_cast %parallel_loop3A_405 : i32 to index
      %parallel_loop3A_463 = arith.constant 64 : index
      %parallel_loop3A_464 = tpu.vector_load %arg10[%parallel_loop3A_462, %parallel_loop3A_463] {strides = array<i32>} : memref<80x128xf32, #tpu.memory_space<vmem>>, vector<1x16xf32>,
      %parallel_loop3A_465 = vector.shape_cast %parallel_loop3A_464 : vector<1x16xf32> to vector<16xf32>
      %parallel_loop3A_466 = arith.index_cast %parallel_loop3A_405 : i32 to index
      %parallel_loop3A_467 = arith.constant 64 : index
      %parallel_loop3A_468 = tpu.vector_load %arg11[%parallel_loop3A_466, %parallel_loop3A_467] {strides = array<i32>} : memref<80x128xf32, #tpu.memory_space<vmem>>, vector<1x16xf32>,
      %parallel_loop3A_469 = vector.shape_cast %parallel_loop3A_468 : vector<1x16xf32> to vector<16xf32>
      %parallel_loop3A_470 = arith.mulf %parallel_loop3A_465, %parallel_loop3A_469 : vector<16xf32>
      %parallel_loop3A_471 = arith.index_cast %parallel_loop3A_405 : i32 to index
      %parallel_loop3A_472 = arith.constant 64 : index
      %parallel_loop3A_473 = tpu.vector_load %arg10[%parallel_loop3A_471, %parallel_loop3A_472] {strides = array<i32>} : memref<80x128xf32, #tpu.memory_space<vmem>>, vector<1x16xf32>,
      %parallel_loop3A_474 = vector.shape_cast %parallel_loop3A_473 : vector<1x16xf32> to vector<16xf32>
      %parallel_loop3A_475 = vector.shape_cast %parallel_loop3A_470 : vector<16xf32> to vector<1x16xf32>
      tpu.vector_store %arg10[%parallel_loop3A_471, %parallel_loop3A_472], %parallel_loop3A_475 {strides = array<i32>} : memref<80x128xf32, #tpu.memory_space<vmem>>, vector<1x16xf32>,
      %parallel_loop3A_476 = arith.index_cast %parallel_loop3A_405 : i32 to index
      %parallel_loop3A_477 = arith.constant 80 : index
      %parallel_loop3A_478 = tpu.vector_load %arg10[%parallel_loop3A_476, %parallel_loop3A_477] {strides = array<i32>} : memref<80x128xf32, #tpu.memory_space<vmem>>, vector<1x16xf32>,
      %parallel_loop3A_479 = vector.shape_cast %parallel_loop3A_478 : vector<1x16xf32> to vector<16xf32>
      %parallel_loop3A_480 = arith.index_cast %parallel_loop3A_405 : i32 to index
      %parallel_loop3A_481 = arith.constant 80 : index
      %parallel_loop3A_482 = tpu.vector_load %arg11[%parallel_loop3A_480, %parallel_loop3A_481] {strides = array<i32>} : memref<80x128xf32, #tpu.memory_space<vmem>>, vector<1x16xf32>,
      %parallel_loop3A_483 = vector.shape_cast %parallel_loop3A_482 : vector<1x16xf32> to vector<16xf32>
      %parallel_loop3A_484 = arith.mulf %parallel_loop3A_479, %parallel_loop3A_483 : vector<16xf32>
      %parallel_loop3A_485 = arith.index_cast %parallel_loop3A_405 : i32 to index
      %parallel_loop3A_486 = arith.constant 80 : index
      %parallel_loop3A_487 = tpu.vector_load %arg10[%parallel_loop3A_485, %parallel_loop3A_486] {strides = array<i32>} : memref<80x128xf32, #tpu.memory_space<vmem>>, vector<1x16xf32>,
      %parallel_loop3A_488 = vector.shape_cast %parallel_loop3A_487 : vector<1x16xf32> to vector<16xf32>
      %parallel_loop3A_489 = vector.shape_cast %parallel_loop3A_484 : vector<16xf32> to vector<1x16xf32>
      tpu.vector_store %arg10[%parallel_loop3A_485, %parallel_loop3A_486], %parallel_loop3A_489 {strides = array<i32>} : memref<80x128xf32, #tpu.memory_space<vmem>>, vector<1x16xf32>,
      %parallel_loop3A_490 = arith.index_cast %parallel_loop3A_405 : i32 to index
      %parallel_loop3A_491 = arith.constant 96 : index
      %parallel_loop3A_492 = tpu.vector_load %arg10[%parallel_loop3A_490, %parallel_loop3A_491] {strides = array<i32>} : memref<80x128xf32, #tpu.memory_space<vmem>>, vector<1x16xf32>,
      %parallel_loop3A_493 = vector.shape_cast %parallel_loop3A_492 : vector<1x16xf32> to vector<16xf32>
      %parallel_loop3A_494 = arith.index_cast %parallel_loop3A_405 : i32 to index
      %parallel_loop3A_495 = arith.constant 96 : index
      %parallel_loop3A_496 = tpu.vector_load %arg11[%parallel_loop3A_494, %parallel_loop3A_495] {strides = array<i32>} : memref<80x128xf32, #tpu.memory_space<vmem>>, vector<1x16xf32>,
      %parallel_loop3A_497 = vector.shape_cast %parallel_loop3A_496 : vector<1x16xf32> to vector<16xf32>
      %parallel_loop3A_498 = arith.mulf %parallel_loop3A_493, %parallel_loop3A_497 : vector<16xf32>
      %parallel_loop3A_499 = arith.index_cast %parallel_loop3A_405 : i32 to index
      %parallel_loop3A_500 = arith.constant 96 : index
      %parallel_loop3A_501 = tpu.vector_load %arg10[%parallel_loop3A_499, %parallel_loop3A_500] {strides = array<i32>} : memref<80x128xf32, #tpu.memory_space<vmem>>, vector<1x16xf32>,
      %parallel_loop3A_502 = vector.shape_cast %parallel_loop3A_501 : vector<1x16xf32> to vector<16xf32>
      %parallel_loop3A_503 = vector.shape_cast %parallel_loop3A_498 : vector<16xf32> to vector<1x16xf32>
      tpu.vector_store %arg10[%parallel_loop3A_499, %parallel_loop3A_500], %parallel_loop3A_503 {strides = array<i32>} : memref<80x128xf32, #tpu.memory_space<vmem>>, vector<1x16xf32>,
      %parallel_loop3A_504 = arith.index_cast %parallel_loop3A_405 : i32 to index
      %parallel_loop3A_505 = arith.constant 112 : index
      %parallel_loop3A_506 = tpu.vector_load %arg10[%parallel_loop3A_504, %parallel_loop3A_505] {strides = array<i32>} : memref<80x128xf32, #tpu.memory_space<vmem>>, vector<1x16xf32>,
      %parallel_loop3A_507 = vector.shape_cast %parallel_loop3A_506 : vector<1x16xf32> to vector<16xf32>
      %parallel_loop3A_508 = arith.index_cast %parallel_loop3A_405 : i32 to index
      %parallel_loop3A_509 = arith.constant 112 : index
      %parallel_loop3A_510 = tpu.vector_load %arg11[%parallel_loop3A_508, %parallel_loop3A_509] {strides = array<i32>} : memref<80x128xf32, #tpu.memory_space<vmem>>, vector<1x16xf32>,
      %parallel_loop3A_511 = vector.shape_cast %parallel_loop3A_510 : vector<1x16xf32> to vector<16xf32>
      %parallel_loop3A_512 = arith.mulf %parallel_loop3A_507, %parallel_loop3A_511 : vector<16xf32>
      %parallel_loop3A_513 = arith.index_cast %parallel_loop3A_405 : i32 to index
      %parallel_loop3A_514 = arith.constant 112 : index
      %parallel_loop3A_515 = tpu.vector_load %arg10[%parallel_loop3A_513, %parallel_loop3A_514] {strides = array<i32>} : memref<80x128xf32, #tpu.memory_space<vmem>>, vector<1x16xf32>,
      %parallel_loop3A_516 = vector.shape_cast %parallel_loop3A_515 : vector<1x16xf32> to vector<16xf32>
      %parallel_loop3A_517 = vector.shape_cast %parallel_loop3A_512 : vector<16xf32> to vector<1x16xf32>
      tpu.vector_store %arg10[%parallel_loop3A_513, %parallel_loop3A_514], %parallel_loop3A_517 {strides = array<i32>} : memref<80x128xf32, #tpu.memory_space<vmem>>, vector<1x16xf32>,
    } {sc.loop_unroll_factor = 2 : i64, sc.parallel_access}
    %get3A_276 = arith.constant 0 : index
    %get3A_277 = tpu.vector_load %arg8[%get3A_276] {strides = array<i32>} : memref<80xi32, #tpu.memory_space<vmem>>, vector<16xi32>,
    %get3A_278 = vector.shape_cast %get3A_277 : vector<16xi32> to vector<16xi32>
    %swap3A_279 = arith.constant 0 : index
    %swap3A_280 = tpu.vector_load %arg9[%swap3A_279] {strides = array<i32>} : memref<80xi32, #tpu.memory_space<vmem>>, vector<16xi32>,
    %swap3A_281 = vector.shape_cast %swap3A_280 : vector<16xi32> to vector<16xi32>
    %swap3A_282 = vector.shape_cast %get3A_278 : vector<16xi32> to vector<16xi32>
    tpu.vector_store %arg9[%swap3A_279], %swap3A_282 {strides = array<i32>} : memref<80xi32, #tpu.memory_space<vmem>>, vector<16xi32>,
    %get3A_283 = arith.constant 16 : index
    %get3A_284 = tpu.vector_load %arg8[%get3A_283] {strides = array<i32>} : memref<80xi32, #tpu.memory_space<vmem>>, vector<16xi32>,
    %get3A_285 = vector.shape_cast %get3A_284 : vector<16xi32> to vector<16xi32>
    %swap3A_286 = arith.constant 16 : index
    %swap3A_287 = tpu.vector_load %arg9[%swap3A_286] {strides = array<i32>} : memref<80xi32, #tpu.memory_space<vmem>>, vector<16xi32>,
    %swap3A_288 = vector.shape_cast %swap3A_287 : vector<16xi32> to vector<16xi32>
    %swap3A_289 = vector.shape_cast %get3A_285 : vector<16xi32> to vector<16xi32>
    tpu.vector_store %arg9[%swap3A_286], %swap3A_289 {strides = array<i32>} : memref<80xi32, #tpu.memory_space<vmem>>, vector<16xi32>,
    %get3A_290 = arith.constant 32 : index
    %get3A_291 = tpu.vector_load %arg8[%get3A_290] {strides = array<i32>} : memref<80xi32, #tpu.memory_space<vmem>>, vector<16xi32>,
    %get3A_292 = vector.shape_cast %get3A_291 : vector<16xi32> to vector<16xi32>
    %swap3A_293 = arith.constant 32 : index
    %swap3A_294 = tpu.vector_load %arg9[%swap3A_293] {strides = array<i32>} : memref<80xi32, #tpu.memory_space<vmem>>, vector<16xi32>,
    %swap3A_295 = vector.shape_cast %swap3A_294 : vector<16xi32> to vector<16xi32>
    %swap3A_296 = vector.shape_cast %get3A_292 : vector<16xi32> to vector<16xi32>
    tpu.vector_store %arg9[%swap3A_293], %swap3A_296 {strides = array<i32>} : memref<80xi32, #tpu.memory_space<vmem>>, vector<16xi32>,
    %get3A_297 = arith.constant 48 : index
    %get3A_298 = tpu.vector_load %arg8[%get3A_297] {strides = array<i32>} : memref<80xi32, #tpu.memory_space<vmem>>, vector<16xi32>,
    %get3A_299 = vector.shape_cast %get3A_298 : vector<16xi32> to vector<16xi32>
    %swap3A_300 = arith.constant 48 : index
    %swap3A_301 = tpu.vector_load %arg9[%swap3A_300] {strides = array<i32>} : memref<80xi32, #tpu.memory_space<vmem>>, vector<16xi32>,
    %swap3A_302 = vector.shape_cast %swap3A_301 : vector<16xi32> to vector<16xi32>
    %swap3A_303 = vector.shape_cast %get3A_299 : vector<16xi32> to vector<16xi32>
    tpu.vector_store %arg9[%swap3A_300], %swap3A_303 {strides = array<i32>} : memref<80xi32, #tpu.memory_space<vmem>>, vector<16xi32>,
    %get3A_304 = arith.constant 64 : index
    %get3A_305 = tpu.vector_load %arg8[%get3A_304] {strides = array<i32>} : memref<80xi32, #tpu.memory_space<vmem>>, vector<16xi32>,
    %get3A_306 = vector.shape_cast %get3A_305 : vector<16xi32> to vector<16xi32>
    %swap3A_307 = arith.constant 64 : index
    %swap3A_308 = tpu.vector_load %arg9[%swap3A_307] {strides = array<i32>} : memref<80xi32, #tpu.memory_space<vmem>>, vector<16xi32>,
    %swap3A_309 = vector.shape_cast %swap3A_308 : vector<16xi32> to vector<16xi32>
    %swap3A_310 = vector.shape_cast %get3A_306 : vector<16xi32> to vector<16xi32>
    tpu.vector_store %arg9[%swap3A_307], %swap3A_310 {strides = array<i32>} : memref<80xi32, #tpu.memory_space<vmem>>, vector<16xi32>,
    %dma_start3A_311 = arith.constant 0 : i32
    %dma_start3A_312 = arith.constant 0 : i32
    %dma_start3A_313 = tpu.memref_slice %arg17[%dma_start3A_311, %dma_start3A_312] : memref<10112x128xf32, #tpu.memory_space<vmem_shared>> -> memref<10112x128xf32, #tpu.memory_space<vmem_shared>>
    tpu.enqueue_indirect_dma source(%arg10 : memref<80x128xf32, #tpu.memory_space<vmem>>) target(%dma_start3A_313 : memref<10112x128xf32, #tpu.memory_space<vmem_shared>>) offsets(%arg9 : memref<80xi32, #tpu.memory_space<vmem>>) semaphore(%arg20 : memref<!tpu.dma_semaphore, #tpu.memory_space<semaphore_mem>>) {add = true}
    %dma_wait3A_314 = arith.constant 0 : i32
    %dma_wait3A_315 = arith.constant 0 : i32
    %dma_wait3A_316 = tpu.memref_slice %arg2[%dma_wait3A_314, %dma_wait3A_315] : memref<10000x128xf32, #tpu.memory_space<hbm>> -> memref<10000x128xf32, #tpu.memory_space<hbm>>
    tpu.wait_indirect_dma semaphore(%arg22 : memref<!tpu.dma_semaphore, #tpu.memory_space<semaphore_mem>>) src(%dma_wait3A_316 : memref<10000x128xf32, #tpu.memory_space<hbm>>) dst(%arg15 : memref<80x128xf32, #tpu.memory_space<vmem>>)
    %dma_wait3A_317 = arith.constant 0 : i32
    %dma_wait3A_318 = arith.constant 0 : i32
    %dma_wait3A_319 = tpu.memref_slice %arg3[%mul3A_26, %dma_wait3A_317, %dma_wait3A_318] : memref<4032x80x128xf32, #tpu.memory_space<hbm>> -> memref<1x80x128xf32, #tpu.memory_space<hbm>>
    %dma_wait3A_320 = tpu.memref_squeeze %dma_wait3A_319 : memref<1x80x128xf32, #tpu.memory_space<hbm>> -> memref<80x128xf32, #tpu.memory_space<hbm>>
    %dma_wait3A_321 = arith.constant 0 : i32
    %dma_wait3A_322 = arith.constant 0 : i32
    %dma_wait3A_323 = tpu.memref_slice %arg3[%mul3A_26, %dma_wait3A_321, %dma_wait3A_322] : memref<4032x80x128xf32, #tpu.memory_space<hbm>> -> memref<1x80x128xf32, #tpu.memory_space<hbm>>
    %dma_wait3A_324 = tpu.memref_squeeze %dma_wait3A_323 : memref<1x80x128xf32, #tpu.memory_space<hbm>> -> memref<80x128xf32, #tpu.memory_space<hbm>>
    tpu.wait_dma2 semaphore(%arg22 : memref<!tpu.dma_semaphore, #tpu.memory_space<semaphore_mem>>) src(%dma_wait3A_324 : memref<80x128xf32, #tpu.memory_space<hbm>>) dst(%arg16 : memref<80x128xf32, #tpu.memory_space<vmem>>)
    %parallel_loop3A_325 = arith.constant 0 : i32
    %parallel_loop3A_326 = arith.constant 80 : i32
    %parallel_loop3A_327 = arith.constant 1 : i32
    scf.for %parallel_loop3A_405 = %parallel_loop3A_325 to %parallel_loop3A_326 step %parallel_loop3A_327  : i32 {
      %parallel_loop3A_406 = arith.index_cast %parallel_loop3A_405 : i32 to index
      %parallel_loop3A_407 = arith.constant 0 : index
      %parallel_loop3A_408 = tpu.vector_load %arg15[%parallel_loop3A_406, %parallel_loop3A_407] {strides = array<i32>} : memref<80x128xf32, #tpu.memory_space<vmem>>, vector<1x16xf32>,
      %parallel_loop3A_409 = vector.shape_cast %parallel_loop3A_408 : vector<1x16xf32> to vector<16xf32>
      %parallel_loop3A_410 = arith.index_cast %parallel_loop3A_405 : i32 to index
      %parallel_loop3A_411 = arith.constant 0 : index
      %parallel_loop3A_412 = tpu.vector_load %arg16[%parallel_loop3A_410, %parallel_loop3A_411] {strides = array<i32>} : memref<80x128xf32, #tpu.memory_space<vmem>>, vector<1x16xf32>,
      %parallel_loop3A_413 = vector.shape_cast %parallel_loop3A_412 : vector<1x16xf32> to vector<16xf32>
      %parallel_loop3A_414 = arith.mulf %parallel_loop3A_409, %parallel_loop3A_413 : vector<16xf32>
      %parallel_loop3A_415 = arith.index_cast %parallel_loop3A_405 : i32 to index
      %parallel_loop3A_416 = arith.constant 0 : index
      %parallel_loop3A_417 = tpu.vector_load %arg15[%parallel_loop3A_415, %parallel_loop3A_416] {strides = array<i32>} : memref<80x128xf32, #tpu.memory_space<vmem>>, vector<1x16xf32>,
      %parallel_loop3A_418 = vector.shape_cast %parallel_loop3A_417 : vector<1x16xf32> to vector<16xf32>
      %parallel_loop3A_419 = vector.shape_cast %parallel_loop3A_414 : vector<16xf32> to vector<1x16xf32>
      tpu.vector_store %arg15[%parallel_loop3A_415, %parallel_loop3A_416], %parallel_loop3A_419 {strides = array<i32>} : memref<80x128xf32, #tpu.memory_space<vmem>>, vector<1x16xf32>,
      %parallel_loop3A_420 = arith.index_cast %parallel_loop3A_405 : i32 to index
      %parallel_loop3A_421 = arith.constant 16 : index
      %parallel_loop3A_422 = tpu.vector_load %arg15[%parallel_loop3A_420, %parallel_loop3A_421] {strides = array<i32>} : memref<80x128xf32, #tpu.memory_space<vmem>>, vector<1x16xf32>,
      %parallel_loop3A_423 = vector.shape_cast %parallel_loop3A_422 : vector<1x16xf32> to vector<16xf32>
      %parallel_loop3A_424 = arith.index_cast %parallel_loop3A_405 : i32 to index
      %parallel_loop3A_425 = arith.constant 16 : index
      %parallel_loop3A_426 = tpu.vector_load %arg16[%parallel_loop3A_424, %parallel_loop3A_425] {strides = array<i32>} : memref<80x128xf32, #tpu.memory_space<vmem>>, vector<1x16xf32>,
      %parallel_loop3A_427 = vector.shape_cast %parallel_loop3A_426 : vector<1x16xf32> to vector<16xf32>
      %parallel_loop3A_428 = arith.mulf %parallel_loop3A_423, %parallel_loop3A_427 : vector<16xf32>
      %parallel_loop3A_429 = arith.index_cast %parallel_loop3A_405 : i32 to index
      %parallel_loop3A_430 = arith.constant 16 : index
      %parallel_loop3A_431 = tpu.vector_load %arg15[%parallel_loop3A_429, %parallel_loop3A_430] {strides = array<i32>} : memref<80x128xf32, #tpu.memory_space<vmem>>, vector<1x16xf32>,
      %parallel_loop3A_432 = vector.shape_cast %parallel_loop3A_431 : vector<1x16xf32> to vector<16xf32>
      %parallel_loop3A_433 = vector.shape_cast %parallel_loop3A_428 : vector<16xf32> to vector<1x16xf32>
      tpu.vector_store %arg15[%parallel_loop3A_429, %parallel_loop3A_430], %parallel_loop3A_433 {strides = array<i32>} : memref<80x128xf32, #tpu.memory_space<vmem>>, vector<1x16xf32>,
      %parallel_loop3A_434 = arith.index_cast %parallel_loop3A_405 : i32 to index
      %parallel_loop3A_435 = arith.constant 32 : index
      %parallel_loop3A_436 = tpu.vector_load %arg15[%parallel_loop3A_434, %parallel_loop3A_435] {strides = array<i32>} : memref<80x128xf32, #tpu.memory_space<vmem>>, vector<1x16xf32>,
      %parallel_loop3A_437 = vector.shape_cast %parallel_loop3A_436 : vector<1x16xf32> to vector<16xf32>
      %parallel_loop3A_438 = arith.index_cast %parallel_loop3A_405 : i32 to index
      %parallel_loop3A_439 = arith.constant 32 : index
      %parallel_loop3A_440 = tpu.vector_load %arg16[%parallel_loop3A_438, %parallel_loop3A_439] {strides = array<i32>} : memref<80x128xf32, #tpu.memory_space<vmem>>, vector<1x16xf32>,
      %parallel_loop3A_441 = vector.shape_cast %parallel_loop3A_440 : vector<1x16xf32> to vector<16xf32>
      %parallel_loop3A_442 = arith.mulf %parallel_loop3A_437, %parallel_loop3A_441 : vector<16xf32>
      %parallel_loop3A_443 = arith.index_cast %parallel_loop3A_405 : i32 to index
      %parallel_loop3A_444 = arith.constant 32 : index
      %parallel_loop3A_445 = tpu.vector_load %arg15[%parallel_loop3A_443, %parallel_loop3A_444] {strides = array<i32>} : memref<80x128xf32, #tpu.memory_space<vmem>>, vector<1x16xf32>,
      %parallel_loop3A_446 = vector.shape_cast %parallel_loop3A_445 : vector<1x16xf32> to vector<16xf32>
      %parallel_loop3A_447 = vector.shape_cast %parallel_loop3A_442 : vector<16xf32> to vector<1x16xf32>
      tpu.vector_store %arg15[%parallel_loop3A_443, %parallel_loop3A_444], %parallel_loop3A_447 {strides = array<i32>} : memref<80x128xf32, #tpu.memory_space<vmem>>, vector<1x16xf32>,
      %parallel_loop3A_448 = arith.index_cast %parallel_loop3A_405 : i32 to index
      %parallel_loop3A_449 = arith.constant 48 : index
      %parallel_loop3A_450 = tpu.vector_load %arg15[%parallel_loop3A_448, %parallel_loop3A_449] {strides = array<i32>} : memref<80x128xf32, #tpu.memory_space<vmem>>, vector<1x16xf32>,
      %parallel_loop3A_451 = vector.shape_cast %parallel_loop3A_450 : vector<1x16xf32> to vector<16xf32>
      %parallel_loop3A_452 = arith.index_cast %parallel_loop3A_405 : i32 to index
      %parallel_loop3A_453 = arith.constant 48 : index
      %parallel_loop3A_454 = tpu.vector_load %arg16[%parallel_loop3A_452, %parallel_loop3A_453] {strides = array<i32>} : memref<80x128xf32, #tpu.memory_space<vmem>>, vector<1x16xf32>,
      %parallel_loop3A_455 = vector.shape_cast %parallel_loop3A_454 : vector<1x16xf32> to vector<16xf32>
      %parallel_loop3A_456 = arith.mulf %parallel_loop3A_451, %parallel_loop3A_455 : vector<16xf32>
      %parallel_loop3A_457 = arith.index_cast %parallel_loop3A_405 : i32 to index
      %parallel_loop3A_458 = arith.constant 48 : index
      %parallel_loop3A_459 = tpu.vector_load %arg15[%parallel_loop3A_457, %parallel_loop3A_458] {strides = array<i32>} : memref<80x128xf32, #tpu.memory_space<vmem>>, vector<1x16xf32>,
      %parallel_loop3A_460 = vector.shape_cast %parallel_loop3A_459 : vector<1x16xf32> to vector<16xf32>
      %parallel_loop3A_461 = vector.shape_cast %parallel_loop3A_456 : vector<16xf32> to vector<1x16xf32>
      tpu.vector_store %arg15[%parallel_loop3A_457, %parallel_loop3A_458], %parallel_loop3A_461 {strides = array<i32>} : memref<80x128xf32, #tpu.memory_space<vmem>>, vector<1x16xf32>,
      %parallel_loop3A_462 = arith.index_cast %parallel_loop3A_405 : i32 to index
      %parallel_loop3A_463 = arith.constant 64 : index
      %parallel_loop3A_464 = tpu.vector_load %arg15[%parallel_loop3A_462, %parallel_loop3A_463] {strides = array<i32>} : memref<80x128xf32, #tpu.memory_space<vmem>>, vector<1x16xf32>,
      %parallel_loop3A_465 = vector.shape_cast %parallel_loop3A_464 : vector<1x16xf32> to vector<16xf32>
      %parallel_loop3A_466 = arith.index_cast %parallel_loop3A_405 : i32 to index
      %parallel_loop3A_467 = arith.constant 64 : index
      %parallel_loop3A_468 = tpu.vector_load %arg16[%parallel_loop3A_466, %parallel_loop3A_467] {strides = array<i32>} : memref<80x128xf32, #tpu.memory_space<vmem>>, vector<1x16xf32>,
      %parallel_loop3A_469 = vector.shape_cast %parallel_loop3A_468 : vector<1x16xf32> to vector<16xf32>
      %parallel_loop3A_470 = arith.mulf %parallel_loop3A_465, %parallel_loop3A_469 : vector<16xf32>
      %parallel_loop3A_471 = arith.index_cast %parallel_loop3A_405 : i32 to index
      %parallel_loop3A_472 = arith.constant 64 : index
      %parallel_loop3A_473 = tpu.vector_load %arg15[%parallel_loop3A_471, %parallel_loop3A_472] {strides = array<i32>} : memref<80x128xf32, #tpu.memory_space<vmem>>, vector<1x16xf32>,
      %parallel_loop3A_474 = vector.shape_cast %parallel_loop3A_473 : vector<1x16xf32> to vector<16xf32>
      %parallel_loop3A_475 = vector.shape_cast %parallel_loop3A_470 : vector<16xf32> to vector<1x16xf32>
      tpu.vector_store %arg15[%parallel_loop3A_471, %parallel_loop3A_472], %parallel_loop3A_475 {strides = array<i32>} : memref<80x128xf32, #tpu.memory_space<vmem>>, vector<1x16xf32>,
      %parallel_loop3A_476 = arith.index_cast %parallel_loop3A_405 : i32 to index
      %parallel_loop3A_477 = arith.constant 80 : index
      %parallel_loop3A_478 = tpu.vector_load %arg15[%parallel_loop3A_476, %parallel_loop3A_477] {strides = array<i32>} : memref<80x128xf32, #tpu.memory_space<vmem>>, vector<1x16xf32>,
      %parallel_loop3A_479 = vector.shape_cast %parallel_loop3A_478 : vector<1x16xf32> to vector<16xf32>
      %parallel_loop3A_480 = arith.index_cast %parallel_loop3A_405 : i32 to index
      %parallel_loop3A_481 = arith.constant 80 : index
      %parallel_loop3A_482 = tpu.vector_load %arg16[%parallel_loop3A_480, %parallel_loop3A_481] {strides = array<i32>} : memref<80x128xf32, #tpu.memory_space<vmem>>, vector<1x16xf32>,
      %parallel_loop3A_483 = vector.shape_cast %parallel_loop3A_482 : vector<1x16xf32> to vector<16xf32>
      %parallel_loop3A_484 = arith.mulf %parallel_loop3A_479, %parallel_loop3A_483 : vector<16xf32>
      %parallel_loop3A_485 = arith.index_cast %parallel_loop3A_405 : i32 to index
      %parallel_loop3A_486 = arith.constant 80 : index
      %parallel_loop3A_487 = tpu.vector_load %arg15[%parallel_loop3A_485, %parallel_loop3A_486] {strides = array<i32>} : memref<80x128xf32, #tpu.memory_space<vmem>>, vector<1x16xf32>,
      %parallel_loop3A_488 = vector.shape_cast %parallel_loop3A_487 : vector<1x16xf32> to vector<16xf32>
      %parallel_loop3A_489 = vector.shape_cast %parallel_loop3A_484 : vector<16xf32> to vector<1x16xf32>
      tpu.vector_store %arg15[%parallel_loop3A_485, %parallel_loop3A_486], %parallel_loop3A_489 {strides = array<i32>} : memref<80x128xf32, #tpu.memory_space<vmem>>, vector<1x16xf32>,
      %parallel_loop3A_490 = arith.index_cast %parallel_loop3A_405 : i32 to index
      %parallel_loop3A_491 = arith.constant 96 : index
      %parallel_loop3A_492 = tpu.vector_load %arg15[%parallel_loop3A_490, %parallel_loop3A_491] {strides = array<i32>} : memref<80x128xf32, #tpu.memory_space<vmem>>, vector<1x16xf32>,
      %parallel_loop3A_493 = vector.shape_cast %parallel_loop3A_492 : vector<1x16xf32> to vector<16xf32>
      %parallel_loop3A_494 = arith.index_cast %parallel_loop3A_405 : i32 to index
      %parallel_loop3A_495 = arith.constant 96 : index
      %parallel_loop3A_496 = tpu.vector_load %arg16[%parallel_loop3A_494, %parallel_loop3A_495] {strides = array<i32>} : memref<80x128xf32, #tpu.memory_space<vmem>>, vector<1x16xf32>,
      %parallel_loop3A_497 = vector.shape_cast %parallel_loop3A_496 : vector<1x16xf32> to vector<16xf32>
      %parallel_loop3A_498 = arith.mulf %parallel_loop3A_493, %parallel_loop3A_497 : vector<16xf32>
      %parallel_loop3A_499 = arith.index_cast %parallel_loop3A_405 : i32 to index
      %parallel_loop3A_500 = arith.constant 96 : index
      %parallel_loop3A_501 = tpu.vector_load %arg15[%parallel_loop3A_499, %parallel_loop3A_500] {strides = array<i32>} : memref<80x128xf32, #tpu.memory_space<vmem>>, vector<1x16xf32>,
      %parallel_loop3A_502 = vector.shape_cast %parallel_loop3A_501 : vector<1x16xf32> to vector<16xf32>
      %parallel_loop3A_503 = vector.shape_cast %parallel_loop3A_498 : vector<16xf32> to vector<1x16xf32>
      tpu.vector_store %arg15[%parallel_loop3A_499, %parallel_loop3A_500], %parallel_loop3A_503 {strides = array<i32>} : memref<80x128xf32, #tpu.memory_space<vmem>>, vector<1x16xf32>,
      %parallel_loop3A_504 = arith.index_cast %parallel_loop3A_405 : i32 to index
      %parallel_loop3A_505 = arith.constant 112 : index
      %parallel_loop3A_506 = tpu.vector_load %arg15[%parallel_loop3A_504, %parallel_loop3A_505] {strides = array<i32>} : memref<80x128xf32, #tpu.memory_space<vmem>>, vector<1x16xf32>,
      %parallel_loop3A_507 = vector.shape_cast %parallel_loop3A_506 : vector<1x16xf32> to vector<16xf32>
      %parallel_loop3A_508 = arith.index_cast %parallel_loop3A_405 : i32 to index
      %parallel_loop3A_509 = arith.constant 112 : index
      %parallel_loop3A_510 = tpu.vector_load %arg16[%parallel_loop3A_508, %parallel_loop3A_509] {strides = array<i32>} : memref<80x128xf32, #tpu.memory_space<vmem>>, vector<1x16xf32>,
      %parallel_loop3A_511 = vector.shape_cast %parallel_loop3A_510 : vector<1x16xf32> to vector<16xf32>
      %parallel_loop3A_512 = arith.mulf %parallel_loop3A_507, %parallel_loop3A_511 : vector<16xf32>
      %parallel_loop3A_513 = arith.index_cast %parallel_loop3A_405 : i32 to index
      %parallel_loop3A_514 = arith.constant 112 : index
      %parallel_loop3A_515 = tpu.vector_load %arg15[%parallel_loop3A_513, %parallel_loop3A_514] {strides = array<i32>} : memref<80x128xf32, #tpu.memory_space<vmem>>, vector<1x16xf32>,
      %parallel_loop3A_516 = vector.shape_cast %parallel_loop3A_515 : vector<1x16xf32> to vector<16xf32>
      %parallel_loop3A_517 = vector.shape_cast %parallel_loop3A_512 : vector<16xf32> to vector<1x16xf32>
      tpu.vector_store %arg15[%parallel_loop3A_513, %parallel_loop3A_514], %parallel_loop3A_517 {strides = array<i32>} : memref<80x128xf32, #tpu.memory_space<vmem>>, vector<1x16xf32>,
    } {sc.loop_unroll_factor = 2 : i64, sc.parallel_access}
    %get3A_328 = arith.constant 0 : index
    %get3A_329 = tpu.vector_load %arg13[%get3A_328] {strides = array<i32>} : memref<80xi32, #tpu.memory_space<vmem>>, vector<16xi32>,
    %get3A_330 = vector.shape_cast %get3A_329 : vector<16xi32> to vector<16xi32>
    %swap3A_331 = arith.constant 0 : index
    %swap3A_332 = tpu.vector_load %arg14[%swap3A_331] {strides = array<i32>} : memref<80xi32, #tpu.memory_space<vmem>>, vector<16xi32>,
    %swap3A_333 = vector.shape_cast %swap3A_332 : vector<16xi32> to vector<16xi32>
    %swap3A_334 = vector.shape_cast %get3A_330 : vector<16xi32> to vector<16xi32>
    tpu.vector_store %arg14[%swap3A_331], %swap3A_334 {strides = array<i32>} : memref<80xi32, #tpu.memory_space<vmem>>, vector<16xi32>,
    %get3A_335 = arith.constant 16 : index
    %get3A_336 = tpu.vector_load %arg13[%get3A_335] {strides = array<i32>} : memref<80xi32, #tpu.memory_space<vmem>>, vector<16xi32>,
    %get3A_337 = vector.shape_cast %get3A_336 : vector<16xi32> to vector<16xi32>
    %swap3A_338 = arith.constant 16 : index
    %swap3A_339 = tpu.vector_load %arg14[%swap3A_338] {strides = array<i32>} : memref<80xi32, #tpu.memory_space<vmem>>, vector<16xi32>,
    %swap3A_340 = vector.shape_cast %swap3A_339 : vector<16xi32> to vector<16xi32>
    %swap3A_341 = vector.shape_cast %get3A_337 : vector<16xi32> to vector<16xi32>
    tpu.vector_store %arg14[%swap3A_338], %swap3A_341 {strides = array<i32>} : memref<80xi32, #tpu.memory_space<vmem>>, vector<16xi32>,
    %get3A_342 = arith.constant 32 : index
    %get3A_343 = tpu.vector_load %arg13[%get3A_342] {strides = array<i32>} : memref<80xi32, #tpu.memory_space<vmem>>, vector<16xi32>,
    %get3A_344 = vector.shape_cast %get3A_343 : vector<16xi32> to vector<16xi32>
    %swap3A_345 = arith.constant 32 : index
    %swap3A_346 = tpu.vector_load %arg14[%swap3A_345] {strides = array<i32>} : memref<80xi32, #tpu.memory_space<vmem>>, vector<16xi32>,
    %swap3A_347 = vector.shape_cast %swap3A_346 : vector<16xi32> to vector<16xi32>
    %swap3A_348 = vector.shape_cast %get3A_344 : vector<16xi32> to vector<16xi32>
    tpu.vector_store %arg14[%swap3A_345], %swap3A_348 {strides = array<i32>} : memref<80xi32, #tpu.memory_space<vmem>>, vector<16xi32>,
    %get3A_349 = arith.constant 48 : index
    %get3A_350 = tpu.vector_load %arg13[%get3A_349] {strides = array<i32>} : memref<80xi32, #tpu.memory_space<vmem>>, vector<16xi32>,
    %get3A_351 = vector.shape_cast %get3A_350 : vector<16xi32> to vector<16xi32>
    %swap3A_352 = arith.constant 48 : index
    %swap3A_353 = tpu.vector_load %arg14[%swap3A_352] {strides = array<i32>} : memref<80xi32, #tpu.memory_space<vmem>>, vector<16xi32>,
    %swap3A_354 = vector.shape_cast %swap3A_353 : vector<16xi32> to vector<16xi32>
    %swap3A_355 = vector.shape_cast %get3A_351 : vector<16xi32> to vector<16xi32>
    tpu.vector_store %arg14[%swap3A_352], %swap3A_355 {strides = array<i32>} : memref<80xi32, #tpu.memory_space<vmem>>, vector<16xi32>,
    %get3A_356 = arith.constant 64 : index
    %get3A_357 = tpu.vector_load %arg13[%get3A_356] {strides = array<i32>} : memref<80xi32, #tpu.memory_space<vmem>>, vector<16xi32>,
    %get3A_358 = vector.shape_cast %get3A_357 : vector<16xi32> to vector<16xi32>
    %swap3A_359 = arith.constant 64 : index
    %swap3A_360 = tpu.vector_load %arg14[%swap3A_359] {strides = array<i32>} : memref<80xi32, #tpu.memory_space<vmem>>, vector<16xi32>,
    %swap3A_361 = vector.shape_cast %swap3A_360 : vector<16xi32> to vector<16xi32>
    %swap3A_362 = vector.shape_cast %get3A_358 : vector<16xi32> to vector<16xi32>
    tpu.vector_store %arg14[%swap3A_359], %swap3A_362 {strides = array<i32>} : memref<80xi32, #tpu.memory_space<vmem>>, vector<16xi32>,
    %dma_start3A_363 = arith.constant 0 : i32
    %dma_start3A_364 = arith.constant 0 : i32
    %dma_start3A_365 = tpu.memref_slice %arg17[%dma_start3A_363, %dma_start3A_364] : memref<10112x128xf32, #tpu.memory_space<vmem_shared>> -> memref<10112x128xf32, #tpu.memory_space<vmem_shared>>
    tpu.enqueue_indirect_dma source(%arg15 : memref<80x128xf32, #tpu.memory_space<vmem>>) target(%dma_start3A_365 : memref<10112x128xf32, #tpu.memory_space<vmem_shared>>) offsets(%arg14 : memref<80xi32, #tpu.memory_space<vmem>>) semaphore(%arg23 : memref<!tpu.dma_semaphore, #tpu.memory_space<semaphore_mem>>) {add = true}
    %dma_wait3A_366 = arith.constant 0 : i32
    %dma_wait3A_367 = arith.constant 0 : i32
    %dma_wait3A_368 = tpu.memref_slice %arg17[%dma_wait3A_366, %dma_wait3A_367] : memref<10112x128xf32, #tpu.memory_space<vmem_shared>> -> memref<10112x128xf32, #tpu.memory_space<vmem_shared>>
    tpu.wait_indirect_dma semaphore(%arg20 : memref<!tpu.dma_semaphore, #tpu.memory_space<semaphore_mem>>) src(%arg10 : memref<80x128xf32, #tpu.memory_space<vmem>>) dst(%dma_wait3A_368 : memref<10112x128xf32, #tpu.memory_space<vmem_shared>>)
    %dma_wait3A_369 = arith.constant 0 : i32
    %dma_wait3A_370 = arith.constant 0 : i32
    %dma_wait3A_371 = tpu.memref_slice %arg17[%dma_wait3A_369, %dma_wait3A_370] : memref<10112x128xf32, #tpu.memory_space<vmem_shared>> -> memref<10112x128xf32, #tpu.memory_space<vmem_shared>>
    tpu.wait_indirect_dma semaphore(%arg23 : memref<!tpu.dma_semaphore, #tpu.memory_space<semaphore_mem>>) src(%arg15 : memref<80x128xf32, #tpu.memory_space<vmem>>) dst(%dma_wait3A_371 : memref<10112x128xf32, #tpu.memory_space<vmem_shared>>)
    %barrier3A_372 = arith.constant 0 : index
    tpu.barrier barrier_id(%barrier3A_372)
    %add3A_373 = arith.constant 0 : i32
    %add3A_374 = arith.addi %mul3A_2, %add3A_373 : i32
    "tpu.region"() ({
      %run_scoped3A = tpu.sem_alloc : memref<!tpu.dma_semaphore, #tpu.memory_space<semaphore_mem>>
      %dma_start3A_405 = arith.constant 0 : i32
      %dma_start3A_406 = arith.constant 0 : i32
      %dma_start3A_407 = tpu.memref_slice %arg10[%dma_start3A_405, %dma_start3A_406] : memref<80x128xf32, #tpu.memory_space<vmem>> -> memref<80x128xf32, #tpu.memory_space<vmem>>
      %dma_start3A_408 = arith.constant 0 : i32
      %dma_start3A_409 = tpu.memref_slice %arg17[%add3A_374, %dma_start3A_408] : memref<10112x128xf32, #tpu.memory_space<vmem_shared>> -> memref<80x128xf32, #tpu.memory_space<vmem_shared>>
      %dma_start3A_410 = arith.constant 0 : i32
      %dma_start3A_411 = arith.constant 0 : i32
      %dma_start3A_412 = tpu.memref_slice %arg10[%dma_start3A_410, %dma_start3A_411] : memref<80x128xf32, #tpu.memory_space<vmem>> -> memref<80x128xf32, #tpu.memory_space<vmem>>
      %dma_start3A_413 = arith.constant 0 : i32
      %dma_start3A_414 = tpu.memref_slice %arg17[%add3A_374, %dma_start3A_413] : memref<10112x128xf32, #tpu.memory_space<vmem_shared>> -> memref<80x128xf32, #tpu.memory_space<vmem_shared>>
      tpu.enqueue_dma source(%dma_start3A_414 : memref<80x128xf32, #tpu.memory_space<vmem_shared>>) target(%dma_start3A_412 : memref<80x128xf32, #tpu.memory_space<vmem>>) target_semaphore(%run_scoped3A : memref<!tpu.dma_semaphore, #tpu.memory_space<semaphore_mem>>)
      %dma_wait3A_415 = arith.constant 0 : i32
      %dma_wait3A_416 = arith.constant 0 : i32
      %dma_wait3A_417 = tpu.memref_slice %arg10[%dma_wait3A_415, %dma_wait3A_416] : memref<80x128xf32, #tpu.memory_space<vmem>> -> memref<80x128xf32, #tpu.memory_space<vmem>>
      %dma_wait3A_418 = arith.constant 0 : i32
      %dma_wait3A_419 = tpu.memref_slice %arg17[%add3A_374, %dma_wait3A_418] : memref<10112x128xf32, #tpu.memory_space<vmem_shared>> -> memref<80x128xf32, #tpu.memory_space<vmem_shared>>
      %dma_wait3A_420 = arith.constant 0 : i32
      %dma_wait3A_421 = arith.constant 0 : i32
      %dma_wait3A_422 = tpu.memref_slice %arg10[%dma_wait3A_420, %dma_wait3A_421] : memref<80x128xf32, #tpu.memory_space<vmem>> -> memref<80x128xf32, #tpu.memory_space<vmem>>
      %dma_wait3A_423 = arith.constant 0 : i32
      %dma_wait3A_424 = tpu.memref_slice %arg17[%add3A_374, %dma_wait3A_423] : memref<10112x128xf32, #tpu.memory_space<vmem_shared>> -> memref<80x128xf32, #tpu.memory_space<vmem_shared>>
      tpu.wait_dma2 semaphore(%run_scoped3A : memref<!tpu.dma_semaphore, #tpu.memory_space<semaphore_mem>>) src(%dma_wait3A_424 : memref<80x128xf32, #tpu.memory_space<vmem_shared>>) dst(%dma_wait3A_422 : memref<80x128xf32, #tpu.memory_space<vmem>>)
      tpu.yield
    }) : () -> ()
    %add3A_375 = arith.constant 0 : i32
    %add3A_376 = arith.addi %mul3A_2, %add3A_375 : i32
    "tpu.region"() ({
      %run_scoped3A = tpu.sem_alloc : memref<!tpu.dma_semaphore, #tpu.memory_space<semaphore_mem>>
      %dma_start3A_405 = arith.constant 0 : i32
      %dma_start3A_406 = arith.constant 0 : i32
      %dma_start3A_407 = tpu.memref_slice %arg10[%dma_start3A_405, %dma_start3A_406] : memref<80x128xf32, #tpu.memory_space<vmem>> -> memref<80x128xf32, #tpu.memory_space<vmem>>
      %dma_start3A_408 = arith.constant 0 : i32
      %dma_start3A_409 = tpu.memref_slice %arg6[%arg0, %add3A_376, %dma_start3A_408] : memref<2x10112x128xf32, #tpu.memory_space<hbm>> -> memref<1x80x128xf32, #tpu.memory_space<hbm>>
      %dma_start3A_410 = tpu.memref_squeeze %dma_start3A_409 : memref<1x80x128xf32, #tpu.memory_space<hbm>> -> memref<80x128xf32, #tpu.memory_space<hbm>>
      %dma_start3A_411 = arith.constant 0 : i32
      %dma_start3A_412 = tpu.memref_slice %arg6[%arg0, %add3A_376, %dma_start3A_411] : memref<2x10112x128xf32, #tpu.memory_space<hbm>> -> memref<1x80x128xf32, #tpu.memory_space<hbm>>
      %dma_start3A_413 = tpu.memref_squeeze %dma_start3A_412 : memref<1x80x128xf32, #tpu.memory_space<hbm>> -> memref<80x128xf32, #tpu.memory_space<hbm>>
      %dma_start3A_414 = arith.constant 0 : i32
      %dma_start3A_415 = arith.constant 0 : i32
      %dma_start3A_416 = tpu.memref_slice %arg10[%dma_start3A_414, %dma_start3A_415] : memref<80x128xf32, #tpu.memory_space<vmem>> -> memref<80x128xf32, #tpu.memory_space<vmem>>
      tpu.enqueue_dma source(%dma_start3A_416 : memref<80x128xf32, #tpu.memory_space<vmem>>) target(%dma_start3A_413 : memref<80x128xf32, #tpu.memory_space<hbm>>) target_semaphore(%run_scoped3A : memref<!tpu.dma_semaphore, #tpu.memory_space<semaphore_mem>>)
      %dma_wait3A_417 = arith.constant 0 : i32
      %dma_wait3A_418 = arith.constant 0 : i32
      %dma_wait3A_419 = tpu.memref_slice %arg10[%dma_wait3A_417, %dma_wait3A_418] : memref<80x128xf32, #tpu.memory_space<vmem>> -> memref<80x128xf32, #tpu.memory_space<vmem>>
      %dma_wait3A_420 = arith.constant 0 : i32
      %dma_wait3A_421 = tpu.memref_slice %arg6[%arg0, %add3A_376, %dma_wait3A_420] : memref<2x10112x128xf32, #tpu.memory_space<hbm>> -> memref<1x80x128xf32, #tpu.memory_space<hbm>>
      %dma_wait3A_422 = tpu.memref_squeeze %dma_wait3A_421 : memref<1x80x128xf32, #tpu.memory_space<hbm>> -> memref<80x128xf32, #tpu.memory_space<hbm>>
      %dma_wait3A_423 = arith.constant 0 : i32
      %dma_wait3A_424 = tpu.memref_slice %arg6[%arg0, %add3A_376, %dma_wait3A_423] : memref<2x10112x128xf32, #tpu.memory_space<hbm>> -> memref<1x80x128xf32, #tpu.memory_space<hbm>>
      %dma_wait3A_425 = tpu.memref_squeeze %dma_wait3A_424 : memref<1x80x128xf32, #tpu.memory_space<hbm>> -> memref<80x128xf32, #tpu.memory_space<hbm>>
      %dma_wait3A_426 = arith.constant 0 : i32
      %dma_wait3A_427 = arith.constant 0 : i32
      %dma_wait3A_428 = tpu.memref_slice %arg10[%dma_wait3A_426, %dma_wait3A_427] : memref<80x128xf32, #tpu.memory_space<vmem>> -> memref<80x128xf32, #tpu.memory_space<vmem>>
      tpu.wait_dma2 semaphore(%run_scoped3A : memref<!tpu.dma_semaphore, #tpu.memory_space<semaphore_mem>>) src(%dma_wait3A_428 : memref<80x128xf32, #tpu.memory_space<vmem>>) dst(%dma_wait3A_425 : memref<80x128xf32, #tpu.memory_space<hbm>>)
      tpu.yield
    }) : () -> ()
    %add3A_377 = arith.constant 80 : i32
    %add3A_378 = arith.addi %mul3A_2, %add3A_377 : i32
    "tpu.region"() ({
      %run_scoped3A = tpu.sem_alloc : memref<!tpu.dma_semaphore, #tpu.memory_space<semaphore_mem>>
      %dma_start3A_405 = arith.constant 0 : i32
      %dma_start3A_406 = arith.constant 0 : i32
      %dma_start3A_407 = tpu.memref_slice %arg10[%dma_start3A_405, %dma_start3A_406] : memref<80x128xf32, #tpu.memory_space<vmem>> -> memref<80x128xf32, #tpu.memory_space<vmem>>
      %dma_start3A_408 = arith.constant 0 : i32
      %dma_start3A_409 = tpu.memref_slice %arg17[%add3A_378, %dma_start3A_408] : memref<10112x128xf32, #tpu.memory_space<vmem_shared>> -> memref<80x128xf32, #tpu.memory_space<vmem_shared>>
      %dma_start3A_410 = arith.constant 0 : i32
      %dma_start3A_411 = arith.constant 0 : i32
      %dma_start3A_412 = tpu.memref_slice %arg10[%dma_start3A_410, %dma_start3A_411] : memref<80x128xf32, #tpu.memory_space<vmem>> -> memref<80x128xf32, #tpu.memory_space<vmem>>
      %dma_start3A_413 = arith.constant 0 : i32
      %dma_start3A_414 = tpu.memref_slice %arg17[%add3A_378, %dma_start3A_413] : memref<10112x128xf32, #tpu.memory_space<vmem_shared>> -> memref<80x128xf32, #tpu.memory_space<vmem_shared>>
      tpu.enqueue_dma source(%dma_start3A_414 : memref<80x128xf32, #tpu.memory_space<vmem_shared>>) target(%dma_start3A_412 : memref<80x128xf32, #tpu.memory_space<vmem>>) target_semaphore(%run_scoped3A : memref<!tpu.dma_semaphore, #tpu.memory_space<semaphore_mem>>)
      %dma_wait3A_415 = arith.constant 0 : i32
      %dma_wait3A_416 = arith.constant 0 : i32
      %dma_wait3A_417 = tpu.memref_slice %arg10[%dma_wait3A_415, %dma_wait3A_416] : memref<80x128xf32, #tpu.memory_space<vmem>> -> memref<80x128xf32, #tpu.memory_space<vmem>>
      %dma_wait3A_418 = arith.constant 0 : i32
      %dma_wait3A_419 = tpu.memref_slice %arg17[%add3A_378, %dma_wait3A_418] : memref<10112x128xf32, #tpu.memory_space<vmem_shared>> -> memref<80x128xf32, #tpu.memory_space<vmem_shared>>
      %dma_wait3A_420 = arith.constant 0 : i32
      %dma_wait3A_421 = arith.constant 0 : i32
      %dma_wait3A_422 = tpu.memref_slice %arg10[%dma_wait3A_420, %dma_wait3A_421] : memref<80x128xf32, #tpu.memory_space<vmem>> -> memref<80x128xf32, #tpu.memory_space<vmem>>
      %dma_wait3A_423 = arith.constant 0 : i32
      %dma_wait3A_424 = tpu.memref_slice %arg17[%add3A_378, %dma_wait3A_423] : memref<10112x128xf32, #tpu.memory_space<vmem_shared>> -> memref<80x128xf32, #tpu.memory_space<vmem_shared>>
      tpu.wait_dma2 semaphore(%run_scoped3A : memref<!tpu.dma_semaphore, #tpu.memory_space<semaphore_mem>>) src(%dma_wait3A_424 : memref<80x128xf32, #tpu.memory_space<vmem_shared>>) dst(%dma_wait3A_422 : memref<80x128xf32, #tpu.memory_space<vmem>>)
      tpu.yield
    }) : () -> ()
    %add3A_379 = arith.constant 80 : i32
    %add3A_380 = arith.addi %mul3A_2, %add3A_379 : i32
    "tpu.region"() ({
      %run_scoped3A = tpu.sem_alloc : memref<!tpu.dma_semaphore, #tpu.memory_space<semaphore_mem>>
      %dma_start3A_405 = arith.constant 0 : i32
      %dma_start3A_406 = arith.constant 0 : i32
      %dma_start3A_407 = tpu.memref_slice %arg10[%dma_start3A_405, %dma_start3A_406] : memref<80x128xf32, #tpu.memory_space<vmem>> -> memref<80x128xf32, #tpu.memory_space<vmem>>
      %dma_start3A_408 = arith.constant 0 : i32
      %dma_start3A_409 = tpu.memref_slice %arg6[%arg0, %add3A_380, %dma_start3A_408] : memref<2x10112x128xf32, #tpu.memory_space<hbm>> -> memref<1x80x128xf32, #tpu.memory_space<hbm>>
      %dma_start3A_410 = tpu.memref_squeeze %dma_start3A_409 : memref<1x80x128xf32, #tpu.memory_space<hbm>> -> memref<80x128xf32, #tpu.memory_space<hbm>>
      %dma_start3A_411 = arith.constant 0 : i32
      %dma_start3A_412 = tpu.memref_slice %arg6[%arg0, %add3A_380, %dma_start3A_411] : memref<2x10112x128xf32, #tpu.memory_space<hbm>> -> memref<1x80x128xf32, #tpu.memory_space<hbm>>
      %dma_start3A_413 = tpu.memref_squeeze %dma_start3A_412 : memref<1x80x128xf32, #tpu.memory_space<hbm>> -> memref<80x128xf32, #tpu.memory_space<hbm>>
      %dma_start3A_414 = arith.constant 0 : i32
      %dma_start3A_415 = arith.constant 0 : i32
      %dma_start3A_416 = tpu.memref_slice %arg10[%dma_start3A_414, %dma_start3A_415] : memref<80x128xf32, #tpu.memory_space<vmem>> -> memref<80x128xf32, #tpu.memory_space<vmem>>
      tpu.enqueue_dma source(%dma_start3A_416 : memref<80x128xf32, #tpu.memory_space<vmem>>) target(%dma_start3A_413 : memref<80x128xf32, #tpu.memory_space<hbm>>) target_semaphore(%run_scoped3A : memref<!tpu.dma_semaphore, #tpu.memory_space<semaphore_mem>>)
      %dma_wait3A_417 = arith.constant 0 : i32
      %dma_wait3A_418 = arith.constant 0 : i32
      %dma_wait3A_419 = tpu.memref_slice %arg10[%dma_wait3A_417, %dma_wait3A_418] : memref<80x128xf32, #tpu.memory_space<vmem>> -> memref<80x128xf32, #tpu.memory_space<vmem>>
      %dma_wait3A_420 = arith.constant 0 : i32
      %dma_wait3A_421 = tpu.memref_slice %arg6[%arg0, %add3A_380, %dma_wait3A_420] : memref<2x10112x128xf32, #tpu.memory_space<hbm>> -> memref<1x80x128xf32, #tpu.memory_space<hbm>>
      %dma_wait3A_422 = tpu.memref_squeeze %dma_wait3A_421 : memref<1x80x128xf32, #tpu.memory_space<hbm>> -> memref<80x128xf32, #tpu.memory_space<hbm>>
      %dma_wait3A_423 = arith.constant 0 : i32
      %dma_wait3A_424 = tpu.memref_slice %arg6[%arg0, %add3A_380, %dma_wait3A_423] : memref<2x10112x128xf32, #tpu.memory_space<hbm>> -> memref<1x80x128xf32, #tpu.memory_space<hbm>>
      %dma_wait3A_425 = tpu.memref_squeeze %dma_wait3A_424 : memref<1x80x128xf32, #tpu.memory_space<hbm>> -> memref<80x128xf32, #tpu.memory_space<hbm>>
      %dma_wait3A_426 = arith.constant 0 : i32
      %dma_wait3A_427 = arith.constant 0 : i32
      %dma_wait3A_428 = tpu.memref_slice %arg10[%dma_wait3A_426, %dma_wait3A_427] : memref<80x128xf32, #tpu.memory_space<vmem>> -> memref<80x128xf32, #tpu.memory_space<vmem>>
      tpu.wait_dma2 semaphore(%run_scoped3A : memref<!tpu.dma_semaphore, #tpu.memory_space<semaphore_mem>>) src(%dma_wait3A_428 : memref<80x128xf32, #tpu.memory_space<vmem>>) dst(%dma_wait3A_425 : memref<80x128xf32, #tpu.memory_space<hbm>>)
      tpu.yield
    }) : () -> ()
    %add3A_381 = arith.constant 160 : i32
    %add3A_382 = arith.addi %mul3A_2, %add3A_381 : i32
    "tpu.region"() ({
      %run_scoped3A = tpu.sem_alloc : memref<!tpu.dma_semaphore, #tpu.memory_space<semaphore_mem>>
      %dma_start3A_405 = arith.constant 0 : i32
      %dma_start3A_406 = arith.constant 0 : i32
      %dma_start3A_407 = tpu.memref_slice %arg10[%dma_start3A_405, %dma_start3A_406] : memref<80x128xf32, #tpu.memory_space<vmem>> -> memref<80x128xf32, #tpu.memory_space<vmem>>
      %dma_start3A_408 = arith.constant 0 : i32
      %dma_start3A_409 = tpu.memref_slice %arg17[%add3A_382, %dma_start3A_408] : memref<10112x128xf32, #tpu.memory_space<vmem_shared>> -> memref<80x128xf32, #tpu.memory_space<vmem_shared>>
      %dma_start3A_410 = arith.constant 0 : i32
      %dma_start3A_411 = arith.constant 0 : i32
      %dma_start3A_412 = tpu.memref_slice %arg10[%dma_start3A_410, %dma_start3A_411] : memref<80x128xf32, #tpu.memory_space<vmem>> -> memref<80x128xf32, #tpu.memory_space<vmem>>
      %dma_start3A_413 = arith.constant 0 : i32
      %dma_start3A_414 = tpu.memref_slice %arg17[%add3A_382, %dma_start3A_413] : memref<10112x128xf32, #tpu.memory_space<vmem_shared>> -> memref<80x128xf32, #tpu.memory_space<vmem_shared>>
      tpu.enqueue_dma source(%dma_start3A_414 : memref<80x128xf32, #tpu.memory_space<vmem_shared>>) target(%dma_start3A_412 : memref<80x128xf32, #tpu.memory_space<vmem>>) target_semaphore(%run_scoped3A : memref<!tpu.dma_semaphore, #tpu.memory_space<semaphore_mem>>)
      %dma_wait3A_415 = arith.constant 0 : i32
      %dma_wait3A_416 = arith.constant 0 : i32
      %dma_wait3A_417 = tpu.memref_slice %arg10[%dma_wait3A_415, %dma_wait3A_416] : memref<80x128xf32, #tpu.memory_space<vmem>> -> memref<80x128xf32, #tpu.memory_space<vmem>>
      %dma_wait3A_418 = arith.constant 0 : i32
      %dma_wait3A_419 = tpu.memref_slice %arg17[%add3A_382, %dma_wait3A_418] : memref<10112x128xf32, #tpu.memory_space<vmem_shared>> -> memref<80x128xf32, #tpu.memory_space<vmem_shared>>
      %dma_wait3A_420 = arith.constant 0 : i32
      %dma_wait3A_421 = arith.constant 0 : i32
      %dma_wait3A_422 = tpu.memref_slice %arg10[%dma_wait3A_420, %dma_wait3A_421] : memref<80x128xf32, #tpu.memory_space<vmem>> -> memref<80x128xf32, #tpu.memory_space<vmem>>
      %dma_wait3A_423 = arith.constant 0 : i32
      %dma_wait3A_424 = tpu.memref_slice %arg17[%add3A_382, %dma_wait3A_423] : memref<10112x128xf32, #tpu.memory_space<vmem_shared>> -> memref<80x128xf32, #tpu.memory_space<vmem_shared>>
      tpu.wait_dma2 semaphore(%run_scoped3A : memref<!tpu.dma_semaphore, #tpu.memory_space<semaphore_mem>>) src(%dma_wait3A_424 : memref<80x128xf32, #tpu.memory_space<vmem_shared>>) dst(%dma_wait3A_422 : memref<80x128xf32, #tpu.memory_space<vmem>>)
      tpu.yield
    }) : () -> ()
    %add3A_383 = arith.constant 160 : i32
    %add3A_384 = arith.addi %mul3A_2, %add3A_383 : i32
    "tpu.region"() ({
      %run_scoped3A = tpu.sem_alloc : memref<!tpu.dma_semaphore, #tpu.memory_space<semaphore_mem>>
      %dma_start3A_405 = arith.constant 0 : i32
      %dma_start3A_406 = arith.constant 0 : i32
      %dma_start3A_407 = tpu.memref_slice %arg10[%dma_start3A_405, %dma_start3A_406] : memref<80x128xf32, #tpu.memory_space<vmem>> -> memref<80x128xf32, #tpu.memory_space<vmem>>
      %dma_start3A_408 = arith.constant 0 : i32
      %dma_start3A_409 = tpu.memref_slice %arg6[%arg0, %add3A_384, %dma_start3A_408] : memref<2x10112x128xf32, #tpu.memory_space<hbm>> -> memref<1x80x128xf32, #tpu.memory_space<hbm>>
      %dma_start3A_410 = tpu.memref_squeeze %dma_start3A_409 : memref<1x80x128xf32, #tpu.memory_space<hbm>> -> memref<80x128xf32, #tpu.memory_space<hbm>>
      %dma_start3A_411 = arith.constant 0 : i32
      %dma_start3A_412 = tpu.memref_slice %arg6[%arg0, %add3A_384, %dma_start3A_411] : memref<2x10112x128xf32, #tpu.memory_space<hbm>> -> memref<1x80x128xf32, #tpu.memory_space<hbm>>
      %dma_start3A_413 = tpu.memref_squeeze %dma_start3A_412 : memref<1x80x128xf32, #tpu.memory_space<hbm>> -> memref<80x128xf32, #tpu.memory_space<hbm>>
      %dma_start3A_414 = arith.constant 0 : i32
      %dma_start3A_415 = arith.constant 0 : i32
      %dma_start3A_416 = tpu.memref_slice %arg10[%dma_start3A_414, %dma_start3A_415] : memref<80x128xf32, #tpu.memory_space<vmem>> -> memref<80x128xf32, #tpu.memory_space<vmem>>
      tpu.enqueue_dma source(%dma_start3A_416 : memref<80x128xf32, #tpu.memory_space<vmem>>) target(%dma_start3A_413 : memref<80x128xf32, #tpu.memory_space<hbm>>) target_semaphore(%run_scoped3A : memref<!tpu.dma_semaphore, #tpu.memory_space<semaphore_mem>>)
      %dma_wait3A_417 = arith.constant 0 : i32
      %dma_wait3A_418 = arith.constant 0 : i32
      %dma_wait3A_419 = tpu.memref_slice %arg10[%dma_wait3A_417, %dma_wait3A_418] : memref<80x128xf32, #tpu.memory_space<vmem>> -> memref<80x128xf32, #tpu.memory_space<vmem>>
      %dma_wait3A_420 = arith.constant 0 : i32
      %dma_wait3A_421 = tpu.memref_slice %arg6[%arg0, %add3A_384, %dma_wait3A_420] : memref<2x10112x128xf32, #tpu.memory_space<hbm>> -> memref<1x80x128xf32, #tpu.memory_space<hbm>>
      %dma_wait3A_422 = tpu.memref_squeeze %dma_wait3A_421 : memref<1x80x128xf32, #tpu.memory_space<hbm>> -> memref<80x128xf32, #tpu.memory_space<hbm>>
      %dma_wait3A_423 = arith.constant 0 : i32
      %dma_wait3A_424 = tpu.memref_slice %arg6[%arg0, %add3A_384, %dma_wait3A_423] : memref<2x10112x128xf32, #tpu.memory_space<hbm>> -> memref<1x80x128xf32, #tpu.memory_space<hbm>>
      %dma_wait3A_425 = tpu.memref_squeeze %dma_wait3A_424 : memref<1x80x128xf32, #tpu.memory_space<hbm>> -> memref<80x128xf32, #tpu.memory_space<hbm>>
      %dma_wait3A_426 = arith.constant 0 : i32
      %dma_wait3A_427 = arith.constant 0 : i32
      %dma_wait3A_428 = tpu.memref_slice %arg10[%dma_wait3A_426, %dma_wait3A_427] : memref<80x128xf32, #tpu.memory_space<vmem>> -> memref<80x128xf32, #tpu.memory_space<vmem>>
      tpu.wait_dma2 semaphore(%run_scoped3A : memref<!tpu.dma_semaphore, #tpu.memory_space<semaphore_mem>>) src(%dma_wait3A_428 : memref<80x128xf32, #tpu.memory_space<vmem>>) dst(%dma_wait3A_425 : memref<80x128xf32, #tpu.memory_space<hbm>>)
      tpu.yield
    }) : () -> ()
    %add3A_385 = arith.constant 240 : i32
    %add3A_386 = arith.addi %mul3A_2, %add3A_385 : i32
    "tpu.region"() ({
      %run_scoped3A = tpu.sem_alloc : memref<!tpu.dma_semaphore, #tpu.memory_space<semaphore_mem>>
      %dma_start3A_405 = arith.constant 0 : i32
      %dma_start3A_406 = arith.constant 0 : i32
      %dma_start3A_407 = tpu.memref_slice %arg10[%dma_start3A_405, %dma_start3A_406] : memref<80x128xf32, #tpu.memory_space<vmem>> -> memref<80x128xf32, #tpu.memory_space<vmem>>
      %dma_start3A_408 = arith.constant 0 : i32
      %dma_start3A_409 = tpu.memref_slice %arg17[%add3A_386, %dma_start3A_408] : memref<10112x128xf32, #tpu.memory_space<vmem_shared>> -> memref<80x128xf32, #tpu.memory_space<vmem_shared>>
      %dma_start3A_410 = arith.constant 0 : i32
      %dma_start3A_411 = arith.constant 0 : i32
      %dma_start3A_412 = tpu.memref_slice %arg10[%dma_start3A_410, %dma_start3A_411] : memref<80x128xf32, #tpu.memory_space<vmem>> -> memref<80x128xf32, #tpu.memory_space<vmem>>
      %dma_start3A_413 = arith.constant 0 : i32
      %dma_start3A_414 = tpu.memref_slice %arg17[%add3A_386, %dma_start3A_413] : memref<10112x128xf32, #tpu.memory_space<vmem_shared>> -> memref<80x128xf32, #tpu.memory_space<vmem_shared>>
      tpu.enqueue_dma source(%dma_start3A_414 : memref<80x128xf32, #tpu.memory_space<vmem_shared>>) target(%dma_start3A_412 : memref<80x128xf32, #tpu.memory_space<vmem>>) target_semaphore(%run_scoped3A : memref<!tpu.dma_semaphore, #tpu.memory_space<semaphore_mem>>)
      %dma_wait3A_415 = arith.constant 0 : i32
      %dma_wait3A_416 = arith.constant 0 : i32
      %dma_wait3A_417 = tpu.memref_slice %arg10[%dma_wait3A_415, %dma_wait3A_416] : memref<80x128xf32, #tpu.memory_space<vmem>> -> memref<80x128xf32, #tpu.memory_space<vmem>>
      %dma_wait3A_418 = arith.constant 0 : i32
      %dma_wait3A_419 = tpu.memref_slice %arg17[%add3A_386, %dma_wait3A_418] : memref<10112x128xf32, #tpu.memory_space<vmem_shared>> -> memref<80x128xf32, #tpu.memory_space<vmem_shared>>
      %dma_wait3A_420 = arith.constant 0 : i32
      %dma_wait3A_421 = arith.constant 0 : i32
      %dma_wait3A_422 = tpu.memref_slice %arg10[%dma_wait3A_420, %dma_wait3A_421] : memref<80x128xf32, #tpu.memory_space<vmem>> -> memref<80x128xf32, #tpu.memory_space<vmem>>
      %dma_wait3A_423 = arith.constant 0 : i32
      %dma_wait3A_424 = tpu.memref_slice %arg17[%add3A_386, %dma_wait3A_423] : memref<10112x128xf32, #tpu.memory_space<vmem_shared>> -> memref<80x128xf32, #tpu.memory_space<vmem_shared>>
      tpu.wait_dma2 semaphore(%run_scoped3A : memref<!tpu.dma_semaphore, #tpu.memory_space<semaphore_mem>>) src(%dma_wait3A_424 : memref<80x128xf32, #tpu.memory_space<vmem_shared>>) dst(%dma_wait3A_422 : memref<80x128xf32, #tpu.memory_space<vmem>>)
      tpu.yield
    }) : () -> ()
    %add3A_387 = arith.constant 240 : i32
    %add3A_388 = arith.addi %mul3A_2, %add3A_387 : i32
    "tpu.region"() ({
      %run_scoped3A = tpu.sem_alloc : memref<!tpu.dma_semaphore, #tpu.memory_space<semaphore_mem>>
      %dma_start3A_405 = arith.constant 0 : i32
      %dma_start3A_406 = arith.constant 0 : i32
      %dma_start3A_407 = tpu.memref_slice %arg10[%dma_start3A_405, %dma_start3A_406] : memref<80x128xf32, #tpu.memory_space<vmem>> -> memref<80x128xf32, #tpu.memory_space<vmem>>
      %dma_start3A_408 = arith.constant 0 : i32
      %dma_start3A_409 = tpu.memref_slice %arg6[%arg0, %add3A_388, %dma_start3A_408] : memref<2x10112x128xf32, #tpu.memory_space<hbm>> -> memref<1x80x128xf32, #tpu.memory_space<hbm>>
      %dma_start3A_410 = tpu.memref_squeeze %dma_start3A_409 : memref<1x80x128xf32, #tpu.memory_space<hbm>> -> memref<80x128xf32, #tpu.memory_space<hbm>>
      %dma_start3A_411 = arith.constant 0 : i32
      %dma_start3A_412 = tpu.memref_slice %arg6[%arg0, %add3A_388, %dma_start3A_411] : memref<2x10112x128xf32, #tpu.memory_space<hbm>> -> memref<1x80x128xf32, #tpu.memory_space<hbm>>
      %dma_start3A_413 = tpu.memref_squeeze %dma_start3A_412 : memref<1x80x128xf32, #tpu.memory_space<hbm>> -> memref<80x128xf32, #tpu.memory_space<hbm>>
      %dma_start3A_414 = arith.constant 0 : i32
      %dma_start3A_415 = arith.constant 0 : i32
      %dma_start3A_416 = tpu.memref_slice %arg10[%dma_start3A_414, %dma_start3A_415] : memref<80x128xf32, #tpu.memory_space<vmem>> -> memref<80x128xf32, #tpu.memory_space<vmem>>
      tpu.enqueue_dma source(%dma_start3A_416 : memref<80x128xf32, #tpu.memory_space<vmem>>) target(%dma_start3A_413 : memref<80x128xf32, #tpu.memory_space<hbm>>) target_semaphore(%run_scoped3A : memref<!tpu.dma_semaphore, #tpu.memory_space<semaphore_mem>>)
      %dma_wait3A_417 = arith.constant 0 : i32
      %dma_wait3A_418 = arith.constant 0 : i32
      %dma_wait3A_419 = tpu.memref_slice %arg10[%dma_wait3A_417, %dma_wait3A_418] : memref<80x128xf32, #tpu.memory_space<vmem>> -> memref<80x128xf32, #tpu.memory_space<vmem>>
      %dma_wait3A_420 = arith.constant 0 : i32
      %dma_wait3A_421 = tpu.memref_slice %arg6[%arg0, %add3A_388, %dma_wait3A_420] : memref<2x10112x128xf32, #tpu.memory_space<hbm>> -> memref<1x80x128xf32, #tpu.memory_space<hbm>>
      %dma_wait3A_422 = tpu.memref_squeeze %dma_wait3A_421 : memref<1x80x128xf32, #tpu.memory_space<hbm>> -> memref<80x128xf32, #tpu.memory_space<hbm>>
      %dma_wait3A_423 = arith.constant 0 : i32
      %dma_wait3A_424 = tpu.memref_slice %arg6[%arg0, %add3A_388, %dma_wait3A_423] : memref<2x10112x128xf32, #tpu.memory_space<hbm>> -> memref<1x80x128xf32, #tpu.memory_space<hbm>>
      %dma_wait3A_425 = tpu.memref_squeeze %dma_wait3A_424 : memref<1x80x128xf32, #tpu.memory_space<hbm>> -> memref<80x128xf32, #tpu.memory_space<hbm>>
      %dma_wait3A_426 = arith.constant 0 : i32
      %dma_wait3A_427 = arith.constant 0 : i32
      %dma_wait3A_428 = tpu.memref_slice %arg10[%dma_wait3A_426, %dma_wait3A_427] : memref<80x128xf32, #tpu.memory_space<vmem>> -> memref<80x128xf32, #tpu.memory_space<vmem>>
      tpu.wait_dma2 semaphore(%run_scoped3A : memref<!tpu.dma_semaphore, #tpu.memory_space<semaphore_mem>>) src(%dma_wait3A_428 : memref<80x128xf32, #tpu.memory_space<vmem>>) dst(%dma_wait3A_425 : memref<80x128xf32, #tpu.memory_space<hbm>>)
      tpu.yield
    }) : () -> ()
    %add3A_389 = arith.constant 320 : i32
    %add3A_390 = arith.addi %mul3A_2, %add3A_389 : i32
    "tpu.region"() ({
      %run_scoped3A = tpu.sem_alloc : memref<!tpu.dma_semaphore, #tpu.memory_space<semaphore_mem>>
      %dma_start3A_405 = arith.constant 0 : i32
      %dma_start3A_406 = arith.constant 0 : i32
      %dma_start3A_407 = tpu.memref_slice %arg10[%dma_start3A_405, %dma_start3A_406] : memref<80x128xf32, #tpu.memory_space<vmem>> -> memref<80x128xf32, #tpu.memory_space<vmem>>
      %dma_start3A_408 = arith.constant 0 : i32
      %dma_start3A_409 = tpu.memref_slice %arg17[%add3A_390, %dma_start3A_408] : memref<10112x128xf32, #tpu.memory_space<vmem_shared>> -> memref<80x128xf32, #tpu.memory_space<vmem_shared>>
      %dma_start3A_410 = arith.constant 0 : i32
      %dma_start3A_411 = arith.constant 0 : i32
      %dma_start3A_412 = tpu.memref_slice %arg10[%dma_start3A_410, %dma_start3A_411] : memref<80x128xf32, #tpu.memory_space<vmem>> -> memref<80x128xf32, #tpu.memory_space<vmem>>
      %dma_start3A_413 = arith.constant 0 : i32
      %dma_start3A_414 = tpu.memref_slice %arg17[%add3A_390, %dma_start3A_413] : memref<10112x128xf32, #tpu.memory_space<vmem_shared>> -> memref<80x128xf32, #tpu.memory_space<vmem_shared>>
      tpu.enqueue_dma source(%dma_start3A_414 : memref<80x128xf32, #tpu.memory_space<vmem_shared>>) target(%dma_start3A_412 : memref<80x128xf32, #tpu.memory_space<vmem>>) target_semaphore(%run_scoped3A : memref<!tpu.dma_semaphore, #tpu.memory_space<semaphore_mem>>)
      %dma_wait3A_415 = arith.constant 0 : i32
      %dma_wait3A_416 = arith.constant 0 : i32
      %dma_wait3A_417 = tpu.memref_slice %arg10[%dma_wait3A_415, %dma_wait3A_416] : memref<80x128xf32, #tpu.memory_space<vmem>> -> memref<80x128xf32, #tpu.memory_space<vmem>>
      %dma_wait3A_418 = arith.constant 0 : i32
      %dma_wait3A_419 = tpu.memref_slice %arg17[%add3A_390, %dma_wait3A_418] : memref<10112x128xf32, #tpu.memory_space<vmem_shared>> -> memref<80x128xf32, #tpu.memory_space<vmem_shared>>
      %dma_wait3A_420 = arith.constant 0 : i32
      %dma_wait3A_421 = arith.constant 0 : i32
      %dma_wait3A_422 = tpu.memref_slice %arg10[%dma_wait3A_420, %dma_wait3A_421] : memref<80x128xf32, #tpu.memory_space<vmem>> -> memref<80x128xf32, #tpu.memory_space<vmem>>
      %dma_wait3A_423 = arith.constant 0 : i32
      %dma_wait3A_424 = tpu.memref_slice %arg17[%add3A_390, %dma_wait3A_423] : memref<10112x128xf32, #tpu.memory_space<vmem_shared>> -> memref<80x128xf32, #tpu.memory_space<vmem_shared>>
      tpu.wait_dma2 semaphore(%run_scoped3A : memref<!tpu.dma_semaphore, #tpu.memory_space<semaphore_mem>>) src(%dma_wait3A_424 : memref<80x128xf32, #tpu.memory_space<vmem_shared>>) dst(%dma_wait3A_422 : memref<80x128xf32, #tpu.memory_space<vmem>>)
      tpu.yield
    }) : () -> ()
    %add3A_391 = arith.constant 320 : i32
    %add3A_392 = arith.addi %mul3A_2, %add3A_391 : i32
    "tpu.region"() ({
      %run_scoped3A = tpu.sem_alloc : memref<!tpu.dma_semaphore, #tpu.memory_space<semaphore_mem>>
      %dma_start3A_405 = arith.constant 0 : i32
      %dma_start3A_406 = arith.constant 0 : i32
      %dma_start3A_407 = tpu.memref_slice %arg10[%dma_start3A_405, %dma_start3A_406] : memref<80x128xf32, #tpu.memory_space<vmem>> -> memref<80x128xf32, #tpu.memory_space<vmem>>
      %dma_start3A_408 = arith.constant 0 : i32
      %dma_start3A_409 = tpu.memref_slice %arg6[%arg0, %add3A_392, %dma_start3A_408] : memref<2x10112x128xf32, #tpu.memory_space<hbm>> -> memref<1x80x128xf32, #tpu.memory_space<hbm>>
      %dma_start3A_410 = tpu.memref_squeeze %dma_start3A_409 : memref<1x80x128xf32, #tpu.memory_space<hbm>> -> memref<80x128xf32, #tpu.memory_space<hbm>>
      %dma_start3A_411 = arith.constant 0 : i32
      %dma_start3A_412 = tpu.memref_slice %arg6[%arg0, %add3A_392, %dma_start3A_411] : memref<2x10112x128xf32, #tpu.memory_space<hbm>> -> memref<1x80x128xf32, #tpu.memory_space<hbm>>
      %dma_start3A_413 = tpu.memref_squeeze %dma_start3A_412 : memref<1x80x128xf32, #tpu.memory_space<hbm>> -> memref<80x128xf32, #tpu.memory_space<hbm>>
      %dma_start3A_414 = arith.constant 0 : i32
      %dma_start3A_415 = arith.constant 0 : i32
      %dma_start3A_416 = tpu.memref_slice %arg10[%dma_start3A_414, %dma_start3A_415] : memref<80x128xf32, #tpu.memory_space<vmem>> -> memref<80x128xf32, #tpu.memory_space<vmem>>
      tpu.enqueue_dma source(%dma_start3A_416 : memref<80x128xf32, #tpu.memory_space<vmem>>) target(%dma_start3A_413 : memref<80x128xf32, #tpu.memory_space<hbm>>) target_semaphore(%run_scoped3A : memref<!tpu.dma_semaphore, #tpu.memory_space<semaphore_mem>>)
      %dma_wait3A_417 = arith.constant 0 : i32
      %dma_wait3A_418 = arith.constant 0 : i32
      %dma_wait3A_419 = tpu.memref_slice %arg10[%dma_wait3A_417, %dma_wait3A_418] : memref<80x128xf32, #tpu.memory_space<vmem>> -> memref<80x128xf32, #tpu.memory_space<vmem>>
      %dma_wait3A_420 = arith.constant 0 : i32
      %dma_wait3A_421 = tpu.memref_slice %arg6[%arg0, %add3A_392, %dma_wait3A_420] : memref<2x10112x128xf32, #tpu.memory_space<hbm>> -> memref<1x80x128xf32, #tpu.memory_space<hbm>>
      %dma_wait3A_422 = tpu.memref_squeeze %dma_wait3A_421 : memref<1x80x128xf32, #tpu.memory_space<hbm>> -> memref<80x128xf32, #tpu.memory_space<hbm>>
      %dma_wait3A_423 = arith.constant 0 : i32
      %dma_wait3A_424 = tpu.memref_slice %arg6[%arg0, %add3A_392, %dma_wait3A_423] : memref<2x10112x128xf32, #tpu.memory_space<hbm>> -> memref<1x80x128xf32, #tpu.memory_space<hbm>>
      %dma_wait3A_425 = tpu.memref_squeeze %dma_wait3A_424 : memref<1x80x128xf32, #tpu.memory_space<hbm>> -> memref<80x128xf32, #tpu.memory_space<hbm>>
      %dma_wait3A_426 = arith.constant 0 : i32
      %dma_wait3A_427 = arith.constant 0 : i32
      %dma_wait3A_428 = tpu.memref_slice %arg10[%dma_wait3A_426, %dma_wait3A_427] : memref<80x128xf32, #tpu.memory_space<vmem>> -> memref<80x128xf32, #tpu.memory_space<vmem>>
      tpu.wait_dma2 semaphore(%run_scoped3A : memref<!tpu.dma_semaphore, #tpu.memory_space<semaphore_mem>>) src(%dma_wait3A_428 : memref<80x128xf32, #tpu.memory_space<vmem>>) dst(%dma_wait3A_425 : memref<80x128xf32, #tpu.memory_space<hbm>>)
      tpu.yield
    }) : () -> ()
    %add3A_393 = arith.constant 400 : i32
    %add3A_394 = arith.addi %mul3A_2, %add3A_393 : i32
    "tpu.region"() ({
      %run_scoped3A = tpu.sem_alloc : memref<!tpu.dma_semaphore, #tpu.memory_space<semaphore_mem>>
      %dma_start3A_405 = arith.constant 0 : i32
      %dma_start3A_406 = arith.constant 0 : i32
      %dma_start3A_407 = tpu.memref_slice %arg10[%dma_start3A_405, %dma_start3A_406] : memref<80x128xf32, #tpu.memory_space<vmem>> -> memref<80x128xf32, #tpu.memory_space<vmem>>
      %dma_start3A_408 = arith.constant 0 : i32
      %dma_start3A_409 = tpu.memref_slice %arg17[%add3A_394, %dma_start3A_408] : memref<10112x128xf32, #tpu.memory_space<vmem_shared>> -> memref<80x128xf32, #tpu.memory_space<vmem_shared>>
      %dma_start3A_410 = arith.constant 0 : i32
      %dma_start3A_411 = arith.constant 0 : i32
      %dma_start3A_412 = tpu.memref_slice %arg10[%dma_start3A_410, %dma_start3A_411] : memref<80x128xf32, #tpu.memory_space<vmem>> -> memref<80x128xf32, #tpu.memory_space<vmem>>
      %dma_start3A_413 = arith.constant 0 : i32
      %dma_start3A_414 = tpu.memref_slice %arg17[%add3A_394, %dma_start3A_413] : memref<10112x128xf32, #tpu.memory_space<vmem_shared>> -> memref<80x128xf32, #tpu.memory_space<vmem_shared>>
      tpu.enqueue_dma source(%dma_start3A_414 : memref<80x128xf32, #tpu.memory_space<vmem_shared>>) target(%dma_start3A_412 : memref<80x128xf32, #tpu.memory_space<vmem>>) target_semaphore(%run_scoped3A : memref<!tpu.dma_semaphore, #tpu.memory_space<semaphore_mem>>)
      %dma_wait3A_415 = arith.constant 0 : i32
      %dma_wait3A_416 = arith.constant 0 : i32
      %dma_wait3A_417 = tpu.memref_slice %arg10[%dma_wait3A_415, %dma_wait3A_416] : memref<80x128xf32, #tpu.memory_space<vmem>> -> memref<80x128xf32, #tpu.memory_space<vmem>>
      %dma_wait3A_418 = arith.constant 0 : i32
      %dma_wait3A_419 = tpu.memref_slice %arg17[%add3A_394, %dma_wait3A_418] : memref<10112x128xf32, #tpu.memory_space<vmem_shared>> -> memref<80x128xf32, #tpu.memory_space<vmem_shared>>
      %dma_wait3A_420 = arith.constant 0 : i32
      %dma_wait3A_421 = arith.constant 0 : i32
      %dma_wait3A_422 = tpu.memref_slice %arg10[%dma_wait3A_420, %dma_wait3A_421] : memref<80x128xf32, #tpu.memory_space<vmem>> -> memref<80x128xf32, #tpu.memory_space<vmem>>
      %dma_wait3A_423 = arith.constant 0 : i32
      %dma_wait3A_424 = tpu.memref_slice %arg17[%add3A_394, %dma_wait3A_423] : memref<10112x128xf32, #tpu.memory_space<vmem_shared>> -> memref<80x128xf32, #tpu.memory_space<vmem_shared>>
      tpu.wait_dma2 semaphore(%run_scoped3A : memref<!tpu.dma_semaphore, #tpu.memory_space<semaphore_mem>>) src(%dma_wait3A_424 : memref<80x128xf32, #tpu.memory_space<vmem_shared>>) dst(%dma_wait3A_422 : memref<80x128xf32, #tpu.memory_space<vmem>>)
      tpu.yield
    }) : () -> ()
    %add3A_395 = arith.constant 400 : i32
    %add3A_396 = arith.addi %mul3A_2, %add3A_395 : i32
    "tpu.region"() ({
      %run_scoped3A = tpu.sem_alloc : memref<!tpu.dma_semaphore, #tpu.memory_space<semaphore_mem>>
      %dma_start3A_405 = arith.constant 0 : i32
      %dma_start3A_406 = arith.constant 0 : i32
      %dma_start3A_407 = tpu.memref_slice %arg10[%dma_start3A_405, %dma_start3A_406] : memref<80x128xf32, #tpu.memory_space<vmem>> -> memref<80x128xf32, #tpu.memory_space<vmem>>
      %dma_start3A_408 = arith.constant 0 : i32
      %dma_start3A_409 = tpu.memref_slice %arg6[%arg0, %add3A_396, %dma_start3A_408] : memref<2x10112x128xf32, #tpu.memory_space<hbm>> -> memref<1x80x128xf32, #tpu.memory_space<hbm>>
      %dma_start3A_410 = tpu.memref_squeeze %dma_start3A_409 : memref<1x80x128xf32, #tpu.memory_space<hbm>> -> memref<80x128xf32, #tpu.memory_space<hbm>>
      %dma_start3A_411 = arith.constant 0 : i32
      %dma_start3A_412 = tpu.memref_slice %arg6[%arg0, %add3A_396, %dma_start3A_411] : memref<2x10112x128xf32, #tpu.memory_space<hbm>> -> memref<1x80x128xf32, #tpu.memory_space<hbm>>
      %dma_start3A_413 = tpu.memref_squeeze %dma_start3A_412 : memref<1x80x128xf32, #tpu.memory_space<hbm>> -> memref<80x128xf32, #tpu.memory_space<hbm>>
      %dma_start3A_414 = arith.constant 0 : i32
      %dma_start3A_415 = arith.constant 0 : i32
      %dma_start3A_416 = tpu.memref_slice %arg10[%dma_start3A_414, %dma_start3A_415] : memref<80x128xf32, #tpu.memory_space<vmem>> -> memref<80x128xf32, #tpu.memory_space<vmem>>
      tpu.enqueue_dma source(%dma_start3A_416 : memref<80x128xf32, #tpu.memory_space<vmem>>) target(%dma_start3A_413 : memref<80x128xf32, #tpu.memory_space<hbm>>) target_semaphore(%run_scoped3A : memref<!tpu.dma_semaphore, #tpu.memory_space<semaphore_mem>>)
      %dma_wait3A_417 = arith.constant 0 : i32
      %dma_wait3A_418 = arith.constant 0 : i32
      %dma_wait3A_419 = tpu.memref_slice %arg10[%dma_wait3A_417, %dma_wait3A_418] : memref<80x128xf32, #tpu.memory_space<vmem>> -> memref<80x128xf32, #tpu.memory_space<vmem>>
      %dma_wait3A_420 = arith.constant 0 : i32
      %dma_wait3A_421 = tpu.memref_slice %arg6[%arg0, %add3A_396, %dma_wait3A_420] : memref<2x10112x128xf32, #tpu.memory_space<hbm>> -> memref<1x80x128xf32, #tpu.memory_space<hbm>>
      %dma_wait3A_422 = tpu.memref_squeeze %dma_wait3A_421 : memref<1x80x128xf32, #tpu.memory_space<hbm>> -> memref<80x128xf32, #tpu.memory_space<hbm>>
      %dma_wait3A_423 = arith.constant 0 : i32
      %dma_wait3A_424 = tpu.memref_slice %arg6[%arg0, %add3A_396, %dma_wait3A_423] : memref<2x10112x128xf32, #tpu.memory_space<hbm>> -> memref<1x80x128xf32, #tpu.memory_space<hbm>>
      %dma_wait3A_425 = tpu.memref_squeeze %dma_wait3A_424 : memref<1x80x128xf32, #tpu.memory_space<hbm>> -> memref<80x128xf32, #tpu.memory_space<hbm>>
      %dma_wait3A_426 = arith.constant 0 : i32
      %dma_wait3A_427 = arith.constant 0 : i32
      %dma_wait3A_428 = tpu.memref_slice %arg10[%dma_wait3A_426, %dma_wait3A_427] : memref<80x128xf32, #tpu.memory_space<vmem>> -> memref<80x128xf32, #tpu.memory_space<vmem>>
      tpu.wait_dma2 semaphore(%run_scoped3A : memref<!tpu.dma_semaphore, #tpu.memory_space<semaphore_mem>>) src(%dma_wait3A_428 : memref<80x128xf32, #tpu.memory_space<vmem>>) dst(%dma_wait3A_425 : memref<80x128xf32, #tpu.memory_space<hbm>>)
      tpu.yield
    }) : () -> ()
    %add3A_397 = arith.constant 480 : i32
    %add3A_398 = arith.addi %mul3A_2, %add3A_397 : i32
    "tpu.region"() ({
      %run_scoped3A = tpu.sem_alloc : memref<!tpu.dma_semaphore, #tpu.memory_space<semaphore_mem>>
      %dma_start3A_405 = arith.constant 0 : i32
      %dma_start3A_406 = arith.constant 0 : i32
      %dma_start3A_407 = tpu.memref_slice %arg10[%dma_start3A_405, %dma_start3A_406] : memref<80x128xf32, #tpu.memory_space<vmem>> -> memref<80x128xf32, #tpu.memory_space<vmem>>
      %dma_start3A_408 = arith.constant 0 : i32
      %dma_start3A_409 = tpu.memref_slice %arg17[%add3A_398, %dma_start3A_408] : memref<10112x128xf32, #tpu.memory_space<vmem_shared>> -> memref<80x128xf32, #tpu.memory_space<vmem_shared>>
      %dma_start3A_410 = arith.constant 0 : i32
      %dma_start3A_411 = arith.constant 0 : i32
      %dma_start3A_412 = tpu.memref_slice %arg10[%dma_start3A_410, %dma_start3A_411] : memref<80x128xf32, #tpu.memory_space<vmem>> -> memref<80x128xf32, #tpu.memory_space<vmem>>
      %dma_start3A_413 = arith.constant 0 : i32
      %dma_start3A_414 = tpu.memref_slice %arg17[%add3A_398, %dma_start3A_413] : memref<10112x128xf32, #tpu.memory_space<vmem_shared>> -> memref<80x128xf32, #tpu.memory_space<vmem_shared>>
      tpu.enqueue_dma source(%dma_start3A_414 : memref<80x128xf32, #tpu.memory_space<vmem_shared>>) target(%dma_start3A_412 : memref<80x128xf32, #tpu.memory_space<vmem>>) target_semaphore(%run_scoped3A : memref<!tpu.dma_semaphore, #tpu.memory_space<semaphore_mem>>)
      %dma_wait3A_415 = arith.constant 0 : i32
      %dma_wait3A_416 = arith.constant 0 : i32
      %dma_wait3A_417 = tpu.memref_slice %arg10[%dma_wait3A_415, %dma_wait3A_416] : memref<80x128xf32, #tpu.memory_space<vmem>> -> memref<80x128xf32, #tpu.memory_space<vmem>>
      %dma_wait3A_418 = arith.constant 0 : i32
      %dma_wait3A_419 = tpu.memref_slice %arg17[%add3A_398, %dma_wait3A_418] : memref<10112x128xf32, #tpu.memory_space<vmem_shared>> -> memref<80x128xf32, #tpu.memory_space<vmem_shared>>
      %dma_wait3A_420 = arith.constant 0 : i32
      %dma_wait3A_421 = arith.constant 0 : i32
      %dma_wait3A_422 = tpu.memref_slice %arg10[%dma_wait3A_420, %dma_wait3A_421] : memref<80x128xf32, #tpu.memory_space<vmem>> -> memref<80x128xf32, #tpu.memory_space<vmem>>
      %dma_wait3A_423 = arith.constant 0 : i32
      %dma_wait3A_424 = tpu.memref_slice %arg17[%add3A_398, %dma_wait3A_423] : memref<10112x128xf32, #tpu.memory_space<vmem_shared>> -> memref<80x128xf32, #tpu.memory_space<vmem_shared>>
      tpu.wait_dma2 semaphore(%run_scoped3A : memref<!tpu.dma_semaphore, #tpu.memory_space<semaphore_mem>>) src(%dma_wait3A_424 : memref<80x128xf32, #tpu.memory_space<vmem_shared>>) dst(%dma_wait3A_422 : memref<80x128xf32, #tpu.memory_space<vmem>>)
      tpu.yield
    }) : () -> ()
    %add3A_399 = arith.constant 480 : i32
    %add3A_400 = arith.addi %mul3A_2, %add3A_399 : i32
    "tpu.region"() ({
      %run_scoped3A = tpu.sem_alloc : memref<!tpu.dma_semaphore, #tpu.memory_space<semaphore_mem>>
      %dma_start3A_405 = arith.constant 0 : i32
      %dma_start3A_406 = arith.constant 0 : i32
      %dma_start3A_407 = tpu.memref_slice %arg10[%dma_start3A_405, %dma_start3A_406] : memref<80x128xf32, #tpu.memory_space<vmem>> -> memref<80x128xf32, #tpu.memory_space<vmem>>
      %dma_start3A_408 = arith.constant 0 : i32
      %dma_start3A_409 = tpu.memref_slice %arg6[%arg0, %add3A_400, %dma_start3A_408] : memref<2x10112x128xf32, #tpu.memory_space<hbm>> -> memref<1x80x128xf32, #tpu.memory_space<hbm>>
      %dma_start3A_410 = tpu.memref_squeeze %dma_start3A_409 : memref<1x80x128xf32, #tpu.memory_space<hbm>> -> memref<80x128xf32, #tpu.memory_space<hbm>>
      %dma_start3A_411 = arith.constant 0 : i32
      %dma_start3A_412 = tpu.memref_slice %arg6[%arg0, %add3A_400, %dma_start3A_411] : memref<2x10112x128xf32, #tpu.memory_space<hbm>> -> memref<1x80x128xf32, #tpu.memory_space<hbm>>
      %dma_start3A_413 = tpu.memref_squeeze %dma_start3A_412 : memref<1x80x128xf32, #tpu.memory_space<hbm>> -> memref<80x128xf32, #tpu.memory_space<hbm>>
      %dma_start3A_414 = arith.constant 0 : i32
      %dma_start3A_415 = arith.constant 0 : i32
      %dma_start3A_416 = tpu.memref_slice %arg10[%dma_start3A_414, %dma_start3A_415] : memref<80x128xf32, #tpu.memory_space<vmem>> -> memref<80x128xf32, #tpu.memory_space<vmem>>
      tpu.enqueue_dma source(%dma_start3A_416 : memref<80x128xf32, #tpu.memory_space<vmem>>) target(%dma_start3A_413 : memref<80x128xf32, #tpu.memory_space<hbm>>) target_semaphore(%run_scoped3A : memref<!tpu.dma_semaphore, #tpu.memory_space<semaphore_mem>>)
      %dma_wait3A_417 = arith.constant 0 : i32
      %dma_wait3A_418 = arith.constant 0 : i32
      %dma_wait3A_419 = tpu.memref_slice %arg10[%dma_wait3A_417, %dma_wait3A_418] : memref<80x128xf32, #tpu.memory_space<vmem>> -> memref<80x128xf32, #tpu.memory_space<vmem>>
      %dma_wait3A_420 = arith.constant 0 : i32
      %dma_wait3A_421 = tpu.memref_slice %arg6[%arg0, %add3A_400, %dma_wait3A_420] : memref<2x10112x128xf32, #tpu.memory_space<hbm>> -> memref<1x80x128xf32, #tpu.memory_space<hbm>>
      %dma_wait3A_422 = tpu.memref_squeeze %dma_wait3A_421 : memref<1x80x128xf32, #tpu.memory_space<hbm>> -> memref<80x128xf32, #tpu.memory_space<hbm>>
      %dma_wait3A_423 = arith.constant 0 : i32
      %dma_wait3A_424 = tpu.memref_slice %arg6[%arg0, %add3A_400, %dma_wait3A_423] : memref<2x10112x128xf32, #tpu.memory_space<hbm>> -> memref<1x80x128xf32, #tpu.memory_space<hbm>>
      %dma_wait3A_425 = tpu.memref_squeeze %dma_wait3A_424 : memref<1x80x128xf32, #tpu.memory_space<hbm>> -> memref<80x128xf32, #tpu.memory_space<hbm>>
      %dma_wait3A_426 = arith.constant 0 : i32
      %dma_wait3A_427 = arith.constant 0 : i32
      %dma_wait3A_428 = tpu.memref_slice %arg10[%dma_wait3A_426, %dma_wait3A_427] : memref<80x128xf32, #tpu.memory_space<vmem>> -> memref<80x128xf32, #tpu.memory_space<vmem>>
      tpu.wait_dma2 semaphore(%run_scoped3A : memref<!tpu.dma_semaphore, #tpu.memory_space<semaphore_mem>>) src(%dma_wait3A_428 : memref<80x128xf32, #tpu.memory_space<vmem>>) dst(%dma_wait3A_425 : memref<80x128xf32, #tpu.memory_space<hbm>>)
      tpu.yield
    }) : () -> ()
    %add3A_401 = arith.constant 560 : i32
    %add3A_402 = arith.addi %mul3A_2, %add3A_401 : i32
    "tpu.region"() ({
      %run_scoped3A = tpu.sem_alloc : memref<!tpu.dma_semaphore, #tpu.memory_space<semaphore_mem>>
      %dma_start3A_405 = arith.constant 0 : i32
      %dma_start3A_406 = arith.constant 0 : i32
      %dma_start3A_407 = tpu.memref_slice %arg10[%dma_start3A_405, %dma_start3A_406] : memref<80x128xf32, #tpu.memory_space<vmem>> -> memref<72x128xf32, #tpu.memory_space<vmem>>
      %dma_start3A_408 = arith.constant 0 : i32
      %dma_start3A_409 = tpu.memref_slice %arg17[%add3A_402, %dma_start3A_408] : memref<10112x128xf32, #tpu.memory_space<vmem_shared>> -> memref<72x128xf32, #tpu.memory_space<vmem_shared>>
      %dma_start3A_410 = arith.constant 0 : i32
      %dma_start3A_411 = arith.constant 0 : i32
      %dma_start3A_412 = tpu.memref_slice %arg10[%dma_start3A_410, %dma_start3A_411] : memref<80x128xf32, #tpu.memory_space<vmem>> -> memref<72x128xf32, #tpu.memory_space<vmem>>
      %dma_start3A_413 = arith.constant 0 : i32
      %dma_start3A_414 = tpu.memref_slice %arg17[%add3A_402, %dma_start3A_413] : memref<10112x128xf32, #tpu.memory_space<vmem_shared>> -> memref<72x128xf32, #tpu.memory_space<vmem_shared>>
      tpu.enqueue_dma source(%dma_start3A_414 : memref<72x128xf32, #tpu.memory_space<vmem_shared>>) target(%dma_start3A_412 : memref<72x128xf32, #tpu.memory_space<vmem>>) target_semaphore(%run_scoped3A : memref<!tpu.dma_semaphore, #tpu.memory_space<semaphore_mem>>)
      %dma_wait3A_415 = arith.constant 0 : i32
      %dma_wait3A_416 = arith.constant 0 : i32
      %dma_wait3A_417 = tpu.memref_slice %arg10[%dma_wait3A_415, %dma_wait3A_416] : memref<80x128xf32, #tpu.memory_space<vmem>> -> memref<72x128xf32, #tpu.memory_space<vmem>>
      %dma_wait3A_418 = arith.constant 0 : i32
      %dma_wait3A_419 = tpu.memref_slice %arg17[%add3A_402, %dma_wait3A_418] : memref<10112x128xf32, #tpu.memory_space<vmem_shared>> -> memref<72x128xf32, #tpu.memory_space<vmem_shared>>
      %dma_wait3A_420 = arith.constant 0 : i32
      %dma_wait3A_421 = arith.constant 0 : i32
      %dma_wait3A_422 = tpu.memref_slice %arg10[%dma_wait3A_420, %dma_wait3A_421] : memref<80x128xf32, #tpu.memory_space<vmem>> -> memref<72x128xf32, #tpu.memory_space<vmem>>
      %dma_wait3A_423 = arith.constant 0 : i32
      %dma_wait3A_424 = tpu.memref_slice %arg17[%add3A_402, %dma_wait3A_423] : memref<10112x128xf32, #tpu.memory_space<vmem_shared>> -> memref<72x128xf32, #tpu.memory_space<vmem_shared>>
      tpu.wait_dma2 semaphore(%run_scoped3A : memref<!tpu.dma_semaphore, #tpu.memory_space<semaphore_mem>>) src(%dma_wait3A_424 : memref<72x128xf32, #tpu.memory_space<vmem_shared>>) dst(%dma_wait3A_422 : memref<72x128xf32, #tpu.memory_space<vmem>>)
      tpu.yield
    }) : () -> ()
    %add3A_403 = arith.constant 560 : i32
    %add3A_404 = arith.addi %mul3A_2, %add3A_403 : i32
    "tpu.region"() ({
      %run_scoped3A = tpu.sem_alloc : memref<!tpu.dma_semaphore, #tpu.memory_space<semaphore_mem>>
      %dma_start3A_405 = arith.constant 0 : i32
      %dma_start3A_406 = arith.constant 0 : i32
      %dma_start3A_407 = tpu.memref_slice %arg10[%dma_start3A_405, %dma_start3A_406] : memref<80x128xf32, #tpu.memory_space<vmem>> -> memref<72x128xf32, #tpu.memory_space<vmem>>
      %dma_start3A_408 = arith.constant 0 : i32
      %dma_start3A_409 = tpu.memref_slice %arg6[%arg0, %add3A_404, %dma_start3A_408] : memref<2x10112x128xf32, #tpu.memory_space<hbm>> -> memref<1x72x128xf32, #tpu.memory_space<hbm>>
      %dma_start3A_410 = tpu.memref_squeeze %dma_start3A_409 : memref<1x72x128xf32, #tpu.memory_space<hbm>> -> memref<72x128xf32, #tpu.memory_space<hbm>>
      %dma_start3A_411 = arith.constant 0 : i32
      %dma_start3A_412 = tpu.memref_slice %arg6[%arg0, %add3A_404, %dma_start3A_411] : memref<2x10112x128xf32, #tpu.memory_space<hbm>> -> memref<1x72x128xf32, #tpu.memory_space<hbm>>
      %dma_start3A_413 = tpu.memref_squeeze %dma_start3A_412 : memref<1x72x128xf32, #tpu.memory_space<hbm>> -> memref<72x128xf32, #tpu.memory_space<hbm>>
      %dma_start3A_414 = arith.constant 0 : i32
      %dma_start3A_415 = arith.constant 0 : i32
      %dma_start3A_416 = tpu.memref_slice %arg10[%dma_start3A_414, %dma_start3A_415] : memref<80x128xf32, #tpu.memory_space<vmem>> -> memref<72x128xf32, #tpu.memory_space<vmem>>
      tpu.enqueue_dma source(%dma_start3A_416 : memref<72x128xf32, #tpu.memory_space<vmem>>) target(%dma_start3A_413 : memref<72x128xf32, #tpu.memory_space<hbm>>) target_semaphore(%run_scoped3A : memref<!tpu.dma_semaphore, #tpu.memory_space<semaphore_mem>>)
      %dma_wait3A_417 = arith.constant 0 : i32
      %dma_wait3A_418 = arith.constant 0 : i32
      %dma_wait3A_419 = tpu.memref_slice %arg10[%dma_wait3A_417, %dma_wait3A_418] : memref<80x128xf32, #tpu.memory_space<vmem>> -> memref<72x128xf32, #tpu.memory_space<vmem>>
      %dma_wait3A_420 = arith.constant 0 : i32
      %dma_wait3A_421 = tpu.memref_slice %arg6[%arg0, %add3A_404, %dma_wait3A_420] : memref<2x10112x128xf32, #tpu.memory_space<hbm>> -> memref<1x72x128xf32, #tpu.memory_space<hbm>>
      %dma_wait3A_422 = tpu.memref_squeeze %dma_wait3A_421 : memref<1x72x128xf32, #tpu.memory_space<hbm>> -> memref<72x128xf32, #tpu.memory_space<hbm>>
      %dma_wait3A_423 = arith.constant 0 : i32
      %dma_wait3A_424 = tpu.memref_slice %arg6[%arg0, %add3A_404, %dma_wait3A_423] : memref<2x10112x128xf32, #tpu.memory_space<hbm>> -> memref<1x72x128xf32, #tpu.memory_space<hbm>>
      %dma_wait3A_425 = tpu.memref_squeeze %dma_wait3A_424 : memref<1x72x128xf32, #tpu.memory_space<hbm>> -> memref<72x128xf32, #tpu.memory_space<hbm>>
      %dma_wait3A_426 = arith.constant 0 : i32
      %dma_wait3A_427 = arith.constant 0 : i32
      %dma_wait3A_428 = tpu.memref_slice %arg10[%dma_wait3A_426, %dma_wait3A_427] : memref<80x128xf32, #tpu.memory_space<vmem>> -> memref<72x128xf32, #tpu.memory_space<vmem>>
      tpu.wait_dma2 semaphore(%run_scoped3A : memref<!tpu.dma_semaphore, #tpu.memory_space<semaphore_mem>>) src(%dma_wait3A_428 : memref<72x128xf32, #tpu.memory_space<vmem>>) dst(%dma_wait3A_425 : memref<72x128xf32, #tpu.memory_space<hbm>>)
      tpu.yield
    }) : () -> ()
    return
  }
}

module attributes {stable_mosaic.version = 14 : i64} {
  func.func @body(%arg0: i32, %arg1: memref<1000x128xf32, #tpu.memory_space<vmem>>, %arg2: memref<1000x1xf32, #tpu.memory_space<vmem>>, %arg3: memref<128x128xf32, #tpu.memory_space<vmem>>, %arg4: memref<128x128xf32, #tpu.memory_space<vmem>>, %arg5: memref<1000x128xf32, #tpu.memory_space<vmem>>, %arg6: memref<1000x128xf32, #tpu.memory_space<vmem>>) attributes {dimension_semantics = [#tpu.dimension_semantics<arbitrary>], iteration_bounds = array<i64: 10>, scalar_prefetch = 0 : i64, scratch_operands = 0 : i64, tpu.core_type = #tpu.core_type<tc>, window_params = [{transform_indices = @transform_0, window_bounds = array<i64: 1000, 128>}, {transform_indices = @transform_1, window_bounds = array<i64: 1000, 1>}, {pipeline_mode = #tpu.pipeline_mode<synchronous>, transform_indices = @transform_2, window_bounds = array<i64: 128, 128>}, {pipeline_mode = #tpu.pipeline_mode<synchronous>, transform_indices = @transform_3, window_bounds = array<i64: 128, 128>}, {transform_indices = @transform_4, window_bounds = array<i64: 1000, 128>}, {transform_indices = @transform_5, window_bounds = array<i64: 1000, 128>}]} {
    %get3A = arith.constant 0 : index
    %get3A_0 = arith.constant 0 : index
    %get3A_1 = vector.load %arg1[%get3A, %get3A_0] : memref<1000x128xf32, #tpu.memory_space<vmem>>, vector<1000x128xf32>
    %get3A_2 = arith.constant 0 : index
    %get3A_3 = arith.constant 0 : index
    %get3A_4 = vector.load %arg4[%get3A_2, %get3A_3] : memref<128x128xf32, #tpu.memory_space<vmem>>, vector<128x128xf32>
    %dot_general3A = arith.constant dense<0.000000e+00> : vector<1000x128xf32>
    %dot_general3A_5 = tpu.matmul %get3A_1, %get3A_4, %dot_general3A {dimension_numbers = #tpu.dot_dimension_numbers<[1], [0], [0], [1], [0, 0, 1, 1], [], []>, transpose_lhs_hint = false} : vector<1000x128xf32>, vector<128x128xf32>, vector<1000x128xf32> -> vector<1000x128xf32>
    %mul3A = arith.constant 0.0883883461 : f32
    %mul3A_6 = vector.broadcast %mul3A : f32 to vector<1000x128xf32>
    %mul3A_7 = arith.mulf %dot_general3A_5, %mul3A_6 : vector<1000x128xf32>
    %swap3A = arith.constant 0 : index
    %swap3A_8 = arith.constant 0 : index
    %swap3A_9 = vector.load %arg5[%swap3A, %swap3A_8] : memref<1000x128xf32, #tpu.memory_space<vmem>>, vector<1000x128xf32>
    tpu.vector_store %arg5[%swap3A, %swap3A_8], %mul3A_7 {strides = array<i32>} : memref<1000x128xf32, #tpu.memory_space<vmem>>, vector<1000x128xf32>,
    %get3A_10 = arith.constant 0 : index
    %get3A_11 = arith.constant 0 : index
    %get3A_12 = vector.load %arg2[%get3A_10, %get3A_11] : memref<1000x1xf32, #tpu.memory_space<vmem>>, vector<1000x1xf32>
    %get3A_13 = arith.constant 0 : index
    %get3A_14 = arith.constant 0 : index
    %get3A_15 = vector.load %arg3[%get3A_13, %get3A_14] : memref<128x128xf32, #tpu.memory_space<vmem>>, vector<128x128xf32>
    %dot_general3A_16 = arith.constant dense<0.000000e+00> : vector<1000x128xf32>
    %dot_general3A_17 = tpu.matmul %get3A_1, %get3A_15, %dot_general3A_16 {dimension_numbers = #tpu.dot_dimension_numbers<[1], [0], [0], [1], [0, 0, 1, 1], [], []>, transpose_lhs_hint = false} : vector<1000x128xf32>, vector<128x128xf32>, vector<1000x128xf32> -> vector<1000x128xf32>
    %mul3A_18 = arith.constant 0.0883883461 : f32
    %mul3A_19 = vector.broadcast %mul3A_18 : f32 to vector<1000x128xf32>
    %mul3A_20 = arith.mulf %dot_general3A_17, %mul3A_19 : vector<1000x128xf32>
    %mul3A_21 = vector.broadcast %get3A_12 : vector<1000x1xf32> to vector<1000x128xf32>
    %mul3A_22 = arith.mulf %mul3A_21, %mul3A_20 : vector<1000x128xf32>
    %swap3A_23 = arith.constant 0 : index
    %swap3A_24 = arith.constant 0 : index
    %swap3A_25 = vector.load %arg6[%swap3A_23, %swap3A_24] : memref<1000x128xf32, #tpu.memory_space<vmem>>, vector<1000x128xf32>
    tpu.vector_store %arg6[%swap3A_23, %swap3A_24], %mul3A_22 {strides = array<i32>} : memref<1000x128xf32, #tpu.memory_space<vmem>>, vector<1000x128xf32>,
    return
  }
  func.func @transform_0(%arg0: i32) -> (i32, i32) {
    %c0_i32 = arith.constant 0 : i32
    %c0_i32_0 = arith.constant 0 : i32
    return %arg0, %c0_i32 : i32, i32
  }
  func.func @transform_1(%arg0: i32) -> (i32, i32) {
    %c0_i32 = arith.constant 0 : i32
    %c0_i32_0 = arith.constant 0 : i32
    return %arg0, %c0_i32 : i32, i32
  }
  func.func @transform_2(%arg0: i32) -> (i32, i32) {
    %c0_i32 = arith.constant 0 : i32
    %c0_i32_0 = arith.constant 0 : i32
    %c0_i32_1 = arith.constant 0 : i32
    return %c0_i32, %c0_i32_0 : i32, i32
  }
  func.func @transform_3(%arg0: i32) -> (i32, i32) {
    %c0_i32 = arith.constant 0 : i32
    %c0_i32_0 = arith.constant 0 : i32
    %c0_i32_1 = arith.constant 0 : i32
    return %c0_i32, %c0_i32_0 : i32, i32
  }
  func.func @transform_4(%arg0: i32) -> (i32, i32) {
    %c0_i32 = arith.constant 0 : i32
    %c0_i32_0 = arith.constant 0 : i32
    return %arg0, %c0_i32 : i32, i32
  }
  func.func @transform_5(%arg0: i32) -> (i32, i32) {
    %c0_i32 = arith.constant 0 : i32
    %c0_i32_0 = arith.constant 0 : i32
    return %arg0, %c0_i32 : i32, i32
  }
}

module attributes {stable_mosaic.version = 14 : i64} {
  func.func @body(%arg0: i32, %arg1: memref<2x1000x128xf32, #tpu.memory_space<vmem>>, %arg2: memref<1000x128xf32, #tpu.memory_space<vmem>>, %arg3: memref<128x128xf32, #tpu.memory_space<vmem>>, %arg4: memref<1000x128xf32, #tpu.memory_space<vmem>>) attributes {dimension_semantics = [#tpu.dimension_semantics<arbitrary>], iteration_bounds = array<i64: 10>, scalar_prefetch = 0 : i64, scratch_operands = 0 : i64, tpu.core_type = #tpu.core_type<tc>, window_params = [{transform_indices = @transform_0, window_bounds = array<i64: 2, 1000, 128>}, {transform_indices = @transform_1, window_bounds = array<i64: 1000, 128>}, {pipeline_mode = #tpu.pipeline_mode<synchronous>, transform_indices = @transform_2, window_bounds = array<i64: 128, 128>}, {transform_indices = @transform_3, window_bounds = array<i64: 1000, 128>}]} {
    %get3A = arith.constant 0 : index
    %get3A_0 = arith.constant 0 : index
    %get3A_1 = arith.constant 0 : index
    %get3A_2 = vector.load %arg1[%get3A, %get3A_0, %get3A_1] : memref<2x1000x128xf32, #tpu.memory_space<vmem>>, vector<1x1000x128xf32>
    %get3A_3 = vector.shape_cast %get3A_2 : vector<1x1000x128xf32> to vector<1000x128xf32>
    %get3A_4 = arith.constant 1 : index
    %get3A_5 = arith.constant 0 : index
    %get3A_6 = arith.constant 0 : index
    %get3A_7 = vector.load %arg1[%get3A_4, %get3A_5, %get3A_6] : memref<2x1000x128xf32, #tpu.memory_space<vmem>>, vector<1x1000x128xf32>
    %get3A_8 = vector.shape_cast %get3A_7 : vector<1x1000x128xf32> to vector<1000x128xf32>
    %add3A = arith.addf %get3A_3, %get3A_8 : vector<1000x128xf32>
    %get3A_9 = arith.constant 0 : index
    %get3A_10 = arith.constant 0 : index
    %get3A_11 = vector.load %arg3[%get3A_9, %get3A_10] : memref<128x128xf32, #tpu.memory_space<vmem>>, vector<128x128xf32>
    %dot_general3A = arith.constant dense<0.000000e+00> : vector<1000x128xf32>
    %dot_general3A_12 = tpu.matmul %add3A, %get3A_11, %dot_general3A {dimension_numbers = #tpu.dot_dimension_numbers<[1], [0], [0], [1], [0, 0, 1, 1], [], []>, transpose_lhs_hint = false} : vector<1000x128xf32>, vector<128x128xf32>, vector<1000x128xf32> -> vector<1000x128xf32>
    %mul3A = arith.constant 0.00276213582 : f32
    %mul3A_13 = vector.broadcast %mul3A : f32 to vector<1000x128xf32>
    %mul3A_14 = arith.mulf %dot_general3A_12, %mul3A_13 : vector<1000x128xf32>
    %get3A_15 = arith.constant 0 : index
    %get3A_16 = arith.constant 0 : index
    %get3A_17 = vector.load %arg2[%get3A_15, %get3A_16] : memref<1000x128xf32, #tpu.memory_space<vmem>>, vector<1000x128xf32>
    %add3A_18 = arith.addf %mul3A_14, %get3A_17 : vector<1000x128xf32>
    %logistic3A = arith.negf %add3A_18 : vector<1000x128xf32>
    %logistic3A_19 = math.exp %logistic3A : vector<1000x128xf32>
    %logistic3A_20 = arith.constant 1.000000e+00 : f32
    %logistic3A_21 = vector.broadcast %logistic3A_20 : f32 to vector<1000x128xf32>
    %logistic3A_22 = arith.addf %logistic3A_21, %logistic3A_19 : vector<1000x128xf32>
    %logistic3A_23 = arith.divf %logistic3A_21, %logistic3A_22 : vector<1000x128xf32>
    %mul3A_24 = arith.mulf %add3A_18, %logistic3A_23 : vector<1000x128xf32>
    %swap3A = arith.constant 0 : index
    %swap3A_25 = arith.constant 0 : index
    %swap3A_26 = vector.load %arg4[%swap3A, %swap3A_25] : memref<1000x128xf32, #tpu.memory_space<vmem>>, vector<1000x128xf32>
    tpu.vector_store %arg4[%swap3A, %swap3A_25], %mul3A_24 {strides = array<i32>} : memref<1000x128xf32, #tpu.memory_space<vmem>>, vector<1000x128xf32>,
    return
  }
  func.func @transform_0(%arg0: i32) -> (i32, i32, i32) {
    %c0_i32 = arith.constant 0 : i32
    %c0_i32_0 = arith.constant 0 : i32
    %c0_i32_1 = arith.constant 0 : i32
    return %c0_i32, %arg0, %c0_i32_0 : i32, i32, i32
  }
  func.func @transform_1(%arg0: i32) -> (i32, i32) {
    %c0_i32 = arith.constant 0 : i32
    %c0_i32_0 = arith.constant 0 : i32
    return %arg0, %c0_i32 : i32, i32
  }
  func.func @transform_2(%arg0: i32) -> (i32, i32) {
    %c0_i32 = arith.constant 0 : i32
    %c0_i32_0 = arith.constant 0 : i32
    %c0_i32_1 = arith.constant 0 : i32
    return %c0_i32, %c0_i32_0 : i32, i32
  }
  func.func @transform_3(%arg0: i32) -> (i32, i32) {
    %c0_i32 = arith.constant 0 : i32
    %c0_i32_0 = arith.constant 0 : i32
    return %arg0, %c0_i32 : i32, i32
  }
}

module attributes {stable_mosaic.version = 14 : i64} {
  func.func @body(%arg0: i32, %arg1: memref<5120x8xf32, #tpu.memory_space<vmem>>, %arg2: memref<5120x1xf32, #tpu.memory_space<vmem>>, %arg3: memref<8x64xf32, #tpu.memory_space<vmem>>, %arg4: memref<64x64xf32, #tpu.memory_space<vmem>>, %arg5: memref<64x128xf32, #tpu.memory_space<vmem>>, %arg6: memref<5120x128xf32, #tpu.memory_space<vmem>>) attributes {dimension_semantics = [#tpu.dimension_semantics<arbitrary>], iteration_bounds = array<i64: 63>, scalar_prefetch = 0 : i64, scratch_operands = 0 : i64, tpu.core_type = #tpu.core_type<tc>, window_params = [{transform_indices = @transform_0, window_bounds = array<i64: 5120, 8>}, {transform_indices = @transform_1, window_bounds = array<i64: 5120, 1>}, {pipeline_mode = #tpu.pipeline_mode<synchronous>, transform_indices = @transform_2, window_bounds = array<i64: 8, 64>}, {pipeline_mode = #tpu.pipeline_mode<synchronous>, transform_indices = @transform_3, window_bounds = array<i64: 64, 64>}, {pipeline_mode = #tpu.pipeline_mode<synchronous>, transform_indices = @transform_4, window_bounds = array<i64: 64, 128>}, {transform_indices = @transform_5, window_bounds = array<i64: 5120, 128>}]} {
    %get3A = arith.constant 0 : index
    %get3A_0 = arith.constant 0 : index
    %get3A_1 = vector.load %arg1[%get3A, %get3A_0] : memref<5120x8xf32, #tpu.memory_space<vmem>>, vector<5120x8xf32>
    %get3A_2 = arith.constant 0 : index
    %get3A_3 = arith.constant 0 : index
    %get3A_4 = vector.load %arg3[%get3A_2, %get3A_3] : memref<8x64xf32, #tpu.memory_space<vmem>>, vector<8x64xf32>
    %dot_general3A = arith.constant dense<0.000000e+00> : vector<5120x64xf32>
    %dot_general3A_5 = tpu.matmul %get3A_1, %get3A_4, %dot_general3A {dimension_numbers = #tpu.dot_dimension_numbers<[1], [0], [0], [1], [0, 0, 1, 1], [], []>, transpose_lhs_hint = false} : vector<5120x8xf32>, vector<8x64xf32>, vector<5120x64xf32> -> vector<5120x64xf32>
    %mul3A = arith.constant 0.353553385 : f32
    %mul3A_6 = vector.broadcast %mul3A : f32 to vector<5120x64xf32>
    %mul3A_7 = arith.mulf %dot_general3A_5, %mul3A_6 : vector<5120x64xf32>
    %logistic3A = arith.negf %mul3A_7 : vector<5120x64xf32>
    %logistic3A_8 = math.exp %logistic3A : vector<5120x64xf32>
    %logistic3A_9 = arith.constant 1.000000e+00 : f32
    %logistic3A_10 = vector.broadcast %logistic3A_9 : f32 to vector<5120x64xf32>
    %logistic3A_11 = arith.addf %logistic3A_10, %logistic3A_8 : vector<5120x64xf32>
    %logistic3A_12 = arith.divf %logistic3A_10, %logistic3A_11 : vector<5120x64xf32>
    %mul3A_13 = arith.mulf %mul3A_7, %logistic3A_12 : vector<5120x64xf32>
    %get3A_14 = arith.constant 0 : index
    %get3A_15 = arith.constant 0 : index
    %get3A_16 = vector.load %arg4[%get3A_14, %get3A_15] : memref<64x64xf32, #tpu.memory_space<vmem>>, vector<64x64xf32>
    %dot_general3A_17 = arith.constant dense<0.000000e+00> : vector<5120x64xf32>
    %dot_general3A_18 = tpu.matmul %mul3A_13, %get3A_16, %dot_general3A_17 {dimension_numbers = #tpu.dot_dimension_numbers<[1], [0], [0], [1], [0, 0, 1, 1], [], []>, transpose_lhs_hint = false} : vector<5120x64xf32>, vector<64x64xf32>, vector<5120x64xf32> -> vector<5120x64xf32>
    %mul3A_19 = arith.constant 1.250000e-01 : f32
    %mul3A_20 = vector.broadcast %mul3A_19 : f32 to vector<5120x64xf32>
    %mul3A_21 = arith.mulf %dot_general3A_18, %mul3A_20 : vector<5120x64xf32>
    %logistic3A_22 = arith.negf %mul3A_21 : vector<5120x64xf32>
    %logistic3A_23 = math.exp %logistic3A_22 : vector<5120x64xf32>
    %logistic3A_24 = arith.constant 1.000000e+00 : f32
    %logistic3A_25 = vector.broadcast %logistic3A_24 : f32 to vector<5120x64xf32>
    %logistic3A_26 = arith.addf %logistic3A_25, %logistic3A_23 : vector<5120x64xf32>
    %logistic3A_27 = arith.divf %logistic3A_25, %logistic3A_26 : vector<5120x64xf32>
    %mul3A_28 = arith.mulf %mul3A_21, %logistic3A_27 : vector<5120x64xf32>
    %get3A_29 = arith.constant 0 : index
    %get3A_30 = arith.constant 0 : index
    %get3A_31 = vector.load %arg5[%get3A_29, %get3A_30] : memref<64x128xf32, #tpu.memory_space<vmem>>, vector<64x128xf32>
    %dot_general3A_32 = arith.constant dense<0.000000e+00> : vector<5120x128xf32>
    %dot_general3A_33 = tpu.matmul %mul3A_28, %get3A_31, %dot_general3A_32 {dimension_numbers = #tpu.dot_dimension_numbers<[1], [0], [0], [1], [0, 0, 1, 1], [], []>, transpose_lhs_hint = false} : vector<5120x64xf32>, vector<64x128xf32>, vector<5120x128xf32> -> vector<5120x128xf32>
    %mul3A_34 = arith.constant 1.250000e-01 : f32
    %mul3A_35 = vector.broadcast %mul3A_34 : f32 to vector<5120x128xf32>
    %mul3A_36 = arith.mulf %dot_general3A_33, %mul3A_35 : vector<5120x128xf32>
    %get3A_37 = arith.constant 0 : index
    %get3A_38 = arith.constant 0 : index
    %get3A_39 = vector.load %arg2[%get3A_37, %get3A_38] : memref<5120x1xf32, #tpu.memory_space<vmem>>, vector<5120x1xf32>
    %mul3A_40 = vector.broadcast %get3A_39 : vector<5120x1xf32> to vector<5120x128xf32>
    %mul3A_41 = arith.mulf %mul3A_36, %mul3A_40 : vector<5120x128xf32>
    %swap3A = arith.constant 0 : index
    %swap3A_42 = arith.constant 0 : index
    %swap3A_43 = vector.load %arg6[%swap3A, %swap3A_42] : memref<5120x128xf32, #tpu.memory_space<vmem>>, vector<5120x128xf32>
    tpu.vector_store %arg6[%swap3A, %swap3A_42], %mul3A_41 {strides = array<i32>} : memref<5120x128xf32, #tpu.memory_space<vmem>>, vector<5120x128xf32>,
    return
  }
  func.func @transform_0(%arg0: i32) -> (i32, i32) {
    %c0_i32 = arith.constant 0 : i32
    %c0_i32_0 = arith.constant 0 : i32
    return %arg0, %c0_i32 : i32, i32
  }
  func.func @transform_1(%arg0: i32) -> (i32, i32) {
    %c0_i32 = arith.constant 0 : i32
    %c0_i32_0 = arith.constant 0 : i32
    return %arg0, %c0_i32 : i32, i32
  }
  func.func @transform_2(%arg0: i32) -> (i32, i32) {
    %c0_i32 = arith.constant 0 : i32
    %c0_i32_0 = arith.constant 0 : i32
    %c0_i32_1 = arith.constant 0 : i32
    return %c0_i32, %c0_i32_0 : i32, i32
  }
  func.func @transform_3(%arg0: i32) -> (i32, i32) {
    %c0_i32 = arith.constant 0 : i32
    %c0_i32_0 = arith.constant 0 : i32
    %c0_i32_1 = arith.constant 0 : i32
    return %c0_i32, %c0_i32_0 : i32, i32
  }
  func.func @transform_4(%arg0: i32) -> (i32, i32) {
    %c0_i32 = arith.constant 0 : i32
    %c0_i32_0 = arith.constant 0 : i32
    %c0_i32_1 = arith.constant 0 : i32
    return %c0_i32, %c0_i32_0 : i32, i32
  }
  func.func @transform_5(%arg0: i32) -> (i32, i32) {
    %c0_i32 = arith.constant 0 : i32
    %c0_i32_0 = arith.constant 0 : i32
    return %arg0, %c0_i32 : i32, i32
  }
}

</mosaic_0001>

<sc_bundles>
// kernel: kernel.6.cloned.1.call-start
scs
__scs_entry_jumppad:
0x0: {  	(pc) =	sbr.rel $0x88, $3  }
0x1: {  	(tag) =	ssettag $0x0;
	lr =	simm.s32 $0x1  }
0x2: {  	[smem:$0x3F95] =	sst lr;
	_ =	strace $0xD0000000  }
0x3: {  	_ = 	snop  }
0x4: {  	_ = 	snop  }
0x5: {  	_ = 	snop  }
0x6: {  	_ = 	snop  }
0x7: {  	_ = 	snop  }
__scs_overlays_trampoline_lowered:
0x8: {  	[smem:$0x3FA4] =	sst s0  }
0x9: {  	[smem:$0x3FA5] =	sst s1  }
0xa: {  	[smem:$0x3FA6] =	sst s2  }
0xb: {  	[smem:$0x3FA7] =	sst s3  }
0xc: {  	[smem:$0x3FA8] =	sst s4  }
0xd: {  	[smem:$0x3FA9] =	sst s5  }
0xe: {  	[smem:$0x3FAA] =	sst s6  }
0xf: {  	[smem:$0x3FAB] =	sst s7  }
0x10: {  	[smem:$0x3FAC] =	sst s8  }
0x11: {  	[smem:$0x3FAD] =	sst s9;
	s0 =	simm.s32 @!p0 $0x0  }
0x12: {  	s1 =	sld [smem:$0x3F93];
	s0 =	simm.s32 @p0 $0x1  }
0x13: {  	[smem:$0x3FAE] =	sst s0;
	s0 =	simm.s32 @!p1 $0x0  }
0x14: {  	s2 =	sld [smem:$0x3F92];
	s0 =	simm.s32 @p1 $0x1  }
0x15: {  	[smem:$0x3FAF] =	sst s0;
	s0 =	simm.s32 @!p2 $0x0  }
0x16: {  	s3 =	sld [smem:$0x3FDB];
	s0 =	simm.s32 @p2 $0x1  }
0x17: {  	s4 =	simm.s32 $0x1BF5;
	[smem:$0x3FB1] =	sst s0  }
0x18: {  	s0 =	sld [smem:$0x3F94];
	_ =	swait.ge [sflag:s4], $0x0  }
0x19: {  	s7 =	sld [smem:$0x3F95]  }
0x1a: {  	s8 =	sadd.s32 $0xFFFFE003, lr  }
0x1b: {  	s9 =	sadd.s32 $0xFFFFFEF7, lr;
	s5 =	simm.s32 $0xFFFFFFFF;
	p2 =	slt.u32 s8, $0xFFFFF086  }
0x1c: {  	p1 =	slt.u32 s9, $0xF7A;
	s5 =	simm.s32 @!p2 $0x0  }
0x1d: {  	s5 =	simm.s32 @p1 $0x1;
	p0 =	seq.s32 s7, s2  }
0x1e: {  	s7 =	smul.u32 @!p0 $0xF7A, s2;
	p2 =	seq.s32 @!p0 s5, $0x0  }
0x1f: {  	s9 =	smul.u32 $0xF7A, s1;
	s8 =	simm.s32 @!p0 $0x1BF5;
	p2 =	por !p2, p0  }
0x20: {  	[sflag:s8] =	ssyncset.s32 @!p0 $0xFFFFF086;
	s6 =	sadd.s32 @!p0 s3, s7;
	s7 =	simm.s32 @!p0 $0x108  }
0x21: {  	s3 =	sadd.s32 s3, s9;
	s6 =	sadd.s32 @!p0 $0x88, s6;
	s7 =	simm.s32 @p2 $0x1082  }
0x22: {  	[simem:s7], [sflag:s8] =	dma.local @!p0 [hbm:s6], $0xF7A  }
0x23: {  	s9 =	sor.u32 $0xD0000000, s2;
	s6 =	simm.s32 $0x108;
	_ =	swait.ge @!p0 [sflag:s8], $0x0  }
0x24: {  	s3 =	sadd.s32 $0x88, s3;
	s6 =	simm.s32 @!p1 $0x1082;
	[sflag:s4] =	ssyncset.s32 $0xFFFFF086  }
0x25: {  	[simem:s6], [sflag:s4] =	dma.local [hbm:s3], $0xF7A  }
0x26: {  	[smem:$0x3F95] =	sst s1;
	(tag) =	ssettag s2;
	_ =	strace s9  }
0x27: {  	s1 =	sld [smem:$0x3FA5]  }
0x28: {  	s2 =	sld [smem:$0x3FA6]  }
0x29: {  	s4 =	sld [smem:$0x3FA8]  }
0x2a: {  	p0 =	seq.s32 s5, $0x0;
	s5 =	sld [smem:$0x3FA9]  }
0x2b: {  	s6 =	sld [smem:$0x3FAA]  }
0x2c: {  	s7 =	sld [smem:$0x3FAB]  }
0x2d: {  	s3 =	simm.s32 $0x108;
	s8 =	sld [smem:$0x3FAC]  }
0x2e: {  	s3 =	simm.s32 @!p0 $0x1082;
	s9 =	sld [smem:$0x3FAD]  }
0x2f: {  	lr =	sadd.s32 s0, s3;
	s0 =	sld [smem:$0x3FA4]  }
0x30: {  	s3 =	sld [smem:$0x3FA7]  }
0x31: {  	[smem:$0x3FB0] =	sst s10  }
0x32: {  	s10 =	sld [smem:$0x3FAE];
	_ =	sdelay $0x3  }
0x33: {  	p0 =	seq.s32 s10, $0x1;
	s10 =	sld [smem:$0x3FB0];
	_ =	sdelay $0x3  }
0x34: {  	[smem:$0x3FB0] =	sst s10  }
0x35: {  	s10 =	sld [smem:$0x3FAF];
	_ =	sdelay $0x3  }
0x36: {  	p1 =	seq.s32 s10, $0x1;
	s10 =	sld [smem:$0x3FB0];
	_ =	sdelay $0x3  }
0x37: {  	[smem:$0x3FB0] =	sst s10  }
0x38: {  	s10 =	sld [smem:$0x3FB1]  }
0x39: {  	_ = 	snop;
	(pc) =	sbr.ind lr, $3  }
0x3a: {  	_ = 	snop  }
0x3b: {  	_ = 	snop  }
0x3c: {  	p2 =	seq.s32 s10, $0x1;
	s10 =	sld [smem:$0x3FB0]  }
0x3d: {  	_ =	shalt  }
0x3e: {  	_ =	shalt  }
0x3f: {  	_ =	shalt  }
0x40: {  	_ =	shalt  }
0x41: {  	_ =	shalt  }
0x42: {  	_ =	shalt  }
0x43: {  	_ =	shalt  }
0x44: {  	_ =	shalt  }
0x45: {  	_ =	shalt  }
0x46: {  	_ =	shalt  }
0x47: {  	_ =	shalt  }
0x48: {  	_ =	shalt  }
0x49: {  	_ =	shalt  }
0x4a: {  	_ =	shalt  }
0x4b: {  	_ =	shalt  }
0x4c: {  	_ =	shalt  }
0x4d: {  	_ =	shalt  }
0x4e: {  	_ =	shalt  }
0x4f: {  	_ =	shalt  }
0x50: {  	_ =	shalt  }
0x51: {  	_ =	shalt  }
0x52: {  	_ =	shalt  }
0x53: {  	_ =	shalt  }
0x54: {  	_ =	shalt  }
0x55: {  	_ =	shalt  }
0x56: {  	_ =	shalt  }
0x57: {  	_ =	shalt  }
0x58: {  	_ =	shalt  }
0x59: {  	_ =	shalt  }
0x5a: {  	_ =	shalt  }
0x5b: {  	_ =	shalt  }
0x5c: {  	_ =	shalt  }
0x5d: {  	_ =	shalt  }
0x5e: {  	_ =	shalt  }
0x5f: {  	_ =	shalt  }
0x60: {  	_ =	shalt  }
0x61: {  	_ =	shalt  }
0x62: {  	_ =	shalt  }
0x63: {  	_ =	shalt  }
0x64: {  	_ =	shalt  }
0x65: {  	_ =	shalt  }
0x66: {  	_ =	shalt  }
0x67: {  	_ =	shalt  }
0x68: {  	_ =	shalt  }
0x69: {  	_ =	shalt  }
0x6a: {  	_ =	shalt  }
0x6b: {  	_ =	shalt  }
0x6c: {  	_ =	shalt  }
0x6d: {  	_ =	shalt  }
0x6e: {  	_ =	shalt  }
0x6f: {  	_ =	shalt  }
0x70: {  	_ =	shalt  }
0x71: {  	_ =	shalt  }
0x72: {  	_ =	shalt  }
0x73: {  	_ =	shalt  }
0x74: {  	_ =	shalt  }
0x75: {  	_ =	shalt  }
0x76: {  	_ =	shalt  }
0x77: {  	_ =	shalt  }
0x78: {  	_ =	shalt  }
0x79: {  	_ =	shalt  }
0x7a: {  	_ =	shalt  }
0x7b: {  	_ =	shalt  }
0x7c: {  	_ =	shalt  }
0x7d: {  	_ =	shalt  }
0x7e: {  	_ =	shalt  }
0x7f: {  	_ =	shalt  }
0x80: {  	_ =	shalt  }
0x81: {  	_ =	shalt  }
0x82: {  	_ =	shalt  }
0x83: {  	_ =	shalt  }
0x84: {  	_ =	shalt  }
0x85: {  	_ =	shalt  }
0x86: {  	_ =	shalt  }
0x87: {  	_ =	shalt  }
.Lfunc_end0:
.L_simem_size_0:
called_computation_lowered:
.L_overlay_start_0:
0x88: {  	s2 =	sld [smem:$0x3FD9]  }
0x89: {  	s3 =	sld [smem:$0x3FFE];
	_ =	sdelay $0x1  }
0x8a: {  	s1 =	srdreg.scid  }
0x8b: {  	s0 =	sand.u32 $0x1, s1  }
0x8c: {  	s17 =	sshll.u32 s0, $0xA;
	s2 =	sadd.s32 s3, s2  }
0x8d: {  	s2 =	sadd.s32 s2, s17  }
0x8e: {  	[smem:$0x3FBC] =	sst s2  }
0x8f: {  	_ = 	snop  }
0x90: {  	s2 =	sld [smem:$0x3FD0];
	(tm) =	ssettm $0x1  }
0x91: {  	s18 =	sld [smem:$0x3FFB];
	_ =	sdelay $0x3  }
0x92: {  	_ =	strace s18  }
0x93: {  	s3 =	sld [smem:$0x3FFC];
	_ =	sdelay $0x3  }
0x94: {  	_ =	strace s3  }
0x95: {  	s3 =	sld [smem:$0x3FFD];
	_ =	sdelay $0x3  }
0x96: {  	_ =	strace s3  }
0x97: {  	_ =	strace $0x8FFFFFFF  }
0x98: {  	s19 =	sld [smem:$0x3FDB];
	_ =	sdelay $0x1  }
0x99: {  	s4 =	simm.s32 $_scs_section_size  }
0x9a: {  	s5 =	simm.s32 $_size__tile_overlayer_lowered;
	s6 =	simm.s32 $_tile_overlayer_lowered  }
0x9b: {  	s22 =	simm.s32 $0x1BFF;
	s21 =	sshll.u32 s6, $0x1;
	s3 =	sadd.s32 s4, s19  }
0x9c: {  	s7 =	simm.s32 $0x0;
	s20 =	sshll.u32 s5, $0x1;
	s5 =	sadd.s32 s21, s3  }
0x9d: {  	[timem:s7], [sflag:s22] =	dma.local [hbm:s5], s20  }
0x9e: {  	_ =	swait.ge [sflag:s22], s20  }
0x9f: {  	s4 =	ssub.s32 $0x0, s20;
	[sflag:s22] =	ssyncset.done $0x0  }
0xa0: {  	[sflag:s22] =	ssyncadd.s32 s4;
	_ =	sdelay $0x1  }
0xa1: {  	s23 =	simm.s32 $0x1B8B  }
0xa2: {  	_ =	swait.ge [sflag:s23], $0x1  }
0xa3: {  	[sflag:s23] =	ssyncset.done $0x0  }
0xa4: {  	s25 =	simm.s32 $0x1B8E;
	s24 =	sld [smem:$0x3FFE];
	[sflag:s23] =	ssyncadd.s32 $0xFFFFFFFF  }
0xa5: {  	s26 =	simm.s32 $execute0_lowered;
	[smem:$0x3FD2] =	sst s25  }
0xa6: {  	s5 =	sshll.u32 s26, $0x1;
	_ =	strace $0x80000046;
	[dreg:$0x1] =	wrdreg $0xFFFFFFFF  }
0xa7: {  	s28 =	simm.s32 $_size_execute0_lowered;
	s3 =	sadd.s32 s3, s5;
	[dreg:$0x0] =	wrdreg $0x0  }
0xa8: {  	s5 =	sshll.u32 s28, $0x1;
	[dreg:$0x2] =	wrdreg s3  }
0xa9: {  	[dreg:$0x3] =	wrdreg s5  }
0xaa: {  	[dreg:$0x4] =	wrdreg $0xC0  }
0xab: {  	_ =	task [dreg:s7], $0x5FFFF  }
0xac: {  	[dreg:$0x1] =	wrdreg $0xFFFFFFFF  }
0xad: {  	[dreg:$0x0] =	wrdreg $0x60  }
0xae: {  	[dreg:$0x2] =	wrdreg s2  }
0xaf: {  	[dreg:$0x3] =	wrdreg s24  }
0xb0: {  	[dreg:$0x4] =	wrdreg $0xA3000  }
0xb1: {  	[dreg:$0x5] =	wrdreg $0x9  }
0xb2: {  	_ =	task.clear_ibuf [dreg:s7], $0x6FFFF;
	_ =	strace $0x90000046  }
0xb3: {  	s29 =	simm.s32 $0x9;
	_ =	strace $0x80000048  }
0xb4: {  	_ =	swait.ge [sflag:s29], $0x1  }
0xb5: {  	[sflag:s29] =	ssyncadd.s32 $0xFFFFFFFF  }
0xb6: {  	_ =	strace $0x90000048  }
0xb7: {  	_ =	sfence  }
0xb8: {  	s30 =	sld [smem:$0x0];
	_ =	sdelay $0x2  }
0xb9: {  	s31 =	sshll.u32 s1, $0xD;
	s1 =	sshrl.u32 s1, $0x2  }
0xba: {  	s3 =	sand.u32 $0x4000, s31;
	s1 =	sadd.s32 s1, s30  }
0xbb: {  	s0 =	sor.u32 s3, s0;
	s1 =	sshll.u32 s1, $0x11  }
0xbc: {  	s0 =	sor.u32 s1, s0  }
0xbd: {  	s0 =	sadd.s32 $0x8F2B, s0  }
0xbe: {  	[sflag:s0] =	ssyncadd.remote.s32 $0x1  }
0xbf: {  	_ =	sfence.sel $0xFFFF  }
0xc0: {  	[dreg:$0x0] =	wrdreg $0xFFFFFFFF;
	(pc) =	sbr.abs _section_cstart, $3  }
0xc1: {  	[dreg:$0x1] =	wrdreg $0xFFFFFFFF  }
0xc2: {  	_ =	task.clear_ibuf [dreg:s7], $0x2FFFF;
	_ =	strace $0x9FFFFFFF  }
0xc3: {  	(tm) =	ssettm $0x7FFFFFFF  }
tec
execute0_lowered:
.L_overlay_start_1:
0x0: {  	(tag) =	ssettag $0x1  }
0x1: {  	s1 =	rddreg [dreg:$0x0]  }
0x2: {  	s4 =	rddreg [dreg:$0x1]  }
0x3: {  	s2 =	rddreg [dreg:$0x2]  }
0x4: {  	s3 =	simm.s32 $0x0;
	s0 =	srdreg.scid;
	s11 =	stileid.u32  }
0x5: {  	s29 =	simm.s32 $0x1;
	s30 =	simm.s32 $0x50;
	[smem:$0x7FF] =	sst s3  }
0x6: {  	s5 =	sadd.s32 $0xA01600, s4;
	s6 =	sand.u32 $0x1, s0;
	s10 =	smul.u32 $0x13C00, s11  }
0x7: {  	s7 =	sadd.s32 $0x2800, s4;
	s9 =	sshll.u32 s11, $0x1;
	s0 =	ssub.s32 $0x2, s6  }
0x8: {  	_ =	strace $0x80000047;
	s8 =	sshrl.u32 s0, $0x1;
	s12 =	sadd.s32 $0x5000, s10  }
0x9: {  	s13 =	sadd.s32 $0x7800, s10;
	s16 =	sadd.s32 $0xA000, s10;
	s17 =	sadd.s32 $0xC800, s10  }
0xa: {  	s0 =	ssub.s32 s0, s8;
	s8 =	sor.u32 s6, s9;
	s6 =	smul.u32 $0x13C000, s6  }
0xb: {  	s18 =	sadd.s32 $0xF000, s10;
	s9 =	smul.u32 $0x4F000, s11;
	s11 =	sadd.s32 $0x2800, s10  }
0xc: {  	s0 =	smax.u32 s0, $0x1;
	s14 =	sadd.s32 s10, s6;
	s15 =	sadd.s32 s6, s11  }
0xd: {  	s10 =	sadd.s32 $0x11800, s10;
	s26 =	sadd.s32 s6, s13;
	s19 =	sadd.s32 s6, s16  }
0xe: {  	s11 =	sadd.s32 s11, s2;
	[smem:$0x7FD] =	sst s0;
	s14 =	sshrl.u32 s14, $0x3  }
0xf: {  	s15 =	sshrl.u32 s15, $0x3;
	s31 =	sadd.s32 s10, s2;
	[dreg:$0xd] =	wrdreg s11  }
0x10: {  	s20 =	sshrl.u32 s26, $0x3;
	s14 =	sadd.s32 s7, s14;
	[dreg:$0x13] =	wrdreg s31  }
0x11: {  	s21 =	sshrl.u32 s19, $0x3;
	s24 =	sadd.s32 s7, s15;
	[dreg:$0x4] =	wrdreg s14  }
0x12: {  	s26 =	sshrl.u32 s9, $0x2;
	s22 =	sadd.s32 s7, s21;
	[dreg:$0x5] =	wrdreg s24  }
0x13: {  	s25 =	sadd.s32 s6, s12;
	s19 =	sadd.s32 s26, s2;
	[dreg:$0x8] =	wrdreg s22  }
0x14: {  	s23 =	sadd.s32 s6, s17;
	s21 =	sadd.s32 s13, s2;
	[dreg:$0xc] =	wrdreg s19  }
0x15: {  	s26 =	sadd.s32 s18, s2;
	s14 =	sshrl.u32 s25, $0x3;
	[dreg:$0xf] =	wrdreg s21  }
0x16: {  	s24 =	sadd.s32 s6, s18;
	s22 =	sadd.s32 s16, s2;
	[dreg:$0x12] =	wrdreg s26  }
0x17: {  	s6 =	sadd.s32 s6, s10;
	s14 =	sadd.s32 s7, s14;
	[dreg:$0x10] =	wrdreg s22  }
0x18: {  	s25 =	sshrl.u32 s24, $0x3;
	s24 =	sadd.s32 s17, s2;
	[dreg:$0x6] =	wrdreg s14  }
0x19: {  	s6 =	sshrl.u32 s6, $0x3;
	s14 =	sadd.s32 s7, s20;
	[dreg:$0x11] =	wrdreg s24  }
0x1a: {  	s0 =	simm.s32 $0x5180;
	s6 =	sadd.s32 s7, s6;
	[dreg:$0x7] =	wrdreg s14  }
0x1b: {  	s20 =	sadd.s32 s12, s2;
	s14 =	sshrl.u32 s23, $0x3;
	[dreg:$0xb] =	wrdreg s6  }
0x1c: {  	s6 =	smul.u32 $0x7E, s8;
	[dreg:$0xe] =	wrdreg s20;
	s14 =	sadd.s32 s7, s14  }
0x1d: {  	[dreg:$0x9] =	wrdreg s14;
	s14 =	sadd.s32 s7, s25;
	s7 =	smul.u32 $0x4EC, s8  }
0x1e: {  	s15 =	sadd.s32 $0x9D0600, s4;
	[dreg:$0xa] =	wrdreg s14;
	s14 =	sadd.s32 $0x9C6800, s4  }
0x1f: {  	s25 =	smul.u32 $0x27600, s8;
	s23 =	sor.u32 $0x1, s6;
	s12 =	sadd.s32 s14, s7  }
0x20: {  	s13 =	smul.u32 $0xA, s23;
	s4 =	sadd.s32 s15, s7;
	[dreg:$0x14] =	wrdreg s12  }
0x21: {  	s28 =	sadd.s32 $0x2, s6;
	s7 =	sadd.s32 s5, s25;
	[dreg:$0x15] =	wrdreg s4  }
0x22: {  	s16 =	smul.u32 $0x500, s23;
	[dreg:$0x16] =	wrdreg s7;
	s17 =	sadd.s32 s14, s13  }
0x23: {  	s18 =	smul.u32 $0xA, s28;
	s10 =	sadd.s32 s15, s13;
	[dreg:$0x17] =	wrdreg s17  }
0x24: {  	s9 =	smul.u32 $0x2760, s8;
	s4 =	sadd.s32 s5, s16;
	[dreg:$0x18] =	wrdreg s10  }
0x25: {  	s8 =	smul.u32 $0x13B000, s8;
	s12 =	sadd.s32 s14, s18;
	[dreg:$0x19] =	wrdreg s4  }
0x26: {  	s25 =	smul.u32 $0x500, s28;
	s7 =	sadd.s32 s15, s18;
	[dreg:$0x1a] =	wrdreg s12  }
0x27: {  	s13 =	sshrl.u32 s9, $0x3;
	s9 =	simm.s32 $0x2;
	[dreg:$0x1b] =	wrdreg s7  }
0x28: {  	s4 =	sadd.s32 s5, s25;
	s16 =	sadd.s32 $0x1E, s13;
	s17 =	sshrl.u32 s8, $0x3  }
0x29: {  	s10 =	sadd.s32 $0x3, s6;
	s13 =	simm.s32 $0x180;
	s6 =	simm.s32 $0x4  }
0x2a: {  	s7 =	simm.s32 $0x5300;
	s12 =	simm.s32 $0x3;
	s8 =	simm.s32 $0x0  }
0x2b: {  	[dreg:$0x1c] =	wrdreg s4;
	s18 =	sadd.s32 s14, s16;
	s4 =	sadd.s32 s15, s16  }
0x2c: {  	s25 =	sadd.s32 s5, s17;
	s16 =	simm.s32 $0x5;
	[dreg:$0x1d] =	wrdreg s18  }
0x2d: {  	s17 =	simm.s32 $0x5280;
	[dreg:$0x1e] =	wrdreg s4;
	s4 =	sadd.s32 $0x27100, s25  }
0x2e: {  	v0 =	vimm.f32 $0.0e+00;
	s25 =	simm.s32 $0x7;
	s18 =	simm.s32 $0x6;
	[dreg:$0x1f] =	wrdreg s4  }
.LBB2_1:
0x2f: {  	[smem:$0x7FC] =	sst s8;
	s4 =	simm.s32 $0x0;
	s8 =	simm.s32 $0x200  }
.LBB2_2:
0x30: {  	p0 =	sne.s32 s8, $0x9E00;
	[tilespmem:s4+$0x1F0] =	vst v0  }
0x31: {  	[tilespmem:s4+$0x180] =	vst v0  }
0x32: {  	[tilespmem:s4+$0x190] =	vst v0  }
.Ltmp0:
0x33: {  	[tilespmem:s4+$0x1A0] =	vst v0;
	(pc) =	sbr.rel @p0 .LBB2_2-.Ltmp0, $4  }
0x34: {  	[tilespmem:s4+$0x1B0] =	vst v0  }
0x35: {  	[tilespmem:s4+$0x1C0] =	vst v0  }
0x36: {  	[tilespmem:s4+$0x1D0] =	vst v0  }
0x37: {  	[tilespmem:s4+$0x1E0] =	vst v0;
	s4 =	sshra.s32 s8, $0x2;
	s8 =	sadd.s32 $0x200, s8  }
0x38: {  	[tilespmem:s4+$0x1F0] =	vst v0  }
0x39: {  	[tilespmem:s4+$0x180] =	vst v0  }
0x3a: {  	[tilespmem:s4+$0x190] =	vst v0  }
0x3b: {  	[tilespmem:s4+$0x1A0] =	vst v0  }
0x3c: {  	[tilespmem:s4+$0x1B0] =	vst v0  }
0x3d: {  	[tilespmem:s4+$0x1C0] =	vst v0  }
0x3e: {  	[tilespmem:s4+$0x1D0] =	vst v0  }
0x3f: {  	[tilespmem:s4+$0x1E0] =	vst v0  }
0x40: {  	[spmem:s19] =	stream.linear.scatter [tilespmem:s13], [sflag:$0x7], $0x2800, $0x38;
	[tilespmem:$0x1DF00] =	vst v63  }
0x41: {  	_ =	swait.ge [sflag:s25], $0x2800  }
0x42: {  	[sflag:s25] =	ssyncset.done $0x0  }
0x43: {  	[sflag:s25] =	ssyncadd.s32 $0xFFFFD800  }
0x44: {  	[spmem:s11] =	stream.linear.scatter [tilespmem:s13], [sflag:$0x7], $0x2800, $0x38;
	[tilespmem:$0x1DF00] =	vst v63  }
0x45: {  	_ =	swait.ge [sflag:s25], $0x2800  }
0x46: {  	[sflag:s25] =	ssyncset.done $0x0  }
0x47: {  	[sflag:s25] =	ssyncadd.s32 $0xFFFFD800  }
0x48: {  	[spmem:s20] =	stream.linear.scatter [tilespmem:s13], [sflag:$0x7], $0x2800, $0x38;
	[tilespmem:$0x1DF00] =	vst v63  }
0x49: {  	_ =	swait.ge [sflag:s25], $0x2800  }
0x4a: {  	[sflag:s25] =	ssyncset.done $0x0  }
0x4b: {  	[sflag:s25] =	ssyncadd.s32 $0xFFFFD800  }
0x4c: {  	[spmem:s21] =	stream.linear.scatter [tilespmem:s13], [sflag:$0x7], $0x2800, $0x38;
	[tilespmem:$0x1DF00] =	vst v63  }
0x4d: {  	_ =	swait.ge [sflag:s25], $0x2800  }
0x4e: {  	[sflag:s25] =	ssyncset.done $0x0  }
0x4f: {  	[sflag:s25] =	ssyncadd.s32 $0xFFFFD800  }
0x50: {  	[spmem:s22] =	stream.linear.scatter [tilespmem:s13], [sflag:$0x7], $0x2800, $0x38;
	[tilespmem:$0x1DF00] =	vst v63  }
0x51: {  	_ =	swait.ge [sflag:s25], $0x2800  }
0x52: {  	[sflag:s25] =	ssyncset.done $0x0  }
0x53: {  	[sflag:s25] =	ssyncadd.s32 $0xFFFFD800  }
0x54: {  	[spmem:s24] =	stream.linear.scatter [tilespmem:s13], [sflag:$0x7], $0x2800, $0x38;
	[tilespmem:$0x1DF00] =	vst v63  }
0x55: {  	_ =	swait.ge [sflag:s25], $0x2800  }
0x56: {  	[sflag:s25] =	ssyncset.done $0x0  }
0x57: {  	[sflag:s25] =	ssyncadd.s32 $0xFFFFD800  }
0x58: {  	[spmem:s26] =	stream.linear.scatter [tilespmem:s13], [sflag:$0x7], $0x2800, $0x38;
	[tilespmem:$0x1DF00] =	vst v63  }
0x59: {  	_ =	swait.ge [sflag:s25], $0x2800  }
0x5a: {  	[sflag:s25] =	ssyncset.done $0x0  }
0x5b: {  	[sflag:s25] =	ssyncadd.s32 $0xFFFFD800  }
0x5c: {  	[spmem:s31] =	stream.linear.scatter [tilespmem:s13], [sflag:$0x7], $0x2400, $0x38;
	[tilespmem:$0x1DF00] =	vst v63  }
0x5d: {  	_ =	swait.ge [sflag:s25], $0x2400  }
0x5e: {  	[sflag:s25] =	ssyncset.done $0x0  }
0x5f: {  	[sflag:s25] =	ssyncadd.s32 $0xFFFFDC00  }
0x60: {  	[bflag:$0x0] =	sbarrier.arrive $0xFFFF  }
0x61: {  	s26 =	rddreg [dreg:$0x14]  }
0x62: {  	[tilespmem:s3], [sflag:$0x1] =	stream.linear.gather [hbm4b:s26+s3], $0x50, $0x38;
	[tilespmem:$0x1DF00] =	vst v63  }
0x63: {  	s8 =	simm.s32 $0x80;
	s31 =	rddreg [dreg:$0x15]  }
0x64: {  	[tilespmem:s8], [sflag:$0x1] =	stream.linear.gather [hbm4b:s31+s3], $0x50, $0x38;
	[tilespmem:$0x1DF00] =	vst v63  }
0x65: {  	_ =	swait.ge [sflag:s29], $0x50  }
0x66: {  	[sflag:s29] =	ssyncset.done $0x0  }
0x67: {  	[sflag:s29] =	ssyncadd.s32 $0xFFFFFFB0  }
0x68: {  	_ =	swait.ge [sflag:s29], $0x50  }
0x69: {  	[sflag:s29] =	ssyncset.done $0x0  }
0x6a: {  	[sflag:s29] =	ssyncadd.s32 $0xFFFFFFB0  }
0x6b: {  	[tilespmem:s13], [sflag:$0x2] =	stream.indirect.gather [hbm4b:s1+s30], $0x80, s3, s30, $0xb8;
	[tilespmem:$0x1DF00] =	vst v63  }
0x6c: {  	s19 =	simm.s32 $0x2980;
	s11 =	rddreg [dreg:$0x16]  }
0x6d: {  	[tilespmem:s19], [sflag:$0x2] =	stream.linear.gather [hbm4b:s11+s3], $0x2800, $0x38;
	[tilespmem:$0x1DF00] =	vst v63  }
0x6e: {  	s20 =	rddreg [dreg:$0x17]  }
0x6f: {  	[tilespmem:s0], [sflag:$0x4] =	stream.linear.gather [hbm4b:s20+s3], $0x50, $0x38;
	[tilespmem:$0x1DF00] =	vst v63  }
0x70: {  	s22 =	simm.s32 $0x5200;
	s21 =	rddreg [dreg:$0x18]  }
0x71: {  	[tilespmem:s22], [sflag:$0x4] =	stream.linear.gather [hbm4b:s21+s3], $0x50, $0x38;
	[tilespmem:$0x1DF00] =	vst v63  }
0x72: {  	_ =	swait.ge [sflag:s6], $0x50  }
0x73: {  	[sflag:s6] =	ssyncset.done $0x0  }
0x74: {  	[sflag:s6] =	ssyncadd.s32 $0xFFFFFFB0  }
0x75: {  	_ =	swait.ge [sflag:s6], $0x50  }
0x76: {  	[sflag:s6] =	ssyncset.done $0x0  }
0x77: {  	[sflag:s6] =	ssyncadd.s32 $0xFFFFFFB0  }
0x78: {  	[tilespmem:s7], [sflag:$0x5] =	stream.indirect.gather [hbm4b:s1+s30], $0x80, s0, s30, $0xb8;
	[tilespmem:$0x1DF00] =	vst v63  }
0x79: {  	s26 =	simm.s32 $0x7B00;
	s24 =	rddreg [dreg:$0x19]  }
0x7a: {  	[tilespmem:s26], [sflag:$0x5] =	stream.linear.gather [hbm4b:s24+s3], $0x2800, $0x38;
	[tilespmem:$0x1DF00] =	vst v63  }
0x7b: {  	_ =	swait.ge [sflag:s9], $0x2800  }
0x7c: {  	[sflag:s9] =	ssyncset.done $0x0  }
0x7d: {  	[sflag:s9] =	ssyncadd.s32 $0xFFFFD800  }
0x7e: {  	_ =	swait.ge [sflag:s9], $0x2800  }
0x7f: {  	[sflag:s9] =	ssyncset.done $0x0  }
0x80: {  	s20 =	simm.s32 $0x200;
	[sflag:s9] =	ssyncadd.s32 $0xFFFFD800  }
0x81: {  	s31 =	simm.s32 $0x2A00;
	v1 =	vld [tilespmem:s20+$0x0]  }
0x82: {  	v2 =	vld [tilespmem:s31+$0x0];
	_ =	sdelay $0x3  }
0x83: {  	v3 =	vld [tilespmem:s20+$0xFFFFFF80]  }
0x84: {  	v1 =	vmul.f32 v2, v1;
	v2 =	vld [tilespmem:s31+$0xFFFFFF80];
	_ =	sdelay $0x1  }
0x85: {  	[tilespmem:s20+$0x0] =	vst v1;
	v1 =	vld [tilespmem:s20+$0x10]  }
0x86: {  	v4 =	vld [tilespmem:s31+$0x10];
	_ =	sdelay $0x1  }
0x87: {  	v2 =	vmul.f32 v2, v3;
	_ =	sdelay $0x1  }
0x88: {  	v5 =	vld [tilespmem:s20+$0xFFFFFF90];
	[tilespmem:s20+$0xFFFFFF80] =	vst v2  }
0x89: {  	v1 =	vmul.f32 v4, v1;
	v2 =	vld [tilespmem:s31+$0xFFFFFF90];
	_ =	sdelay $0x1  }
0x8a: {  	[tilespmem:s20+$0x10] =	vst v1;
	v1 =	vld [tilespmem:s20+$0x20]  }
0x8b: {  	v4 =	vld [tilespmem:s31+$0x20]  }
0x8c: {  	v6 =	vld [tilespmem:s20+$0xFFFFFFB0]  }
0x8d: {  	s21 =	simm.s32 $0x300;
	v7 =	vld [tilespmem:s20+$0xFFFFFFD0];
	v2 =	vmul.f32 v2, v5  }
0x8e: {  	v8 =	vld [tilespmem:s21+$0x0]  }
0x8f: {  	v3 =	vld [tilespmem:s20+$0xFFFFFFA0];
	[tilespmem:s20+$0xFFFFFF90] =	vst v2  }
0x90: {  	v1 =	vmul.f32 v4, v1;
	v2 =	vld [tilespmem:s31+$0xFFFFFFA0]  }
0x91: {  	v9 =	vld [tilespmem:s20+$0xFFFFFFE0]  }
0x92: {  	[tilespmem:s20+$0x20] =	vst v1;
	v1 =	vld [tilespmem:s20+$0x30]  }
0x93: {  	s22 =	simm.s32 $0x2B00;
	v4 =	vld [tilespmem:s31+$0x30]  }
0x94: {  	v11 =	vld [tilespmem:s22+$0xFFFFFF80]  }
0x95: {  	v2 =	vmul.f32 v2, v3;
	v3 =	vld [tilespmem:s22+$0x0]  }
0x96: {  	v13 =	vld [tilespmem:s21+$0xFFFFFF90]  }
0x97: {  	s24 =	simm.s32 $0x2C00;
	v14 =	vld [tilespmem:s21+$0xFFFFFFD0]  }
0x98: {  	v16 =	vld [tilespmem:s24+$0xFFFFFF80];
	v1 =	vmul.f32 v4, v1  }
0x99: {  	[tilespmem:s20+$0xFFFFFFA0] =	vst v2;
	v2 =	vld [tilespmem:s20+$0x40]  }
0x9a: {  	[tilespmem:s20+$0x30] =	vst v1;
	v3 =	vmul.f32 v3, v8;
	v8 =	vld [tilespmem:s21+$0xFFFFFF80]  }
0x9b: {  	s19 =	simm.s32 $0x400;
	v10 =	vld [tilespmem:s31+$0x40]  }
0x9c: {  	v17 =	vld [tilespmem:s19+$0xFFFFFF80]  }
0x9d: {  	v4 =	vld [tilespmem:s31+$0xFFFFFFB0]  }
0x9e: {  	v18 =	vld [tilespmem:s21+$0x50]  }
0x9f: {  	[tilespmem:s21+$0x0] =	vst v3;
	v3 =	vld [tilespmem:s21+$0x10];
	v8 =	vmul.f32 v11, v8  }
0xa0: {  	v12 =	vld [tilespmem:s22+$0x10];
	v2 =	vmul.f32 v10, v2  }
0xa1: {  	v10 =	vld [tilespmem:s20+$0x50];
	[tilespmem:s21+$0xFFFFFF80] =	vst v8  }
0xa2: {  	[tilespmem:s20+$0x40] =	vst v2;
	v2 =	vmul.f32 v4, v6;
	v6 =	vld [tilespmem:s22+$0xFFFFFF90]  }
0xa3: {  	v4 =	vld [tilespmem:s31+$0x50]  }
0xa4: {  	v58 =	vld [tilespmem:s19+$0xFFFFFFA0]  }
0xa5: {  	v5 =	vld [tilespmem:s20+$0xFFFFFFC0];
	v3 =	vmul.f32 v12, v3;
	[tilespmem:s20+$0xFFFFFFB0] =	vst v2  }
0xa6: {  	v2 =	vld [tilespmem:s31+$0xFFFFFFC0]  }
0xa7: {  	[tilespmem:s21+$0x10] =	vst v3;
	v3 =	vld [tilespmem:s21+$0x20]  }
0xa8: {  	v6 =	vmul.f32 v6, v13;
	v4 =	vmul.f32 v4, v10;
	v10 =	vld [tilespmem:s22+$0x20]  }
0xa9: {  	v19 =	vld [tilespmem:s21+$0x60]  }
0xaa: {  	v16 =	vmul.f32 v16, v17;
	v11 =	vld [tilespmem:s21+$0xFFFFFFA0];
	[tilespmem:s21+$0xFFFFFF90] =	vst v6  }
0xab: {  	v2 =	vmul.f32 v2, v5;
	v5 =	vld [tilespmem:s22+$0xFFFFFFA0]  }
0xac: {  	v61 =	vld [tilespmem:s21+$0x70];
	[tilespmem:s19+$0xFFFFFF80] =	vst v16  }
0xad: {  	v16 =	vld [tilespmem:s24+$0xFFFFFF90];
	[tilespmem:s20+$0xFFFFFFC0] =	vst v2;
	v2 =	vmul.f32 v10, v3  }
0xae: {  	v1 =	vld [tilespmem:s20+$0xFFFFFFF0]  }
0xaf: {  	v6 =	vld [tilespmem:s21+$0x30];
	[tilespmem:s21+$0x20] =	vst v2  }
0xb0: {  	v5 =	vmul.f32 v5, v11;
	v11 =	vld [tilespmem:s22+$0x30]  }
0xb1: {  	v3 =	vld [tilespmem:s31+$0xFFFFFFD0]  }
0xb2: {  	v8 =	vld [tilespmem:s21+$0xFFFFFFB0]  }
0xb3: {  	v12 =	vld [tilespmem:s20+$0x60];
	[tilespmem:s20+$0x50] =	vst v4  }
0xb4: {  	v4 =	vld [tilespmem:s31+$0x60]  }
0xb5: {  	[tilespmem:s21+$0xFFFFFFA0] =	vst v5;
	v5 =	vld [tilespmem:s19+$0x0];
	v6 =	vmul.f32 v11, v6  }
0xb6: {  	v3 =	vmul.f32 v3, v7;
	v7 =	vld [tilespmem:s24+$0x0]  }
0xb7: {  	v11 =	vld [tilespmem:s21+$0x40];
	[tilespmem:s21+$0x30] =	vst v6  }
0xb8: {  	v6 =	vld [tilespmem:s22+$0x40]  }
0xb9: {  	v13 =	vld [tilespmem:s21+$0xFFFFFFC0];
	v4 =	vmul.f32 v4, v12  }
0xba: {  	v10 =	vld [tilespmem:s20+$0x70]  }
0xbb: {  	[tilespmem:s20+$0x60] =	vst v4;
	v4 =	vld [tilespmem:s22+$0xFFFFFFB0];
	v5 =	vmul.f32 v7, v5  }
0xbc: {  	v7 =	vld [tilespmem:s19+$0xFFFFFF90]  }
0xbd: {  	[tilespmem:s19+$0x0] =	vst v5;
	v5 =	vld [tilespmem:s19+$0x10];
	v6 =	vmul.f32 v6, v11  }
0xbe: {  	v11 =	vld [tilespmem:s24+$0x10]  }
0xbf: {  	v2 =	vld [tilespmem:s21+$0xFFFFFFE0];
	[tilespmem:s21+$0x40] =	vst v6  }
0xc0: {  	v4 =	vmul.f32 v4, v8;
	v8 =	vld [tilespmem:s22+$0x50]  }
0xc1: {  	v12 =	vld [tilespmem:s31+$0x70];
	[tilespmem:s20+$0xFFFFFFD0] =	vst v3  }
0xc2: {  	v3 =	vld [tilespmem:s21+$0xFFFFFFF0];
	[tilespmem:s21+$0xFFFFFFB0] =	vst v4;
	v7 =	vmul.f32 v16, v7  }
0xc3: {  	v4 =	vmul.f32 v11, v5;
	v11 =	vld [tilespmem:s22+$0xFFFFFFC0]  }
0xc4: {  	v15 =	vld [tilespmem:s31+$0xFFFFFFE0];
	[tilespmem:s19+$0xFFFFFF90] =	vst v7  }
0xc5: {  	v7 =	vld [tilespmem:s19+$0xFFFFFFE0];
	[tilespmem:s19+$0x10] =	vst v4;
	v4 =	vmul.f32 v8, v18  }
0xc6: {  	v8 =	vld [tilespmem:s19+$0x20]  }
0xc7: {  	v59 =	vld [tilespmem:s24+$0x20];
	[tilespmem:s21+$0x50] =	vst v4  }
0xc8: {  	v11 =	vmul.f32 v11, v13;
	v13 =	vld [tilespmem:s22+$0x60]  }
0xc9: {  	v6 =	vld [tilespmem:s19+$0xFFFFFFB0]  }
0xca: {  	v60 =	vld [tilespmem:s24+$0xFFFFFFA0];
	[tilespmem:s21+$0xFFFFFFC0] =	vst v11  }
0xcb: {  	v11 =	vld [tilespmem:s22+$0xFFFFFFD0]  }
0xcc: {  	v5 =	vld [tilespmem:s19+$0xFFFFFFC0];
	v8 =	vmul.f32 v59, v8  }
0xcd: {  	v4 =	vld [tilespmem:s19+$0xFFFFFFD0];
	v13 =	vmul.f32 v13, v19  }
0xce: {  	[tilespmem:s19+$0x20] =	vst v8;
	v8 =	vmul.f32 v15, v9;
	v15 =	vld [tilespmem:s19+$0x30]  }
0xcf: {  	v9 =	vmul.f32 v60, v58;
	v62 =	vld [tilespmem:s24+$0x30];
	[tilespmem:s21+$0x60] =	vst v13  }
0xd0: {  	[tilespmem:s20+$0xFFFFFFE0] =	vst v8;
	v8 =	vmul.f32 v11, v14;
	v63 =	vld [tilespmem:s22+$0x70]  }
0xd1: {  	[tilespmem:s19+$0xFFFFFFA0] =	vst v9;
	v9 =	vld [tilespmem:s31+$0xFFFFFFF0]  }
0xd2: {  	v13 =	vld [tilespmem:s24+$0xFFFFFFB0];
	[tilespmem:s21+$0xFFFFFFD0] =	vst v8  }
0xd3: {  	v11 =	vmul.f32 v12, v10;
	v10 =	vld [tilespmem:s22+$0xFFFFFFE0]  }
0xd4: {  	v8 =	vld [tilespmem:s19+$0xFFFFFFF0];
	v14 =	vmul.f32 v62, v15  }
0xd5: {  	s4 =	simm.s32 $0x2C00;
	s8 =	simm.s32 $0x500;
	s26 =	simm.s32 $0x4;
	[tilespmem:s20+$0x70] =	vst v11;
	v11 =	vld [tilespmem:s19+$0x40];
	v12 =	vmul.f32 v63, v61  }
.LBB2_4:
0xd6: {  	v15 =	vld [tilespmem:s8+$0x0];
	[tilespmem:s19+$0x30] =	vst v14;
	s24 =	sadd.s32 $0x100, s24;
	v9 =	vmul.f32 v9, v1;
	v1 =	vmov v3  }
0xd7: {  	v14 =	vld [tilespmem:s24+$0x0];
	v13 =	vmul.f32 v13, v6;
	[tilespmem:s21+$0x70] =	vst v12  }
0xd8: {  	s26 =	sadd.s32 $0x2, s26;
	v6 =	vld [tilespmem:s4+$0x40];
	v10 =	vmul.f32 v10, v2;
	[tilespmem:s20+$0xFFFFFFF0] =	vst v9;
	v2 =	vmov v7;
	s20 =	smov.u32 s21;
	s21 =	smov.u32 s19  }
0xd9: {  	p0 =	slt.u32 s26, $0x4E;
	s19 =	smov.u32 s8;
	v7 =	vld [tilespmem:s24+$0xFFFFFF80];
	[tilespmem:s21+$0xFFFFFFB0] =	vst v13;
	v3 =	vmov v8  }
0xda: {  	v8 =	vld [tilespmem:s8+$0xFFFFFF80];
	[tilespmem:s20+$0xFFFFFFE0] =	vst v10  }
0xdb: {  	v9 =	vld [tilespmem:s8+$0xFFFFFF90]  }
0xdc: {  	v10 =	vld [tilespmem:s8+$0xFFFFFFA0];
	v12 =	vmul.f32 v14, v15  }
0xdd: {  	v6 =	vmul.f32 v6, v11;
	v11 =	vld [tilespmem:s21+$0x50]  }
0xde: {  	[tilespmem:s8+$0x0] =	vst v12;
	v12 =	vld [tilespmem:s8+$0x10]  }
0xdf: {  	v7 =	vmul.f32 v7, v8;
	v8 =	vld [tilespmem:s24+$0x10];
	[tilespmem:s21+$0x40] =	vst v6  }
0xe0: {  	v13 =	vld [tilespmem:s4+$0x50]  }
0xe1: {  	[tilespmem:s8+$0xFFFFFF80] =	vst v7;
	v6 =	vld [tilespmem:s8+$0xFFFFFFB0]  }
0xe2: {  	v7 =	vld [tilespmem:s24+$0xFFFFFF90]  }
0xe3: {  	v14 =	vld [tilespmem:s4+$0xFFFFFFC0]  }
0xe4: {  	v15 =	vld [tilespmem:s8+$0xFFFFFFC0];
	v8 =	vmul.f32 v8, v12  }
0xe5: {  	v11 =	vmul.f32 v13, v11;
	v12 =	vld [tilespmem:s21+$0x60]  }
0xe6: {  	[tilespmem:s8+$0x10] =	vst v8;
	v8 =	vld [tilespmem:s8+$0x20]  }
0xe7: {  	v7 =	vmul.f32 v7, v9;
	v9 =	vld [tilespmem:s24+$0x20];
	[tilespmem:s21+$0x50] =	vst v11  }
0xe8: {  	v11 =	vmul.f32 v14, v5;
	v13 =	vld [tilespmem:s4+$0x60]  }
0xe9: {  	[tilespmem:s8+$0xFFFFFF90] =	vst v7;
	v14 =	vld [tilespmem:s8+$0xFFFFFFD0];
	v5 =	vmov v15  }
0xea: {  	v15 =	vld [tilespmem:s24+$0xFFFFFFA0];
	[tilespmem:s21+$0xFFFFFFC0] =	vst v11  }
0xeb: {  	v11 =	vld [tilespmem:s4+$0xFFFFFFD0]  }
0xec: {  	v7 =	vld [tilespmem:s8+$0xFFFFFFE0];
	v8 =	vmul.f32 v9, v8  }
0xed: {  	v9 =	vmul.f32 v13, v12;
	v12 =	vld [tilespmem:s21+$0x70]  }
0xee: {  	[tilespmem:s8+$0x20] =	vst v8;
	v16 =	vld [tilespmem:s8+$0x30]  }
0xef: {  	v8 =	vmul.f32 v15, v10;
	v15 =	vld [tilespmem:s24+$0x30];
	[tilespmem:s21+$0x60] =	vst v9  }
0xf0: {  	v10 =	vmul.f32 v11, v4;
	v17 =	vld [tilespmem:s4+$0x70];
	v4 =	vmov v14  }
.Ltmp1:
0xf1: {  	[tilespmem:s8+$0xFFFFFFA0] =	vst v8;
	v9 =	vld [tilespmem:s22+$0xFFFFFFF0];
	s22 =	smov.u32 s4;
	s4 =	smov.u32 s24;
	(pc) =	sbr.rel @p0 .LBB2_4-.Ltmp1, $4  }
0xf2: {  	v13 =	vld [tilespmem:s24+$0xFFFFFFB0];
	[tilespmem:s21+$0xFFFFFFD0] =	vst v10  }
0xf3: {  	v10 =	vld [tilespmem:s22+$0xFFFFFFE0]  }
0xf4: {  	v8 =	vld [tilespmem:s8+$0xFFFFFFF0];
	v14 =	vmul.f32 v15, v16  }
0xf5: {  	s8 =	sadd.s32 $0x100, s8;
	v11 =	vld [tilespmem:s19+$0x40];
	v12 =	vmul.f32 v17, v12  }
0xf6: {  	_ = 	snop  }
0xf7: {  	[tilespmem:s19+$0x30] =	vst v14;
	v6 =	vmul.f32 v13, v6  }
0xf8: {  	v13 =	vld [tilespmem:s4+$0x40]  }
0xf9: {  	[tilespmem:s19+$0xFFFFFFB0] =	vst v6  }
0xfa: {  	v6 =	vld [tilespmem:s4+$0xFFFFFFC0];
	_ =	sdelay $0x2  }
0xfb: {  	v11 =	vmul.f32 v13, v11;
	_ =	sdelay $0x1  }
0xfc: {  	v13 =	vld [tilespmem:s19+$0x50];
	[tilespmem:s19+$0x40] =	vst v11;
	v5 =	vmul.f32 v6, v5  }
0xfd: {  	v6 =	vld [tilespmem:s4+$0x50]  }
0xfe: {  	[tilespmem:s19+$0xFFFFFFC0] =	vst v5  }
0xff: {  	v5 =	vld [tilespmem:s4+$0xFFFFFFD0];
	_ =	sdelay $0x2  }
0x100: {  	v6 =	vmul.f32 v6, v13;
	_ =	sdelay $0x1  }
0x101: {  	v11 =	vld [tilespmem:s19+$0x60];
	[tilespmem:s19+$0x50] =	vst v6;
	v4 =	vmul.f32 v5, v4  }
0x102: {  	v5 =	vld [tilespmem:s4+$0x60]  }
0x103: {  	[tilespmem:s19+$0xFFFFFFD0] =	vst v4  }
0x104: {  	v4 =	vld [tilespmem:s4+$0xFFFFFFE0];
	_ =	sdelay $0x2  }
0x105: {  	v5 =	vmul.f32 v5, v11  }
0x106: {  	v2 =	vmul.f32 v10, v2  }
0x107: {  	v6 =	vld [tilespmem:s19+$0x70];
	[tilespmem:s19+$0x60] =	vst v5;
	v4 =	vmul.f32 v4, v7  }
0x108: {  	[tilespmem:s21+$0xFFFFFFE0] =	vst v2;
	v2 =	vld [tilespmem:s4+$0x70]  }
0x109: {  	v5 =	vld [tilespmem:s22+$0xFFFFFFF0];
	[tilespmem:s19+$0xFFFFFFE0] =	vst v4  }
0x10a: {  	v4 =	vld [tilespmem:s4+$0xFFFFFFF0];
	_ =	sdelay $0x1  }
0x10b: {  	v1 =	vmul.f32 v9, v1  }
0x10c: {  	[tilespmem:s21+$0x70] =	vst v12;
	v2 =	vmul.f32 v2, v6  }
0x10d: {  	[tilespmem:s20+$0xFFFFFFF0] =	vst v1;
	v1 =	vmul.f32 v5, v3  }
0x10e: {  	[tilespmem:s19+$0x70] =	vst v2;
	v2 =	vmul.f32 v4, v8  }
0x10f: {  	[tilespmem:s21+$0xFFFFFFF0] =	vst v1  }
0x110: {  	[tilespmem:s19+$0xFFFFFFF0] =	vst v2  }
0x111: {  	v1 =	vld [tilespmem:$0x80]  }
0x112: {  	v2 =	vld [tilespmem:$0x90]  }
0x113: {  	v3 =	vld [tilespmem:$0xA0]  }
0x114: {  	v4 =	vld [tilespmem:$0xB0]  }
0x115: {  	v5 =	vld [tilespmem:$0xC0]  }
0x116: {  	[tilespmem:$0x100] =	vst v1  }
0x117: {  	[tilespmem:$0x110] =	vst v2  }
0x118: {  	[tilespmem:$0x120] =	vst v3  }
0x119: {  	[tilespmem:$0x130] =	vst v4  }
0x11a: {  	s21 =	simm.s32 $0x100;
	[tilespmem:$0x140] =	vst v5  }
0x11b: {  	[spmem:s2] =	stream.indirect.scatter.add.f32 [tilespmem:s13], [sflag:$0x3], $0x80, s21, s30, $0xb8;
	[tilespmem:$0x1DF00] =	vst v63  }
0x11c: {  	s22 =	rddreg [dreg:$0x1a]  }
0x11d: {  	[tilespmem:s3], [sflag:$0x1] =	stream.linear.gather [hbm4b:s22+s3], $0x50, $0x38;
	[tilespmem:$0x1DF00] =	vst v63  }
0x11e: {  	s8 =	simm.s32 $0x80;
	s24 =	rddreg [dreg:$0x1b]  }
0x11f: {  	[tilespmem:s8], [sflag:$0x1] =	stream.linear.gather [hbm4b:s24+s3], $0x50, $0x38;
	[tilespmem:$0x1DF00] =	vst v63  }
0x120: {  	_ =	swait.ge [sflag:s29], $0x50  }
0x121: {  	[sflag:s29] =	ssyncset.done $0x0  }
0x122: {  	[sflag:s29] =	ssyncadd.s32 $0xFFFFFFB0  }
0x123: {  	_ =	swait.ge [sflag:s29], $0x50  }
0x124: {  	[sflag:s29] =	ssyncset.done $0x0  }
0x125: {  	[sflag:s29] =	ssyncadd.s32 $0xFFFFFFB0  }
0x126: {  	_ =	swait.ge [sflag:s12], $0x2800  }
0x127: {  	[sflag:s12] =	ssyncset.done $0x0  }
0x128: {  	[sflag:s12] =	ssyncadd.s32 $0xFFFFD800  }
0x129: {  	[tilespmem:s13], [sflag:$0x2] =	stream.indirect.gather [hbm4b:s1+s30], $0x80, s3, s30, $0xb8;
	[tilespmem:$0x1DF00] =	vst v63  }
0x12a: {  	s31 =	simm.s32 $0x2980;
	s26 =	rddreg [dreg:$0x1c]  }
0x12b: {  	[tilespmem:s31], [sflag:$0x2] =	stream.linear.gather [hbm4b:s26+s3], $0x2800, $0x38;
	[tilespmem:$0x1DF00] =	vst v63  }
0x12c: {  	_ =	swait.ge [sflag:s16], $0x2800  }
0x12d: {  	[sflag:s16] =	ssyncset.done $0x0  }
0x12e: {  	[sflag:s16] =	ssyncadd.s32 $0xFFFFD800  }
0x12f: {  	_ =	swait.ge [sflag:s16], $0x2800  }
0x130: {  	[sflag:s16] =	ssyncset.done $0x0  }
0x131: {  	s20 =	simm.s32 $0x5380;
	[sflag:s16] =	ssyncadd.s32 $0xFFFFD800  }
0x132: {  	s26 =	simm.s32 $0x7B80;
	v1 =	vld [tilespmem:s20+$0x0]  }
0x133: {  	v2 =	vld [tilespmem:s26+$0x0];
	_ =	sdelay $0x3  }
0x134: {  	v3 =	vld [tilespmem:s20+$0xFFFFFF80]  }
0x135: {  	v1 =	vmul.f32 v2, v1;
	v2 =	vld [tilespmem:s26+$0xFFFFFF80];
	_ =	sdelay $0x1  }
0x136: {  	[tilespmem:s20+$0x0] =	vst v1;
	v1 =	vld [tilespmem:s20+$0x10]  }
0x137: {  	v4 =	vld [tilespmem:s26+$0x10];
	_ =	sdelay $0x1  }
0x138: {  	v2 =	vmul.f32 v2, v3;
	_ =	sdelay $0x1  }
0x139: {  	v5 =	vld [tilespmem:s20+$0xFFFFFF90];
	[tilespmem:s20+$0xFFFFFF80] =	vst v2  }
0x13a: {  	v1 =	vmul.f32 v4, v1;
	v2 =	vld [tilespmem:s26+$0xFFFFFF90];
	_ =	sdelay $0x1  }
0x13b: {  	[tilespmem:s20+$0x10] =	vst v1;
	v1 =	vld [tilespmem:s20+$0x20]  }
0x13c: {  	v4 =	vld [tilespmem:s26+$0x20]  }
0x13d: {  	v6 =	vld [tilespmem:s20+$0xFFFFFFB0]  }
0x13e: {  	s21 =	simm.s32 $0x5480;
	v7 =	vld [tilespmem:s20+$0xFFFFFFD0];
	v2 =	vmul.f32 v2, v5  }
0x13f: {  	v8 =	vld [tilespmem:s21+$0x0]  }
0x140: {  	v3 =	vld [tilespmem:s20+$0xFFFFFFA0];
	[tilespmem:s20+$0xFFFFFF90] =	vst v2  }
0x141: {  	v1 =	vmul.f32 v4, v1;
	v2 =	vld [tilespmem:s26+$0xFFFFFFA0]  }
0x142: {  	v9 =	vld [tilespmem:s20+$0xFFFFFFE0]  }
0x143: {  	[tilespmem:s20+$0x20] =	vst v1;
	v1 =	vld [tilespmem:s20+$0x30]  }
0x144: {  	s22 =	simm.s32 $0x7C80;
	v4 =	vld [tilespmem:s26+$0x30]  }
0x145: {  	v11 =	vld [tilespmem:s22+$0xFFFFFF80]  }
0x146: {  	v2 =	vmul.f32 v2, v3;
	v3 =	vld [tilespmem:s22+$0x0]  }
0x147: {  	v13 =	vld [tilespmem:s21+$0xFFFFFF90]  }
0x148: {  	s24 =	simm.s32 $0x7D80;
	v14 =	vld [tilespmem:s21+$0xFFFFFFD0]  }
0x149: {  	v16 =	vld [tilespmem:s24+$0xFFFFFF80];
	v1 =	vmul.f32 v4, v1  }
0x14a: {  	[tilespmem:s20+$0xFFFFFFA0] =	vst v2;
	v2 =	vld [tilespmem:s20+$0x40]  }
0x14b: {  	[tilespmem:s20+$0x30] =	vst v1;
	v3 =	vmul.f32 v3, v8;
	v8 =	vld [tilespmem:s21+$0xFFFFFF80]  }
0x14c: {  	s19 =	simm.s32 $0x5580;
	v10 =	vld [tilespmem:s26+$0x40]  }
0x14d: {  	v17 =	vld [tilespmem:s19+$0xFFFFFF80]  }
0x14e: {  	v4 =	vld [tilespmem:s26+$0xFFFFFFB0]  }
0x14f: {  	v18 =	vld [tilespmem:s21+$0x50]  }
0x150: {  	[tilespmem:s21+$0x0] =	vst v3;
	v3 =	vld [tilespmem:s21+$0x10];
	v8 =	vmul.f32 v11, v8  }
0x151: {  	v12 =	vld [tilespmem:s22+$0x10];
	v2 =	vmul.f32 v10, v2  }
0x152: {  	v10 =	vld [tilespmem:s20+$0x50];
	[tilespmem:s21+$0xFFFFFF80] =	vst v8  }
0x153: {  	[tilespmem:s20+$0x40] =	vst v2;
	v2 =	vmul.f32 v4, v6;
	v6 =	vld [tilespmem:s22+$0xFFFFFF90]  }
0x154: {  	v4 =	vld [tilespmem:s26+$0x50]  }
0x155: {  	v58 =	vld [tilespmem:s19+$0xFFFFFFA0]  }
0x156: {  	v5 =	vld [tilespmem:s20+$0xFFFFFFC0];
	v3 =	vmul.f32 v12, v3;
	[tilespmem:s20+$0xFFFFFFB0] =	vst v2  }
0x157: {  	v2 =	vld [tilespmem:s26+$0xFFFFFFC0]  }
0x158: {  	[tilespmem:s21+$0x10] =	vst v3;
	v3 =	vld [tilespmem:s21+$0x20]  }
0x159: {  	v6 =	vmul.f32 v6, v13;
	v4 =	vmul.f32 v4, v10;
	v10 =	vld [tilespmem:s22+$0x20]  }
0x15a: {  	v19 =	vld [tilespmem:s21+$0x60]  }
0x15b: {  	v16 =	vmul.f32 v16, v17;
	v11 =	vld [tilespmem:s21+$0xFFFFFFA0];
	[tilespmem:s21+$0xFFFFFF90] =	vst v6  }
0x15c: {  	v2 =	vmul.f32 v2, v5;
	v5 =	vld [tilespmem:s22+$0xFFFFFFA0]  }
0x15d: {  	v61 =	vld [tilespmem:s21+$0x70];
	[tilespmem:s19+$0xFFFFFF80] =	vst v16  }
0x15e: {  	v16 =	vld [tilespmem:s24+$0xFFFFFF90];
	[tilespmem:s20+$0xFFFFFFC0] =	vst v2;
	v2 =	vmul.f32 v10, v3  }
0x15f: {  	v1 =	vld [tilespmem:s20+$0xFFFFFFF0]  }
0x160: {  	v6 =	vld [tilespmem:s21+$0x30];
	[tilespmem:s21+$0x20] =	vst v2  }
0x161: {  	v5 =	vmul.f32 v5, v11;
	v11 =	vld [tilespmem:s22+$0x30]  }
0x162: {  	v3 =	vld [tilespmem:s26+$0xFFFFFFD0]  }
0x163: {  	v8 =	vld [tilespmem:s21+$0xFFFFFFB0]  }
0x164: {  	v12 =	vld [tilespmem:s20+$0x60];
	[tilespmem:s20+$0x50] =	vst v4  }
0x165: {  	v4 =	vld [tilespmem:s26+$0x60]  }
0x166: {  	[tilespmem:s21+$0xFFFFFFA0] =	vst v5;
	v5 =	vld [tilespmem:s19+$0x0];
	v6 =	vmul.f32 v11, v6  }
0x167: {  	v3 =	vmul.f32 v3, v7;
	v7 =	vld [tilespmem:s24+$0x0]  }
0x168: {  	v11 =	vld [tilespmem:s21+$0x40];
	[tilespmem:s21+$0x30] =	vst v6  }
0x169: {  	v6 =	vld [tilespmem:s22+$0x40]  }
0x16a: {  	v13 =	vld [tilespmem:s21+$0xFFFFFFC0];
	v4 =	vmul.f32 v4, v12  }
0x16b: {  	v10 =	vld [tilespmem:s20+$0x70]  }
0x16c: {  	[tilespmem:s20+$0x60] =	vst v4;
	v4 =	vld [tilespmem:s22+$0xFFFFFFB0];
	v5 =	vmul.f32 v7, v5  }
0x16d: {  	v7 =	vld [tilespmem:s19+$0xFFFFFF90]  }
0x16e: {  	[tilespmem:s19+$0x0] =	vst v5;
	v5 =	vld [tilespmem:s19+$0x10];
	v6 =	vmul.f32 v6, v11  }
0x16f: {  	v11 =	vld [tilespmem:s24+$0x10]  }
0x170: {  	v2 =	vld [tilespmem:s21+$0xFFFFFFE0];
	[tilespmem:s21+$0x40] =	vst v6  }
0x171: {  	v4 =	vmul.f32 v4, v8;
	v8 =	vld [tilespmem:s22+$0x50]  }
0x172: {  	v12 =	vld [tilespmem:s26+$0x70];
	[tilespmem:s20+$0xFFFFFFD0] =	vst v3  }
0x173: {  	v3 =	vld [tilespmem:s21+$0xFFFFFFF0];
	[tilespmem:s21+$0xFFFFFFB0] =	vst v4;
	v7 =	vmul.f32 v16, v7  }
0x174: {  	v4 =	vmul.f32 v11, v5;
	v11 =	vld [tilespmem:s22+$0xFFFFFFC0]  }
0x175: {  	v15 =	vld [tilespmem:s26+$0xFFFFFFE0];
	[tilespmem:s19+$0xFFFFFF90] =	vst v7  }
0x176: {  	v7 =	vld [tilespmem:s19+$0xFFFFFFE0];
	[tilespmem:s19+$0x10] =	vst v4;
	v4 =	vmul.f32 v8, v18  }
0x177: {  	v8 =	vld [tilespmem:s19+$0x20]  }
0x178: {  	v59 =	vld [tilespmem:s24+$0x20];
	[tilespmem:s21+$0x50] =	vst v4  }
0x179: {  	v11 =	vmul.f32 v11, v13;
	v13 =	vld [tilespmem:s22+$0x60]  }
0x17a: {  	v6 =	vld [tilespmem:s19+$0xFFFFFFB0]  }
0x17b: {  	v60 =	vld [tilespmem:s24+$0xFFFFFFA0];
	[tilespmem:s21+$0xFFFFFFC0] =	vst v11  }
0x17c: {  	v11 =	vld [tilespmem:s22+$0xFFFFFFD0]  }
0x17d: {  	v5 =	vld [tilespmem:s19+$0xFFFFFFC0];
	v8 =	vmul.f32 v59, v8  }
0x17e: {  	v4 =	vld [tilespmem:s19+$0xFFFFFFD0];
	v13 =	vmul.f32 v13, v19  }
0x17f: {  	[tilespmem:s19+$0x20] =	vst v8;
	v8 =	vmul.f32 v15, v9;
	v15 =	vld [tilespmem:s19+$0x30]  }
0x180: {  	v9 =	vmul.f32 v60, v58;
	v62 =	vld [tilespmem:s24+$0x30];
	[tilespmem:s21+$0x60] =	vst v13  }
0x181: {  	[tilespmem:s20+$0xFFFFFFE0] =	vst v8;
	v8 =	vmul.f32 v11, v14;
	v63 =	vld [tilespmem:s22+$0x70]  }
0x182: {  	[tilespmem:s19+$0xFFFFFFA0] =	vst v9;
	v9 =	vld [tilespmem:s26+$0xFFFFFFF0]  }
0x183: {  	v13 =	vld [tilespmem:s24+$0xFFFFFFB0];
	[tilespmem:s21+$0xFFFFFFD0] =	vst v8  }
0x184: {  	v11 =	vmul.f32 v12, v10;
	v10 =	vld [tilespmem:s22+$0xFFFFFFE0]  }
0x185: {  	v8 =	vld [tilespmem:s19+$0xFFFFFFF0];
	v14 =	vmul.f32 v62, v15  }
0x186: {  	s4 =	simm.s32 $0x7D80;
	s8 =	simm.s32 $0x5680;
	s26 =	simm.s32 $0x4;
	[tilespmem:s20+$0x70] =	vst v11;
	v11 =	vld [tilespmem:s19+$0x40];
	v12 =	vmul.f32 v63, v61  }
.LBB2_6:
0x187: {  	v15 =	vld [tilespmem:s8+$0x0];
	[tilespmem:s19+$0x30] =	vst v14;
	s24 =	sadd.s32 $0x100, s24;
	v9 =	vmul.f32 v9, v1;
	v1 =	vmov v3  }
0x188: {  	v14 =	vld [tilespmem:s24+$0x0];
	v13 =	vmul.f32 v13, v6;
	[tilespmem:s21+$0x70] =	vst v12  }
0x189: {  	s26 =	sadd.s32 $0x2, s26;
	v6 =	vld [tilespmem:s4+$0x40];
	v10 =	vmul.f32 v10, v2;
	[tilespmem:s20+$0xFFFFFFF0] =	vst v9;
	v2 =	vmov v7;
	s20 =	smov.u32 s21;
	s21 =	smov.u32 s19  }
0x18a: {  	p0 =	slt.u32 s26, $0x4E;
	s19 =	smov.u32 s8;
	v7 =	vld [tilespmem:s24+$0xFFFFFF80];
	[tilespmem:s21+$0xFFFFFFB0] =	vst v13;
	v3 =	vmov v8  }
0x18b: {  	v8 =	vld [tilespmem:s8+$0xFFFFFF80];
	[tilespmem:s20+$0xFFFFFFE0] =	vst v10  }
0x18c: {  	v9 =	vld [tilespmem:s8+$0xFFFFFF90]  }
0x18d: {  	v10 =	vld [tilespmem:s8+$0xFFFFFFA0];
	v12 =	vmul.f32 v14, v15  }
0x18e: {  	v6 =	vmul.f32 v6, v11;
	v11 =	vld [tilespmem:s21+$0x50]  }
0x18f: {  	[tilespmem:s8+$0x0] =	vst v12;
	v12 =	vld [tilespmem:s8+$0x10]  }
0x190: {  	v7 =	vmul.f32 v7, v8;
	v8 =	vld [tilespmem:s24+$0x10];
	[tilespmem:s21+$0x40] =	vst v6  }
0x191: {  	v13 =	vld [tilespmem:s4+$0x50]  }
0x192: {  	[tilespmem:s8+$0xFFFFFF80] =	vst v7;
	v6 =	vld [tilespmem:s8+$0xFFFFFFB0]  }
0x193: {  	v7 =	vld [tilespmem:s24+$0xFFFFFF90]  }
0x194: {  	v14 =	vld [tilespmem:s4+$0xFFFFFFC0]  }
0x195: {  	v15 =	vld [tilespmem:s8+$0xFFFFFFC0];
	v8 =	vmul.f32 v8, v12  }
0x196: {  	v11 =	vmul.f32 v13, v11;
	v12 =	vld [tilespmem:s21+$0x60]  }
0x197: {  	[tilespmem:s8+$0x10] =	vst v8;
	v8 =	vld [tilespmem:s8+$0x20]  }
0x198: {  	v7 =	vmul.f32 v7, v9;
	v9 =	vld [tilespmem:s24+$0x20];
	[tilespmem:s21+$0x50] =	vst v11  }
0x199: {  	v11 =	vmul.f32 v14, v5;
	v13 =	vld [tilespmem:s4+$0x60]  }
0x19a: {  	[tilespmem:s8+$0xFFFFFF90] =	vst v7;
	v14 =	vld [tilespmem:s8+$0xFFFFFFD0];
	v5 =	vmov v15  }
0x19b: {  	v15 =	vld [tilespmem:s24+$0xFFFFFFA0];
	[tilespmem:s21+$0xFFFFFFC0] =	vst v11  }
0x19c: {  	v11 =	vld [tilespmem:s4+$0xFFFFFFD0]  }
0x19d: {  	v7 =	vld [tilespmem:s8+$0xFFFFFFE0];
	v8 =	vmul.f32 v9, v8  }
0x19e: {  	v9 =	vmul.f32 v13, v12;
	v12 =	vld [tilespmem:s21+$0x70]  }
0x19f: {  	[tilespmem:s8+$0x20] =	vst v8;
	v16 =	vld [tilespmem:s8+$0x30]  }
0x1a0: {  	v8 =	vmul.f32 v15, v10;
	v15 =	vld [tilespmem:s24+$0x30];
	[tilespmem:s21+$0x60] =	vst v9  }
0x1a1: {  	v10 =	vmul.f32 v11, v4;
	v17 =	vld [tilespmem:s4+$0x70];
	v4 =	vmov v14  }
.Ltmp2:
0x1a2: {  	[tilespmem:s8+$0xFFFFFFA0] =	vst v8;
	v9 =	vld [tilespmem:s22+$0xFFFFFFF0];
	s22 =	smov.u32 s4;
	s4 =	smov.u32 s24;
	(pc) =	sbr.rel @p0 .LBB2_6-.Ltmp2, $4  }
0x1a3: {  	v13 =	vld [tilespmem:s24+$0xFFFFFFB0];
	[tilespmem:s21+$0xFFFFFFD0] =	vst v10  }
0x1a4: {  	v10 =	vld [tilespmem:s22+$0xFFFFFFE0]  }
0x1a5: {  	v8 =	vld [tilespmem:s8+$0xFFFFFFF0];
	v14 =	vmul.f32 v15, v16  }
0x1a6: {  	s8 =	sadd.s32 $0x100, s8;
	v11 =	vld [tilespmem:s19+$0x40];
	v12 =	vmul.f32 v17, v12  }
0x1a7: {  	_ = 	snop  }
0x1a8: {  	[tilespmem:s19+$0x30] =	vst v14;
	v6 =	vmul.f32 v13, v6  }
0x1a9: {  	v55 =	vld [tilespmem:s4+$0x40]  }
0x1aa: {  	[tilespmem:s19+$0xFFFFFFB0] =	vst v6  }
0x1ab: {  	v6 =	vld [tilespmem:s4+$0xFFFFFFC0];
	_ =	sdelay $0x2  }
0x1ac: {  	v11 =	vmul.f32 v55, v11;
	_ =	sdelay $0x1  }
0x1ad: {  	v56 =	vld [tilespmem:s19+$0x50];
	[tilespmem:s19+$0x40] =	vst v11;
	v5 =	vmul.f32 v6, v5  }
0x1ae: {  	v57 =	vld [tilespmem:s4+$0x50]  }
0x1af: {  	[tilespmem:s19+$0xFFFFFFC0] =	vst v5  }
0x1b0: {  	v5 =	vld [tilespmem:s4+$0xFFFFFFD0];
	_ =	sdelay $0x2  }
0x1b1: {  	v6 =	vmul.f32 v57, v56;
	_ =	sdelay $0x1  }
0x1b2: {  	v58 =	vld [tilespmem:s19+$0x60];
	[tilespmem:s19+$0x50] =	vst v6;
	v4 =	vmul.f32 v5, v4  }
0x1b3: {  	v59 =	vld [tilespmem:s4+$0x60]  }
0x1b4: {  	[tilespmem:s19+$0xFFFFFFD0] =	vst v4  }
0x1b5: {  	v4 =	vld [tilespmem:s4+$0xFFFFFFE0];
	_ =	sdelay $0x2  }
0x1b6: {  	v5 =	vmul.f32 v59, v58  }
0x1b7: {  	v2 =	vmul.f32 v10, v2  }
0x1b8: {  	v60 =	vld [tilespmem:s19+$0x70];
	[tilespmem:s19+$0x60] =	vst v5;
	v4 =	vmul.f32 v4, v7  }
0x1b9: {  	[tilespmem:s21+$0xFFFFFFE0] =	vst v2;
	v2 =	vld [tilespmem:s4+$0x70]  }
0x1ba: {  	v61 =	vld [tilespmem:s22+$0xFFFFFFF0];
	[tilespmem:s19+$0xFFFFFFE0] =	vst v4  }
0x1bb: {  	v4 =	vld [tilespmem:s4+$0xFFFFFFF0];
	_ =	sdelay $0x1  }
0x1bc: {  	v1 =	vmul.f32 v9, v1  }
0x1bd: {  	[tilespmem:s21+$0x70] =	vst v12;
	v2 =	vmul.f32 v2, v60  }
0x1be: {  	[tilespmem:s20+$0xFFFFFFF0] =	vst v1;
	v1 =	vmul.f32 v61, v3  }
0x1bf: {  	[tilespmem:s19+$0x70] =	vst v2;
	v2 =	vmul.f32 v4, v8  }
0x1c0: {  	[tilespmem:s21+$0xFFFFFFF0] =	vst v1  }
0x1c1: {  	[tilespmem:s19+$0xFFFFFFF0] =	vst v2  }
0x1c2: {  	v1 =	vld [tilespmem:$0x5200]  }
0x1c3: {  	v2 =	vld [tilespmem:$0x5210]  }
0x1c4: {  	v3 =	vld [tilespmem:$0x5220]  }
0x1c5: {  	v62 =	vld [tilespmem:$0x5230]  }
0x1c6: {  	v63 =	vld [tilespmem:$0x5240]  }
0x1c7: {  	[tilespmem:$0x5280] =	vst v1  }
0x1c8: {  	[tilespmem:$0x5290] =	vst v2  }
0x1c9: {  	[tilespmem:$0x52A0] =	vst v3  }
0x1ca: {  	[tilespmem:$0x52B0] =	vst v62  }
0x1cb: {  	[tilespmem:$0x52C0] =	vst v63  }
0x1cc: {  	[spmem:s2] =	stream.indirect.scatter.add.f32 [tilespmem:s7], [sflag:$0x6], $0x80, s17, s30, $0xb8;
	[tilespmem:$0x1DF00] =	vst v63  }
0x1cd: {  	s26 =	rddreg [dreg:$0x1d]  }
0x1ce: {  	[tilespmem:s0], [sflag:$0x4] =	stream.linear.gather [hbm4b:s26+s3], $0x50, $0x38;
	[tilespmem:$0x1DF00] =	vst v63  }
0x1cf: {  	s8 =	simm.s32 $0x5200;
	s20 =	simm.s32 $0x1;
	s31 =	rddreg [dreg:$0x1e]  }
0x1d0: {  	[tilespmem:s8], [sflag:$0x4] =	stream.linear.gather [hbm4b:s31+s3], $0x50, $0x38;
	[tilespmem:$0x1DF00] =	vst v63  }
.LBB2_8:
0x1d1: {  	_ =	swait.ge [sflag:s6], $0x50  }
0x1d2: {  	[sflag:s6] =	ssyncset.done $0x0  }
0x1d3: {  	[sflag:s6] =	ssyncadd.s32 $0xFFFFFFB0  }
0x1d4: {  	_ =	swait.ge [sflag:s6], $0x50  }
0x1d5: {  	[sflag:s6] =	ssyncset.done $0x0  }
0x1d6: {  	[sflag:s6] =	ssyncadd.s32 $0xFFFFFFB0  }
0x1d7: {  	s21 =	sshll.u32 s20, $0x1;
	_ =	swait.ge [sflag:s18], $0x2800  }
0x1d8: {  	s4 =	sadd.s32 s21, s23;
	[sflag:s18] =	ssyncset.done $0x0  }
0x1d9: {  	s4 =	smul.u32 $0x500, s4;
	[sflag:s18] =	ssyncadd.s32 $0xFFFFD800  }
0x1da: {  	[tilespmem:s7], [sflag:$0x5] =	stream.indirect.gather [hbm4b:s1+s30], $0x80, s0, s30, $0xb8;
	[tilespmem:$0x1DF00] =	vst v63  }
0x1db: {  	s8 =	simm.s32 $0x7B00;
	s4 =	sadd.s32 s5, s4  }
0x1dc: {  	[tilespmem:s8], [sflag:$0x5] =	stream.linear.gather [hbm4b:s4+s3], $0x2800, $0x38;
	[tilespmem:$0x1DF00] =	vst v63  }
0x1dd: {  	_ =	swait.ge [sflag:s9], $0x2800  }
0x1de: {  	[sflag:s9] =	ssyncset.done $0x0  }
0x1df: {  	[sflag:s9] =	ssyncadd.s32 $0xFFFFD800  }
0x1e0: {  	_ =	swait.ge [sflag:s9], $0x2800  }
0x1e1: {  	[sflag:s9] =	ssyncset.done $0x0  }
0x1e2: {  	s22 =	simm.s32 $0x200;
	[sflag:s9] =	ssyncadd.s32 $0xFFFFD800  }
0x1e3: {  	s11 =	simm.s32 $0x2A00;
	v1 =	vld [tilespmem:s22+$0x0]  }
0x1e4: {  	v2 =	vld [tilespmem:s11+$0x0];
	_ =	sdelay $0x3  }
0x1e5: {  	v3 =	vld [tilespmem:s22+$0xFFFFFF80]  }
0x1e6: {  	v1 =	vmul.f32 v2, v1;
	v2 =	vld [tilespmem:s11+$0xFFFFFF80];
	_ =	sdelay $0x1  }
0x1e7: {  	[tilespmem:s22+$0x0] =	vst v1;
	v1 =	vld [tilespmem:s22+$0x10]  }
0x1e8: {  	v4 =	vld [tilespmem:s11+$0x10];
	_ =	sdelay $0x1  }
0x1e9: {  	v2 =	vmul.f32 v2, v3;
	_ =	sdelay $0x1  }
0x1ea: {  	v5 =	vld [tilespmem:s22+$0xFFFFFF90];
	[tilespmem:s22+$0xFFFFFF80] =	vst v2  }
0x1eb: {  	v1 =	vmul.f32 v4, v1;
	v2 =	vld [tilespmem:s11+$0xFFFFFF90];
	_ =	sdelay $0x1  }
0x1ec: {  	[tilespmem:s22+$0x10] =	vst v1;
	v1 =	vld [tilespmem:s22+$0x20]  }
0x1ed: {  	v4 =	vld [tilespmem:s11+$0x20]  }
0x1ee: {  	v6 =	vld [tilespmem:s22+$0xFFFFFFB0]  }
0x1ef: {  	s24 =	simm.s32 $0x300;
	v7 =	vld [tilespmem:s22+$0xFFFFFFD0];
	v2 =	vmul.f32 v2, v5  }
0x1f0: {  	v8 =	vld [tilespmem:s24+$0x0]  }
0x1f1: {  	v3 =	vld [tilespmem:s22+$0xFFFFFFA0];
	[tilespmem:s22+$0xFFFFFF90] =	vst v2  }
0x1f2: {  	v1 =	vmul.f32 v4, v1;
	v2 =	vld [tilespmem:s11+$0xFFFFFFA0]  }
0x1f3: {  	v9 =	vld [tilespmem:s22+$0xFFFFFFE0]  }
0x1f4: {  	[tilespmem:s22+$0x20] =	vst v1;
	v1 =	vld [tilespmem:s22+$0x30]  }
0x1f5: {  	s19 =	simm.s32 $0x2B00;
	v4 =	vld [tilespmem:s11+$0x30]  }
0x1f6: {  	v11 =	vld [tilespmem:s19+$0xFFFFFF80]  }
0x1f7: {  	v2 =	vmul.f32 v2, v3;
	v3 =	vld [tilespmem:s19+$0x0]  }
0x1f8: {  	v13 =	vld [tilespmem:s24+$0xFFFFFF90]  }
0x1f9: {  	s31 =	simm.s32 $0x2C00;
	v14 =	vld [tilespmem:s24+$0xFFFFFFD0]  }
0x1fa: {  	v16 =	vld [tilespmem:s31+$0xFFFFFF80];
	v1 =	vmul.f32 v4, v1  }
0x1fb: {  	[tilespmem:s22+$0xFFFFFFA0] =	vst v2;
	v2 =	vld [tilespmem:s22+$0x40]  }
0x1fc: {  	[tilespmem:s22+$0x30] =	vst v1;
	v3 =	vmul.f32 v3, v8;
	v8 =	vld [tilespmem:s24+$0xFFFFFF80]  }
0x1fd: {  	s26 =	simm.s32 $0x400;
	v10 =	vld [tilespmem:s11+$0x40]  }
0x1fe: {  	v17 =	vld [tilespmem:s26+$0xFFFFFF80]  }
0x1ff: {  	v4 =	vld [tilespmem:s11+$0xFFFFFFB0]  }
0x200: {  	v18 =	vld [tilespmem:s24+$0x50]  }
0x201: {  	[tilespmem:s24+$0x0] =	vst v3;
	v3 =	vld [tilespmem:s24+$0x10];
	v8 =	vmul.f32 v11, v8  }
0x202: {  	v12 =	vld [tilespmem:s19+$0x10];
	v2 =	vmul.f32 v10, v2  }
0x203: {  	v10 =	vld [tilespmem:s22+$0x50];
	[tilespmem:s24+$0xFFFFFF80] =	vst v8  }
0x204: {  	[tilespmem:s22+$0x40] =	vst v2;
	v2 =	vmul.f32 v4, v6;
	v6 =	vld [tilespmem:s19+$0xFFFFFF90]  }
0x205: {  	v4 =	vld [tilespmem:s11+$0x50]  }
0x206: {  	v58 =	vld [tilespmem:s26+$0xFFFFFFA0]  }
0x207: {  	v5 =	vld [tilespmem:s22+$0xFFFFFFC0];
	v3 =	vmul.f32 v12, v3;
	[tilespmem:s22+$0xFFFFFFB0] =	vst v2  }
0x208: {  	v2 =	vld [tilespmem:s11+$0xFFFFFFC0]  }
0x209: {  	[tilespmem:s24+$0x10] =	vst v3;
	v3 =	vld [tilespmem:s24+$0x20]  }
0x20a: {  	v6 =	vmul.f32 v6, v13;
	v4 =	vmul.f32 v4, v10;
	v10 =	vld [tilespmem:s19+$0x20]  }
0x20b: {  	v19 =	vld [tilespmem:s24+$0x60]  }
0x20c: {  	v16 =	vmul.f32 v16, v17;
	v11 =	vld [tilespmem:s24+$0xFFFFFFA0];
	[tilespmem:s24+$0xFFFFFF90] =	vst v6  }
0x20d: {  	v2 =	vmul.f32 v2, v5;
	v5 =	vld [tilespmem:s19+$0xFFFFFFA0]  }
0x20e: {  	v61 =	vld [tilespmem:s24+$0x70];
	[tilespmem:s26+$0xFFFFFF80] =	vst v16  }
0x20f: {  	v16 =	vld [tilespmem:s31+$0xFFFFFF90];
	[tilespmem:s22+$0xFFFFFFC0] =	vst v2;
	v2 =	vmul.f32 v10, v3  }
0x210: {  	v1 =	vld [tilespmem:s22+$0xFFFFFFF0]  }
0x211: {  	v6 =	vld [tilespmem:s24+$0x30];
	[tilespmem:s24+$0x20] =	vst v2  }
0x212: {  	v5 =	vmul.f32 v5, v11;
	v11 =	vld [tilespmem:s19+$0x30]  }
0x213: {  	v3 =	vld [tilespmem:s11+$0xFFFFFFD0]  }
0x214: {  	v8 =	vld [tilespmem:s24+$0xFFFFFFB0]  }
0x215: {  	v12 =	vld [tilespmem:s22+$0x60];
	[tilespmem:s22+$0x50] =	vst v4  }
0x216: {  	v4 =	vld [tilespmem:s11+$0x60]  }
0x217: {  	[tilespmem:s24+$0xFFFFFFA0] =	vst v5;
	v5 =	vld [tilespmem:s26+$0x0];
	v6 =	vmul.f32 v11, v6  }
0x218: {  	v3 =	vmul.f32 v3, v7;
	v7 =	vld [tilespmem:s31+$0x0]  }
0x219: {  	v11 =	vld [tilespmem:s24+$0x40];
	[tilespmem:s24+$0x30] =	vst v6  }
0x21a: {  	v6 =	vld [tilespmem:s19+$0x40]  }
0x21b: {  	v13 =	vld [tilespmem:s24+$0xFFFFFFC0];
	v4 =	vmul.f32 v4, v12  }
0x21c: {  	v10 =	vld [tilespmem:s22+$0x70]  }
0x21d: {  	[tilespmem:s22+$0x60] =	vst v4;
	v4 =	vld [tilespmem:s19+$0xFFFFFFB0];
	v5 =	vmul.f32 v7, v5  }
0x21e: {  	v7 =	vld [tilespmem:s26+$0xFFFFFF90]  }
0x21f: {  	[tilespmem:s26+$0x0] =	vst v5;
	v5 =	vld [tilespmem:s26+$0x10];
	v6 =	vmul.f32 v6, v11  }
0x220: {  	v11 =	vld [tilespmem:s31+$0x10]  }
0x221: {  	v2 =	vld [tilespmem:s24+$0xFFFFFFE0];
	[tilespmem:s24+$0x40] =	vst v6  }
0x222: {  	v4 =	vmul.f32 v4, v8;
	v8 =	vld [tilespmem:s19+$0x50]  }
0x223: {  	v12 =	vld [tilespmem:s11+$0x70];
	[tilespmem:s22+$0xFFFFFFD0] =	vst v3  }
0x224: {  	v3 =	vld [tilespmem:s24+$0xFFFFFFF0];
	[tilespmem:s24+$0xFFFFFFB0] =	vst v4;
	v7 =	vmul.f32 v16, v7  }
0x225: {  	v4 =	vmul.f32 v11, v5;
	v11 =	vld [tilespmem:s19+$0xFFFFFFC0]  }
0x226: {  	v15 =	vld [tilespmem:s11+$0xFFFFFFE0];
	[tilespmem:s26+$0xFFFFFF90] =	vst v7  }
0x227: {  	v7 =	vld [tilespmem:s26+$0xFFFFFFE0];
	[tilespmem:s26+$0x10] =	vst v4;
	v4 =	vmul.f32 v8, v18  }
0x228: {  	v8 =	vld [tilespmem:s26+$0x20]  }
0x229: {  	v59 =	vld [tilespmem:s31+$0x20];
	[tilespmem:s24+$0x50] =	vst v4  }
0x22a: {  	v11 =	vmul.f32 v11, v13;
	v13 =	vld [tilespmem:s19+$0x60]  }
0x22b: {  	v6 =	vld [tilespmem:s26+$0xFFFFFFB0]  }
0x22c: {  	v60 =	vld [tilespmem:s31+$0xFFFFFFA0];
	[tilespmem:s24+$0xFFFFFFC0] =	vst v11  }
0x22d: {  	v11 =	vld [tilespmem:s19+$0xFFFFFFD0]  }
0x22e: {  	v5 =	vld [tilespmem:s26+$0xFFFFFFC0];
	v8 =	vmul.f32 v59, v8  }
0x22f: {  	v4 =	vld [tilespmem:s26+$0xFFFFFFD0];
	v13 =	vmul.f32 v13, v19  }
0x230: {  	[tilespmem:s26+$0x20] =	vst v8;
	v8 =	vmul.f32 v15, v9;
	v15 =	vld [tilespmem:s26+$0x30]  }
0x231: {  	v9 =	vmul.f32 v60, v58;
	v62 =	vld [tilespmem:s31+$0x30];
	[tilespmem:s24+$0x60] =	vst v13  }
0x232: {  	[tilespmem:s22+$0xFFFFFFE0] =	vst v8;
	v8 =	vmul.f32 v11, v14;
	v63 =	vld [tilespmem:s19+$0x70]  }
0x233: {  	[tilespmem:s26+$0xFFFFFFA0] =	vst v9;
	v9 =	vld [tilespmem:s11+$0xFFFFFFF0]  }
0x234: {  	v13 =	vld [tilespmem:s31+$0xFFFFFFB0];
	[tilespmem:s24+$0xFFFFFFD0] =	vst v8  }
0x235: {  	v11 =	vmul.f32 v12, v10;
	v10 =	vld [tilespmem:s19+$0xFFFFFFE0]  }
0x236: {  	v8 =	vld [tilespmem:s26+$0xFFFFFFF0];
	v14 =	vmul.f32 v62, v15  }
0x237: {  	s8 =	simm.s32 $0x4;
	s4 =	simm.s32 $0x2C00;
	s11 =	simm.s32 $0x500;
	[tilespmem:s22+$0x70] =	vst v11;
	v11 =	vld [tilespmem:s26+$0x40];
	v12 =	vmul.f32 v63, v61  }
.LBB2_9:
0x238: {  	v15 =	vld [tilespmem:s11+$0x0];
	[tilespmem:s26+$0x30] =	vst v14;
	s31 =	sadd.s32 $0x100, s31;
	v9 =	vmul.f32 v9, v1;
	v1 =	vmov v3  }
0x239: {  	v14 =	vld [tilespmem:s31+$0x0];
	v13 =	vmul.f32 v13, v6;
	[tilespmem:s24+$0x70] =	vst v12  }
0x23a: {  	s8 =	sadd.s32 $0x2, s8;
	v6 =	vld [tilespmem:s4+$0x40];
	v10 =	vmul.f32 v10, v2;
	[tilespmem:s22+$0xFFFFFFF0] =	vst v9;
	v2 =	vmov v7;
	s22 =	smov.u32 s24;
	s24 =	smov.u32 s26  }
0x23b: {  	p0 =	slt.u32 s8, $0x4E;
	s26 =	smov.u32 s11;
	v7 =	vld [tilespmem:s31+$0xFFFFFF80];
	[tilespmem:s24+$0xFFFFFFB0] =	vst v13;
	v3 =	vmov v8  }
0x23c: {  	v8 =	vld [tilespmem:s11+$0xFFFFFF80];
	[tilespmem:s22+$0xFFFFFFE0] =	vst v10  }
0x23d: {  	v9 =	vld [tilespmem:s11+$0xFFFFFF90]  }
0x23e: {  	v10 =	vld [tilespmem:s11+$0xFFFFFFA0];
	v12 =	vmul.f32 v14, v15  }
0x23f: {  	v6 =	vmul.f32 v6, v11;
	v11 =	vld [tilespmem:s24+$0x50]  }
0x240: {  	[tilespmem:s11+$0x0] =	vst v12;
	v12 =	vld [tilespmem:s11+$0x10]  }
0x241: {  	v7 =	vmul.f32 v7, v8;
	v8 =	vld [tilespmem:s31+$0x10];
	[tilespmem:s24+$0x40] =	vst v6  }
0x242: {  	v13 =	vld [tilespmem:s4+$0x50]  }
0x243: {  	[tilespmem:s11+$0xFFFFFF80] =	vst v7;
	v6 =	vld [tilespmem:s11+$0xFFFFFFB0]  }
0x244: {  	v7 =	vld [tilespmem:s31+$0xFFFFFF90]  }
0x245: {  	v14 =	vld [tilespmem:s4+$0xFFFFFFC0]  }
0x246: {  	v15 =	vld [tilespmem:s11+$0xFFFFFFC0];
	v8 =	vmul.f32 v8, v12  }
0x247: {  	v11 =	vmul.f32 v13, v11;
	v12 =	vld [tilespmem:s24+$0x60]  }
0x248: {  	[tilespmem:s11+$0x10] =	vst v8;
	v8 =	vld [tilespmem:s11+$0x20]  }
0x249: {  	v7 =	vmul.f32 v7, v9;
	v9 =	vld [tilespmem:s31+$0x20];
	[tilespmem:s24+$0x50] =	vst v11  }
0x24a: {  	v11 =	vmul.f32 v14, v5;
	v13 =	vld [tilespmem:s4+$0x60]  }
0x24b: {  	[tilespmem:s11+$0xFFFFFF90] =	vst v7;
	v14 =	vld [tilespmem:s11+$0xFFFFFFD0];
	v5 =	vmov v15  }
0x24c: {  	v15 =	vld [tilespmem:s31+$0xFFFFFFA0];
	[tilespmem:s24+$0xFFFFFFC0] =	vst v11  }
0x24d: {  	v11 =	vld [tilespmem:s4+$0xFFFFFFD0]  }
0x24e: {  	v7 =	vld [tilespmem:s11+$0xFFFFFFE0];
	v8 =	vmul.f32 v9, v8  }
0x24f: {  	v9 =	vmul.f32 v13, v12;
	v12 =	vld [tilespmem:s24+$0x70]  }
0x250: {  	[tilespmem:s11+$0x20] =	vst v8;
	v16 =	vld [tilespmem:s11+$0x30]  }
0x251: {  	v8 =	vmul.f32 v15, v10;
	v15 =	vld [tilespmem:s31+$0x30];
	[tilespmem:s24+$0x60] =	vst v9  }
0x252: {  	v10 =	vmul.f32 v11, v4;
	v17 =	vld [tilespmem:s4+$0x70];
	v4 =	vmov v14  }
.Ltmp3:
0x253: {  	[tilespmem:s11+$0xFFFFFFA0] =	vst v8;
	v9 =	vld [tilespmem:s19+$0xFFFFFFF0];
	s19 =	smov.u32 s4;
	s4 =	smov.u32 s31;
	(pc) =	sbr.rel @p0 .LBB2_9-.Ltmp3, $4  }
0x254: {  	v13 =	vld [tilespmem:s31+$0xFFFFFFB0];
	[tilespmem:s24+$0xFFFFFFD0] =	vst v10  }
0x255: {  	v10 =	vld [tilespmem:s19+$0xFFFFFFE0]  }
0x256: {  	v8 =	vld [tilespmem:s11+$0xFFFFFFF0];
	v14 =	vmul.f32 v15, v16  }
0x257: {  	s11 =	sadd.s32 $0x100, s11;
	v11 =	vld [tilespmem:s26+$0x40];
	v12 =	vmul.f32 v17, v12  }
0x258: {  	_ = 	snop  }
0x259: {  	[tilespmem:s26+$0x30] =	vst v14;
	v6 =	vmul.f32 v13, v6  }
0x25a: {  	v13 =	vld [tilespmem:s4+$0x40]  }
0x25b: {  	[tilespmem:s26+$0xFFFFFFB0] =	vst v6  }
0x25c: {  	v6 =	vld [tilespmem:s4+$0xFFFFFFC0];
	_ =	sdelay $0x2  }
0x25d: {  	v11 =	vmul.f32 v13, v11;
	_ =	sdelay $0x1  }
0x25e: {  	v13 =	vld [tilespmem:s26+$0x50];
	[tilespmem:s26+$0x40] =	vst v11;
	v5 =	vmul.f32 v6, v5  }
0x25f: {  	v6 =	vld [tilespmem:s4+$0x50]  }
0x260: {  	[tilespmem:s26+$0xFFFFFFC0] =	vst v5  }
0x261: {  	v5 =	vld [tilespmem:s4+$0xFFFFFFD0];
	_ =	sdelay $0x2  }
0x262: {  	v6 =	vmul.f32 v6, v13;
	_ =	sdelay $0x1  }
0x263: {  	v11 =	vld [tilespmem:s26+$0x60];
	[tilespmem:s26+$0x50] =	vst v6;
	v4 =	vmul.f32 v5, v4  }
0x264: {  	v5 =	vld [tilespmem:s4+$0x60]  }
0x265: {  	[tilespmem:s26+$0xFFFFFFD0] =	vst v4  }
0x266: {  	v4 =	vld [tilespmem:s4+$0xFFFFFFE0];
	_ =	sdelay $0x2  }
0x267: {  	v5 =	vmul.f32 v5, v11  }
0x268: {  	v2 =	vmul.f32 v10, v2  }
0x269: {  	v6 =	vld [tilespmem:s26+$0x70];
	[tilespmem:s26+$0x60] =	vst v5;
	v4 =	vmul.f32 v4, v7  }
0x26a: {  	[tilespmem:s24+$0xFFFFFFE0] =	vst v2;
	v2 =	vld [tilespmem:s4+$0x70]  }
0x26b: {  	v5 =	vld [tilespmem:s19+$0xFFFFFFF0];
	[tilespmem:s26+$0xFFFFFFE0] =	vst v4  }
0x26c: {  	v4 =	vld [tilespmem:s4+$0xFFFFFFF0];
	_ =	sdelay $0x1  }
0x26d: {  	v1 =	vmul.f32 v9, v1  }
0x26e: {  	[tilespmem:s24+$0x70] =	vst v12;
	v2 =	vmul.f32 v2, v6  }
0x26f: {  	[tilespmem:s22+$0xFFFFFFF0] =	vst v1;
	v1 =	vmul.f32 v5, v3  }
0x270: {  	[tilespmem:s26+$0x70] =	vst v2;
	v2 =	vmul.f32 v4, v8  }
0x271: {  	[tilespmem:s24+$0xFFFFFFF0] =	vst v1  }
0x272: {  	[tilespmem:s26+$0xFFFFFFF0] =	vst v2  }
0x273: {  	v1 =	vld [tilespmem:$0x80]  }
0x274: {  	v2 =	vld [tilespmem:$0x90]  }
0x275: {  	v3 =	vld [tilespmem:$0xA0]  }
0x276: {  	v4 =	vld [tilespmem:$0xB0]  }
0x277: {  	v5 =	vld [tilespmem:$0xC0]  }
0x278: {  	[tilespmem:$0x100] =	vst v1  }
0x279: {  	[tilespmem:$0x110] =	vst v2  }
0x27a: {  	[tilespmem:$0x120] =	vst v3  }
0x27b: {  	s19 =	sadd.s32 s21, s28;
	[tilespmem:$0x130] =	vst v4  }
0x27c: {  	s11 =	simm.s32 $0x100;
	s8 =	smul.u32 $0xA, s19;
	[tilespmem:$0x140] =	vst v5  }
0x27d: {  	[spmem:s2] =	stream.indirect.scatter.add.f32 [tilespmem:s13], [sflag:$0x3], $0x80, s11, s30, $0xb8;
	[tilespmem:$0x1DF00] =	vst v63  }
0x27e: {  	s22 =	sadd.s32 s14, s8  }
0x27f: {  	[tilespmem:s3], [sflag:$0x1] =	stream.linear.gather [hbm4b:s22+s3], $0x50, $0x38;
	[tilespmem:$0x1DF00] =	vst v63  }
0x280: {  	s8 =	sadd.s32 s15, s8;
	s24 =	simm.s32 $0x80  }
0x281: {  	[tilespmem:s24], [sflag:$0x1] =	stream.linear.gather [hbm4b:s8+s3], $0x50, $0x38;
	[tilespmem:$0x1DF00] =	vst v63  }
0x282: {  	_ =	swait.ge [sflag:s29], $0x50  }
0x283: {  	[sflag:s29] =	ssyncset.done $0x0  }
0x284: {  	[sflag:s29] =	ssyncadd.s32 $0xFFFFFFB0  }
0x285: {  	_ =	swait.ge [sflag:s29], $0x50  }
0x286: {  	[sflag:s29] =	ssyncset.done $0x0  }
0x287: {  	[sflag:s29] =	ssyncadd.s32 $0xFFFFFFB0  }
0x288: {  	_ =	swait.ge [sflag:s12], $0x2800  }
0x289: {  	[sflag:s12] =	ssyncset.done $0x0  }
0x28a: {  	s4 =	smul.u32 $0x500, s19;
	[sflag:s12] =	ssyncadd.s32 $0xFFFFD800  }
0x28b: {  	[tilespmem:s13], [sflag:$0x2] =	stream.indirect.gather [hbm4b:s1+s30], $0x80, s3, s30, $0xb8;
	[tilespmem:$0x1DF00] =	vst v63  }
0x28c: {  	s4 =	sadd.s32 s5, s4;
	s26 =	simm.s32 $0x2980  }
0x28d: {  	[tilespmem:s26], [sflag:$0x2] =	stream.linear.gather [hbm4b:s4+s3], $0x2800, $0x38;
	[tilespmem:$0x1DF00] =	vst v63  }
0x28e: {  	_ =	swait.ge [sflag:s16], $0x2800  }
0x28f: {  	[sflag:s16] =	ssyncset.done $0x0  }
0x290: {  	[sflag:s16] =	ssyncadd.s32 $0xFFFFD800  }
0x291: {  	_ =	swait.ge [sflag:s16], $0x2800  }
0x292: {  	[sflag:s16] =	ssyncset.done $0x0  }
0x293: {  	s22 =	simm.s32 $0x5380;
	[sflag:s16] =	ssyncadd.s32 $0xFFFFD800  }
0x294: {  	s11 =	simm.s32 $0x7B80;
	v1 =	vld [tilespmem:s22+$0x0]  }
0x295: {  	v2 =	vld [tilespmem:s11+$0x0];
	_ =	sdelay $0x3  }
0x296: {  	v3 =	vld [tilespmem:s22+$0xFFFFFF80]  }
0x297: {  	v1 =	vmul.f32 v2, v1;
	v2 =	vld [tilespmem:s11+$0xFFFFFF80];
	_ =	sdelay $0x1  }
0x298: {  	[tilespmem:s22+$0x0] =	vst v1;
	v1 =	vld [tilespmem:s22+$0x10]  }
0x299: {  	v4 =	vld [tilespmem:s11+$0x10];
	_ =	sdelay $0x1  }
0x29a: {  	v2 =	vmul.f32 v2, v3;
	_ =	sdelay $0x1  }
0x29b: {  	v5 =	vld [tilespmem:s22+$0xFFFFFF90];
	[tilespmem:s22+$0xFFFFFF80] =	vst v2  }
0x29c: {  	v1 =	vmul.f32 v4, v1;
	v2 =	vld [tilespmem:s11+$0xFFFFFF90];
	_ =	sdelay $0x1  }
0x29d: {  	[tilespmem:s22+$0x10] =	vst v1;
	v1 =	vld [tilespmem:s22+$0x20]  }
0x29e: {  	v4 =	vld [tilespmem:s11+$0x20]  }
0x29f: {  	v6 =	vld [tilespmem:s22+$0xFFFFFFB0]  }
0x2a0: {  	s24 =	simm.s32 $0x5480;
	v7 =	vld [tilespmem:s22+$0xFFFFFFD0];
	v2 =	vmul.f32 v2, v5  }
0x2a1: {  	v8 =	vld [tilespmem:s24+$0x0]  }
0x2a2: {  	v3 =	vld [tilespmem:s22+$0xFFFFFFA0];
	[tilespmem:s22+$0xFFFFFF90] =	vst v2  }
0x2a3: {  	v1 =	vmul.f32 v4, v1;
	v2 =	vld [tilespmem:s11+$0xFFFFFFA0]  }
0x2a4: {  	v9 =	vld [tilespmem:s22+$0xFFFFFFE0]  }
0x2a5: {  	[tilespmem:s22+$0x20] =	vst v1;
	v1 =	vld [tilespmem:s22+$0x30]  }
0x2a6: {  	s19 =	simm.s32 $0x7C80;
	v4 =	vld [tilespmem:s11+$0x30]  }
0x2a7: {  	v11 =	vld [tilespmem:s19+$0xFFFFFF80]  }
0x2a8: {  	v2 =	vmul.f32 v2, v3;
	v3 =	vld [tilespmem:s19+$0x0]  }
0x2a9: {  	v13 =	vld [tilespmem:s24+$0xFFFFFF90]  }
0x2aa: {  	s31 =	simm.s32 $0x7D80;
	v14 =	vld [tilespmem:s24+$0xFFFFFFD0]  }
0x2ab: {  	v16 =	vld [tilespmem:s31+$0xFFFFFF80];
	v1 =	vmul.f32 v4, v1  }
0x2ac: {  	[tilespmem:s22+$0xFFFFFFA0] =	vst v2;
	v2 =	vld [tilespmem:s22+$0x40]  }
0x2ad: {  	[tilespmem:s22+$0x30] =	vst v1;
	v3 =	vmul.f32 v3, v8;
	v8 =	vld [tilespmem:s24+$0xFFFFFF80]  }
0x2ae: {  	s26 =	simm.s32 $0x5580;
	v10 =	vld [tilespmem:s11+$0x40]  }
0x2af: {  	v17 =	vld [tilespmem:s26+$0xFFFFFF80]  }
0x2b0: {  	v4 =	vld [tilespmem:s11+$0xFFFFFFB0]  }
0x2b1: {  	v18 =	vld [tilespmem:s24+$0x50]  }
0x2b2: {  	[tilespmem:s24+$0x0] =	vst v3;
	v3 =	vld [tilespmem:s24+$0x10];
	v8 =	vmul.f32 v11, v8  }
0x2b3: {  	v12 =	vld [tilespmem:s19+$0x10];
	v2 =	vmul.f32 v10, v2  }
0x2b4: {  	v10 =	vld [tilespmem:s22+$0x50];
	[tilespmem:s24+$0xFFFFFF80] =	vst v8  }
0x2b5: {  	[tilespmem:s22+$0x40] =	vst v2;
	v2 =	vmul.f32 v4, v6;
	v6 =	vld [tilespmem:s19+$0xFFFFFF90]  }
0x2b6: {  	v4 =	vld [tilespmem:s11+$0x50]  }
0x2b7: {  	v58 =	vld [tilespmem:s26+$0xFFFFFFA0]  }
0x2b8: {  	v5 =	vld [tilespmem:s22+$0xFFFFFFC0];
	v3 =	vmul.f32 v12, v3;
	[tilespmem:s22+$0xFFFFFFB0] =	vst v2  }
0x2b9: {  	v2 =	vld [tilespmem:s11+$0xFFFFFFC0]  }
0x2ba: {  	[tilespmem:s24+$0x10] =	vst v3;
	v3 =	vld [tilespmem:s24+$0x20]  }
0x2bb: {  	v6 =	vmul.f32 v6, v13;
	v4 =	vmul.f32 v4, v10;
	v10 =	vld [tilespmem:s19+$0x20]  }
0x2bc: {  	v19 =	vld [tilespmem:s24+$0x60]  }
0x2bd: {  	v16 =	vmul.f32 v16, v17;
	v11 =	vld [tilespmem:s24+$0xFFFFFFA0];
	[tilespmem:s24+$0xFFFFFF90] =	vst v6  }
0x2be: {  	v2 =	vmul.f32 v2, v5;
	v5 =	vld [tilespmem:s19+$0xFFFFFFA0]  }
0x2bf: {  	v61 =	vld [tilespmem:s24+$0x70];
	[tilespmem:s26+$0xFFFFFF80] =	vst v16  }
0x2c0: {  	v16 =	vld [tilespmem:s31+$0xFFFFFF90];
	[tilespmem:s22+$0xFFFFFFC0] =	vst v2;
	v2 =	vmul.f32 v10, v3  }
0x2c1: {  	v1 =	vld [tilespmem:s22+$0xFFFFFFF0]  }
0x2c2: {  	v6 =	vld [tilespmem:s24+$0x30];
	[tilespmem:s24+$0x20] =	vst v2  }
0x2c3: {  	v5 =	vmul.f32 v5, v11;
	v11 =	vld [tilespmem:s19+$0x30]  }
0x2c4: {  	v3 =	vld [tilespmem:s11+$0xFFFFFFD0]  }
0x2c5: {  	v8 =	vld [tilespmem:s24+$0xFFFFFFB0]  }
0x2c6: {  	v12 =	vld [tilespmem:s22+$0x60];
	[tilespmem:s22+$0x50] =	vst v4  }
0x2c7: {  	v4 =	vld [tilespmem:s11+$0x60]  }
0x2c8: {  	[tilespmem:s24+$0xFFFFFFA0] =	vst v5;
	v5 =	vld [tilespmem:s26+$0x0];
	v6 =	vmul.f32 v11, v6  }
0x2c9: {  	v3 =	vmul.f32 v3, v7;
	v7 =	vld [tilespmem:s31+$0x0]  }
0x2ca: {  	v11 =	vld [tilespmem:s24+$0x40];
	[tilespmem:s24+$0x30] =	vst v6  }
0x2cb: {  	v6 =	vld [tilespmem:s19+$0x40]  }
0x2cc: {  	v13 =	vld [tilespmem:s24+$0xFFFFFFC0];
	v4 =	vmul.f32 v4, v12  }
0x2cd: {  	v10 =	vld [tilespmem:s22+$0x70]  }
0x2ce: {  	[tilespmem:s22+$0x60] =	vst v4;
	v4 =	vld [tilespmem:s19+$0xFFFFFFB0];
	v5 =	vmul.f32 v7, v5  }
0x2cf: {  	v7 =	vld [tilespmem:s26+$0xFFFFFF90]  }
0x2d0: {  	[tilespmem:s26+$0x0] =	vst v5;
	v5 =	vld [tilespmem:s26+$0x10];
	v6 =	vmul.f32 v6, v11  }
0x2d1: {  	v11 =	vld [tilespmem:s31+$0x10]  }
0x2d2: {  	v2 =	vld [tilespmem:s24+$0xFFFFFFE0];
	[tilespmem:s24+$0x40] =	vst v6  }
0x2d3: {  	v4 =	vmul.f32 v4, v8;
	v8 =	vld [tilespmem:s19+$0x50]  }
0x2d4: {  	v12 =	vld [tilespmem:s11+$0x70];
	[tilespmem:s22+$0xFFFFFFD0] =	vst v3  }
0x2d5: {  	v3 =	vld [tilespmem:s24+$0xFFFFFFF0];
	[tilespmem:s24+$0xFFFFFFB0] =	vst v4;
	v7 =	vmul.f32 v16, v7  }
0x2d6: {  	v4 =	vmul.f32 v11, v5;
	v11 =	vld [tilespmem:s19+$0xFFFFFFC0]  }
0x2d7: {  	v15 =	vld [tilespmem:s11+$0xFFFFFFE0];
	[tilespmem:s26+$0xFFFFFF90] =	vst v7  }
0x2d8: {  	v7 =	vld [tilespmem:s26+$0xFFFFFFE0];
	[tilespmem:s26+$0x10] =	vst v4;
	v4 =	vmul.f32 v8, v18  }
0x2d9: {  	v8 =	vld [tilespmem:s26+$0x20]  }
0x2da: {  	v59 =	vld [tilespmem:s31+$0x20];
	[tilespmem:s24+$0x50] =	vst v4  }
0x2db: {  	v11 =	vmul.f32 v11, v13;
	v13 =	vld [tilespmem:s19+$0x60]  }
0x2dc: {  	v6 =	vld [tilespmem:s26+$0xFFFFFFB0]  }
0x2dd: {  	v60 =	vld [tilespmem:s31+$0xFFFFFFA0];
	[tilespmem:s24+$0xFFFFFFC0] =	vst v11  }
0x2de: {  	v11 =	vld [tilespmem:s19+$0xFFFFFFD0]  }
0x2df: {  	v5 =	vld [tilespmem:s26+$0xFFFFFFC0];
	v8 =	vmul.f32 v59, v8  }
0x2e0: {  	v4 =	vld [tilespmem:s26+$0xFFFFFFD0];
	v13 =	vmul.f32 v13, v19  }
0x2e1: {  	[tilespmem:s26+$0x20] =	vst v8;
	v8 =	vmul.f32 v15, v9;
	v15 =	vld [tilespmem:s26+$0x30]  }
0x2e2: {  	v9 =	vmul.f32 v60, v58;
	v62 =	vld [tilespmem:s31+$0x30];
	[tilespmem:s24+$0x60] =	vst v13  }
0x2e3: {  	[tilespmem:s22+$0xFFFFFFE0] =	vst v8;
	v8 =	vmul.f32 v11, v14;
	v63 =	vld [tilespmem:s19+$0x70]  }
0x2e4: {  	[tilespmem:s26+$0xFFFFFFA0] =	vst v9;
	v9 =	vld [tilespmem:s11+$0xFFFFFFF0]  }
0x2e5: {  	v13 =	vld [tilespmem:s31+$0xFFFFFFB0];
	[tilespmem:s24+$0xFFFFFFD0] =	vst v8  }
0x2e6: {  	v11 =	vmul.f32 v12, v10;
	v10 =	vld [tilespmem:s19+$0xFFFFFFE0]  }
0x2e7: {  	v8 =	vld [tilespmem:s26+$0xFFFFFFF0];
	v14 =	vmul.f32 v62, v15  }
0x2e8: {  	s8 =	simm.s32 $0x4;
	s4 =	simm.s32 $0x7D80;
	s11 =	simm.s32 $0x5680;
	[tilespmem:s22+$0x70] =	vst v11;
	v11 =	vld [tilespmem:s26+$0x40];
	v12 =	vmul.f32 v63, v61  }
.LBB2_11:
0x2e9: {  	v15 =	vld [tilespmem:s11+$0x0];
	[tilespmem:s26+$0x30] =	vst v14;
	s31 =	sadd.s32 $0x100, s31;
	v9 =	vmul.f32 v9, v1;
	v1 =	vmov v3  }
0x2ea: {  	v14 =	vld [tilespmem:s31+$0x0];
	v13 =	vmul.f32 v13, v6;
	[tilespmem:s24+$0x70] =	vst v12  }
0x2eb: {  	s8 =	sadd.s32 $0x2, s8;
	v6 =	vld [tilespmem:s4+$0x40];
	v10 =	vmul.f32 v10, v2;
	[tilespmem:s22+$0xFFFFFFF0] =	vst v9;
	v2 =	vmov v7;
	s22 =	smov.u32 s24;
	s24 =	smov.u32 s26  }
0x2ec: {  	p0 =	slt.u32 s8, $0x4E;
	s26 =	smov.u32 s11;
	v7 =	vld [tilespmem:s31+$0xFFFFFF80];
	[tilespmem:s24+$0xFFFFFFB0] =	vst v13;
	v3 =	vmov v8  }
0x2ed: {  	v8 =	vld [tilespmem:s11+$0xFFFFFF80];
	[tilespmem:s22+$0xFFFFFFE0] =	vst v10  }
0x2ee: {  	v9 =	vld [tilespmem:s11+$0xFFFFFF90]  }
0x2ef: {  	v10 =	vld [tilespmem:s11+$0xFFFFFFA0];
	v12 =	vmul.f32 v14, v15  }
0x2f0: {  	v6 =	vmul.f32 v6, v11;
	v11 =	vld [tilespmem:s24+$0x50]  }
0x2f1: {  	[tilespmem:s11+$0x0] =	vst v12;
	v12 =	vld [tilespmem:s11+$0x10]  }
0x2f2: {  	v7 =	vmul.f32 v7, v8;
	v8 =	vld [tilespmem:s31+$0x10];
	[tilespmem:s24+$0x40] =	vst v6  }
0x2f3: {  	v13 =	vld [tilespmem:s4+$0x50]  }
0x2f4: {  	[tilespmem:s11+$0xFFFFFF80] =	vst v7;
	v6 =	vld [tilespmem:s11+$0xFFFFFFB0]  }
0x2f5: {  	v7 =	vld [tilespmem:s31+$0xFFFFFF90]  }
0x2f6: {  	v14 =	vld [tilespmem:s4+$0xFFFFFFC0]  }
0x2f7: {  	v15 =	vld [tilespmem:s11+$0xFFFFFFC0];
	v8 =	vmul.f32 v8, v12  }
0x2f8: {  	v11 =	vmul.f32 v13, v11;
	v12 =	vld [tilespmem:s24+$0x60]  }
0x2f9: {  	[tilespmem:s11+$0x10] =	vst v8;
	v8 =	vld [tilespmem:s11+$0x20]  }
0x2fa: {  	v7 =	vmul.f32 v7, v9;
	v9 =	vld [tilespmem:s31+$0x20];
	[tilespmem:s24+$0x50] =	vst v11  }
0x2fb: {  	v11 =	vmul.f32 v14, v5;
	v13 =	vld [tilespmem:s4+$0x60]  }
0x2fc: {  	[tilespmem:s11+$0xFFFFFF90] =	vst v7;
	v14 =	vld [tilespmem:s11+$0xFFFFFFD0];
	v5 =	vmov v15  }
0x2fd: {  	v15 =	vld [tilespmem:s31+$0xFFFFFFA0];
	[tilespmem:s24+$0xFFFFFFC0] =	vst v11  }
0x2fe: {  	v11 =	vld [tilespmem:s4+$0xFFFFFFD0]  }
0x2ff: {  	v7 =	vld [tilespmem:s11+$0xFFFFFFE0];
	v8 =	vmul.f32 v9, v8  }
0x300: {  	v9 =	vmul.f32 v13, v12;
	v12 =	vld [tilespmem:s24+$0x70]  }
0x301: {  	[tilespmem:s11+$0x20] =	vst v8;
	v16 =	vld [tilespmem:s11+$0x30]  }
0x302: {  	v8 =	vmul.f32 v15, v10;
	v15 =	vld [tilespmem:s31+$0x30];
	[tilespmem:s24+$0x60] =	vst v9  }
0x303: {  	v10 =	vmul.f32 v11, v4;
	v17 =	vld [tilespmem:s4+$0x70];
	v4 =	vmov v14  }
.Ltmp4:
0x304: {  	[tilespmem:s11+$0xFFFFFFA0] =	vst v8;
	v9 =	vld [tilespmem:s19+$0xFFFFFFF0];
	s19 =	smov.u32 s4;
	s4 =	smov.u32 s31;
	(pc) =	sbr.rel @p0 .LBB2_11-.Ltmp4, $4  }
0x305: {  	v13 =	vld [tilespmem:s31+$0xFFFFFFB0];
	[tilespmem:s24+$0xFFFFFFD0] =	vst v10  }
0x306: {  	v10 =	vld [tilespmem:s19+$0xFFFFFFE0]  }
0x307: {  	v8 =	vld [tilespmem:s11+$0xFFFFFFF0];
	v14 =	vmul.f32 v15, v16  }
0x308: {  	s11 =	sadd.s32 $0x100, s11;
	v11 =	vld [tilespmem:s26+$0x40];
	v12 =	vmul.f32 v17, v12  }
0x309: {  	_ = 	snop  }
0x30a: {  	[tilespmem:s26+$0x30] =	vst v14;
	v6 =	vmul.f32 v13, v6  }
0x30b: {  	v55 =	vld [tilespmem:s4+$0x40]  }
0x30c: {  	[tilespmem:s26+$0xFFFFFFB0] =	vst v6  }
0x30d: {  	v6 =	vld [tilespmem:s4+$0xFFFFFFC0];
	_ =	sdelay $0x2  }
0x30e: {  	v11 =	vmul.f32 v55, v11;
	_ =	sdelay $0x1  }
0x30f: {  	v56 =	vld [tilespmem:s26+$0x50];
	[tilespmem:s26+$0x40] =	vst v11;
	v5 =	vmul.f32 v6, v5  }
0x310: {  	v57 =	vld [tilespmem:s4+$0x50]  }
0x311: {  	[tilespmem:s26+$0xFFFFFFC0] =	vst v5  }
0x312: {  	v5 =	vld [tilespmem:s4+$0xFFFFFFD0];
	_ =	sdelay $0x2  }
0x313: {  	v6 =	vmul.f32 v57, v56;
	_ =	sdelay $0x1  }
0x314: {  	v58 =	vld [tilespmem:s26+$0x60];
	[tilespmem:s26+$0x50] =	vst v6;
	v4 =	vmul.f32 v5, v4  }
0x315: {  	v59 =	vld [tilespmem:s4+$0x60]  }
0x316: {  	[tilespmem:s26+$0xFFFFFFD0] =	vst v4  }
0x317: {  	v4 =	vld [tilespmem:s4+$0xFFFFFFE0];
	_ =	sdelay $0x2  }
0x318: {  	v5 =	vmul.f32 v59, v58  }
0x319: {  	v2 =	vmul.f32 v10, v2  }
0x31a: {  	v60 =	vld [tilespmem:s26+$0x70];
	[tilespmem:s26+$0x60] =	vst v5;
	v4 =	vmul.f32 v4, v7  }
0x31b: {  	[tilespmem:s24+$0xFFFFFFE0] =	vst v2;
	v2 =	vld [tilespmem:s4+$0x70]  }
0x31c: {  	v61 =	vld [tilespmem:s19+$0xFFFFFFF0];
	[tilespmem:s26+$0xFFFFFFE0] =	vst v4  }
0x31d: {  	v4 =	vld [tilespmem:s4+$0xFFFFFFF0];
	_ =	sdelay $0x1  }
0x31e: {  	v1 =	vmul.f32 v9, v1  }
0x31f: {  	[tilespmem:s24+$0x70] =	vst v12;
	v2 =	vmul.f32 v2, v60  }
0x320: {  	[tilespmem:s22+$0xFFFFFFF0] =	vst v1;
	v1 =	vmul.f32 v61, v3  }
0x321: {  	[tilespmem:s26+$0x70] =	vst v2;
	v2 =	vmul.f32 v4, v8  }
0x322: {  	[tilespmem:s24+$0xFFFFFFF0] =	vst v1  }
0x323: {  	[tilespmem:s26+$0xFFFFFFF0] =	vst v2  }
0x324: {  	v1 =	vld [tilespmem:$0x5200]  }
0x325: {  	v2 =	vld [tilespmem:$0x5210]  }
0x326: {  	v3 =	vld [tilespmem:$0x5220]  }
0x327: {  	v62 =	vld [tilespmem:$0x5230]  }
0x328: {  	v63 =	vld [tilespmem:$0x5240]  }
0x329: {  	[tilespmem:$0x5280] =	vst v1  }
0x32a: {  	[tilespmem:$0x5290] =	vst v2  }
0x32b: {  	[tilespmem:$0x52A0] =	vst v3  }
0x32c: {  	s20 =	sadd.s32 $0x1, s20;
	s26 =	sadd.s32 s21, s10;
	[tilespmem:$0x52B0] =	vst v62  }
0x32d: {  	p0 =	sne.s32 s20, $0x3E;
	s4 =	smul.u32 $0xA, s26;
	[tilespmem:$0x52C0] =	vst v63  }
0x32e: {  	[spmem:s2] =	stream.indirect.scatter.add.f32 [tilespmem:s7], [sflag:$0x6], $0x80, s17, s30, $0xb8;
	[tilespmem:$0x1DF00] =	vst v63  }
.Ltmp5:
0x32f: {  	_ = 	snop;
	(pc) =	sbr.rel @p0 .LBB2_8-.Ltmp5, $4  }
0x330: {  	s8 =	sadd.s32 s14, s4  }
0x331: {  	[tilespmem:s0], [sflag:$0x4] =	stream.linear.gather [hbm4b:s8+s3], $0x50, $0x38;
	[tilespmem:$0x1DF00] =	vst v63  }
0x332: {  	s31 =	simm.s32 $0x5200;
	s4 =	sadd.s32 s15, s4  }
0x333: {  	[tilespmem:s31], [sflag:$0x4] =	stream.linear.gather [hbm4b:s4+s3], $0x50, $0x38;
	[tilespmem:$0x1DF00] =	vst v63  }
0x334: {  	_ =	swait.ge [sflag:s6], $0x50  }
0x335: {  	[sflag:s6] =	ssyncset.done $0x0  }
0x336: {  	[sflag:s6] =	ssyncadd.s32 $0xFFFFFFB0  }
0x337: {  	_ =	swait.ge [sflag:s6], $0x50  }
0x338: {  	[sflag:s6] =	ssyncset.done $0x0  }
0x339: {  	[sflag:s6] =	ssyncadd.s32 $0xFFFFFFB0  }
0x33a: {  	_ =	swait.ge [sflag:s18], $0x2800  }
0x33b: {  	[sflag:s18] =	ssyncset.done $0x0  }
0x33c: {  	[sflag:s18] =	ssyncadd.s32 $0xFFFFD800  }
0x33d: {  	[tilespmem:s7], [sflag:$0x5] =	stream.indirect.gather [hbm4b:s1+s30], $0x80, s0, s30, $0xb8;
	[tilespmem:$0x1DF00] =	vst v63  }
0x33e: {  	s8 =	simm.s32 $0x7B00;
	s4 =	rddreg [dreg:$0x1f]  }
0x33f: {  	[tilespmem:s8], [sflag:$0x5] =	stream.linear.gather [hbm4b:s4+s3], $0x2800, $0x38;
	[tilespmem:$0x1DF00] =	vst v63  }
0x340: {  	_ =	swait.ge [sflag:s9], $0x2800  }
0x341: {  	[sflag:s9] =	ssyncset.done $0x0  }
0x342: {  	[sflag:s9] =	ssyncadd.s32 $0xFFFFD800  }
0x343: {  	_ =	swait.ge [sflag:s9], $0x2800  }
0x344: {  	[sflag:s9] =	ssyncset.done $0x0  }
0x345: {  	s20 =	simm.s32 $0x200;
	[sflag:s9] =	ssyncadd.s32 $0xFFFFD800  }
0x346: {  	s31 =	simm.s32 $0x2A00;
	v1 =	vld [tilespmem:s20+$0x0]  }
0x347: {  	v2 =	vld [tilespmem:s31+$0x0];
	_ =	sdelay $0x3  }
0x348: {  	v3 =	vld [tilespmem:s20+$0xFFFFFF80]  }
0x349: {  	v1 =	vmul.f32 v2, v1;
	v2 =	vld [tilespmem:s31+$0xFFFFFF80];
	_ =	sdelay $0x1  }
0x34a: {  	[tilespmem:s20+$0x0] =	vst v1;
	v1 =	vld [tilespmem:s20+$0x10]  }
0x34b: {  	v4 =	vld [tilespmem:s31+$0x10];
	_ =	sdelay $0x1  }
0x34c: {  	v2 =	vmul.f32 v2, v3;
	_ =	sdelay $0x1  }
0x34d: {  	v5 =	vld [tilespmem:s20+$0xFFFFFF90];
	[tilespmem:s20+$0xFFFFFF80] =	vst v2  }
0x34e: {  	v1 =	vmul.f32 v4, v1;
	v2 =	vld [tilespmem:s31+$0xFFFFFF90];
	_ =	sdelay $0x1  }
0x34f: {  	[tilespmem:s20+$0x10] =	vst v1;
	v1 =	vld [tilespmem:s20+$0x20]  }
0x350: {  	v4 =	vld [tilespmem:s31+$0x20]  }
0x351: {  	v6 =	vld [tilespmem:s20+$0xFFFFFFB0]  }
0x352: {  	s21 =	simm.s32 $0x300;
	v7 =	vld [tilespmem:s20+$0xFFFFFFD0];
	v2 =	vmul.f32 v2, v5  }
0x353: {  	v8 =	vld [tilespmem:s21+$0x0]  }
0x354: {  	v3 =	vld [tilespmem:s20+$0xFFFFFFA0];
	[tilespmem:s20+$0xFFFFFF90] =	vst v2  }
0x355: {  	v1 =	vmul.f32 v4, v1;
	v2 =	vld [tilespmem:s31+$0xFFFFFFA0]  }
0x356: {  	v9 =	vld [tilespmem:s20+$0xFFFFFFE0]  }
0x357: {  	[tilespmem:s20+$0x20] =	vst v1;
	v1 =	vld [tilespmem:s20+$0x30]  }
0x358: {  	s19 =	simm.s32 $0x2B00;
	v4 =	vld [tilespmem:s31+$0x30]  }
0x359: {  	v11 =	vld [tilespmem:s19+$0xFFFFFF80]  }
0x35a: {  	v2 =	vmul.f32 v2, v3;
	v3 =	vld [tilespmem:s19+$0x0]  }
0x35b: {  	v13 =	vld [tilespmem:s21+$0xFFFFFF90]  }
0x35c: {  	s24 =	simm.s32 $0x2C00;
	v14 =	vld [tilespmem:s21+$0xFFFFFFD0]  }
0x35d: {  	v16 =	vld [tilespmem:s24+$0xFFFFFF80];
	v1 =	vmul.f32 v4, v1  }
0x35e: {  	[tilespmem:s20+$0xFFFFFFA0] =	vst v2;
	v2 =	vld [tilespmem:s20+$0x40]  }
0x35f: {  	[tilespmem:s20+$0x30] =	vst v1;
	v3 =	vmul.f32 v3, v8;
	v8 =	vld [tilespmem:s21+$0xFFFFFF80]  }
0x360: {  	s22 =	simm.s32 $0x400;
	v10 =	vld [tilespmem:s31+$0x40]  }
0x361: {  	v17 =	vld [tilespmem:s22+$0xFFFFFF80]  }
0x362: {  	v4 =	vld [tilespmem:s31+$0xFFFFFFB0]  }
0x363: {  	v18 =	vld [tilespmem:s21+$0x50]  }
0x364: {  	[tilespmem:s21+$0x0] =	vst v3;
	v3 =	vld [tilespmem:s21+$0x10];
	v8 =	vmul.f32 v11, v8  }
0x365: {  	v12 =	vld [tilespmem:s19+$0x10];
	v2 =	vmul.f32 v10, v2  }
0x366: {  	v10 =	vld [tilespmem:s20+$0x50];
	[tilespmem:s21+$0xFFFFFF80] =	vst v8  }
0x367: {  	[tilespmem:s20+$0x40] =	vst v2;
	v2 =	vmul.f32 v4, v6;
	v6 =	vld [tilespmem:s19+$0xFFFFFF90]  }
0x368: {  	v4 =	vld [tilespmem:s31+$0x50]  }
0x369: {  	v58 =	vld [tilespmem:s22+$0xFFFFFFA0]  }
0x36a: {  	v5 =	vld [tilespmem:s20+$0xFFFFFFC0];
	v3 =	vmul.f32 v12, v3;
	[tilespmem:s20+$0xFFFFFFB0] =	vst v2  }
0x36b: {  	v2 =	vld [tilespmem:s31+$0xFFFFFFC0]  }
0x36c: {  	[tilespmem:s21+$0x10] =	vst v3;
	v3 =	vld [tilespmem:s21+$0x20]  }
0x36d: {  	v6 =	vmul.f32 v6, v13;
	v4 =	vmul.f32 v4, v10;
	v10 =	vld [tilespmem:s19+$0x20]  }
0x36e: {  	v19 =	vld [tilespmem:s21+$0x60]  }
0x36f: {  	v16 =	vmul.f32 v16, v17;
	v11 =	vld [tilespmem:s21+$0xFFFFFFA0];
	[tilespmem:s21+$0xFFFFFF90] =	vst v6  }
0x370: {  	v2 =	vmul.f32 v2, v5;
	v5 =	vld [tilespmem:s19+$0xFFFFFFA0]  }
0x371: {  	v61 =	vld [tilespmem:s21+$0x70];
	[tilespmem:s22+$0xFFFFFF80] =	vst v16  }
0x372: {  	v16 =	vld [tilespmem:s24+$0xFFFFFF90];
	[tilespmem:s20+$0xFFFFFFC0] =	vst v2;
	v2 =	vmul.f32 v10, v3  }
0x373: {  	v1 =	vld [tilespmem:s20+$0xFFFFFFF0]  }
0x374: {  	v6 =	vld [tilespmem:s21+$0x30];
	[tilespmem:s21+$0x20] =	vst v2  }
0x375: {  	v5 =	vmul.f32 v5, v11;
	v11 =	vld [tilespmem:s19+$0x30]  }
0x376: {  	v3 =	vld [tilespmem:s31+$0xFFFFFFD0]  }
0x377: {  	v8 =	vld [tilespmem:s21+$0xFFFFFFB0]  }
0x378: {  	v12 =	vld [tilespmem:s20+$0x60];
	[tilespmem:s20+$0x50] =	vst v4  }
0x379: {  	v4 =	vld [tilespmem:s31+$0x60]  }
0x37a: {  	[tilespmem:s21+$0xFFFFFFA0] =	vst v5;
	v5 =	vld [tilespmem:s22+$0x0];
	v6 =	vmul.f32 v11, v6  }
0x37b: {  	v3 =	vmul.f32 v3, v7;
	v7 =	vld [tilespmem:s24+$0x0]  }
0x37c: {  	v11 =	vld [tilespmem:s21+$0x40];
	[tilespmem:s21+$0x30] =	vst v6  }
0x37d: {  	v6 =	vld [tilespmem:s19+$0x40]  }
0x37e: {  	v13 =	vld [tilespmem:s21+$0xFFFFFFC0];
	v4 =	vmul.f32 v4, v12  }
0x37f: {  	v10 =	vld [tilespmem:s20+$0x70]  }
0x380: {  	[tilespmem:s20+$0x60] =	vst v4;
	v4 =	vld [tilespmem:s19+$0xFFFFFFB0];
	v5 =	vmul.f32 v7, v5  }
0x381: {  	v7 =	vld [tilespmem:s22+$0xFFFFFF90]  }
0x382: {  	[tilespmem:s22+$0x0] =	vst v5;
	v5 =	vld [tilespmem:s22+$0x10];
	v6 =	vmul.f32 v6, v11  }
0x383: {  	v11 =	vld [tilespmem:s24+$0x10]  }
0x384: {  	v2 =	vld [tilespmem:s21+$0xFFFFFFE0];
	[tilespmem:s21+$0x40] =	vst v6  }
0x385: {  	v4 =	vmul.f32 v4, v8;
	v8 =	vld [tilespmem:s19+$0x50]  }
0x386: {  	v12 =	vld [tilespmem:s31+$0x70];
	[tilespmem:s20+$0xFFFFFFD0] =	vst v3  }
0x387: {  	v3 =	vld [tilespmem:s21+$0xFFFFFFF0];
	[tilespmem:s21+$0xFFFFFFB0] =	vst v4;
	v7 =	vmul.f32 v16, v7  }
0x388: {  	v4 =	vmul.f32 v11, v5;
	v11 =	vld [tilespmem:s19+$0xFFFFFFC0]  }
0x389: {  	v15 =	vld [tilespmem:s31+$0xFFFFFFE0];
	[tilespmem:s22+$0xFFFFFF90] =	vst v7  }
0x38a: {  	v7 =	vld [tilespmem:s22+$0xFFFFFFE0];
	[tilespmem:s22+$0x10] =	vst v4;
	v4 =	vmul.f32 v8, v18  }
0x38b: {  	v8 =	vld [tilespmem:s22+$0x20]  }
0x38c: {  	v59 =	vld [tilespmem:s24+$0x20];
	[tilespmem:s21+$0x50] =	vst v4  }
0x38d: {  	v11 =	vmul.f32 v11, v13;
	v13 =	vld [tilespmem:s19+$0x60]  }
0x38e: {  	v6 =	vld [tilespmem:s22+$0xFFFFFFB0]  }
0x38f: {  	v60 =	vld [tilespmem:s24+$0xFFFFFFA0];
	[tilespmem:s21+$0xFFFFFFC0] =	vst v11  }
0x390: {  	v11 =	vld [tilespmem:s19+$0xFFFFFFD0]  }
0x391: {  	v5 =	vld [tilespmem:s22+$0xFFFFFFC0];
	v8 =	vmul.f32 v59, v8  }
0x392: {  	v4 =	vld [tilespmem:s22+$0xFFFFFFD0];
	v13 =	vmul.f32 v13, v19  }
0x393: {  	[tilespmem:s22+$0x20] =	vst v8;
	v8 =	vmul.f32 v15, v9;
	v15 =	vld [tilespmem:s22+$0x30]  }
0x394: {  	v9 =	vmul.f32 v60, v58;
	v62 =	vld [tilespmem:s24+$0x30];
	[tilespmem:s21+$0x60] =	vst v13  }
0x395: {  	[tilespmem:s20+$0xFFFFFFE0] =	vst v8;
	v8 =	vmul.f32 v11, v14;
	v63 =	vld [tilespmem:s19+$0x70]  }
0x396: {  	[tilespmem:s22+$0xFFFFFFA0] =	vst v9;
	v9 =	vld [tilespmem:s31+$0xFFFFFFF0]  }
0x397: {  	v13 =	vld [tilespmem:s24+$0xFFFFFFB0];
	[tilespmem:s21+$0xFFFFFFD0] =	vst v8  }
0x398: {  	v11 =	vmul.f32 v12, v10;
	v10 =	vld [tilespmem:s19+$0xFFFFFFE0]  }
0x399: {  	v8 =	vld [tilespmem:s22+$0xFFFFFFF0];
	v14 =	vmul.f32 v62, v15  }
0x39a: {  	s11 =	simm.s32 $0x500;
	s8 =	simm.s32 $0x4;
	s4 =	simm.s32 $0x2C00;
	[tilespmem:s20+$0x70] =	vst v11;
	v11 =	vld [tilespmem:s22+$0x40];
	v12 =	vmul.f32 v63, v61  }
.LBB2_14:
0x39b: {  	v15 =	vld [tilespmem:s11+$0x0];
	[tilespmem:s22+$0x30] =	vst v14;
	s24 =	sadd.s32 $0x100, s24;
	v9 =	vmul.f32 v9, v1;
	v1 =	vmov v3  }
0x39c: {  	v14 =	vld [tilespmem:s24+$0x0];
	v13 =	vmul.f32 v13, v6;
	[tilespmem:s21+$0x70] =	vst v12  }
0x39d: {  	s8 =	sadd.s32 $0x2, s8;
	v6 =	vld [tilespmem:s4+$0x40];
	v10 =	vmul.f32 v10, v2;
	[tilespmem:s20+$0xFFFFFFF0] =	vst v9;
	v2 =	vmov v7;
	s20 =	smov.u32 s21;
	s21 =	smov.u32 s22  }
0x39e: {  	p0 =	slt.u32 s8, $0x4E;
	s22 =	smov.u32 s11;
	v7 =	vld [tilespmem:s24+$0xFFFFFF80];
	[tilespmem:s21+$0xFFFFFFB0] =	vst v13;
	v3 =	vmov v8  }
0x39f: {  	v8 =	vld [tilespmem:s11+$0xFFFFFF80];
	[tilespmem:s20+$0xFFFFFFE0] =	vst v10  }
0x3a0: {  	v9 =	vld [tilespmem:s11+$0xFFFFFF90]  }
0x3a1: {  	v10 =	vld [tilespmem:s11+$0xFFFFFFA0];
	v12 =	vmul.f32 v14, v15  }
0x3a2: {  	v6 =	vmul.f32 v6, v11;
	v11 =	vld [tilespmem:s21+$0x50]  }
0x3a3: {  	[tilespmem:s11+$0x0] =	vst v12;
	v12 =	vld [tilespmem:s11+$0x10]  }
0x3a4: {  	v7 =	vmul.f32 v7, v8;
	v8 =	vld [tilespmem:s24+$0x10];
	[tilespmem:s21+$0x40] =	vst v6  }
0x3a5: {  	v13 =	vld [tilespmem:s4+$0x50]  }
0x3a6: {  	[tilespmem:s11+$0xFFFFFF80] =	vst v7;
	v6 =	vld [tilespmem:s11+$0xFFFFFFB0]  }
0x3a7: {  	v7 =	vld [tilespmem:s24+$0xFFFFFF90]  }
0x3a8: {  	v14 =	vld [tilespmem:s4+$0xFFFFFFC0]  }
0x3a9: {  	v15 =	vld [tilespmem:s11+$0xFFFFFFC0];
	v8 =	vmul.f32 v8, v12  }
0x3aa: {  	v11 =	vmul.f32 v13, v11;
	v12 =	vld [tilespmem:s21+$0x60]  }
0x3ab: {  	[tilespmem:s11+$0x10] =	vst v8;
	v8 =	vld [tilespmem:s11+$0x20]  }
0x3ac: {  	v7 =	vmul.f32 v7, v9;
	v9 =	vld [tilespmem:s24+$0x20];
	[tilespmem:s21+$0x50] =	vst v11  }
0x3ad: {  	v11 =	vmul.f32 v14, v5;
	v13 =	vld [tilespmem:s4+$0x60]  }
0x3ae: {  	[tilespmem:s11+$0xFFFFFF90] =	vst v7;
	v14 =	vld [tilespmem:s11+$0xFFFFFFD0];
	v5 =	vmov v15  }
0x3af: {  	v15 =	vld [tilespmem:s24+$0xFFFFFFA0];
	[tilespmem:s21+$0xFFFFFFC0] =	vst v11  }
0x3b0: {  	v11 =	vld [tilespmem:s4+$0xFFFFFFD0]  }
0x3b1: {  	v7 =	vld [tilespmem:s11+$0xFFFFFFE0];
	v8 =	vmul.f32 v9, v8  }
0x3b2: {  	v9 =	vmul.f32 v13, v12;
	v12 =	vld [tilespmem:s21+$0x70]  }
0x3b3: {  	[tilespmem:s11+$0x20] =	vst v8;
	v16 =	vld [tilespmem:s11+$0x30]  }
0x3b4: {  	v8 =	vmul.f32 v15, v10;
	v15 =	vld [tilespmem:s24+$0x30];
	[tilespmem:s21+$0x60] =	vst v9  }
0x3b5: {  	v10 =	vmul.f32 v11, v4;
	v17 =	vld [tilespmem:s4+$0x70];
	v4 =	vmov v14  }
.Ltmp6:
0x3b6: {  	[tilespmem:s11+$0xFFFFFFA0] =	vst v8;
	v9 =	vld [tilespmem:s19+$0xFFFFFFF0];
	s19 =	smov.u32 s4;
	s4 =	smov.u32 s24;
	(pc) =	sbr.rel @p0 .LBB2_14-.Ltmp6, $4  }
0x3b7: {  	v13 =	vld [tilespmem:s24+$0xFFFFFFB0];
	[tilespmem:s21+$0xFFFFFFD0] =	vst v10  }
0x3b8: {  	v10 =	vld [tilespmem:s19+$0xFFFFFFE0]  }
0x3b9: {  	v8 =	vld [tilespmem:s11+$0xFFFFFFF0];
	v14 =	vmul.f32 v15, v16  }
0x3ba: {  	s11 =	sadd.s32 $0x100, s11;
	v11 =	vld [tilespmem:s22+$0x40];
	v12 =	vmul.f32 v17, v12  }
0x3bb: {  	_ = 	snop  }
0x3bc: {  	[tilespmem:s22+$0x30] =	vst v14;
	v6 =	vmul.f32 v13, v6  }
0x3bd: {  	v13 =	vld [tilespmem:s4+$0x40]  }
0x3be: {  	[tilespmem:s22+$0xFFFFFFB0] =	vst v6  }
0x3bf: {  	v6 =	vld [tilespmem:s4+$0xFFFFFFC0];
	_ =	sdelay $0x2  }
0x3c0: {  	v11 =	vmul.f32 v13, v11;
	_ =	sdelay $0x1  }
0x3c1: {  	v13 =	vld [tilespmem:s22+$0x50];
	[tilespmem:s22+$0x40] =	vst v11;
	v5 =	vmul.f32 v6, v5  }
0x3c2: {  	v6 =	vld [tilespmem:s4+$0x50]  }
0x3c3: {  	[tilespmem:s22+$0xFFFFFFC0] =	vst v5  }
0x3c4: {  	v5 =	vld [tilespmem:s4+$0xFFFFFFD0];
	_ =	sdelay $0x2  }
0x3c5: {  	v6 =	vmul.f32 v6, v13;
	_ =	sdelay $0x1  }
0x3c6: {  	v11 =	vld [tilespmem:s22+$0x60];
	[tilespmem:s22+$0x50] =	vst v6;
	v4 =	vmul.f32 v5, v4  }
0x3c7: {  	v5 =	vld [tilespmem:s4+$0x60]  }
0x3c8: {  	[tilespmem:s22+$0xFFFFFFD0] =	vst v4  }
0x3c9: {  	v4 =	vld [tilespmem:s4+$0xFFFFFFE0];
	_ =	sdelay $0x2  }
0x3ca: {  	v5 =	vmul.f32 v5, v11  }
0x3cb: {  	v2 =	vmul.f32 v10, v2  }
0x3cc: {  	v6 =	vld [tilespmem:s22+$0x70];
	[tilespmem:s22+$0x60] =	vst v5;
	v4 =	vmul.f32 v4, v7  }
0x3cd: {  	[tilespmem:s21+$0xFFFFFFE0] =	vst v2;
	v2 =	vld [tilespmem:s4+$0x70]  }
0x3ce: {  	v5 =	vld [tilespmem:s19+$0xFFFFFFF0];
	[tilespmem:s22+$0xFFFFFFE0] =	vst v4  }
0x3cf: {  	v4 =	vld [tilespmem:s4+$0xFFFFFFF0];
	_ =	sdelay $0x1  }
0x3d0: {  	v1 =	vmul.f32 v9, v1  }
0x3d1: {  	[tilespmem:s21+$0x70] =	vst v12;
	v2 =	vmul.f32 v2, v6  }
0x3d2: {  	[tilespmem:s20+$0xFFFFFFF0] =	vst v1;
	v1 =	vmul.f32 v5, v3  }
0x3d3: {  	[tilespmem:s22+$0x70] =	vst v2;
	v2 =	vmul.f32 v4, v8  }
0x3d4: {  	[tilespmem:s21+$0xFFFFFFF0] =	vst v1  }
0x3d5: {  	[tilespmem:s22+$0xFFFFFFF0] =	vst v2  }
0x3d6: {  	v1 =	vld [tilespmem:$0x80]  }
0x3d7: {  	v2 =	vld [tilespmem:$0x90]  }
0x3d8: {  	v3 =	vld [tilespmem:$0xA0]  }
0x3d9: {  	v4 =	vld [tilespmem:$0xB0]  }
0x3da: {  	v5 =	vld [tilespmem:$0xC0]  }
0x3db: {  	[tilespmem:$0x100] =	vst v1  }
0x3dc: {  	[tilespmem:$0x110] =	vst v2  }
0x3dd: {  	[tilespmem:$0x120] =	vst v3  }
0x3de: {  	[tilespmem:$0x130] =	vst v4  }
0x3df: {  	s24 =	simm.s32 $0x100;
	[tilespmem:$0x140] =	vst v5  }
0x3e0: {  	[spmem:s2] =	stream.indirect.scatter.add.f32 [tilespmem:s13], [sflag:$0x3], $0x80, s24, s30, $0xb8;
	[tilespmem:$0x1DF00] =	vst v63  }
0x3e1: {  	_ =	swait.ge [sflag:s16], $0x2800  }
0x3e2: {  	[sflag:s16] =	ssyncset.done $0x0  }
0x3e3: {  	[sflag:s16] =	ssyncadd.s32 $0xFFFFD800  }
0x3e4: {  	_ =	swait.ge [sflag:s16], $0x2800  }
0x3e5: {  	[sflag:s16] =	ssyncset.done $0x0  }
0x3e6: {  	s20 =	simm.s32 $0x5380;
	[sflag:s16] =	ssyncadd.s32 $0xFFFFD800  }
0x3e7: {  	s26 =	simm.s32 $0x7B80;
	v1 =	vld [tilespmem:s20+$0x0]  }
0x3e8: {  	v2 =	vld [tilespmem:s26+$0x0];
	_ =	sdelay $0x3  }
0x3e9: {  	v3 =	vld [tilespmem:s20+$0xFFFFFF80]  }
0x3ea: {  	v1 =	vmul.f32 v2, v1;
	v2 =	vld [tilespmem:s26+$0xFFFFFF80];
	_ =	sdelay $0x1  }
0x3eb: {  	[tilespmem:s20+$0x0] =	vst v1;
	v1 =	vld [tilespmem:s20+$0x10]  }
0x3ec: {  	v4 =	vld [tilespmem:s26+$0x10];
	_ =	sdelay $0x1  }
0x3ed: {  	v2 =	vmul.f32 v2, v3;
	_ =	sdelay $0x1  }
0x3ee: {  	v5 =	vld [tilespmem:s20+$0xFFFFFF90];
	[tilespmem:s20+$0xFFFFFF80] =	vst v2  }
0x3ef: {  	v1 =	vmul.f32 v4, v1;
	v2 =	vld [tilespmem:s26+$0xFFFFFF90];
	_ =	sdelay $0x1  }
0x3f0: {  	[tilespmem:s20+$0x10] =	vst v1;
	v1 =	vld [tilespmem:s20+$0x20]  }
0x3f1: {  	v4 =	vld [tilespmem:s26+$0x20]  }
0x3f2: {  	v6 =	vld [tilespmem:s20+$0xFFFFFFB0]  }
0x3f3: {  	s21 =	simm.s32 $0x5480;
	v7 =	vld [tilespmem:s20+$0xFFFFFFD0];
	v2 =	vmul.f32 v2, v5  }
0x3f4: {  	v8 =	vld [tilespmem:s21+$0x0]  }
0x3f5: {  	v3 =	vld [tilespmem:s20+$0xFFFFFFA0];
	[tilespmem:s20+$0xFFFFFF90] =	vst v2  }
0x3f6: {  	v1 =	vmul.f32 v4, v1;
	v2 =	vld [tilespmem:s26+$0xFFFFFFA0]  }
0x3f7: {  	v9 =	vld [tilespmem:s20+$0xFFFFFFE0]  }
0x3f8: {  	[tilespmem:s20+$0x20] =	vst v1;
	v1 =	vld [tilespmem:s20+$0x30]  }
0x3f9: {  	s19 =	simm.s32 $0x7C80;
	v4 =	vld [tilespmem:s26+$0x30]  }
0x3fa: {  	v11 =	vld [tilespmem:s19+$0xFFFFFF80]  }
0x3fb: {  	v2 =	vmul.f32 v2, v3;
	v3 =	vld [tilespmem:s19+$0x0]  }
0x3fc: {  	v13 =	vld [tilespmem:s21+$0xFFFFFF90]  }
0x3fd: {  	s24 =	simm.s32 $0x7D80;
	v14 =	vld [tilespmem:s21+$0xFFFFFFD0]  }
0x3fe: {  	v16 =	vld [tilespmem:s24+$0xFFFFFF80];
	v1 =	vmul.f32 v4, v1  }
0x3ff: {  	[tilespmem:s20+$0xFFFFFFA0] =	vst v2;
	v2 =	vld [tilespmem:s20+$0x40]  }
0x400: {  	[tilespmem:s20+$0x30] =	vst v1;
	v3 =	vmul.f32 v3, v8;
	v8 =	vld [tilespmem:s21+$0xFFFFFF80]  }
0x401: {  	s22 =	simm.s32 $0x5580;
	v10 =	vld [tilespmem:s26+$0x40]  }
0x402: {  	v17 =	vld [tilespmem:s22+$0xFFFFFF80]  }
0x403: {  	v4 =	vld [tilespmem:s26+$0xFFFFFFB0]  }
0x404: {  	v18 =	vld [tilespmem:s21+$0x50]  }
0x405: {  	[tilespmem:s21+$0x0] =	vst v3;
	v3 =	vld [tilespmem:s21+$0x10];
	v8 =	vmul.f32 v11, v8  }
0x406: {  	v12 =	vld [tilespmem:s19+$0x10];
	v2 =	vmul.f32 v10, v2  }
0x407: {  	v10 =	vld [tilespmem:s20+$0x50];
	[tilespmem:s21+$0xFFFFFF80] =	vst v8  }
0x408: {  	[tilespmem:s20+$0x40] =	vst v2;
	v2 =	vmul.f32 v4, v6;
	v6 =	vld [tilespmem:s19+$0xFFFFFF90]  }
0x409: {  	v4 =	vld [tilespmem:s26+$0x50]  }
0x40a: {  	v58 =	vld [tilespmem:s22+$0xFFFFFFA0]  }
0x40b: {  	v5 =	vld [tilespmem:s20+$0xFFFFFFC0];
	v3 =	vmul.f32 v12, v3;
	[tilespmem:s20+$0xFFFFFFB0] =	vst v2  }
0x40c: {  	v2 =	vld [tilespmem:s26+$0xFFFFFFC0]  }
0x40d: {  	[tilespmem:s21+$0x10] =	vst v3;
	v3 =	vld [tilespmem:s21+$0x20]  }
0x40e: {  	v6 =	vmul.f32 v6, v13;
	v4 =	vmul.f32 v4, v10;
	v10 =	vld [tilespmem:s19+$0x20]  }
0x40f: {  	v19 =	vld [tilespmem:s21+$0x60]  }
0x410: {  	v16 =	vmul.f32 v16, v17;
	v11 =	vld [tilespmem:s21+$0xFFFFFFA0];
	[tilespmem:s21+$0xFFFFFF90] =	vst v6  }
0x411: {  	v2 =	vmul.f32 v2, v5;
	v5 =	vld [tilespmem:s19+$0xFFFFFFA0]  }
0x412: {  	v61 =	vld [tilespmem:s21+$0x70];
	[tilespmem:s22+$0xFFFFFF80] =	vst v16  }
0x413: {  	v16 =	vld [tilespmem:s24+$0xFFFFFF90];
	[tilespmem:s20+$0xFFFFFFC0] =	vst v2;
	v2 =	vmul.f32 v10, v3  }
0x414: {  	v1 =	vld [tilespmem:s20+$0xFFFFFFF0]  }
0x415: {  	v6 =	vld [tilespmem:s21+$0x30];
	[tilespmem:s21+$0x20] =	vst v2  }
0x416: {  	v5 =	vmul.f32 v5, v11;
	v11 =	vld [tilespmem:s19+$0x30]  }
0x417: {  	v3 =	vld [tilespmem:s26+$0xFFFFFFD0]  }
0x418: {  	v8 =	vld [tilespmem:s21+$0xFFFFFFB0]  }
0x419: {  	v12 =	vld [tilespmem:s20+$0x60];
	[tilespmem:s20+$0x50] =	vst v4  }
0x41a: {  	v4 =	vld [tilespmem:s26+$0x60]  }
0x41b: {  	[tilespmem:s21+$0xFFFFFFA0] =	vst v5;
	v5 =	vld [tilespmem:s22+$0x0];
	v6 =	vmul.f32 v11, v6  }
0x41c: {  	v3 =	vmul.f32 v3, v7;
	v7 =	vld [tilespmem:s24+$0x0]  }
0x41d: {  	v11 =	vld [tilespmem:s21+$0x40];
	[tilespmem:s21+$0x30] =	vst v6  }
0x41e: {  	v6 =	vld [tilespmem:s19+$0x40]  }
0x41f: {  	v13 =	vld [tilespmem:s21+$0xFFFFFFC0];
	v4 =	vmul.f32 v4, v12  }
0x420: {  	v10 =	vld [tilespmem:s20+$0x70]  }
0x421: {  	[tilespmem:s20+$0x60] =	vst v4;
	v4 =	vld [tilespmem:s19+$0xFFFFFFB0];
	v5 =	vmul.f32 v7, v5  }
0x422: {  	v7 =	vld [tilespmem:s22+$0xFFFFFF90]  }
0x423: {  	[tilespmem:s22+$0x0] =	vst v5;
	v5 =	vld [tilespmem:s22+$0x10];
	v6 =	vmul.f32 v6, v11  }
0x424: {  	v11 =	vld [tilespmem:s24+$0x10]  }
0x425: {  	v2 =	vld [tilespmem:s21+$0xFFFFFFE0];
	[tilespmem:s21+$0x40] =	vst v6  }
0x426: {  	v4 =	vmul.f32 v4, v8;
	v8 =	vld [tilespmem:s19+$0x50]  }
0x427: {  	v12 =	vld [tilespmem:s26+$0x70];
	[tilespmem:s20+$0xFFFFFFD0] =	vst v3  }
0x428: {  	v3 =	vld [tilespmem:s21+$0xFFFFFFF0];
	[tilespmem:s21+$0xFFFFFFB0] =	vst v4;
	v7 =	vmul.f32 v16, v7  }
0x429: {  	v4 =	vmul.f32 v11, v5;
	v11 =	vld [tilespmem:s19+$0xFFFFFFC0]  }
0x42a: {  	v15 =	vld [tilespmem:s26+$0xFFFFFFE0];
	[tilespmem:s22+$0xFFFFFF90] =	vst v7  }
0x42b: {  	v7 =	vld [tilespmem:s22+$0xFFFFFFE0];
	[tilespmem:s22+$0x10] =	vst v4;
	v4 =	vmul.f32 v8, v18  }
0x42c: {  	v8 =	vld [tilespmem:s22+$0x20]  }
0x42d: {  	v59 =	vld [tilespmem:s24+$0x20];
	[tilespmem:s21+$0x50] =	vst v4  }
0x42e: {  	v11 =	vmul.f32 v11, v13;
	v13 =	vld [tilespmem:s19+$0x60]  }
0x42f: {  	v6 =	vld [tilespmem:s22+$0xFFFFFFB0]  }
0x430: {  	v60 =	vld [tilespmem:s24+$0xFFFFFFA0];
	[tilespmem:s21+$0xFFFFFFC0] =	vst v11  }
0x431: {  	v11 =	vld [tilespmem:s19+$0xFFFFFFD0]  }
0x432: {  	v5 =	vld [tilespmem:s22+$0xFFFFFFC0];
	v8 =	vmul.f32 v59, v8  }
0x433: {  	v4 =	vld [tilespmem:s22+$0xFFFFFFD0];
	v13 =	vmul.f32 v13, v19  }
0x434: {  	[tilespmem:s22+$0x20] =	vst v8;
	v8 =	vmul.f32 v15, v9;
	v15 =	vld [tilespmem:s22+$0x30]  }
0x435: {  	v9 =	vmul.f32 v60, v58;
	v62 =	vld [tilespmem:s24+$0x30];
	[tilespmem:s21+$0x60] =	vst v13  }
0x436: {  	[tilespmem:s20+$0xFFFFFFE0] =	vst v8;
	v8 =	vmul.f32 v11, v14;
	v63 =	vld [tilespmem:s19+$0x70]  }
0x437: {  	[tilespmem:s22+$0xFFFFFFA0] =	vst v9;
	v9 =	vld [tilespmem:s26+$0xFFFFFFF0];
	v11 =	vmul.f32 v12, v10  }
0x438: {  	v13 =	vld [tilespmem:s24+$0xFFFFFFB0];
	[tilespmem:s21+$0xFFFFFFD0] =	vst v8  }
0x439: {  	[tilespmem:s20+$0x70] =	vst v11;
	v10 =	vld [tilespmem:s19+$0xFFFFFFE0]  }
0x43a: {  	s8 =	simm.s32 $0x4;
	v8 =	vld [tilespmem:s22+$0xFFFFFFF0];
	v14 =	vmul.f32 v62, v15;
	s26 =	rddreg [dreg:$0x12]  }
0x43b: {  	s11 =	simm.s32 $0x5680;
	s4 =	simm.s32 $0x7D80;
	v11 =	vld [tilespmem:s22+$0x40];
	s31 =	rddreg [dreg:$0x13];
	v12 =	vmul.f32 v63, v61  }
.LBB2_16:
0x43c: {  	v15 =	vld [tilespmem:s11+$0x0];
	[tilespmem:s22+$0x30] =	vst v14;
	s24 =	sadd.s32 $0x100, s24;
	v9 =	vmul.f32 v9, v1;
	v1 =	vmov v3  }
0x43d: {  	v14 =	vld [tilespmem:s24+$0x0];
	v13 =	vmul.f32 v13, v6;
	[tilespmem:s21+$0x70] =	vst v12  }
0x43e: {  	s8 =	sadd.s32 $0x2, s8;
	v6 =	vld [tilespmem:s4+$0x40];
	v10 =	vmul.f32 v10, v2;
	[tilespmem:s20+$0xFFFFFFF0] =	vst v9;
	v2 =	vmov v7;
	s20 =	smov.u32 s21;
	s21 =	smov.u32 s22  }
0x43f: {  	p0 =	slt.u32 s8, $0x4E;
	s22 =	smov.u32 s11;
	v7 =	vld [tilespmem:s24+$0xFFFFFF80];
	[tilespmem:s21+$0xFFFFFFB0] =	vst v13;
	v3 =	vmov v8  }
0x440: {  	v8 =	vld [tilespmem:s11+$0xFFFFFF80];
	[tilespmem:s20+$0xFFFFFFE0] =	vst v10  }
0x441: {  	v9 =	vld [tilespmem:s11+$0xFFFFFF90]  }
0x442: {  	v10 =	vld [tilespmem:s11+$0xFFFFFFA0];
	v12 =	vmul.f32 v14, v15  }
0x443: {  	v6 =	vmul.f32 v6, v11;
	v11 =	vld [tilespmem:s21+$0x50]  }
0x444: {  	[tilespmem:s11+$0x0] =	vst v12;
	v12 =	vld [tilespmem:s11+$0x10]  }
0x445: {  	v7 =	vmul.f32 v7, v8;
	v8 =	vld [tilespmem:s24+$0x10];
	[tilespmem:s21+$0x40] =	vst v6  }
0x446: {  	v13 =	vld [tilespmem:s4+$0x50]  }
0x447: {  	[tilespmem:s11+$0xFFFFFF80] =	vst v7;
	v6 =	vld [tilespmem:s11+$0xFFFFFFB0]  }
0x448: {  	v7 =	vld [tilespmem:s24+$0xFFFFFF90]  }
0x449: {  	v14 =	vld [tilespmem:s4+$0xFFFFFFC0]  }
0x44a: {  	v15 =	vld [tilespmem:s11+$0xFFFFFFC0];
	v8 =	vmul.f32 v8, v12  }
0x44b: {  	v11 =	vmul.f32 v13, v11;
	v12 =	vld [tilespmem:s21+$0x60]  }
0x44c: {  	[tilespmem:s11+$0x10] =	vst v8;
	v8 =	vld [tilespmem:s11+$0x20]  }
0x44d: {  	v7 =	vmul.f32 v7, v9;
	v9 =	vld [tilespmem:s24+$0x20];
	[tilespmem:s21+$0x50] =	vst v11  }
0x44e: {  	v11 =	vmul.f32 v14, v5;
	v13 =	vld [tilespmem:s4+$0x60]  }
0x44f: {  	[tilespmem:s11+$0xFFFFFF90] =	vst v7;
	v14 =	vld [tilespmem:s11+$0xFFFFFFD0];
	v5 =	vmov v15  }
0x450: {  	v15 =	vld [tilespmem:s24+$0xFFFFFFA0];
	[tilespmem:s21+$0xFFFFFFC0] =	vst v11  }
0x451: {  	v11 =	vld [tilespmem:s4+$0xFFFFFFD0]  }
0x452: {  	v7 =	vld [tilespmem:s11+$0xFFFFFFE0];
	v8 =	vmul.f32 v9, v8  }
0x453: {  	v9 =	vmul.f32 v13, v12;
	v12 =	vld [tilespmem:s21+$0x70]  }
0x454: {  	[tilespmem:s11+$0x20] =	vst v8;
	v16 =	vld [tilespmem:s11+$0x30]  }
0x455: {  	v8 =	vmul.f32 v15, v10;
	v15 =	vld [tilespmem:s24+$0x30];
	[tilespmem:s21+$0x60] =	vst v9  }
0x456: {  	v10 =	vmul.f32 v11, v4;
	v17 =	vld [tilespmem:s4+$0x70];
	v4 =	vmov v14  }
.Ltmp7:
0x457: {  	[tilespmem:s11+$0xFFFFFFA0] =	vst v8;
	v9 =	vld [tilespmem:s19+$0xFFFFFFF0];
	s19 =	smov.u32 s4;
	s4 =	smov.u32 s24;
	(pc) =	sbr.rel @p0 .LBB2_16-.Ltmp7, $4  }
0x458: {  	v13 =	vld [tilespmem:s24+$0xFFFFFFB0];
	[tilespmem:s21+$0xFFFFFFD0] =	vst v10  }
0x459: {  	v10 =	vld [tilespmem:s19+$0xFFFFFFE0]  }
0x45a: {  	v8 =	vld [tilespmem:s11+$0xFFFFFFF0];
	v14 =	vmul.f32 v15, v16  }
0x45b: {  	s11 =	sadd.s32 $0x100, s11;
	v11 =	vld [tilespmem:s22+$0x40];
	v12 =	vmul.f32 v17, v12  }
0x45c: {  	_ = 	snop  }
0x45d: {  	v6 =	vmul.f32 v13, v6  }
0x45e: {  	[tilespmem:s22+$0x30] =	vst v14  }
0x45f: {  	v56 =	vld [tilespmem:s4+$0x40];
	[tilespmem:s22+$0xFFFFFFB0] =	vst v6  }
0x460: {  	v6 =	vld [tilespmem:s4+$0xFFFFFFC0];
	_ =	sdelay $0x3  }
0x461: {  	v11 =	vmul.f32 v56, v11  }
0x462: {  	v5 =	vmul.f32 v6, v5  }
0x463: {  	v57 =	vld [tilespmem:s22+$0x50];
	[tilespmem:s22+$0x40] =	vst v11  }
0x464: {  	v58 =	vld [tilespmem:s4+$0x50];
	[tilespmem:s22+$0xFFFFFFC0] =	vst v5  }
0x465: {  	v5 =	vld [tilespmem:s4+$0xFFFFFFD0];
	_ =	sdelay $0x3  }
0x466: {  	v6 =	vmul.f32 v58, v57  }
0x467: {  	v4 =	vmul.f32 v5, v4  }
0x468: {  	v59 =	vld [tilespmem:s22+$0x60];
	[tilespmem:s22+$0x50] =	vst v6  }
0x469: {  	v60 =	vld [tilespmem:s4+$0x60];
	[tilespmem:s22+$0xFFFFFFD0] =	vst v4  }
0x46a: {  	v4 =	vld [tilespmem:s4+$0xFFFFFFE0];
	_ =	sdelay $0x2  }
0x46b: {  	v2 =	vmul.f32 v10, v2  }
0x46c: {  	v5 =	vmul.f32 v60, v59  }
0x46d: {  	[tilespmem:s21+$0xFFFFFFE0] =	vst v2;
	v2 =	vld [tilespmem:s22+$0x70];
	v4 =	vmul.f32 v4, v7  }
0x46e: {  	v61 =	vld [tilespmem:s19+$0xFFFFFFF0];
	[tilespmem:s22+$0x60] =	vst v5  }
0x46f: {  	v5 =	vld [tilespmem:s4+$0x70];
	[tilespmem:s22+$0xFFFFFFE0] =	vst v4  }
0x470: {  	v4 =	vld [tilespmem:s4+$0xFFFFFFF0]  }
0x471: {  	v1 =	vmul.f32 v9, v1;
	_ =	sdelay $0x1  }
0x472: {  	[tilespmem:s20+$0xFFFFFFF0] =	vst v1;
	v1 =	vmul.f32 v61, v3  }
0x473: {  	[tilespmem:s21+$0x70] =	vst v12;
	v2 =	vmul.f32 v5, v2  }
0x474: {  	[tilespmem:s21+$0xFFFFFFF0] =	vst v1;
	v1 =	vmul.f32 v4, v8  }
0x475: {  	[tilespmem:s22+$0x70] =	vst v2  }
0x476: {  	[tilespmem:s22+$0xFFFFFFF0] =	vst v1  }
0x477: {  	v1 =	vld [tilespmem:$0x5200]  }
0x478: {  	v2 =	vld [tilespmem:$0x5210]  }
0x479: {  	v3 =	vld [tilespmem:$0x5220]  }
0x47a: {  	v62 =	vld [tilespmem:$0x5230]  }
0x47b: {  	v63 =	vld [tilespmem:$0x5240]  }
0x47c: {  	[tilespmem:$0x5280] =	vst v1  }
0x47d: {  	[tilespmem:$0x5290] =	vst v2  }
0x47e: {  	[tilespmem:$0x52A0] =	vst v3  }
0x47f: {  	[tilespmem:$0x52B0] =	vst v62  }
0x480: {  	[tilespmem:$0x52C0] =	vst v63  }
0x481: {  	[spmem:s2] =	stream.indirect.scatter.add.f32 [tilespmem:s7], [sflag:$0x6], $0x80, s17, s30, $0xb8;
	[tilespmem:$0x1DF00] =	vst v63  }
0x482: {  	_ =	swait.ge [sflag:s12], $0x2800  }
0x483: {  	[sflag:s12] =	ssyncset.done $0x0  }
0x484: {  	[sflag:s12] =	ssyncadd.s32 $0xFFFFD800  }
0x485: {  	_ =	swait.ge [sflag:s18], $0x2800  }
0x486: {  	[sflag:s18] =	ssyncset.done $0x0  }
0x487: {  	[sflag:s18] =	ssyncadd.s32 $0xFFFFD800  }
0x488: {  	[bflag:$0x0] =	sbarrier.arrive $0xFFFF  }
0x489: {  	s19 =	rddreg [dreg:$0xc]  }
0x48a: {  	[tilespmem:s13], [sflag:$0x7] =	stream.linear.gather [spmem:s19], $0x2800, $0x38;
	[tilespmem:$0x1DF00] =	vst v63  }
0x48b: {  	_ =	swait.ge [sflag:s25], $0x2800  }
0x48c: {  	[sflag:s25] =	ssyncset.done $0x0  }
0x48d: {  	s11 =	rddreg [dreg:$0x4];
	[sflag:s25] =	ssyncadd.s32 $0xFFFFD800  }
0x48e: {  	[hbm4b:s11+s3] =	stream.linear.scatter [tilespmem:s13], [sflag:$0x7], $0x2800, $0x38;
	[tilespmem:$0x1DF00] =	vst v63  }
0x48f: {  	_ =	swait.ge [sflag:s25], $0x2800  }
0x490: {  	[sflag:s25] =	ssyncset.done $0x0  }
0x491: {  	s11 =	rddreg [dreg:$0xd];
	[sflag:s25] =	ssyncadd.s32 $0xFFFFD800  }
0x492: {  	[tilespmem:s13], [sflag:$0x7] =	stream.linear.gather [spmem:s11], $0x2800, $0x38;
	[tilespmem:$0x1DF00] =	vst v63  }
0x493: {  	_ =	swait.ge [sflag:s25], $0x2800  }
0x494: {  	[sflag:s25] =	ssyncset.done $0x0  }
0x495: {  	s20 =	rddreg [dreg:$0x5];
	[sflag:s25] =	ssyncadd.s32 $0xFFFFD800  }
0x496: {  	[hbm4b:s20+s3] =	stream.linear.scatter [tilespmem:s13], [sflag:$0x7], $0x2800, $0x38;
	[tilespmem:$0x1DF00] =	vst v63  }
0x497: {  	_ =	swait.ge [sflag:s25], $0x2800  }
0x498: {  	[sflag:s25] =	ssyncset.done $0x0  }
0x499: {  	s20 =	rddreg [dreg:$0xe];
	[sflag:s25] =	ssyncadd.s32 $0xFFFFD800  }
0x49a: {  	[tilespmem:s13], [sflag:$0x7] =	stream.linear.gather [spmem:s20], $0x2800, $0x38;
	[tilespmem:$0x1DF00] =	vst v63  }
0x49b: {  	_ =	swait.ge [sflag:s25], $0x2800  }
0x49c: {  	[sflag:s25] =	ssyncset.done $0x0  }
0x49d: {  	s21 =	rddreg [dreg:$0x6];
	[sflag:s25] =	ssyncadd.s32 $0xFFFFD800  }
0x49e: {  	[hbm4b:s21+s3] =	stream.linear.scatter [tilespmem:s13], [sflag:$0x7], $0x2800, $0x38;
	[tilespmem:$0x1DF00] =	vst v63  }
0x49f: {  	_ =	swait.ge [sflag:s25], $0x2800  }
0x4a0: {  	[sflag:s25] =	ssyncset.done $0x0  }
0x4a1: {  	s21 =	rddreg [dreg:$0xf];
	[sflag:s25] =	ssyncadd.s32 $0xFFFFD800  }
0x4a2: {  	[tilespmem:s13], [sflag:$0x7] =	stream.linear.gather [spmem:s21], $0x2800, $0x38;
	[tilespmem:$0x1DF00] =	vst v63  }
0x4a3: {  	_ =	swait.ge [sflag:s25], $0x2800  }
0x4a4: {  	[sflag:s25] =	ssyncset.done $0x0  }
0x4a5: {  	s22 =	rddreg [dreg:$0x7];
	[sflag:s25] =	ssyncadd.s32 $0xFFFFD800  }
0x4a6: {  	[hbm4b:s22+s3] =	stream.linear.scatter [tilespmem:s13], [sflag:$0x7], $0x2800, $0x38;
	[tilespmem:$0x1DF00] =	vst v63  }
0x4a7: {  	_ =	swait.ge [sflag:s25], $0x2800  }
0x4a8: {  	[sflag:s25] =	ssyncset.done $0x0  }
0x4a9: {  	s22 =	rddreg [dreg:$0x10];
	[sflag:s25] =	ssyncadd.s32 $0xFFFFD800  }
0x4aa: {  	[tilespmem:s13], [sflag:$0x7] =	stream.linear.gather [spmem:s22], $0x2800, $0x38;
	[tilespmem:$0x1DF00] =	vst v63  }
0x4ab: {  	_ =	swait.ge [sflag:s25], $0x2800  }
0x4ac: {  	[sflag:s25] =	ssyncset.done $0x0  }
0x4ad: {  	s24 =	rddreg [dreg:$0x8];
	[sflag:s25] =	ssyncadd.s32 $0xFFFFD800  }
0x4ae: {  	[hbm4b:s24+s3] =	stream.linear.scatter [tilespmem:s13], [sflag:$0x7], $0x2800, $0x38;
	[tilespmem:$0x1DF00] =	vst v63  }
0x4af: {  	_ =	swait.ge [sflag:s25], $0x2800  }
0x4b0: {  	[sflag:s25] =	ssyncset.done $0x0  }
0x4b1: {  	s24 =	rddreg [dreg:$0x11];
	[sflag:s25] =	ssyncadd.s32 $0xFFFFD800  }
0x4b2: {  	[tilespmem:s13], [sflag:$0x7] =	stream.linear.gather [spmem:s24], $0x2800, $0x38;
	[tilespmem:$0x1DF00] =	vst v63  }
0x4b3: {  	_ =	swait.ge [sflag:s25], $0x2800  }
0x4b4: {  	[sflag:s25] =	ssyncset.done $0x0  }
0x4b5: {  	s8 =	rddreg [dreg:$0x9];
	[sflag:s25] =	ssyncadd.s32 $0xFFFFD800  }
0x4b6: {  	[hbm4b:s8+s3] =	stream.linear.scatter [tilespmem:s13], [sflag:$0x7], $0x2800, $0x38;
	[tilespmem:$0x1DF00] =	vst v63  }
0x4b7: {  	_ =	swait.ge [sflag:s25], $0x2800  }
0x4b8: {  	[sflag:s25] =	ssyncset.done $0x0  }
0x4b9: {  	[sflag:s25] =	ssyncadd.s32 $0xFFFFD800  }
0x4ba: {  	[tilespmem:s13], [sflag:$0x7] =	stream.linear.gather [spmem:s26], $0x2800, $0x38;
	[tilespmem:$0x1DF00] =	vst v63  }
0x4bb: {  	_ =	swait.ge [sflag:s25], $0x2800  }
0x4bc: {  	[sflag:s25] =	ssyncset.done $0x0  }
0x4bd: {  	s8 =	rddreg [dreg:$0xa];
	[sflag:s25] =	ssyncadd.s32 $0xFFFFD800  }
0x4be: {  	[hbm4b:s8+s3] =	stream.linear.scatter [tilespmem:s13], [sflag:$0x7], $0x2800, $0x38;
	[tilespmem:$0x1DF00] =	vst v63  }
0x4bf: {  	_ =	swait.ge [sflag:s25], $0x2800  }
0x4c0: {  	[sflag:s25] =	ssyncset.done $0x0  }
0x4c1: {  	[sflag:s25] =	ssyncadd.s32 $0xFFFFD800  }
0x4c2: {  	[tilespmem:s13], [sflag:$0x7] =	stream.linear.gather [spmem:s31], $0x2400, $0x38;
	[tilespmem:$0x1DF00] =	vst v63  }
0x4c3: {  	_ =	swait.ge [sflag:s25], $0x2400  }
0x4c4: {  	[sflag:s25] =	ssyncset.done $0x0  }
0x4c5: {  	s8 =	rddreg [dreg:$0xb];
	[sflag:s25] =	ssyncadd.s32 $0xFFFFDC00  }
0x4c6: {  	[hbm4b:s8+s3] =	stream.linear.scatter [tilespmem:s13], [sflag:$0x7], $0x2400, $0x38;
	[tilespmem:$0x1DF00] =	vst v63  }
0x4c7: {  	_ =	swait.ge [sflag:s25], $0x2400  }
0x4c8: {  	s8 =	sld [smem:$0x7FC]  }
0x4c9: {  	s4 =	sld [smem:$0x7FD];
	_ =	sdelay $0x1  }
0x4ca: {  	s8 =	sadd.s32 $0x1, s8  }
0x4cb: {  	p0 =	sne.s32 s8, s4  }
.Ltmp8:
0x4cc: {  	_ = 	snop;
	(pc) =	sbr.rel @p0 .LBB2_1-.Ltmp8, $3  }
0x4cd: {  	_ =	sdelay $0x1  }
0x4ce: {  	[sflag:s25] =	ssyncset.done $0x0  }
0x4cf: {  	[sflag:s25] =	ssyncadd.s32 $0xFFFFDC00  }
0x4d0: {  	_ =	sfence.sel $0x180000  }
0x4d1: {  	[bflag:$0x0] =	sbarrier.arrive $0xFFFF  }
0x4d2: {  	_ =	strace $0x90000047  }
0x4d3: {  	s0 =	stileid.u32;
	[bflag:$0x2] =	sbarrier.arrive $0xFFFF  }
0x4d4: {  	p0 =	sne.s32 s0, $0x0;
	s0 =	rddreg [dreg:$0x3]  }
0x4d5: {  	s0 =	sadd.s32 @!p0 $0x100000, s0  }
0x4d6: {  	[sflag:s0] =	ssyncadd.tile.s32 @!p0 $0x1;
	_ =	shalt  }
.Lfunc_end2:
_tile_overlayer_lowered:
.L_overlay_start_2:
0x4d7: {  	(tag) =	ssettag $0x2  }
0x4d8: {  	s0 =	rddreg [dreg:$0x0];
	s2 =	stileid.u32  }
0x4d9: {  	s1 =	rddreg [dreg:$0x1];
	p0 =	sne.s32 s2, $0x0  }
0x4da: {  	s3 =	rddreg [dreg:$0x2];
	[bflag:$0x3] =	sbarrier.arrive $0xFFFF;
	s2 =	simm.s32 @!p0 $0x1C07  }
0x4db: {  	[timem:s3], [sflag:s2] =	dma.local @!p0 [hbm:s0], s1  }
0x4dc: {  	s0 =	simm.s32 @!p0 $0x7  }
0x4dd: {  	_ =	swait.ge @!p0 [sflag:s0], s1  }
0x4de: {  	s1 =	ssub.s32 @!p0 $0x0, s1;
	[sflag:s0] =	ssyncset.done @!p0 $0x0  }
0x4df: {  	[sflag:s0] =	ssyncadd.s32 @!p0 s1  }
0x4e0: {  	[bflag:$0x3] =	sbarrier.arrive $0xFFFF  }
0x4e1: {  	_ =	shalt  }

</sc_bundles>
